<compile_context>
chip_gen: v7x
topology: tpu7x:2x2x1
jax: 0.10.2.dev20260603
libtpu: 0.0.44.dev20260713+nightly
codegen_flags: <defaults>
</compile_context>

<pallas_src>
import functools

import jax
import jax.numpy as jnp
from jax import lax
from jax.experimental import pallas as pl
from jax.experimental.pallas import tpu as pltpu
from jax.experimental.pallas import tpu_sc as plsc

N = 10000
E = 160000
H = 16
NC = 2
NS = 16
NW = NC * NS
EPW = E // NW
CHUNK = 40
CPW = EPW // CHUNK
LOOKAHEAD = 20
NPS = N // NS

_mesh = plsc.VectorSubcoreMesh(core_axis_name="c", subcore_axis_name="s")
_sc_params = pltpu.CompilerParams(use_tc_tiling_on_sc=False)


def _worker_id():
    return lax.axis_index("s") * NC + lax.axis_index("c")


@functools.partial(
    pl.kernel,
    out_type=jax.ShapeDtypeStruct((E, H), jnp.float32),
    mesh=_mesh,
    compiler_params=_sc_params,
    scratch_types=[
        pltpu.VMEM((CPW, CHUNK), jnp.int32),
        pltpu.VMEM((EPW, H), jnp.float32),
        pltpu.SemaphoreType.DMA,
    ],
)
def _sc_gather(table_hbm, src_hbm, xj_hbm, idx_v, rows_v, sem):
    w = _worker_id()
    pltpu.sync_copy(src_hbm.at[pl.ds(w * CPW, CPW)], idx_v)

    def start(t):
        pltpu.async_copy(
            table_hbm.at[idx_v.at[t]], rows_v.at[pl.ds(t * CHUNK, CHUNK)], sem
        )

    def wait(t):
        pltpu.make_async_copy(
            table_hbm.at[idx_v.at[t]], rows_v.at[pl.ds(t * CHUNK, CHUNK)], sem
        ).wait()

    for t0 in range(LOOKAHEAD):
        start(t0)

    def body(t, carry):
        nt = t + LOOKAHEAD

        @pl.when(nt < CPW)
        def _():
            start(nt)

        wait(t)
        return carry

    lax.fori_loop(0, CPW, body, 0)
    pltpu.sync_copy(rows_v, xj_hbm.at[pl.ds(w * EPW, EPW)])


def _make_sc_scatter(with_deg):
    n_out = 2 if with_deg else 1
    out_type = tuple(
        jax.ShapeDtypeStruct((NC, N, H), jnp.float32) for _ in range(n_out)
    )
    if not with_deg:
        out_type = out_type[0]
    scratch = [
        pltpu.VMEM((CPW, CHUNK), jnp.int32),
        pltpu.VMEM((EPW, H), jnp.float32),
        pltpu.VMEM((CHUNK, H), jnp.float32),
        pltpu.VMEM_SHARED((N, H), jnp.float32),
        pltpu.VMEM_SHARED((N, H), jnp.float32),
        pltpu.SemaphoreType.DMA,
    ]

    def body(msg_hbm, dst_hbm, zeros_hbm, *refs):
        if with_deg:
            aggr_hbm, deg_hbm = refs[0], refs[1]
            refs = refs[2:]
        else:
            aggr_hbm, deg_hbm = refs[0], None
            refs = refs[1:]
        idx_v, msg_v, ones_v, acc_sp, deg_sp, sem = refs
        c = lax.axis_index("c")
        s = lax.axis_index("s")
        w = s * NC + c
        pltpu.sync_copy(zeros_hbm.at[pl.ds(s * NPS, NPS)],
                        acc_sp.at[pl.ds(s * NPS, NPS)])
        if with_deg:
            pltpu.sync_copy(zeros_hbm.at[pl.ds(s * NPS, NPS)],
                            deg_sp.at[pl.ds(s * NPS, NPS)])
            for i in range(CHUNK):
                ones_v[i] = jnp.full((H,), 1.0, jnp.float32)
        pltpu.sync_copy(dst_hbm.at[pl.ds(w * CPW, CPW)], idx_v)
        pltpu.sync_copy(msg_hbm.at[pl.ds(w * EPW, EPW)], msg_v)
        plsc.subcore_barrier()

        def start(t):
            pltpu.async_copy(
                msg_v.at[pl.ds(t * CHUNK, CHUNK)], acc_sp.at[idx_v.at[t]],
                sem, add=True,
            )
            if with_deg:
                pltpu.async_copy(ones_v, deg_sp.at[idx_v.at[t]], sem, add=True)

        def wait(t):
            pltpu.make_async_copy(
                msg_v.at[pl.ds(t * CHUNK, CHUNK)], acc_sp.at[idx_v.at[t]], sem
            ).wait()
            if with_deg:
                pltpu.make_async_copy(
                    ones_v, deg_sp.at[idx_v.at[t]], sem
                ).wait()

        for t0 in range(LOOKAHEAD):
            start(t0)

        def loop(t, carry):
            nt = t + LOOKAHEAD

            @pl.when(nt < CPW)
            def _():
                start(nt)

            wait(t)
            return carry

        lax.fori_loop(0, CPW, loop, 0)
        plsc.subcore_barrier()
        pltpu.sync_copy(acc_sp.at[pl.ds(s * NPS, NPS)],
                        aggr_hbm.at[c, pl.ds(s * NPS, NPS), :])
        if with_deg:
            pltpu.sync_copy(deg_sp.at[pl.ds(s * NPS, NPS)],
                            deg_hbm.at[c, pl.ds(s * NPS, NPS), :])

    return pl.kernel(body, out_type=out_type, mesh=_mesh,
                     compiler_params=_sc_params, scratch_types=scratch)


_sc_scatter_deg = _make_sc_scatter(True)
_sc_scatter = _make_sc_scatter(False)


def _pre_body(x_ref, w_ref, b_ref, o_ref):
    o_ref[...] = jnp.maximum(
        jnp.dot(x_ref[...], w_ref[...], preferred_element_type=jnp.float32)
        + b_ref[...],
        0.0,
    )


_tc_pre = pl.pallas_call(
    _pre_body, out_shape=jax.ShapeDtypeStruct((N, H), jnp.float32)
)


EBLK = 8000
SBLK = EBLK // 8


def _edge_body(ea_ref, xj_ref, we1_ref, be1_ref, we2_ref, be2_ref, r_ref,
               s_ref, msg_ref):
    f32 = jnp.float32
    dot = lambda a, b: jnp.dot(a, b, preferred_element_type=f32)
    hid = jnp.maximum(dot(ea_ref[...], we1_ref[...]) + be1_ref[...], 0.0)
    wf = dot(hid, we2_ref[...]) + be2_ref[...]
    xr = dot(xj_ref[...], r_ref[...])
    msg_ref[...] = dot(wf * xr, s_ref[...])


def _tc_edge(ea_s, xj_s, we1, be1, we2, be2, r, s):
    grid = (E // EBLK,)
    full = lambda shape: pl.BlockSpec(shape, lambda i: (0, 0))
    return pl.pallas_call(
        _edge_body,
        grid=grid,
        in_specs=[
            pl.BlockSpec((SBLK, 128), lambda i: (i, 0)),
            pl.BlockSpec((SBLK, 128), lambda i: (i, 0)),
            full(we1.shape),
            full(be1.shape),
            full(we2.shape),
            full(be2.shape),
            full(r.shape),
            full(s.shape),
        ],
        out_specs=pl.BlockSpec((SBLK, 128), lambda i: (i, 0)),
        out_shape=jax.ShapeDtypeStruct((E // 8, 128), jnp.float32),
        compiler_params=pltpu.CompilerParams(
            dimension_semantics=("parallel",)
        ),
    )(ea_s, xj_s, we1, be1, we2, be2, r, s)


def _node_core(aggr_ref, deg_ref, out_ref, wroot_ref, bconv_ref, gamma_ref,
               beta_ref, wr_ref, wz_ref, wn_ref, ur_ref, uz_ref, un_ref,
               bir_ref, biz_ref, bin_ref, bhr_ref, bhz_ref, bhn_ref):
    deg = jnp.maximum(deg_ref[0] + deg_ref[1], 1.0)
    aggr = (aggr_ref[0] + aggr_ref[1]) / deg
    out = out_ref[...]
    m = (
        aggr
        + jnp.dot(out, wroot_ref[...], preferred_element_type=jnp.float32)
        + bconv_ref[...]
    )
    mu = jnp.mean(m, axis=0, keepdims=True)
    var = jnp.mean(jnp.square(m - mu), axis=0, keepdims=True)
    m = (m - mu) * lax.rsqrt(var + 1e-5) * gamma_ref[...] + beta_ref[...]
    m = jnp.maximum(m, 0.0)
    dot = lambda a, b: jnp.dot(a, b[...], preferred_element_type=jnp.float32)
    r = jax.nn.sigmoid(dot(m, wr_ref) + bir_ref[...] + dot(out, ur_ref)
                       + bhr_ref[...])
    z = jax.nn.sigmoid(dot(m, wz_ref) + biz_ref[...] + dot(out, uz_ref)
                       + bhz_ref[...])
    n = jnp.tanh(dot(m, wn_ref) + bin_ref[...]
                 + r * (dot(out, un_ref) + bhn_ref[...]))
    return (1.0 - z) * n + z * out


def _node_body(*refs):
    h_ref = refs[-1]
    h_ref[...] = _node_core(*refs[:-1])


_tc_node = pl.pallas_call(
    _node_body, out_shape=jax.ShapeDtypeStruct((N, H), jnp.float32)
)


def _final_body(*refs):
    (batch_ref, wpost_ref, bpost_ref, wout_ref, bout_ref, o_ref) = (
        refs[-6], refs[-5], refs[-4], refs[-3], refs[-2], refs[-1]
    )
    h = _node_core(*refs[:-6])
    gid = lax.broadcasted_iota(jnp.int32, (128, N), 0)
    oh = (gid == batch_ref[...]).astype(jnp.float32)
    gsum = jnp.dot(oh, h, preferred_element_type=jnp.float32)
    gcnt = jnp.maximum(jnp.sum(oh, axis=1, keepdims=True), 1.0)
    pooled = gsum / gcnt
    o = jnp.maximum(
        jnp.dot(pooled, wpost_ref[...], preferred_element_type=jnp.float32)
        + bpost_ref[...],
        0.0,
    )
    o_ref[...] = (
        jnp.dot(o, wout_ref[...], preferred_element_type=jnp.float32)
        + bout_ref[...]
    )


_tc_final = pl.pallas_call(
    _final_body, out_shape=jax.ShapeDtypeStruct((128, 1), jnp.float32)
)


def kernel(x, edge_index, edge_attr, batch, W_pre, b_pre, We1, be1, We2, be2,
           Wroot, bconv, gamma, beta, Wih, Whh, bih, bhh, W_post, b_post,
           W_out, b_out):
    f32 = jnp.float32
    bf = jnp.bfloat16
    src2d = edge_index[0].reshape(E // CHUNK, CHUNK)
    dst2d = edge_index[1].reshape(E // CHUNK, CHUNK)
    zeros = jnp.zeros((N, H), f32)
    R = jnp.kron(jnp.eye(H, dtype=f32), jnp.ones((1, H), f32))
    S = jnp.kron(jnp.ones((H, 1), f32), jnp.eye(H, dtype=f32))
    eye8 = jnp.eye(8, dtype=f32)
    rbd = jnp.kron(eye8, R)
    sbd = jnp.kron(eye8, S)
    ea_s = edge_attr.reshape(E // 8, 128)

    out = _tc_pre(x, W_pre, b_pre.reshape(1, -1))

    degp = None
    for l in range(3):
        we1bd = jnp.kron(eye8, We1[l])
        we2bd = jnp.kron(eye8, We2[l])
        be1t = jnp.tile(be1[l], 8).reshape(1, -1)
        be2t = jnp.tile(be2[l], 8).reshape(1, -1)
        xj = _sc_gather(out, src2d)
        xj_s = xj.reshape(E // 8, 128)
        msg_s = _tc_edge(ea_s, xj_s, we1bd, be1t, we2bd, be2t, rbd, sbd)
        msg = msg_s.reshape(E, H)
        if l == 0:
            aggrp, degp = _sc_scatter_deg(msg, dst2d, zeros)
        else:
            aggrp = _sc_scatter(msg, dst2d, zeros)
        WihT = Wih[l].T
        WhhT = Whh[l].T
        node_args = (
            aggrp, degp, out, Wroot[l], bconv[l].reshape(1, -1),
            gamma[l].reshape(1, -1), beta[l].reshape(1, -1),
            WihT[:, :H], WihT[:, H:2 * H], WihT[:, 2 * H:],
            WhhT[:, :H], WhhT[:, H:2 * H], WhhT[:, 2 * H:],
            bih[l][:H].reshape(1, -1), bih[l][H:2 * H].reshape(1, -1),
            bih[l][2 * H:].reshape(1, -1),
            bhh[l][:H].reshape(1, -1), bhh[l][H:2 * H].reshape(1, -1),
            bhh[l][2 * H:].reshape(1, -1),
        )
        if l < 2:
            out = _tc_node(*node_args)
        else:
            o = _tc_final(*node_args, batch.reshape(1, N), W_post,
                          b_post.reshape(1, -1), W_out, b_out.reshape(1, -1))
    return o.reshape(-1)

# --- scband reference (transcript-rebuilt; emitter-appended) ---
"""Pipeline reference for scband-mpnn-62689342653101 (READ-ONLY COPY).

The authoritative reference and input builder live on the scoring server;
editing this copy changes nothing except your own understanding.
"""

import jax, jax.numpy as jnp
import numpy as np

N = 10000
E = 160000
D_FEAT = 128
D_EDGE = 16
DIM1 = 16
DIM2 = 64
DIM3 = 64
NUM_GRAPHS = 128
GC_COUNT = 3

def _init(key, shape, scale):
    return (jax.random.normal(key, shape, dtype=jnp.float32) * scale).astype(jnp.float32)

def setup_inputs(seed: int = 0):
    key = jax.random.key(seed)
    ks = jax.random.split(key, 24)
    inp = {}
    inp['x'] = jax.random.normal(ks[0], (N, D_FEAT), dtype=jnp.float32)
    inp['edge_index'] = jax.random.randint(ks[1], (2, E), 0, N, dtype=jnp.int32)
    inp['edge_attr'] = jax.random.uniform(ks[2], (E, D_EDGE), dtype=jnp.float32)
    inp['batch'] = jnp.sort(jax.random.randint(ks[3], (N,), 0, NUM_GRAPHS, dtype=jnp.int32))
    inp['W_pre'] = _init(ks[4], (D_FEAT, DIM1), 1.0 / np.sqrt(D_FEAT))
    inp['b_pre'] = jnp.zeros((DIM1,), jnp.float32)
    inp['We1'] = _init(ks[5], (GC_COUNT, D_EDGE, DIM3), 1.0 / np.sqrt(D_EDGE))
    inp['be1'] = jnp.zeros((GC_COUNT, DIM3), jnp.float32)
    inp['We2'] = _init(ks[6], (GC_COUNT, DIM3, DIM1 * DIM1), 1.0 / np.sqrt(DIM3))
    inp['be2'] = jnp.zeros((GC_COUNT, DIM1 * DIM1), jnp.float32)
    inp['Wroot'] = _init(ks[7], (GC_COUNT, DIM1, DIM1), 1.0 / np.sqrt(DIM1))
    inp['bconv'] = jnp.zeros((GC_COUNT, DIM1), jnp.float32)
    inp['gamma'] = jnp.ones((GC_COUNT, DIM1), jnp.float32)
    inp['beta'] = jnp.zeros((GC_COUNT, DIM1), jnp.float32)
    inp['Wih'] = _init(ks[8], (GC_COUNT, 3 * DIM1, DIM1), 1.0 / np.sqrt(DIM1))
    inp['Whh'] = _init(ks[9], (GC_COUNT, 3 * DIM1, DIM1), 1.0 / np.sqrt(DIM1))
    inp['bih'] = jnp.zeros((GC_COUNT, 3 * DIM1), jnp.float32)
    inp['bhh'] = jnp.zeros((GC_COUNT, 3 * DIM1), jnp.float32)
    inp['W_post'] = _init(ks[10], (DIM1, DIM2), 1.0 / np.sqrt(DIM1))
    inp['b_post'] = jnp.zeros((DIM2,), jnp.float32)
    inp['W_out'] = _init(ks[11], (DIM2, 1), 1.0 / np.sqrt(DIM2))
    inp['b_out'] = jnp.zeros((1,), jnp.float32)
    return inp

def reference(x, edge_index, edge_attr, batch, W_pre, b_pre, We1, be1, We2, be2, Wroot, bconv, gamma, beta, Wih, Whh, bih, bhh, W_post, b_post, W_out, b_out):
    src = edge_index[0]
    dst = edge_index[1]
    out = jax.nn.relu(x @ W_pre + b_pre)
    h = out
    deg = jax.ops.segment_sum(jnp.ones((E,), jnp.float32), dst, num_segments=N)
    deg = jnp.maximum(deg, 1.0)[:, None]
    H = DIM1
    for l in range(GC_COUNT):
        # NNConv: per-edge weight matrix from edge-feature MLP
        hid = jax.nn.relu(edge_attr @ We1[l] + be1[l])
        W = (hid @ We2[l] + be2[l]).reshape(E, DIM1, DIM1)
        xj = jnp.take(out, src, axis=0)
        msg = jnp.einsum('ei,eio->eo', xj, W)
        aggr = jax.ops.segment_sum(msg, dst, num_segments=N) / deg  # aggr='mean'
        m = aggr + out @ Wroot[l] + bconv[l]
        # BatchNorm1d (training-mode batch statistics, deterministic)
        mu = jnp.mean(m, axis=0)
        var = jnp.var(m, axis=0)
        m = (m - mu) / jnp.sqrt(var + 1e-5) * gamma[l] + beta[l]
        m = jax.nn.relu(m)
        # dropout: identity (eval mode)
        # single-step GRU (PyTorch gate order r, z, n)
        gi = m @ Wih[l].T + bih[l]
        gh = h @ Whh[l].T + bhh[l]
        r = jax.nn.sigmoid(gi[:, :H] + gh[:, :H])
        z = jax.nn.sigmoid(gi[:, H:2 * H] + gh[:, H:2 * H])
        n = jnp.tanh(gi[:, 2 * H:] + r * gh[:, 2 * H:])
        h = (1.0 - z) * n + z * h
        out = h
    # global_mean_pool
    gsum = jax.ops.segment_sum(out, batch, num_segments=NUM_GRAPHS)
    gcnt = jnp.maximum(jax.ops.segment_sum(jnp.ones((N,), jnp.float32), batch, num_segments=NUM_GRAPHS), 1.0)[:, None]
    pooled = gsum / gcnt
    o = jax.nn.relu(pooled @ W_post + b_post)
    o = o @ W_out + b_out
    return o.reshape(-1)

if __name__ == "__main__":
    import jax
    _d = setup_inputs()
    print(jax.jit(kernel)(*tuple(_d.values())))

</pallas_src>

<mosaic_0001>
#map = affine_map<(d0, d1) -> (0, 0)>
module attributes {stable_mosaic.version = 14 : i64} {
  func.func @_sc_gather(%arg0: i32, %arg1: i32, %arg2: memref<10000x16xf32, #tpu.memory_space<hbm>>, %arg3: memref<4000x40xi32, #tpu.memory_space<hbm>>, %arg4: memref<160000x16xf32, #tpu.memory_space<hbm>>, %arg5: memref<125x40xi32, #tpu.memory_space<vmem>>, %arg6: memref<5000x16xf32, #tpu.memory_space<vmem>>, %arg7: memref<!tpu.dma_semaphore, #tpu.memory_space<semaphore_mem>>) attributes {dimension_semantics = [#tpu.dimension_semantics<core_parallel>, #tpu.dimension_semantics<subcore_parallel>], iteration_bounds = array<i64: 2, 16>, scalar_prefetch = 0 : i64, scratch_operands = 3 : i64, tpu.core_type = #tpu.core_type<sc_vector_subcore>, window_params = [{transform_indices = #map}, {transform_indices = #map}, {transform_indices = #map}]} {
    %mul3A = arith.constant 2 : i32
    %mul3A_0 = arith.muli %arg1, %mul3A : i32
    %add3A = arith.addi %mul3A_0, %arg0 : i32
    %mul3A_1 = arith.constant 125 : i32
    %mul3A_2 = arith.muli %add3A, %mul3A_1 : i32
    "tpu.region"() ({
      %run_scoped3A = tpu.sem_alloc : memref<!tpu.dma_semaphore, #tpu.memory_space<semaphore_mem>>
      %dma_start3A_209 = arith.constant 0 : i32
      %dma_start3A_210 = tpu.memref_slice %arg3[%mul3A_2, %dma_start3A_209] : memref<4000x40xi32, #tpu.memory_space<hbm>> -> memref<125x40xi32, #tpu.memory_space<hbm>>
      %dma_start3A_211 = arith.constant 0 : i32
      %dma_start3A_212 = tpu.memref_slice %arg3[%mul3A_2, %dma_start3A_211] : memref<4000x40xi32, #tpu.memory_space<hbm>> -> memref<125x40xi32, #tpu.memory_space<hbm>>
      tpu.enqueue_dma source(%dma_start3A_212 : memref<125x40xi32, #tpu.memory_space<hbm>>) target(%arg5 : memref<125x40xi32, #tpu.memory_space<vmem>>) target_semaphore(%run_scoped3A : memref<!tpu.dma_semaphore, #tpu.memory_space<semaphore_mem>>)
      %dma_wait3A = arith.constant 0 : i32
      %dma_wait3A_213 = tpu.memref_slice %arg3[%mul3A_2, %dma_wait3A] : memref<4000x40xi32, #tpu.memory_space<hbm>> -> memref<125x40xi32, #tpu.memory_space<hbm>>
      %dma_wait3A_214 = arith.constant 0 : i32
      %dma_wait3A_215 = tpu.memref_slice %arg3[%mul3A_2, %dma_wait3A_214] : memref<4000x40xi32, #tpu.memory_space<hbm>> -> memref<125x40xi32, #tpu.memory_space<hbm>>
      tpu.wait_dma2 semaphore(%run_scoped3A : memref<!tpu.dma_semaphore, #tpu.memory_space<semaphore_mem>>) src(%dma_wait3A_215 : memref<125x40xi32, #tpu.memory_space<hbm>>) dst(%arg5 : memref<125x40xi32, #tpu.memory_space<vmem>>)
      tpu.yield
    }) : () -> ()
    %dma_start3A = arith.constant 0 : i32
    %dma_start3A_3 = arith.constant 0 : i32
    %dma_start3A_4 = arith.constant 0 : i32
    %dma_start3A_5 = tpu.memref_slice %arg6[%dma_start3A_3, %dma_start3A_4] : memref<5000x16xf32, #tpu.memory_space<vmem>> -> memref<40x16xf32, #tpu.memory_space<vmem>>
    %dma_start3A_6 = arith.constant 0 : i32
    %dma_start3A_7 = tpu.memref_slice %arg5[%dma_start3A, %dma_start3A_6] : memref<125x40xi32, #tpu.memory_space<vmem>> -> memref<1x40xi32, #tpu.memory_space<vmem>>
    %dma_start3A_8 = tpu.memref_squeeze %dma_start3A_7 : memref<1x40xi32, #tpu.memory_space<vmem>> -> memref<40xi32, #tpu.memory_space<vmem>>
    %dma_start3A_9 = arith.constant 0 : i32
    %dma_start3A_10 = arith.constant 0 : i32
    %dma_start3A_11 = tpu.memref_slice %arg2[%dma_start3A_9, %dma_start3A_10] : memref<10000x16xf32, #tpu.memory_space<hbm>> -> memref<10000x16xf32, #tpu.memory_space<hbm>>
    tpu.enqueue_indirect_dma source(%dma_start3A_11 : memref<10000x16xf32, #tpu.memory_space<hbm>>) target(%dma_start3A_5 : memref<40x16xf32, #tpu.memory_space<vmem>>) offsets(%dma_start3A_8 : memref<40xi32, #tpu.memory_space<vmem>>) semaphore(%arg7 : memref<!tpu.dma_semaphore, #tpu.memory_space<semaphore_mem>>)
    %dma_start3A_12 = arith.constant 1 : i32
    %dma_start3A_13 = arith.constant 40 : i32
    %dma_start3A_14 = arith.constant 0 : i32
    %dma_start3A_15 = tpu.memref_slice %arg6[%dma_start3A_13, %dma_start3A_14] : memref<5000x16xf32, #tpu.memory_space<vmem>> -> memref<40x16xf32, #tpu.memory_space<vmem>>
    %dma_start3A_16 = arith.constant 0 : i32
    %dma_start3A_17 = tpu.memref_slice %arg5[%dma_start3A_12, %dma_start3A_16] : memref<125x40xi32, #tpu.memory_space<vmem>> -> memref<1x40xi32, #tpu.memory_space<vmem>>
    %dma_start3A_18 = tpu.memref_squeeze %dma_start3A_17 : memref<1x40xi32, #tpu.memory_space<vmem>> -> memref<40xi32, #tpu.memory_space<vmem>>
    %dma_start3A_19 = arith.constant 0 : i32
    %dma_start3A_20 = arith.constant 0 : i32
    %dma_start3A_21 = tpu.memref_slice %arg2[%dma_start3A_19, %dma_start3A_20] : memref<10000x16xf32, #tpu.memory_space<hbm>> -> memref<10000x16xf32, #tpu.memory_space<hbm>>
    tpu.enqueue_indirect_dma source(%dma_start3A_21 : memref<10000x16xf32, #tpu.memory_space<hbm>>) target(%dma_start3A_15 : memref<40x16xf32, #tpu.memory_space<vmem>>) offsets(%dma_start3A_18 : memref<40xi32, #tpu.memory_space<vmem>>) semaphore(%arg7 : memref<!tpu.dma_semaphore, #tpu.memory_space<semaphore_mem>>)
    %dma_start3A_22 = arith.constant 2 : i32
    %dma_start3A_23 = arith.constant 80 : i32
    %dma_start3A_24 = arith.constant 0 : i32
    %dma_start3A_25 = tpu.memref_slice %arg6[%dma_start3A_23, %dma_start3A_24] : memref<5000x16xf32, #tpu.memory_space<vmem>> -> memref<40x16xf32, #tpu.memory_space<vmem>>
    %dma_start3A_26 = arith.constant 0 : i32
    %dma_start3A_27 = tpu.memref_slice %arg5[%dma_start3A_22, %dma_start3A_26] : memref<125x40xi32, #tpu.memory_space<vmem>> -> memref<1x40xi32, #tpu.memory_space<vmem>>
    %dma_start3A_28 = tpu.memref_squeeze %dma_start3A_27 : memref<1x40xi32, #tpu.memory_space<vmem>> -> memref<40xi32, #tpu.memory_space<vmem>>
    %dma_start3A_29 = arith.constant 0 : i32
    %dma_start3A_30 = arith.constant 0 : i32
    %dma_start3A_31 = tpu.memref_slice %arg2[%dma_start3A_29, %dma_start3A_30] : memref<10000x16xf32, #tpu.memory_space<hbm>> -> memref<10000x16xf32, #tpu.memory_space<hbm>>
    tpu.enqueue_indirect_dma source(%dma_start3A_31 : memref<10000x16xf32, #tpu.memory_space<hbm>>) target(%dma_start3A_25 : memref<40x16xf32, #tpu.memory_space<vmem>>) offsets(%dma_start3A_28 : memref<40xi32, #tpu.memory_space<vmem>>) semaphore(%arg7 : memref<!tpu.dma_semaphore, #tpu.memory_space<semaphore_mem>>)
    %dma_start3A_32 = arith.constant 3 : i32
    %dma_start3A_33 = arith.constant 120 : i32
    %dma_start3A_34 = arith.constant 0 : i32
    %dma_start3A_35 = tpu.memref_slice %arg6[%dma_start3A_33, %dma_start3A_34] : memref<5000x16xf32, #tpu.memory_space<vmem>> -> memref<40x16xf32, #tpu.memory_space<vmem>>
    %dma_start3A_36 = arith.constant 0 : i32
    %dma_start3A_37 = tpu.memref_slice %arg5[%dma_start3A_32, %dma_start3A_36] : memref<125x40xi32, #tpu.memory_space<vmem>> -> memref<1x40xi32, #tpu.memory_space<vmem>>
    %dma_start3A_38 = tpu.memref_squeeze %dma_start3A_37 : memref<1x40xi32, #tpu.memory_space<vmem>> -> memref<40xi32, #tpu.memory_space<vmem>>
    %dma_start3A_39 = arith.constant 0 : i32
    %dma_start3A_40 = arith.constant 0 : i32
    %dma_start3A_41 = tpu.memref_slice %arg2[%dma_start3A_39, %dma_start3A_40] : memref<10000x16xf32, #tpu.memory_space<hbm>> -> memref<10000x16xf32, #tpu.memory_space<hbm>>
    tpu.enqueue_indirect_dma source(%dma_start3A_41 : memref<10000x16xf32, #tpu.memory_space<hbm>>) target(%dma_start3A_35 : memref<40x16xf32, #tpu.memory_space<vmem>>) offsets(%dma_start3A_38 : memref<40xi32, #tpu.memory_space<vmem>>) semaphore(%arg7 : memref<!tpu.dma_semaphore, #tpu.memory_space<semaphore_mem>>)
    %dma_start3A_42 = arith.constant 4 : i32
    %dma_start3A_43 = arith.constant 160 : i32
    %dma_start3A_44 = arith.constant 0 : i32
    %dma_start3A_45 = tpu.memref_slice %arg6[%dma_start3A_43, %dma_start3A_44] : memref<5000x16xf32, #tpu.memory_space<vmem>> -> memref<40x16xf32, #tpu.memory_space<vmem>>
    %dma_start3A_46 = arith.constant 0 : i32
    %dma_start3A_47 = tpu.memref_slice %arg5[%dma_start3A_42, %dma_start3A_46] : memref<125x40xi32, #tpu.memory_space<vmem>> -> memref<1x40xi32, #tpu.memory_space<vmem>>
    %dma_start3A_48 = tpu.memref_squeeze %dma_start3A_47 : memref<1x40xi32, #tpu.memory_space<vmem>> -> memref<40xi32, #tpu.memory_space<vmem>>
    %dma_start3A_49 = arith.constant 0 : i32
    %dma_start3A_50 = arith.constant 0 : i32
    %dma_start3A_51 = tpu.memref_slice %arg2[%dma_start3A_49, %dma_start3A_50] : memref<10000x16xf32, #tpu.memory_space<hbm>> -> memref<10000x16xf32, #tpu.memory_space<hbm>>
    tpu.enqueue_indirect_dma source(%dma_start3A_51 : memref<10000x16xf32, #tpu.memory_space<hbm>>) target(%dma_start3A_45 : memref<40x16xf32, #tpu.memory_space<vmem>>) offsets(%dma_start3A_48 : memref<40xi32, #tpu.memory_space<vmem>>) semaphore(%arg7 : memref<!tpu.dma_semaphore, #tpu.memory_space<semaphore_mem>>)
    %dma_start3A_52 = arith.constant 5 : i32
    %dma_start3A_53 = arith.constant 200 : i32
    %dma_start3A_54 = arith.constant 0 : i32
    %dma_start3A_55 = tpu.memref_slice %arg6[%dma_start3A_53, %dma_start3A_54] : memref<5000x16xf32, #tpu.memory_space<vmem>> -> memref<40x16xf32, #tpu.memory_space<vmem>>
    %dma_start3A_56 = arith.constant 0 : i32
    %dma_start3A_57 = tpu.memref_slice %arg5[%dma_start3A_52, %dma_start3A_56] : memref<125x40xi32, #tpu.memory_space<vmem>> -> memref<1x40xi32, #tpu.memory_space<vmem>>
    %dma_start3A_58 = tpu.memref_squeeze %dma_start3A_57 : memref<1x40xi32, #tpu.memory_space<vmem>> -> memref<40xi32, #tpu.memory_space<vmem>>
    %dma_start3A_59 = arith.constant 0 : i32
    %dma_start3A_60 = arith.constant 0 : i32
    %dma_start3A_61 = tpu.memref_slice %arg2[%dma_start3A_59, %dma_start3A_60] : memref<10000x16xf32, #tpu.memory_space<hbm>> -> memref<10000x16xf32, #tpu.memory_space<hbm>>
    tpu.enqueue_indirect_dma source(%dma_start3A_61 : memref<10000x16xf32, #tpu.memory_space<hbm>>) target(%dma_start3A_55 : memref<40x16xf32, #tpu.memory_space<vmem>>) offsets(%dma_start3A_58 : memref<40xi32, #tpu.memory_space<vmem>>) semaphore(%arg7 : memref<!tpu.dma_semaphore, #tpu.memory_space<semaphore_mem>>)
    %dma_start3A_62 = arith.constant 6 : i32
    %dma_start3A_63 = arith.constant 240 : i32
    %dma_start3A_64 = arith.constant 0 : i32
    %dma_start3A_65 = tpu.memref_slice %arg6[%dma_start3A_63, %dma_start3A_64] : memref<5000x16xf32, #tpu.memory_space<vmem>> -> memref<40x16xf32, #tpu.memory_space<vmem>>
    %dma_start3A_66 = arith.constant 0 : i32
    %dma_start3A_67 = tpu.memref_slice %arg5[%dma_start3A_62, %dma_start3A_66] : memref<125x40xi32, #tpu.memory_space<vmem>> -> memref<1x40xi32, #tpu.memory_space<vmem>>
    %dma_start3A_68 = tpu.memref_squeeze %dma_start3A_67 : memref<1x40xi32, #tpu.memory_space<vmem>> -> memref<40xi32, #tpu.memory_space<vmem>>
    %dma_start3A_69 = arith.constant 0 : i32
    %dma_start3A_70 = arith.constant 0 : i32
    %dma_start3A_71 = tpu.memref_slice %arg2[%dma_start3A_69, %dma_start3A_70] : memref<10000x16xf32, #tpu.memory_space<hbm>> -> memref<10000x16xf32, #tpu.memory_space<hbm>>
    tpu.enqueue_indirect_dma source(%dma_start3A_71 : memref<10000x16xf32, #tpu.memory_space<hbm>>) target(%dma_start3A_65 : memref<40x16xf32, #tpu.memory_space<vmem>>) offsets(%dma_start3A_68 : memref<40xi32, #tpu.memory_space<vmem>>) semaphore(%arg7 : memref<!tpu.dma_semaphore, #tpu.memory_space<semaphore_mem>>)
    %dma_start3A_72 = arith.constant 7 : i32
    %dma_start3A_73 = arith.constant 280 : i32
    %dma_start3A_74 = arith.constant 0 : i32
    %dma_start3A_75 = tpu.memref_slice %arg6[%dma_start3A_73, %dma_start3A_74] : memref<5000x16xf32, #tpu.memory_space<vmem>> -> memref<40x16xf32, #tpu.memory_space<vmem>>
    %dma_start3A_76 = arith.constant 0 : i32
    %dma_start3A_77 = tpu.memref_slice %arg5[%dma_start3A_72, %dma_start3A_76] : memref<125x40xi32, #tpu.memory_space<vmem>> -> memref<1x40xi32, #tpu.memory_space<vmem>>
    %dma_start3A_78 = tpu.memref_squeeze %dma_start3A_77 : memref<1x40xi32, #tpu.memory_space<vmem>> -> memref<40xi32, #tpu.memory_space<vmem>>
    %dma_start3A_79 = arith.constant 0 : i32
    %dma_start3A_80 = arith.constant 0 : i32
    %dma_start3A_81 = tpu.memref_slice %arg2[%dma_start3A_79, %dma_start3A_80] : memref<10000x16xf32, #tpu.memory_space<hbm>> -> memref<10000x16xf32, #tpu.memory_space<hbm>>
    tpu.enqueue_indirect_dma source(%dma_start3A_81 : memref<10000x16xf32, #tpu.memory_space<hbm>>) target(%dma_start3A_75 : memref<40x16xf32, #tpu.memory_space<vmem>>) offsets(%dma_start3A_78 : memref<40xi32, #tpu.memory_space<vmem>>) semaphore(%arg7 : memref<!tpu.dma_semaphore, #tpu.memory_space<semaphore_mem>>)
    %dma_start3A_82 = arith.constant 8 : i32
    %dma_start3A_83 = arith.constant 320 : i32
    %dma_start3A_84 = arith.constant 0 : i32
    %dma_start3A_85 = tpu.memref_slice %arg6[%dma_start3A_83, %dma_start3A_84] : memref<5000x16xf32, #tpu.memory_space<vmem>> -> memref<40x16xf32, #tpu.memory_space<vmem>>
    %dma_start3A_86 = arith.constant 0 : i32
    %dma_start3A_87 = tpu.memref_slice %arg5[%dma_start3A_82, %dma_start3A_86] : memref<125x40xi32, #tpu.memory_space<vmem>> -> memref<1x40xi32, #tpu.memory_space<vmem>>
    %dma_start3A_88 = tpu.memref_squeeze %dma_start3A_87 : memref<1x40xi32, #tpu.memory_space<vmem>> -> memref<40xi32, #tpu.memory_space<vmem>>
    %dma_start3A_89 = arith.constant 0 : i32
    %dma_start3A_90 = arith.constant 0 : i32
    %dma_start3A_91 = tpu.memref_slice %arg2[%dma_start3A_89, %dma_start3A_90] : memref<10000x16xf32, #tpu.memory_space<hbm>> -> memref<10000x16xf32, #tpu.memory_space<hbm>>
    tpu.enqueue_indirect_dma source(%dma_start3A_91 : memref<10000x16xf32, #tpu.memory_space<hbm>>) target(%dma_start3A_85 : memref<40x16xf32, #tpu.memory_space<vmem>>) offsets(%dma_start3A_88 : memref<40xi32, #tpu.memory_space<vmem>>) semaphore(%arg7 : memref<!tpu.dma_semaphore, #tpu.memory_space<semaphore_mem>>)
    %dma_start3A_92 = arith.constant 9 : i32
    %dma_start3A_93 = arith.constant 360 : i32
    %dma_start3A_94 = arith.constant 0 : i32
    %dma_start3A_95 = tpu.memref_slice %arg6[%dma_start3A_93, %dma_start3A_94] : memref<5000x16xf32, #tpu.memory_space<vmem>> -> memref<40x16xf32, #tpu.memory_space<vmem>>
    %dma_start3A_96 = arith.constant 0 : i32
    %dma_start3A_97 = tpu.memref_slice %arg5[%dma_start3A_92, %dma_start3A_96] : memref<125x40xi32, #tpu.memory_space<vmem>> -> memref<1x40xi32, #tpu.memory_space<vmem>>
    %dma_start3A_98 = tpu.memref_squeeze %dma_start3A_97 : memref<1x40xi32, #tpu.memory_space<vmem>> -> memref<40xi32, #tpu.memory_space<vmem>>
    %dma_start3A_99 = arith.constant 0 : i32
    %dma_start3A_100 = arith.constant 0 : i32
    %dma_start3A_101 = tpu.memref_slice %arg2[%dma_start3A_99, %dma_start3A_100] : memref<10000x16xf32, #tpu.memory_space<hbm>> -> memref<10000x16xf32, #tpu.memory_space<hbm>>
    tpu.enqueue_indirect_dma source(%dma_start3A_101 : memref<10000x16xf32, #tpu.memory_space<hbm>>) target(%dma_start3A_95 : memref<40x16xf32, #tpu.memory_space<vmem>>) offsets(%dma_start3A_98 : memref<40xi32, #tpu.memory_space<vmem>>) semaphore(%arg7 : memref<!tpu.dma_semaphore, #tpu.memory_space<semaphore_mem>>)
    %dma_start3A_102 = arith.constant 10 : i32
    %dma_start3A_103 = arith.constant 400 : i32
    %dma_start3A_104 = arith.constant 0 : i32
    %dma_start3A_105 = tpu.memref_slice %arg6[%dma_start3A_103, %dma_start3A_104] : memref<5000x16xf32, #tpu.memory_space<vmem>> -> memref<40x16xf32, #tpu.memory_space<vmem>>
    %dma_start3A_106 = arith.constant 0 : i32
    %dma_start3A_107 = tpu.memref_slice %arg5[%dma_start3A_102, %dma_start3A_106] : memref<125x40xi32, #tpu.memory_space<vmem>> -> memref<1x40xi32, #tpu.memory_space<vmem>>
    %dma_start3A_108 = tpu.memref_squeeze %dma_start3A_107 : memref<1x40xi32, #tpu.memory_space<vmem>> -> memref<40xi32, #tpu.memory_space<vmem>>
    %dma_start3A_109 = arith.constant 0 : i32
    %dma_start3A_110 = arith.constant 0 : i32
    %dma_start3A_111 = tpu.memref_slice %arg2[%dma_start3A_109, %dma_start3A_110] : memref<10000x16xf32, #tpu.memory_space<hbm>> -> memref<10000x16xf32, #tpu.memory_space<hbm>>
    tpu.enqueue_indirect_dma source(%dma_start3A_111 : memref<10000x16xf32, #tpu.memory_space<hbm>>) target(%dma_start3A_105 : memref<40x16xf32, #tpu.memory_space<vmem>>) offsets(%dma_start3A_108 : memref<40xi32, #tpu.memory_space<vmem>>) semaphore(%arg7 : memref<!tpu.dma_semaphore, #tpu.memory_space<semaphore_mem>>)
    %dma_start3A_112 = arith.constant 11 : i32
    %dma_start3A_113 = arith.constant 440 : i32
    %dma_start3A_114 = arith.constant 0 : i32
    %dma_start3A_115 = tpu.memref_slice %arg6[%dma_start3A_113, %dma_start3A_114] : memref<5000x16xf32, #tpu.memory_space<vmem>> -> memref<40x16xf32, #tpu.memory_space<vmem>>
    %dma_start3A_116 = arith.constant 0 : i32
    %dma_start3A_117 = tpu.memref_slice %arg5[%dma_start3A_112, %dma_start3A_116] : memref<125x40xi32, #tpu.memory_space<vmem>> -> memref<1x40xi32, #tpu.memory_space<vmem>>
    %dma_start3A_118 = tpu.memref_squeeze %dma_start3A_117 : memref<1x40xi32, #tpu.memory_space<vmem>> -> memref<40xi32, #tpu.memory_space<vmem>>
    %dma_start3A_119 = arith.constant 0 : i32
    %dma_start3A_120 = arith.constant 0 : i32
    %dma_start3A_121 = tpu.memref_slice %arg2[%dma_start3A_119, %dma_start3A_120] : memref<10000x16xf32, #tpu.memory_space<hbm>> -> memref<10000x16xf32, #tpu.memory_space<hbm>>
    tpu.enqueue_indirect_dma source(%dma_start3A_121 : memref<10000x16xf32, #tpu.memory_space<hbm>>) target(%dma_start3A_115 : memref<40x16xf32, #tpu.memory_space<vmem>>) offsets(%dma_start3A_118 : memref<40xi32, #tpu.memory_space<vmem>>) semaphore(%arg7 : memref<!tpu.dma_semaphore, #tpu.memory_space<semaphore_mem>>)
    %dma_start3A_122 = arith.constant 12 : i32
    %dma_start3A_123 = arith.constant 480 : i32
    %dma_start3A_124 = arith.constant 0 : i32
    %dma_start3A_125 = tpu.memref_slice %arg6[%dma_start3A_123, %dma_start3A_124] : memref<5000x16xf32, #tpu.memory_space<vmem>> -> memref<40x16xf32, #tpu.memory_space<vmem>>
    %dma_start3A_126 = arith.constant 0 : i32
    %dma_start3A_127 = tpu.memref_slice %arg5[%dma_start3A_122, %dma_start3A_126] : memref<125x40xi32, #tpu.memory_space<vmem>> -> memref<1x40xi32, #tpu.memory_space<vmem>>
    %dma_start3A_128 = tpu.memref_squeeze %dma_start3A_127 : memref<1x40xi32, #tpu.memory_space<vmem>> -> memref<40xi32, #tpu.memory_space<vmem>>
    %dma_start3A_129 = arith.constant 0 : i32
    %dma_start3A_130 = arith.constant 0 : i32
    %dma_start3A_131 = tpu.memref_slice %arg2[%dma_start3A_129, %dma_start3A_130] : memref<10000x16xf32, #tpu.memory_space<hbm>> -> memref<10000x16xf32, #tpu.memory_space<hbm>>
    tpu.enqueue_indirect_dma source(%dma_start3A_131 : memref<10000x16xf32, #tpu.memory_space<hbm>>) target(%dma_start3A_125 : memref<40x16xf32, #tpu.memory_space<vmem>>) offsets(%dma_start3A_128 : memref<40xi32, #tpu.memory_space<vmem>>) semaphore(%arg7 : memref<!tpu.dma_semaphore, #tpu.memory_space<semaphore_mem>>)
    %dma_start3A_132 = arith.constant 13 : i32
    %dma_start3A_133 = arith.constant 520 : i32
    %dma_start3A_134 = arith.constant 0 : i32
    %dma_start3A_135 = tpu.memref_slice %arg6[%dma_start3A_133, %dma_start3A_134] : memref<5000x16xf32, #tpu.memory_space<vmem>> -> memref<40x16xf32, #tpu.memory_space<vmem>>
    %dma_start3A_136 = arith.constant 0 : i32
    %dma_start3A_137 = tpu.memref_slice %arg5[%dma_start3A_132, %dma_start3A_136] : memref<125x40xi32, #tpu.memory_space<vmem>> -> memref<1x40xi32, #tpu.memory_space<vmem>>
    %dma_start3A_138 = tpu.memref_squeeze %dma_start3A_137 : memref<1x40xi32, #tpu.memory_space<vmem>> -> memref<40xi32, #tpu.memory_space<vmem>>
    %dma_start3A_139 = arith.constant 0 : i32
    %dma_start3A_140 = arith.constant 0 : i32
    %dma_start3A_141 = tpu.memref_slice %arg2[%dma_start3A_139, %dma_start3A_140] : memref<10000x16xf32, #tpu.memory_space<hbm>> -> memref<10000x16xf32, #tpu.memory_space<hbm>>
    tpu.enqueue_indirect_dma source(%dma_start3A_141 : memref<10000x16xf32, #tpu.memory_space<hbm>>) target(%dma_start3A_135 : memref<40x16xf32, #tpu.memory_space<vmem>>) offsets(%dma_start3A_138 : memref<40xi32, #tpu.memory_space<vmem>>) semaphore(%arg7 : memref<!tpu.dma_semaphore, #tpu.memory_space<semaphore_mem>>)
    %dma_start3A_142 = arith.constant 14 : i32
    %dma_start3A_143 = arith.constant 560 : i32
    %dma_start3A_144 = arith.constant 0 : i32
    %dma_start3A_145 = tpu.memref_slice %arg6[%dma_start3A_143, %dma_start3A_144] : memref<5000x16xf32, #tpu.memory_space<vmem>> -> memref<40x16xf32, #tpu.memory_space<vmem>>
    %dma_start3A_146 = arith.constant 0 : i32
    %dma_start3A_147 = tpu.memref_slice %arg5[%dma_start3A_142, %dma_start3A_146] : memref<125x40xi32, #tpu.memory_space<vmem>> -> memref<1x40xi32, #tpu.memory_space<vmem>>
    %dma_start3A_148 = tpu.memref_squeeze %dma_start3A_147 : memref<1x40xi32, #tpu.memory_space<vmem>> -> memref<40xi32, #tpu.memory_space<vmem>>
    %dma_start3A_149 = arith.constant 0 : i32
    %dma_start3A_150 = arith.constant 0 : i32
    %dma_start3A_151 = tpu.memref_slice %arg2[%dma_start3A_149, %dma_start3A_150] : memref<10000x16xf32, #tpu.memory_space<hbm>> -> memref<10000x16xf32, #tpu.memory_space<hbm>>
    tpu.enqueue_indirect_dma source(%dma_start3A_151 : memref<10000x16xf32, #tpu.memory_space<hbm>>) target(%dma_start3A_145 : memref<40x16xf32, #tpu.memory_space<vmem>>) offsets(%dma_start3A_148 : memref<40xi32, #tpu.memory_space<vmem>>) semaphore(%arg7 : memref<!tpu.dma_semaphore, #tpu.memory_space<semaphore_mem>>)
    %dma_start3A_152 = arith.constant 15 : i32
    %dma_start3A_153 = arith.constant 600 : i32
    %dma_start3A_154 = arith.constant 0 : i32
    %dma_start3A_155 = tpu.memref_slice %arg6[%dma_start3A_153, %dma_start3A_154] : memref<5000x16xf32, #tpu.memory_space<vmem>> -> memref<40x16xf32, #tpu.memory_space<vmem>>
    %dma_start3A_156 = arith.constant 0 : i32
    %dma_start3A_157 = tpu.memref_slice %arg5[%dma_start3A_152, %dma_start3A_156] : memref<125x40xi32, #tpu.memory_space<vmem>> -> memref<1x40xi32, #tpu.memory_space<vmem>>
    %dma_start3A_158 = tpu.memref_squeeze %dma_start3A_157 : memref<1x40xi32, #tpu.memory_space<vmem>> -> memref<40xi32, #tpu.memory_space<vmem>>
    %dma_start3A_159 = arith.constant 0 : i32
    %dma_start3A_160 = arith.constant 0 : i32
    %dma_start3A_161 = tpu.memref_slice %arg2[%dma_start3A_159, %dma_start3A_160] : memref<10000x16xf32, #tpu.memory_space<hbm>> -> memref<10000x16xf32, #tpu.memory_space<hbm>>
    tpu.enqueue_indirect_dma source(%dma_start3A_161 : memref<10000x16xf32, #tpu.memory_space<hbm>>) target(%dma_start3A_155 : memref<40x16xf32, #tpu.memory_space<vmem>>) offsets(%dma_start3A_158 : memref<40xi32, #tpu.memory_space<vmem>>) semaphore(%arg7 : memref<!tpu.dma_semaphore, #tpu.memory_space<semaphore_mem>>)
    %dma_start3A_162 = arith.constant 16 : i32
    %dma_start3A_163 = arith.constant 640 : i32
    %dma_start3A_164 = arith.constant 0 : i32
    %dma_start3A_165 = tpu.memref_slice %arg6[%dma_start3A_163, %dma_start3A_164] : memref<5000x16xf32, #tpu.memory_space<vmem>> -> memref<40x16xf32, #tpu.memory_space<vmem>>
    %dma_start3A_166 = arith.constant 0 : i32
    %dma_start3A_167 = tpu.memref_slice %arg5[%dma_start3A_162, %dma_start3A_166] : memref<125x40xi32, #tpu.memory_space<vmem>> -> memref<1x40xi32, #tpu.memory_space<vmem>>
    %dma_start3A_168 = tpu.memref_squeeze %dma_start3A_167 : memref<1x40xi32, #tpu.memory_space<vmem>> -> memref<40xi32, #tpu.memory_space<vmem>>
    %dma_start3A_169 = arith.constant 0 : i32
    %dma_start3A_170 = arith.constant 0 : i32
    %dma_start3A_171 = tpu.memref_slice %arg2[%dma_start3A_169, %dma_start3A_170] : memref<10000x16xf32, #tpu.memory_space<hbm>> -> memref<10000x16xf32, #tpu.memory_space<hbm>>
    tpu.enqueue_indirect_dma source(%dma_start3A_171 : memref<10000x16xf32, #tpu.memory_space<hbm>>) target(%dma_start3A_165 : memref<40x16xf32, #tpu.memory_space<vmem>>) offsets(%dma_start3A_168 : memref<40xi32, #tpu.memory_space<vmem>>) semaphore(%arg7 : memref<!tpu.dma_semaphore, #tpu.memory_space<semaphore_mem>>)
    %dma_start3A_172 = arith.constant 17 : i32
    %dma_start3A_173 = arith.constant 680 : i32
    %dma_start3A_174 = arith.constant 0 : i32
    %dma_start3A_175 = tpu.memref_slice %arg6[%dma_start3A_173, %dma_start3A_174] : memref<5000x16xf32, #tpu.memory_space<vmem>> -> memref<40x16xf32, #tpu.memory_space<vmem>>
    %dma_start3A_176 = arith.constant 0 : i32
    %dma_start3A_177 = tpu.memref_slice %arg5[%dma_start3A_172, %dma_start3A_176] : memref<125x40xi32, #tpu.memory_space<vmem>> -> memref<1x40xi32, #tpu.memory_space<vmem>>
    %dma_start3A_178 = tpu.memref_squeeze %dma_start3A_177 : memref<1x40xi32, #tpu.memory_space<vmem>> -> memref<40xi32, #tpu.memory_space<vmem>>
    %dma_start3A_179 = arith.constant 0 : i32
    %dma_start3A_180 = arith.constant 0 : i32
    %dma_start3A_181 = tpu.memref_slice %arg2[%dma_start3A_179, %dma_start3A_180] : memref<10000x16xf32, #tpu.memory_space<hbm>> -> memref<10000x16xf32, #tpu.memory_space<hbm>>
    tpu.enqueue_indirect_dma source(%dma_start3A_181 : memref<10000x16xf32, #tpu.memory_space<hbm>>) target(%dma_start3A_175 : memref<40x16xf32, #tpu.memory_space<vmem>>) offsets(%dma_start3A_178 : memref<40xi32, #tpu.memory_space<vmem>>) semaphore(%arg7 : memref<!tpu.dma_semaphore, #tpu.memory_space<semaphore_mem>>)
    %dma_start3A_182 = arith.constant 18 : i32
    %dma_start3A_183 = arith.constant 720 : i32
    %dma_start3A_184 = arith.constant 0 : i32
    %dma_start3A_185 = tpu.memref_slice %arg6[%dma_start3A_183, %dma_start3A_184] : memref<5000x16xf32, #tpu.memory_space<vmem>> -> memref<40x16xf32, #tpu.memory_space<vmem>>
    %dma_start3A_186 = arith.constant 0 : i32
    %dma_start3A_187 = tpu.memref_slice %arg5[%dma_start3A_182, %dma_start3A_186] : memref<125x40xi32, #tpu.memory_space<vmem>> -> memref<1x40xi32, #tpu.memory_space<vmem>>
    %dma_start3A_188 = tpu.memref_squeeze %dma_start3A_187 : memref<1x40xi32, #tpu.memory_space<vmem>> -> memref<40xi32, #tpu.memory_space<vmem>>
    %dma_start3A_189 = arith.constant 0 : i32
    %dma_start3A_190 = arith.constant 0 : i32
    %dma_start3A_191 = tpu.memref_slice %arg2[%dma_start3A_189, %dma_start3A_190] : memref<10000x16xf32, #tpu.memory_space<hbm>> -> memref<10000x16xf32, #tpu.memory_space<hbm>>
    tpu.enqueue_indirect_dma source(%dma_start3A_191 : memref<10000x16xf32, #tpu.memory_space<hbm>>) target(%dma_start3A_185 : memref<40x16xf32, #tpu.memory_space<vmem>>) offsets(%dma_start3A_188 : memref<40xi32, #tpu.memory_space<vmem>>) semaphore(%arg7 : memref<!tpu.dma_semaphore, #tpu.memory_space<semaphore_mem>>)
    %dma_start3A_192 = arith.constant 19 : i32
    %dma_start3A_193 = arith.constant 760 : i32
    %dma_start3A_194 = arith.constant 0 : i32
    %dma_start3A_195 = tpu.memref_slice %arg6[%dma_start3A_193, %dma_start3A_194] : memref<5000x16xf32, #tpu.memory_space<vmem>> -> memref<40x16xf32, #tpu.memory_space<vmem>>
    %dma_start3A_196 = arith.constant 0 : i32
    %dma_start3A_197 = tpu.memref_slice %arg5[%dma_start3A_192, %dma_start3A_196] : memref<125x40xi32, #tpu.memory_space<vmem>> -> memref<1x40xi32, #tpu.memory_space<vmem>>
    %dma_start3A_198 = tpu.memref_squeeze %dma_start3A_197 : memref<1x40xi32, #tpu.memory_space<vmem>> -> memref<40xi32, #tpu.memory_space<vmem>>
    %dma_start3A_199 = arith.constant 0 : i32
    %dma_start3A_200 = arith.constant 0 : i32
    %dma_start3A_201 = tpu.memref_slice %arg2[%dma_start3A_199, %dma_start3A_200] : memref<10000x16xf32, #tpu.memory_space<hbm>> -> memref<10000x16xf32, #tpu.memory_space<hbm>>
    tpu.enqueue_indirect_dma source(%dma_start3A_201 : memref<10000x16xf32, #tpu.memory_space<hbm>>) target(%dma_start3A_195 : memref<40x16xf32, #tpu.memory_space<vmem>>) offsets(%dma_start3A_198 : memref<40xi32, #tpu.memory_space<vmem>>) semaphore(%arg7 : memref<!tpu.dma_semaphore, #tpu.memory_space<semaphore_mem>>)
    %scan3A = arith.constant 0 : i32
    %scan3A_202 = arith.constant 0 : i32
    %scan3A_203 = arith.constant 125 : i32
    %scan3A_204 = arith.addi %scan3A_202, %scan3A_203 : i32
    %scan3A_205 = arith.constant 1 : i32
    scf.for %scan3A_209 = %scan3A_202 to %scan3A_204 step %scan3A_205  : i32 {
      %add3A_210 = arith.constant 20 : i32
      %add3A_211 = arith.addi %scan3A_209, %add3A_210 : i32
      %lt3A = arith.constant 125 : i32
      %lt3A_212 = arith.cmpi slt, %add3A_211, %lt3A : i32
      %convert_element_type3A = arith.extui %lt3A_212 : i1 to i32
      %cond3A = arith.constant 0 : i32
      %cond3A_213 = arith.cmpi ne, %convert_element_type3A, %cond3A : i32
      scf.if %cond3A_213 {
        %mul3A_223 = arith.constant 40 : i32
        %mul3A_224 = arith.muli %add3A_211, %mul3A_223 : i32
        %dma_start3A_225 = arith.constant 0 : i32
        %dma_start3A_226 = tpu.memref_slice %arg6[%mul3A_224, %dma_start3A_225] : memref<5000x16xf32, #tpu.memory_space<vmem>> -> memref<40x16xf32, #tpu.memory_space<vmem>>
        %dma_start3A_227 = arith.constant 0 : i32
        %dma_start3A_228 = tpu.memref_slice %arg5[%add3A_211, %dma_start3A_227] : memref<125x40xi32, #tpu.memory_space<vmem>> -> memref<1x40xi32, #tpu.memory_space<vmem>>
        %dma_start3A_229 = tpu.memref_squeeze %dma_start3A_228 : memref<1x40xi32, #tpu.memory_space<vmem>> -> memref<40xi32, #tpu.memory_space<vmem>>
        %dma_start3A_230 = arith.constant 0 : i32
        %dma_start3A_231 = arith.constant 0 : i32
        %dma_start3A_232 = tpu.memref_slice %arg2[%dma_start3A_230, %dma_start3A_231] : memref<10000x16xf32, #tpu.memory_space<hbm>> -> memref<10000x16xf32, #tpu.memory_space<hbm>>
        tpu.enqueue_indirect_dma source(%dma_start3A_232 : memref<10000x16xf32, #tpu.memory_space<hbm>>) target(%dma_start3A_226 : memref<40x16xf32, #tpu.memory_space<vmem>>) offsets(%dma_start3A_229 : memref<40xi32, #tpu.memory_space<vmem>>) semaphore(%arg7 : memref<!tpu.dma_semaphore, #tpu.memory_space<semaphore_mem>>)
      } else {
      }
      %mul3A_214 = arith.constant 40 : i32
      %mul3A_215 = arith.muli %scan3A_209, %mul3A_214 : i32
      %dma_wait3A = arith.constant 0 : i32
      %dma_wait3A_216 = tpu.memref_slice %arg6[%mul3A_215, %dma_wait3A] : memref<5000x16xf32, #tpu.memory_space<vmem>> -> memref<40x16xf32, #tpu.memory_space<vmem>>
      %dma_wait3A_217 = arith.constant 0 : i32
      %dma_wait3A_218 = tpu.memref_slice %arg5[%scan3A_209, %dma_wait3A_217] : memref<125x40xi32, #tpu.memory_space<vmem>> -> memref<1x40xi32, #tpu.memory_space<vmem>>
      %dma_wait3A_219 = tpu.memref_squeeze %dma_wait3A_218 : memref<1x40xi32, #tpu.memory_space<vmem>> -> memref<40xi32, #tpu.memory_space<vmem>>
      %dma_wait3A_220 = arith.constant 0 : i32
      %dma_wait3A_221 = arith.constant 0 : i32
      %dma_wait3A_222 = tpu.memref_slice %arg2[%dma_wait3A_220, %dma_wait3A_221] : memref<10000x16xf32, #tpu.memory_space<hbm>> -> memref<10000x16xf32, #tpu.memory_space<hbm>>
      tpu.wait_indirect_dma semaphore(%arg7 : memref<!tpu.dma_semaphore, #tpu.memory_space<semaphore_mem>>) src(%dma_wait3A_222 : memref<10000x16xf32, #tpu.memory_space<hbm>>) dst(%dma_wait3A_216 : memref<40x16xf32, #tpu.memory_space<vmem>>)
    }
    %scan3A_206 = arith.constant 125 : i32
    %mul3A_207 = arith.constant 5000 : i32
    %mul3A_208 = arith.muli %add3A, %mul3A_207 : i32
    "tpu.region"() ({
      %run_scoped3A = tpu.sem_alloc : memref<!tpu.dma_semaphore, #tpu.memory_space<semaphore_mem>>
      %dma_start3A_209 = arith.constant 0 : i32
      %dma_start3A_210 = tpu.memref_slice %arg4[%mul3A_208, %dma_start3A_209] : memref<160000x16xf32, #tpu.memory_space<hbm>> -> memref<5000x16xf32, #tpu.memory_space<hbm>>
      %dma_start3A_211 = arith.constant 0 : i32
      %dma_start3A_212 = tpu.memref_slice %arg4[%mul3A_208, %dma_start3A_211] : memref<160000x16xf32, #tpu.memory_space<hbm>> -> memref<5000x16xf32, #tpu.memory_space<hbm>>
      tpu.enqueue_dma source(%arg6 : memref<5000x16xf32, #tpu.memory_space<vmem>>) target(%dma_start3A_212 : memref<5000x16xf32, #tpu.memory_space<hbm>>) target_semaphore(%run_scoped3A : memref<!tpu.dma_semaphore, #tpu.memory_space<semaphore_mem>>)
      %dma_wait3A = arith.constant 0 : i32
      %dma_wait3A_213 = tpu.memref_slice %arg4[%mul3A_208, %dma_wait3A] : memref<160000x16xf32, #tpu.memory_space<hbm>> -> memref<5000x16xf32, #tpu.memory_space<hbm>>
      %dma_wait3A_214 = arith.constant 0 : i32
      %dma_wait3A_215 = tpu.memref_slice %arg4[%mul3A_208, %dma_wait3A_214] : memref<160000x16xf32, #tpu.memory_space<hbm>> -> memref<5000x16xf32, #tpu.memory_space<hbm>>
      tpu.wait_dma2 semaphore(%run_scoped3A : memref<!tpu.dma_semaphore, #tpu.memory_space<semaphore_mem>>) src(%arg6 : memref<5000x16xf32, #tpu.memory_space<vmem>>) dst(%dma_wait3A_215 : memref<5000x16xf32, #tpu.memory_space<hbm>>)
      tpu.yield
    }) : () -> ()
    return
  }
}

#map = affine_map<(d0, d1) -> (0, 0)>
#map1 = affine_map<(d0, d1) -> (0, 0, 0)>
module attributes {stable_mosaic.version = 14 : i64} {
  func.func @body(%arg0: i32, %arg1: i32, %arg2: memref<160000x16xf32, #tpu.memory_space<hbm>>, %arg3: memref<4000x40xi32, #tpu.memory_space<hbm>>, %arg4: memref<10000x16xf32, #tpu.memory_space<hbm>>, %arg5: memref<2x10000x16xf32, #tpu.memory_space<hbm>>, %arg6: memref<125x40xi32, #tpu.memory_space<vmem>>, %arg7: memref<5000x16xf32, #tpu.memory_space<vmem>>, %arg8: memref<40x16xf32, #tpu.memory_space<vmem>>, %arg9: memref<10000x16xf32, #tpu.memory_space<vmem_shared>>, %arg10: memref<10000x16xf32, #tpu.memory_space<vmem_shared>>, %arg11: memref<!tpu.dma_semaphore, #tpu.memory_space<semaphore_mem>>) attributes {dimension_semantics = [#tpu.dimension_semantics<core_parallel>, #tpu.dimension_semantics<subcore_parallel>], iteration_bounds = array<i64: 2, 16>, scalar_prefetch = 0 : i64, scratch_operands = 6 : i64, tpu.core_type = #tpu.core_type<sc_vector_subcore>, window_params = [{transform_indices = #map}, {transform_indices = #map}, {transform_indices = #map}, {transform_indices = #map1}]} {
    %mul3A = arith.constant 2 : i32
    %mul3A_0 = arith.muli %arg1, %mul3A : i32
    %add3A = arith.addi %mul3A_0, %arg0 : i32
    %mul3A_1 = arith.constant 625 : i32
    %mul3A_2 = arith.muli %arg1, %mul3A_1 : i32
    %mul3A_3 = arith.constant 625 : i32
    %mul3A_4 = arith.muli %arg1, %mul3A_3 : i32
    "tpu.region"() ({
      %run_scoped3A = tpu.sem_alloc : memref<!tpu.dma_semaphore, #tpu.memory_space<semaphore_mem>>
      %dma_start3A_218 = arith.constant 0 : i32
      %dma_start3A_219 = tpu.memref_slice %arg9[%mul3A_4, %dma_start3A_218] : memref<10000x16xf32, #tpu.memory_space<vmem_shared>> -> memref<625x16xf32, #tpu.memory_space<vmem_shared>>
      %dma_start3A_220 = arith.constant 0 : i32
      %dma_start3A_221 = tpu.memref_slice %arg4[%mul3A_2, %dma_start3A_220] : memref<10000x16xf32, #tpu.memory_space<hbm>> -> memref<625x16xf32, #tpu.memory_space<hbm>>
      tpu.enqueue_dma source(%dma_start3A_221 : memref<625x16xf32, #tpu.memory_space<hbm>>) target(%dma_start3A_219 : memref<625x16xf32, #tpu.memory_space<vmem_shared>>) target_semaphore(%run_scoped3A : memref<!tpu.dma_semaphore, #tpu.memory_space<semaphore_mem>>)
      %dma_wait3A = arith.constant 0 : i32
      %dma_wait3A_222 = tpu.memref_slice %arg9[%mul3A_4, %dma_wait3A] : memref<10000x16xf32, #tpu.memory_space<vmem_shared>> -> memref<625x16xf32, #tpu.memory_space<vmem_shared>>
      %dma_wait3A_223 = arith.constant 0 : i32
      %dma_wait3A_224 = tpu.memref_slice %arg4[%mul3A_2, %dma_wait3A_223] : memref<10000x16xf32, #tpu.memory_space<hbm>> -> memref<625x16xf32, #tpu.memory_space<hbm>>
      tpu.wait_dma2 semaphore(%run_scoped3A : memref<!tpu.dma_semaphore, #tpu.memory_space<semaphore_mem>>) src(%dma_wait3A_224 : memref<625x16xf32, #tpu.memory_space<hbm>>) dst(%dma_wait3A_222 : memref<625x16xf32, #tpu.memory_space<vmem_shared>>)
      tpu.yield
    }) : () -> ()
    %mul3A_5 = arith.constant 125 : i32
    %mul3A_6 = arith.muli %add3A, %mul3A_5 : i32
    "tpu.region"() ({
      %run_scoped3A = tpu.sem_alloc : memref<!tpu.dma_semaphore, #tpu.memory_space<semaphore_mem>>
      %dma_start3A_218 = arith.constant 0 : i32
      %dma_start3A_219 = tpu.memref_slice %arg3[%mul3A_6, %dma_start3A_218] : memref<4000x40xi32, #tpu.memory_space<hbm>> -> memref<125x40xi32, #tpu.memory_space<hbm>>
      %dma_start3A_220 = arith.constant 0 : i32
      %dma_start3A_221 = tpu.memref_slice %arg3[%mul3A_6, %dma_start3A_220] : memref<4000x40xi32, #tpu.memory_space<hbm>> -> memref<125x40xi32, #tpu.memory_space<hbm>>
      tpu.enqueue_dma source(%dma_start3A_221 : memref<125x40xi32, #tpu.memory_space<hbm>>) target(%arg6 : memref<125x40xi32, #tpu.memory_space<vmem>>) target_semaphore(%run_scoped3A : memref<!tpu.dma_semaphore, #tpu.memory_space<semaphore_mem>>)
      %dma_wait3A = arith.constant 0 : i32
      %dma_wait3A_222 = tpu.memref_slice %arg3[%mul3A_6, %dma_wait3A] : memref<4000x40xi32, #tpu.memory_space<hbm>> -> memref<125x40xi32, #tpu.memory_space<hbm>>
      %dma_wait3A_223 = arith.constant 0 : i32
      %dma_wait3A_224 = tpu.memref_slice %arg3[%mul3A_6, %dma_wait3A_223] : memref<4000x40xi32, #tpu.memory_space<hbm>> -> memref<125x40xi32, #tpu.memory_space<hbm>>
      tpu.wait_dma2 semaphore(%run_scoped3A : memref<!tpu.dma_semaphore, #tpu.memory_space<semaphore_mem>>) src(%dma_wait3A_224 : memref<125x40xi32, #tpu.memory_space<hbm>>) dst(%arg6 : memref<125x40xi32, #tpu.memory_space<vmem>>)
      tpu.yield
    }) : () -> ()
    %mul3A_7 = arith.constant 5000 : i32
    %mul3A_8 = arith.muli %add3A, %mul3A_7 : i32
    "tpu.region"() ({
      %run_scoped3A = tpu.sem_alloc : memref<!tpu.dma_semaphore, #tpu.memory_space<semaphore_mem>>
      %dma_start3A_218 = arith.constant 0 : i32
      %dma_start3A_219 = tpu.memref_slice %arg2[%mul3A_8, %dma_start3A_218] : memref<160000x16xf32, #tpu.memory_space<hbm>> -> memref<5000x16xf32, #tpu.memory_space<hbm>>
      %dma_start3A_220 = arith.constant 0 : i32
      %dma_start3A_221 = tpu.memref_slice %arg2[%mul3A_8, %dma_start3A_220] : memref<160000x16xf32, #tpu.memory_space<hbm>> -> memref<5000x16xf32, #tpu.memory_space<hbm>>
      tpu.enqueue_dma source(%dma_start3A_221 : memref<5000x16xf32, #tpu.memory_space<hbm>>) target(%arg7 : memref<5000x16xf32, #tpu.memory_space<vmem>>) target_semaphore(%run_scoped3A : memref<!tpu.dma_semaphore, #tpu.memory_space<semaphore_mem>>)
      %dma_wait3A = arith.constant 0 : i32
      %dma_wait3A_222 = tpu.memref_slice %arg2[%mul3A_8, %dma_wait3A] : memref<160000x16xf32, #tpu.memory_space<hbm>> -> memref<5000x16xf32, #tpu.memory_space<hbm>>
      %dma_wait3A_223 = arith.constant 0 : i32
      %dma_wait3A_224 = tpu.memref_slice %arg2[%mul3A_8, %dma_wait3A_223] : memref<160000x16xf32, #tpu.memory_space<hbm>> -> memref<5000x16xf32, #tpu.memory_space<hbm>>
      tpu.wait_dma2 semaphore(%run_scoped3A : memref<!tpu.dma_semaphore, #tpu.memory_space<semaphore_mem>>) src(%dma_wait3A_224 : memref<5000x16xf32, #tpu.memory_space<hbm>>) dst(%arg7 : memref<5000x16xf32, #tpu.memory_space<vmem>>)
      tpu.yield
    }) : () -> ()
    %barrier3A = arith.constant 0 : index
    tpu.barrier barrier_id(%barrier3A)
    %dma_start3A = arith.constant 0 : i32
    %dma_start3A_9 = arith.constant 0 : i32
    %dma_start3A_10 = arith.constant 0 : i32
    %dma_start3A_11 = tpu.memref_slice %arg7[%dma_start3A_9, %dma_start3A_10] : memref<5000x16xf32, #tpu.memory_space<vmem>> -> memref<40x16xf32, #tpu.memory_space<vmem>>
    %dma_start3A_12 = arith.constant 0 : i32
    %dma_start3A_13 = tpu.memref_slice %arg6[%dma_start3A, %dma_start3A_12] : memref<125x40xi32, #tpu.memory_space<vmem>> -> memref<1x40xi32, #tpu.memory_space<vmem>>
    %dma_start3A_14 = tpu.memref_squeeze %dma_start3A_13 : memref<1x40xi32, #tpu.memory_space<vmem>> -> memref<40xi32, #tpu.memory_space<vmem>>
    %dma_start3A_15 = arith.constant 0 : i32
    %dma_start3A_16 = arith.constant 0 : i32
    %dma_start3A_17 = tpu.memref_slice %arg9[%dma_start3A_15, %dma_start3A_16] : memref<10000x16xf32, #tpu.memory_space<vmem_shared>> -> memref<10000x16xf32, #tpu.memory_space<vmem_shared>>
    tpu.enqueue_indirect_dma source(%dma_start3A_11 : memref<40x16xf32, #tpu.memory_space<vmem>>) target(%dma_start3A_17 : memref<10000x16xf32, #tpu.memory_space<vmem_shared>>) offsets(%dma_start3A_14 : memref<40xi32, #tpu.memory_space<vmem>>) semaphore(%arg11 : memref<!tpu.dma_semaphore, #tpu.memory_space<semaphore_mem>>) {add = true}
    %dma_start3A_18 = arith.constant 1 : i32
    %dma_start3A_19 = arith.constant 40 : i32
    %dma_start3A_20 = arith.constant 0 : i32
    %dma_start3A_21 = tpu.memref_slice %arg7[%dma_start3A_19, %dma_start3A_20] : memref<5000x16xf32, #tpu.memory_space<vmem>> -> memref<40x16xf32, #tpu.memory_space<vmem>>
    %dma_start3A_22 = arith.constant 0 : i32
    %dma_start3A_23 = tpu.memref_slice %arg6[%dma_start3A_18, %dma_start3A_22] : memref<125x40xi32, #tpu.memory_space<vmem>> -> memref<1x40xi32, #tpu.memory_space<vmem>>
    %dma_start3A_24 = tpu.memref_squeeze %dma_start3A_23 : memref<1x40xi32, #tpu.memory_space<vmem>> -> memref<40xi32, #tpu.memory_space<vmem>>
    %dma_start3A_25 = arith.constant 0 : i32
    %dma_start3A_26 = arith.constant 0 : i32
    %dma_start3A_27 = tpu.memref_slice %arg9[%dma_start3A_25, %dma_start3A_26] : memref<10000x16xf32, #tpu.memory_space<vmem_shared>> -> memref<10000x16xf32, #tpu.memory_space<vmem_shared>>
    tpu.enqueue_indirect_dma source(%dma_start3A_21 : memref<40x16xf32, #tpu.memory_space<vmem>>) target(%dma_start3A_27 : memref<10000x16xf32, #tpu.memory_space<vmem_shared>>) offsets(%dma_start3A_24 : memref<40xi32, #tpu.memory_space<vmem>>) semaphore(%arg11 : memref<!tpu.dma_semaphore, #tpu.memory_space<semaphore_mem>>) {add = true}
    %dma_start3A_28 = arith.constant 2 : i32
    %dma_start3A_29 = arith.constant 80 : i32
    %dma_start3A_30 = arith.constant 0 : i32
    %dma_start3A_31 = tpu.memref_slice %arg7[%dma_start3A_29, %dma_start3A_30] : memref<5000x16xf32, #tpu.memory_space<vmem>> -> memref<40x16xf32, #tpu.memory_space<vmem>>
    %dma_start3A_32 = arith.constant 0 : i32
    %dma_start3A_33 = tpu.memref_slice %arg6[%dma_start3A_28, %dma_start3A_32] : memref<125x40xi32, #tpu.memory_space<vmem>> -> memref<1x40xi32, #tpu.memory_space<vmem>>
    %dma_start3A_34 = tpu.memref_squeeze %dma_start3A_33 : memref<1x40xi32, #tpu.memory_space<vmem>> -> memref<40xi32, #tpu.memory_space<vmem>>
    %dma_start3A_35 = arith.constant 0 : i32
    %dma_start3A_36 = arith.constant 0 : i32
    %dma_start3A_37 = tpu.memref_slice %arg9[%dma_start3A_35, %dma_start3A_36] : memref<10000x16xf32, #tpu.memory_space<vmem_shared>> -> memref<10000x16xf32, #tpu.memory_space<vmem_shared>>
    tpu.enqueue_indirect_dma source(%dma_start3A_31 : memref<40x16xf32, #tpu.memory_space<vmem>>) target(%dma_start3A_37 : memref<10000x16xf32, #tpu.memory_space<vmem_shared>>) offsets(%dma_start3A_34 : memref<40xi32, #tpu.memory_space<vmem>>) semaphore(%arg11 : memref<!tpu.dma_semaphore, #tpu.memory_space<semaphore_mem>>) {add = true}
    %dma_start3A_38 = arith.constant 3 : i32
    %dma_start3A_39 = arith.constant 120 : i32
    %dma_start3A_40 = arith.constant 0 : i32
    %dma_start3A_41 = tpu.memref_slice %arg7[%dma_start3A_39, %dma_start3A_40] : memref<5000x16xf32, #tpu.memory_space<vmem>> -> memref<40x16xf32, #tpu.memory_space<vmem>>
    %dma_start3A_42 = arith.constant 0 : i32
    %dma_start3A_43 = tpu.memref_slice %arg6[%dma_start3A_38, %dma_start3A_42] : memref<125x40xi32, #tpu.memory_space<vmem>> -> memref<1x40xi32, #tpu.memory_space<vmem>>
    %dma_start3A_44 = tpu.memref_squeeze %dma_start3A_43 : memref<1x40xi32, #tpu.memory_space<vmem>> -> memref<40xi32, #tpu.memory_space<vmem>>
    %dma_start3A_45 = arith.constant 0 : i32
    %dma_start3A_46 = arith.constant 0 : i32
    %dma_start3A_47 = tpu.memref_slice %arg9[%dma_start3A_45, %dma_start3A_46] : memref<10000x16xf32, #tpu.memory_space<vmem_shared>> -> memref<10000x16xf32, #tpu.memory_space<vmem_shared>>
    tpu.enqueue_indirect_dma source(%dma_start3A_41 : memref<40x16xf32, #tpu.memory_space<vmem>>) target(%dma_start3A_47 : memref<10000x16xf32, #tpu.memory_space<vmem_shared>>) offsets(%dma_start3A_44 : memref<40xi32, #tpu.memory_space<vmem>>) semaphore(%arg11 : memref<!tpu.dma_semaphore, #tpu.memory_space<semaphore_mem>>) {add = true}
    %dma_start3A_48 = arith.constant 4 : i32
    %dma_start3A_49 = arith.constant 160 : i32
    %dma_start3A_50 = arith.constant 0 : i32
    %dma_start3A_51 = tpu.memref_slice %arg7[%dma_start3A_49, %dma_start3A_50] : memref<5000x16xf32, #tpu.memory_space<vmem>> -> memref<40x16xf32, #tpu.memory_space<vmem>>
    %dma_start3A_52 = arith.constant 0 : i32
    %dma_start3A_53 = tpu.memref_slice %arg6[%dma_start3A_48, %dma_start3A_52] : memref<125x40xi32, #tpu.memory_space<vmem>> -> memref<1x40xi32, #tpu.memory_space<vmem>>
    %dma_start3A_54 = tpu.memref_squeeze %dma_start3A_53 : memref<1x40xi32, #tpu.memory_space<vmem>> -> memref<40xi32, #tpu.memory_space<vmem>>
    %dma_start3A_55 = arith.constant 0 : i32
    %dma_start3A_56 = arith.constant 0 : i32
    %dma_start3A_57 = tpu.memref_slice %arg9[%dma_start3A_55, %dma_start3A_56] : memref<10000x16xf32, #tpu.memory_space<vmem_shared>> -> memref<10000x16xf32, #tpu.memory_space<vmem_shared>>
    tpu.enqueue_indirect_dma source(%dma_start3A_51 : memref<40x16xf32, #tpu.memory_space<vmem>>) target(%dma_start3A_57 : memref<10000x16xf32, #tpu.memory_space<vmem_shared>>) offsets(%dma_start3A_54 : memref<40xi32, #tpu.memory_space<vmem>>) semaphore(%arg11 : memref<!tpu.dma_semaphore, #tpu.memory_space<semaphore_mem>>) {add = true}
    %dma_start3A_58 = arith.constant 5 : i32
    %dma_start3A_59 = arith.constant 200 : i32
    %dma_start3A_60 = arith.constant 0 : i32
    %dma_start3A_61 = tpu.memref_slice %arg7[%dma_start3A_59, %dma_start3A_60] : memref<5000x16xf32, #tpu.memory_space<vmem>> -> memref<40x16xf32, #tpu.memory_space<vmem>>
    %dma_start3A_62 = arith.constant 0 : i32
    %dma_start3A_63 = tpu.memref_slice %arg6[%dma_start3A_58, %dma_start3A_62] : memref<125x40xi32, #tpu.memory_space<vmem>> -> memref<1x40xi32, #tpu.memory_space<vmem>>
    %dma_start3A_64 = tpu.memref_squeeze %dma_start3A_63 : memref<1x40xi32, #tpu.memory_space<vmem>> -> memref<40xi32, #tpu.memory_space<vmem>>
    %dma_start3A_65 = arith.constant 0 : i32
    %dma_start3A_66 = arith.constant 0 : i32
    %dma_start3A_67 = tpu.memref_slice %arg9[%dma_start3A_65, %dma_start3A_66] : memref<10000x16xf32, #tpu.memory_space<vmem_shared>> -> memref<10000x16xf32, #tpu.memory_space<vmem_shared>>
    tpu.enqueue_indirect_dma source(%dma_start3A_61 : memref<40x16xf32, #tpu.memory_space<vmem>>) target(%dma_start3A_67 : memref<10000x16xf32, #tpu.memory_space<vmem_shared>>) offsets(%dma_start3A_64 : memref<40xi32, #tpu.memory_space<vmem>>) semaphore(%arg11 : memref<!tpu.dma_semaphore, #tpu.memory_space<semaphore_mem>>) {add = true}
    %dma_start3A_68 = arith.constant 6 : i32
    %dma_start3A_69 = arith.constant 240 : i32
    %dma_start3A_70 = arith.constant 0 : i32
    %dma_start3A_71 = tpu.memref_slice %arg7[%dma_start3A_69, %dma_start3A_70] : memref<5000x16xf32, #tpu.memory_space<vmem>> -> memref<40x16xf32, #tpu.memory_space<vmem>>
    %dma_start3A_72 = arith.constant 0 : i32
    %dma_start3A_73 = tpu.memref_slice %arg6[%dma_start3A_68, %dma_start3A_72] : memref<125x40xi32, #tpu.memory_space<vmem>> -> memref<1x40xi32, #tpu.memory_space<vmem>>
    %dma_start3A_74 = tpu.memref_squeeze %dma_start3A_73 : memref<1x40xi32, #tpu.memory_space<vmem>> -> memref<40xi32, #tpu.memory_space<vmem>>
    %dma_start3A_75 = arith.constant 0 : i32
    %dma_start3A_76 = arith.constant 0 : i32
    %dma_start3A_77 = tpu.memref_slice %arg9[%dma_start3A_75, %dma_start3A_76] : memref<10000x16xf32, #tpu.memory_space<vmem_shared>> -> memref<10000x16xf32, #tpu.memory_space<vmem_shared>>
    tpu.enqueue_indirect_dma source(%dma_start3A_71 : memref<40x16xf32, #tpu.memory_space<vmem>>) target(%dma_start3A_77 : memref<10000x16xf32, #tpu.memory_space<vmem_shared>>) offsets(%dma_start3A_74 : memref<40xi32, #tpu.memory_space<vmem>>) semaphore(%arg11 : memref<!tpu.dma_semaphore, #tpu.memory_space<semaphore_mem>>) {add = true}
    %dma_start3A_78 = arith.constant 7 : i32
    %dma_start3A_79 = arith.constant 280 : i32
    %dma_start3A_80 = arith.constant 0 : i32
    %dma_start3A_81 = tpu.memref_slice %arg7[%dma_start3A_79, %dma_start3A_80] : memref<5000x16xf32, #tpu.memory_space<vmem>> -> memref<40x16xf32, #tpu.memory_space<vmem>>
    %dma_start3A_82 = arith.constant 0 : i32
    %dma_start3A_83 = tpu.memref_slice %arg6[%dma_start3A_78, %dma_start3A_82] : memref<125x40xi32, #tpu.memory_space<vmem>> -> memref<1x40xi32, #tpu.memory_space<vmem>>
    %dma_start3A_84 = tpu.memref_squeeze %dma_start3A_83 : memref<1x40xi32, #tpu.memory_space<vmem>> -> memref<40xi32, #tpu.memory_space<vmem>>
    %dma_start3A_85 = arith.constant 0 : i32
    %dma_start3A_86 = arith.constant 0 : i32
    %dma_start3A_87 = tpu.memref_slice %arg9[%dma_start3A_85, %dma_start3A_86] : memref<10000x16xf32, #tpu.memory_space<vmem_shared>> -> memref<10000x16xf32, #tpu.memory_space<vmem_shared>>
    tpu.enqueue_indirect_dma source(%dma_start3A_81 : memref<40x16xf32, #tpu.memory_space<vmem>>) target(%dma_start3A_87 : memref<10000x16xf32, #tpu.memory_space<vmem_shared>>) offsets(%dma_start3A_84 : memref<40xi32, #tpu.memory_space<vmem>>) semaphore(%arg11 : memref<!tpu.dma_semaphore, #tpu.memory_space<semaphore_mem>>) {add = true}
    %dma_start3A_88 = arith.constant 8 : i32
    %dma_start3A_89 = arith.constant 320 : i32
    %dma_start3A_90 = arith.constant 0 : i32
    %dma_start3A_91 = tpu.memref_slice %arg7[%dma_start3A_89, %dma_start3A_90] : memref<5000x16xf32, #tpu.memory_space<vmem>> -> memref<40x16xf32, #tpu.memory_space<vmem>>
    %dma_start3A_92 = arith.constant 0 : i32
    %dma_start3A_93 = tpu.memref_slice %arg6[%dma_start3A_88, %dma_start3A_92] : memref<125x40xi32, #tpu.memory_space<vmem>> -> memref<1x40xi32, #tpu.memory_space<vmem>>
    %dma_start3A_94 = tpu.memref_squeeze %dma_start3A_93 : memref<1x40xi32, #tpu.memory_space<vmem>> -> memref<40xi32, #tpu.memory_space<vmem>>
    %dma_start3A_95 = arith.constant 0 : i32
    %dma_start3A_96 = arith.constant 0 : i32
    %dma_start3A_97 = tpu.memref_slice %arg9[%dma_start3A_95, %dma_start3A_96] : memref<10000x16xf32, #tpu.memory_space<vmem_shared>> -> memref<10000x16xf32, #tpu.memory_space<vmem_shared>>
    tpu.enqueue_indirect_dma source(%dma_start3A_91 : memref<40x16xf32, #tpu.memory_space<vmem>>) target(%dma_start3A_97 : memref<10000x16xf32, #tpu.memory_space<vmem_shared>>) offsets(%dma_start3A_94 : memref<40xi32, #tpu.memory_space<vmem>>) semaphore(%arg11 : memref<!tpu.dma_semaphore, #tpu.memory_space<semaphore_mem>>) {add = true}
    %dma_start3A_98 = arith.constant 9 : i32
    %dma_start3A_99 = arith.constant 360 : i32
    %dma_start3A_100 = arith.constant 0 : i32
    %dma_start3A_101 = tpu.memref_slice %arg7[%dma_start3A_99, %dma_start3A_100] : memref<5000x16xf32, #tpu.memory_space<vmem>> -> memref<40x16xf32, #tpu.memory_space<vmem>>
    %dma_start3A_102 = arith.constant 0 : i32
    %dma_start3A_103 = tpu.memref_slice %arg6[%dma_start3A_98, %dma_start3A_102] : memref<125x40xi32, #tpu.memory_space<vmem>> -> memref<1x40xi32, #tpu.memory_space<vmem>>
    %dma_start3A_104 = tpu.memref_squeeze %dma_start3A_103 : memref<1x40xi32, #tpu.memory_space<vmem>> -> memref<40xi32, #tpu.memory_space<vmem>>
    %dma_start3A_105 = arith.constant 0 : i32
    %dma_start3A_106 = arith.constant 0 : i32
    %dma_start3A_107 = tpu.memref_slice %arg9[%dma_start3A_105, %dma_start3A_106] : memref<10000x16xf32, #tpu.memory_space<vmem_shared>> -> memref<10000x16xf32, #tpu.memory_space<vmem_shared>>
    tpu.enqueue_indirect_dma source(%dma_start3A_101 : memref<40x16xf32, #tpu.memory_space<vmem>>) target(%dma_start3A_107 : memref<10000x16xf32, #tpu.memory_space<vmem_shared>>) offsets(%dma_start3A_104 : memref<40xi32, #tpu.memory_space<vmem>>) semaphore(%arg11 : memref<!tpu.dma_semaphore, #tpu.memory_space<semaphore_mem>>) {add = true}
    %dma_start3A_108 = arith.constant 10 : i32
    %dma_start3A_109 = arith.constant 400 : i32
    %dma_start3A_110 = arith.constant 0 : i32
    %dma_start3A_111 = tpu.memref_slice %arg7[%dma_start3A_109, %dma_start3A_110] : memref<5000x16xf32, #tpu.memory_space<vmem>> -> memref<40x16xf32, #tpu.memory_space<vmem>>
    %dma_start3A_112 = arith.constant 0 : i32
    %dma_start3A_113 = tpu.memref_slice %arg6[%dma_start3A_108, %dma_start3A_112] : memref<125x40xi32, #tpu.memory_space<vmem>> -> memref<1x40xi32, #tpu.memory_space<vmem>>
    %dma_start3A_114 = tpu.memref_squeeze %dma_start3A_113 : memref<1x40xi32, #tpu.memory_space<vmem>> -> memref<40xi32, #tpu.memory_space<vmem>>
    %dma_start3A_115 = arith.constant 0 : i32
    %dma_start3A_116 = arith.constant 0 : i32
    %dma_start3A_117 = tpu.memref_slice %arg9[%dma_start3A_115, %dma_start3A_116] : memref<10000x16xf32, #tpu.memory_space<vmem_shared>> -> memref<10000x16xf32, #tpu.memory_space<vmem_shared>>
    tpu.enqueue_indirect_dma source(%dma_start3A_111 : memref<40x16xf32, #tpu.memory_space<vmem>>) target(%dma_start3A_117 : memref<10000x16xf32, #tpu.memory_space<vmem_shared>>) offsets(%dma_start3A_114 : memref<40xi32, #tpu.memory_space<vmem>>) semaphore(%arg11 : memref<!tpu.dma_semaphore, #tpu.memory_space<semaphore_mem>>) {add = true}
    %dma_start3A_118 = arith.constant 11 : i32
    %dma_start3A_119 = arith.constant 440 : i32
    %dma_start3A_120 = arith.constant 0 : i32
    %dma_start3A_121 = tpu.memref_slice %arg7[%dma_start3A_119, %dma_start3A_120] : memref<5000x16xf32, #tpu.memory_space<vmem>> -> memref<40x16xf32, #tpu.memory_space<vmem>>
    %dma_start3A_122 = arith.constant 0 : i32
    %dma_start3A_123 = tpu.memref_slice %arg6[%dma_start3A_118, %dma_start3A_122] : memref<125x40xi32, #tpu.memory_space<vmem>> -> memref<1x40xi32, #tpu.memory_space<vmem>>
    %dma_start3A_124 = tpu.memref_squeeze %dma_start3A_123 : memref<1x40xi32, #tpu.memory_space<vmem>> -> memref<40xi32, #tpu.memory_space<vmem>>
    %dma_start3A_125 = arith.constant 0 : i32
    %dma_start3A_126 = arith.constant 0 : i32
    %dma_start3A_127 = tpu.memref_slice %arg9[%dma_start3A_125, %dma_start3A_126] : memref<10000x16xf32, #tpu.memory_space<vmem_shared>> -> memref<10000x16xf32, #tpu.memory_space<vmem_shared>>
    tpu.enqueue_indirect_dma source(%dma_start3A_121 : memref<40x16xf32, #tpu.memory_space<vmem>>) target(%dma_start3A_127 : memref<10000x16xf32, #tpu.memory_space<vmem_shared>>) offsets(%dma_start3A_124 : memref<40xi32, #tpu.memory_space<vmem>>) semaphore(%arg11 : memref<!tpu.dma_semaphore, #tpu.memory_space<semaphore_mem>>) {add = true}
    %dma_start3A_128 = arith.constant 12 : i32
    %dma_start3A_129 = arith.constant 480 : i32
    %dma_start3A_130 = arith.constant 0 : i32
    %dma_start3A_131 = tpu.memref_slice %arg7[%dma_start3A_129, %dma_start3A_130] : memref<5000x16xf32, #tpu.memory_space<vmem>> -> memref<40x16xf32, #tpu.memory_space<vmem>>
    %dma_start3A_132 = arith.constant 0 : i32
    %dma_start3A_133 = tpu.memref_slice %arg6[%dma_start3A_128, %dma_start3A_132] : memref<125x40xi32, #tpu.memory_space<vmem>> -> memref<1x40xi32, #tpu.memory_space<vmem>>
    %dma_start3A_134 = tpu.memref_squeeze %dma_start3A_133 : memref<1x40xi32, #tpu.memory_space<vmem>> -> memref<40xi32, #tpu.memory_space<vmem>>
    %dma_start3A_135 = arith.constant 0 : i32
    %dma_start3A_136 = arith.constant 0 : i32
    %dma_start3A_137 = tpu.memref_slice %arg9[%dma_start3A_135, %dma_start3A_136] : memref<10000x16xf32, #tpu.memory_space<vmem_shared>> -> memref<10000x16xf32, #tpu.memory_space<vmem_shared>>
    tpu.enqueue_indirect_dma source(%dma_start3A_131 : memref<40x16xf32, #tpu.memory_space<vmem>>) target(%dma_start3A_137 : memref<10000x16xf32, #tpu.memory_space<vmem_shared>>) offsets(%dma_start3A_134 : memref<40xi32, #tpu.memory_space<vmem>>) semaphore(%arg11 : memref<!tpu.dma_semaphore, #tpu.memory_space<semaphore_mem>>) {add = true}
    %dma_start3A_138 = arith.constant 13 : i32
    %dma_start3A_139 = arith.constant 520 : i32
    %dma_start3A_140 = arith.constant 0 : i32
    %dma_start3A_141 = tpu.memref_slice %arg7[%dma_start3A_139, %dma_start3A_140] : memref<5000x16xf32, #tpu.memory_space<vmem>> -> memref<40x16xf32, #tpu.memory_space<vmem>>
    %dma_start3A_142 = arith.constant 0 : i32
    %dma_start3A_143 = tpu.memref_slice %arg6[%dma_start3A_138, %dma_start3A_142] : memref<125x40xi32, #tpu.memory_space<vmem>> -> memref<1x40xi32, #tpu.memory_space<vmem>>
    %dma_start3A_144 = tpu.memref_squeeze %dma_start3A_143 : memref<1x40xi32, #tpu.memory_space<vmem>> -> memref<40xi32, #tpu.memory_space<vmem>>
    %dma_start3A_145 = arith.constant 0 : i32
    %dma_start3A_146 = arith.constant 0 : i32
    %dma_start3A_147 = tpu.memref_slice %arg9[%dma_start3A_145, %dma_start3A_146] : memref<10000x16xf32, #tpu.memory_space<vmem_shared>> -> memref<10000x16xf32, #tpu.memory_space<vmem_shared>>
    tpu.enqueue_indirect_dma source(%dma_start3A_141 : memref<40x16xf32, #tpu.memory_space<vmem>>) target(%dma_start3A_147 : memref<10000x16xf32, #tpu.memory_space<vmem_shared>>) offsets(%dma_start3A_144 : memref<40xi32, #tpu.memory_space<vmem>>) semaphore(%arg11 : memref<!tpu.dma_semaphore, #tpu.memory_space<semaphore_mem>>) {add = true}
    %dma_start3A_148 = arith.constant 14 : i32
    %dma_start3A_149 = arith.constant 560 : i32
    %dma_start3A_150 = arith.constant 0 : i32
    %dma_start3A_151 = tpu.memref_slice %arg7[%dma_start3A_149, %dma_start3A_150] : memref<5000x16xf32, #tpu.memory_space<vmem>> -> memref<40x16xf32, #tpu.memory_space<vmem>>
    %dma_start3A_152 = arith.constant 0 : i32
    %dma_start3A_153 = tpu.memref_slice %arg6[%dma_start3A_148, %dma_start3A_152] : memref<125x40xi32, #tpu.memory_space<vmem>> -> memref<1x40xi32, #tpu.memory_space<vmem>>
    %dma_start3A_154 = tpu.memref_squeeze %dma_start3A_153 : memref<1x40xi32, #tpu.memory_space<vmem>> -> memref<40xi32, #tpu.memory_space<vmem>>
    %dma_start3A_155 = arith.constant 0 : i32
    %dma_start3A_156 = arith.constant 0 : i32
    %dma_start3A_157 = tpu.memref_slice %arg9[%dma_start3A_155, %dma_start3A_156] : memref<10000x16xf32, #tpu.memory_space<vmem_shared>> -> memref<10000x16xf32, #tpu.memory_space<vmem_shared>>
    tpu.enqueue_indirect_dma source(%dma_start3A_151 : memref<40x16xf32, #tpu.memory_space<vmem>>) target(%dma_start3A_157 : memref<10000x16xf32, #tpu.memory_space<vmem_shared>>) offsets(%dma_start3A_154 : memref<40xi32, #tpu.memory_space<vmem>>) semaphore(%arg11 : memref<!tpu.dma_semaphore, #tpu.memory_space<semaphore_mem>>) {add = true}
    %dma_start3A_158 = arith.constant 15 : i32
    %dma_start3A_159 = arith.constant 600 : i32
    %dma_start3A_160 = arith.constant 0 : i32
    %dma_start3A_161 = tpu.memref_slice %arg7[%dma_start3A_159, %dma_start3A_160] : memref<5000x16xf32, #tpu.memory_space<vmem>> -> memref<40x16xf32, #tpu.memory_space<vmem>>
    %dma_start3A_162 = arith.constant 0 : i32
    %dma_start3A_163 = tpu.memref_slice %arg6[%dma_start3A_158, %dma_start3A_162] : memref<125x40xi32, #tpu.memory_space<vmem>> -> memref<1x40xi32, #tpu.memory_space<vmem>>
    %dma_start3A_164 = tpu.memref_squeeze %dma_start3A_163 : memref<1x40xi32, #tpu.memory_space<vmem>> -> memref<40xi32, #tpu.memory_space<vmem>>
    %dma_start3A_165 = arith.constant 0 : i32
    %dma_start3A_166 = arith.constant 0 : i32
    %dma_start3A_167 = tpu.memref_slice %arg9[%dma_start3A_165, %dma_start3A_166] : memref<10000x16xf32, #tpu.memory_space<vmem_shared>> -> memref<10000x16xf32, #tpu.memory_space<vmem_shared>>
    tpu.enqueue_indirect_dma source(%dma_start3A_161 : memref<40x16xf32, #tpu.memory_space<vmem>>) target(%dma_start3A_167 : memref<10000x16xf32, #tpu.memory_space<vmem_shared>>) offsets(%dma_start3A_164 : memref<40xi32, #tpu.memory_space<vmem>>) semaphore(%arg11 : memref<!tpu.dma_semaphore, #tpu.memory_space<semaphore_mem>>) {add = true}
    %dma_start3A_168 = arith.constant 16 : i32
    %dma_start3A_169 = arith.constant 640 : i32
    %dma_start3A_170 = arith.constant 0 : i32
    %dma_start3A_171 = tpu.memref_slice %arg7[%dma_start3A_169, %dma_start3A_170] : memref<5000x16xf32, #tpu.memory_space<vmem>> -> memref<40x16xf32, #tpu.memory_space<vmem>>
    %dma_start3A_172 = arith.constant 0 : i32
    %dma_start3A_173 = tpu.memref_slice %arg6[%dma_start3A_168, %dma_start3A_172] : memref<125x40xi32, #tpu.memory_space<vmem>> -> memref<1x40xi32, #tpu.memory_space<vmem>>
    %dma_start3A_174 = tpu.memref_squeeze %dma_start3A_173 : memref<1x40xi32, #tpu.memory_space<vmem>> -> memref<40xi32, #tpu.memory_space<vmem>>
    %dma_start3A_175 = arith.constant 0 : i32
    %dma_start3A_176 = arith.constant 0 : i32
    %dma_start3A_177 = tpu.memref_slice %arg9[%dma_start3A_175, %dma_start3A_176] : memref<10000x16xf32, #tpu.memory_space<vmem_shared>> -> memref<10000x16xf32, #tpu.memory_space<vmem_shared>>
    tpu.enqueue_indirect_dma source(%dma_start3A_171 : memref<40x16xf32, #tpu.memory_space<vmem>>) target(%dma_start3A_177 : memref<10000x16xf32, #tpu.memory_space<vmem_shared>>) offsets(%dma_start3A_174 : memref<40xi32, #tpu.memory_space<vmem>>) semaphore(%arg11 : memref<!tpu.dma_semaphore, #tpu.memory_space<semaphore_mem>>) {add = true}
    %dma_start3A_178 = arith.constant 17 : i32
    %dma_start3A_179 = arith.constant 680 : i32
    %dma_start3A_180 = arith.constant 0 : i32
    %dma_start3A_181 = tpu.memref_slice %arg7[%dma_start3A_179, %dma_start3A_180] : memref<5000x16xf32, #tpu.memory_space<vmem>> -> memref<40x16xf32, #tpu.memory_space<vmem>>
    %dma_start3A_182 = arith.constant 0 : i32
    %dma_start3A_183 = tpu.memref_slice %arg6[%dma_start3A_178, %dma_start3A_182] : memref<125x40xi32, #tpu.memory_space<vmem>> -> memref<1x40xi32, #tpu.memory_space<vmem>>
    %dma_start3A_184 = tpu.memref_squeeze %dma_start3A_183 : memref<1x40xi32, #tpu.memory_space<vmem>> -> memref<40xi32, #tpu.memory_space<vmem>>
    %dma_start3A_185 = arith.constant 0 : i32
    %dma_start3A_186 = arith.constant 0 : i32
    %dma_start3A_187 = tpu.memref_slice %arg9[%dma_start3A_185, %dma_start3A_186] : memref<10000x16xf32, #tpu.memory_space<vmem_shared>> -> memref<10000x16xf32, #tpu.memory_space<vmem_shared>>
    tpu.enqueue_indirect_dma source(%dma_start3A_181 : memref<40x16xf32, #tpu.memory_space<vmem>>) target(%dma_start3A_187 : memref<10000x16xf32, #tpu.memory_space<vmem_shared>>) offsets(%dma_start3A_184 : memref<40xi32, #tpu.memory_space<vmem>>) semaphore(%arg11 : memref<!tpu.dma_semaphore, #tpu.memory_space<semaphore_mem>>) {add = true}
    %dma_start3A_188 = arith.constant 18 : i32
    %dma_start3A_189 = arith.constant 720 : i32
    %dma_start3A_190 = arith.constant 0 : i32
    %dma_start3A_191 = tpu.memref_slice %arg7[%dma_start3A_189, %dma_start3A_190] : memref<5000x16xf32, #tpu.memory_space<vmem>> -> memref<40x16xf32, #tpu.memory_space<vmem>>
    %dma_start3A_192 = arith.constant 0 : i32
    %dma_start3A_193 = tpu.memref_slice %arg6[%dma_start3A_188, %dma_start3A_192] : memref<125x40xi32, #tpu.memory_space<vmem>> -> memref<1x40xi32, #tpu.memory_space<vmem>>
    %dma_start3A_194 = tpu.memref_squeeze %dma_start3A_193 : memref<1x40xi32, #tpu.memory_space<vmem>> -> memref<40xi32, #tpu.memory_space<vmem>>
    %dma_start3A_195 = arith.constant 0 : i32
    %dma_start3A_196 = arith.constant 0 : i32
    %dma_start3A_197 = tpu.memref_slice %arg9[%dma_start3A_195, %dma_start3A_196] : memref<10000x16xf32, #tpu.memory_space<vmem_shared>> -> memref<10000x16xf32, #tpu.memory_space<vmem_shared>>
    tpu.enqueue_indirect_dma source(%dma_start3A_191 : memref<40x16xf32, #tpu.memory_space<vmem>>) target(%dma_start3A_197 : memref<10000x16xf32, #tpu.memory_space<vmem_shared>>) offsets(%dma_start3A_194 : memref<40xi32, #tpu.memory_space<vmem>>) semaphore(%arg11 : memref<!tpu.dma_semaphore, #tpu.memory_space<semaphore_mem>>) {add = true}
    %dma_start3A_198 = arith.constant 19 : i32
    %dma_start3A_199 = arith.constant 760 : i32
    %dma_start3A_200 = arith.constant 0 : i32
    %dma_start3A_201 = tpu.memref_slice %arg7[%dma_start3A_199, %dma_start3A_200] : memref<5000x16xf32, #tpu.memory_space<vmem>> -> memref<40x16xf32, #tpu.memory_space<vmem>>
    %dma_start3A_202 = arith.constant 0 : i32
    %dma_start3A_203 = tpu.memref_slice %arg6[%dma_start3A_198, %dma_start3A_202] : memref<125x40xi32, #tpu.memory_space<vmem>> -> memref<1x40xi32, #tpu.memory_space<vmem>>
    %dma_start3A_204 = tpu.memref_squeeze %dma_start3A_203 : memref<1x40xi32, #tpu.memory_space<vmem>> -> memref<40xi32, #tpu.memory_space<vmem>>
    %dma_start3A_205 = arith.constant 0 : i32
    %dma_start3A_206 = arith.constant 0 : i32
    %dma_start3A_207 = tpu.memref_slice %arg9[%dma_start3A_205, %dma_start3A_206] : memref<10000x16xf32, #tpu.memory_space<vmem_shared>> -> memref<10000x16xf32, #tpu.memory_space<vmem_shared>>
    tpu.enqueue_indirect_dma source(%dma_start3A_201 : memref<40x16xf32, #tpu.memory_space<vmem>>) target(%dma_start3A_207 : memref<10000x16xf32, #tpu.memory_space<vmem_shared>>) offsets(%dma_start3A_204 : memref<40xi32, #tpu.memory_space<vmem>>) semaphore(%arg11 : memref<!tpu.dma_semaphore, #tpu.memory_space<semaphore_mem>>) {add = true}
    %scan3A = arith.constant 0 : i32
    %scan3A_208 = arith.constant 0 : i32
    %scan3A_209 = arith.constant 125 : i32
    %scan3A_210 = arith.addi %scan3A_208, %scan3A_209 : i32
    %scan3A_211 = arith.constant 1 : i32
    scf.for %scan3A_218 = %scan3A_208 to %scan3A_210 step %scan3A_211  : i32 {
      %add3A_219 = arith.constant 20 : i32
      %add3A_220 = arith.addi %scan3A_218, %add3A_219 : i32
      %lt3A = arith.constant 125 : i32
      %lt3A_221 = arith.cmpi slt, %add3A_220, %lt3A : i32
      %convert_element_type3A = arith.extui %lt3A_221 : i1 to i32
      %cond3A = arith.constant 0 : i32
      %cond3A_222 = arith.cmpi ne, %convert_element_type3A, %cond3A : i32
      scf.if %cond3A_222 {
        %mul3A_232 = arith.constant 40 : i32
        %mul3A_233 = arith.muli %add3A_220, %mul3A_232 : i32
        %dma_start3A_234 = arith.constant 0 : i32
        %dma_start3A_235 = tpu.memref_slice %arg7[%mul3A_233, %dma_start3A_234] : memref<5000x16xf32, #tpu.memory_space<vmem>> -> memref<40x16xf32, #tpu.memory_space<vmem>>
        %dma_start3A_236 = arith.constant 0 : i32
        %dma_start3A_237 = tpu.memref_slice %arg6[%add3A_220, %dma_start3A_236] : memref<125x40xi32, #tpu.memory_space<vmem>> -> memref<1x40xi32, #tpu.memory_space<vmem>>
        %dma_start3A_238 = tpu.memref_squeeze %dma_start3A_237 : memref<1x40xi32, #tpu.memory_space<vmem>> -> memref<40xi32, #tpu.memory_space<vmem>>
        %dma_start3A_239 = arith.constant 0 : i32
        %dma_start3A_240 = arith.constant 0 : i32
        %dma_start3A_241 = tpu.memref_slice %arg9[%dma_start3A_239, %dma_start3A_240] : memref<10000x16xf32, #tpu.memory_space<vmem_shared>> -> memref<10000x16xf32, #tpu.memory_space<vmem_shared>>
        tpu.enqueue_indirect_dma source(%dma_start3A_235 : memref<40x16xf32, #tpu.memory_space<vmem>>) target(%dma_start3A_241 : memref<10000x16xf32, #tpu.memory_space<vmem_shared>>) offsets(%dma_start3A_238 : memref<40xi32, #tpu.memory_space<vmem>>) semaphore(%arg11 : memref<!tpu.dma_semaphore, #tpu.memory_space<semaphore_mem>>) {add = true}
      } else {
      }
      %mul3A_223 = arith.constant 40 : i32
      %mul3A_224 = arith.muli %scan3A_218, %mul3A_223 : i32
      %dma_wait3A = arith.constant 0 : i32
      %dma_wait3A_225 = tpu.memref_slice %arg7[%mul3A_224, %dma_wait3A] : memref<5000x16xf32, #tpu.memory_space<vmem>> -> memref<40x16xf32, #tpu.memory_space<vmem>>
      %dma_wait3A_226 = arith.constant 0 : i32
      %dma_wait3A_227 = tpu.memref_slice %arg6[%scan3A_218, %dma_wait3A_226] : memref<125x40xi32, #tpu.memory_space<vmem>> -> memref<1x40xi32, #tpu.memory_space<vmem>>
      %dma_wait3A_228 = tpu.memref_squeeze %dma_wait3A_227 : memref<1x40xi32, #tpu.memory_space<vmem>> -> memref<40xi32, #tpu.memory_space<vmem>>
      %dma_wait3A_229 = arith.constant 0 : i32
      %dma_wait3A_230 = arith.constant 0 : i32
      %dma_wait3A_231 = tpu.memref_slice %arg9[%dma_wait3A_229, %dma_wait3A_230] : memref<10000x16xf32, #tpu.memory_space<vmem_shared>> -> memref<10000x16xf32, #tpu.memory_space<vmem_shared>>
      tpu.wait_indirect_dma semaphore(%arg11 : memref<!tpu.dma_semaphore, #tpu.memory_space<semaphore_mem>>) src(%dma_wait3A_225 : memref<40x16xf32, #tpu.memory_space<vmem>>) dst(%dma_wait3A_231 : memref<10000x16xf32, #tpu.memory_space<vmem_shared>>)
    }
    %scan3A_212 = arith.constant 125 : i32
    %barrier3A_213 = arith.constant 0 : index
    tpu.barrier barrier_id(%barrier3A_213)
    %mul3A_214 = arith.constant 625 : i32
    %mul3A_215 = arith.muli %arg1, %mul3A_214 : i32
    %mul3A_216 = arith.constant 625 : i32
    %mul3A_217 = arith.muli %arg1, %mul3A_216 : i32
    "tpu.region"() ({
      %run_scoped3A = tpu.sem_alloc : memref<!tpu.dma_semaphore, #tpu.memory_space<semaphore_mem>>
      %dma_start3A_218 = arith.constant 0 : i32
      %dma_start3A_219 = tpu.memref_slice %arg5[%arg0, %mul3A_217, %dma_start3A_218] : memref<2x10000x16xf32, #tpu.memory_space<hbm>> -> memref<1x625x16xf32, #tpu.memory_space<hbm>>
      %dma_start3A_220 = tpu.memref_squeeze %dma_start3A_219 : memref<1x625x16xf32, #tpu.memory_space<hbm>> -> memref<625x16xf32, #tpu.memory_space<hbm>>
      %dma_start3A_221 = arith.constant 0 : i32
      %dma_start3A_222 = tpu.memref_slice %arg9[%mul3A_215, %dma_start3A_221] : memref<10000x16xf32, #tpu.memory_space<vmem_shared>> -> memref<625x16xf32, #tpu.memory_space<vmem_shared>>
      tpu.enqueue_dma source(%dma_start3A_222 : memref<625x16xf32, #tpu.memory_space<vmem_shared>>) target(%dma_start3A_220 : memref<625x16xf32, #tpu.memory_space<hbm>>) target_semaphore(%run_scoped3A : memref<!tpu.dma_semaphore, #tpu.memory_space<semaphore_mem>>)
      %dma_wait3A = arith.constant 0 : i32
      %dma_wait3A_223 = tpu.memref_slice %arg5[%arg0, %mul3A_217, %dma_wait3A] : memref<2x10000x16xf32, #tpu.memory_space<hbm>> -> memref<1x625x16xf32, #tpu.memory_space<hbm>>
      %dma_wait3A_224 = tpu.memref_squeeze %dma_wait3A_223 : memref<1x625x16xf32, #tpu.memory_space<hbm>> -> memref<625x16xf32, #tpu.memory_space<hbm>>
      %dma_wait3A_225 = arith.constant 0 : i32
      %dma_wait3A_226 = tpu.memref_slice %arg9[%mul3A_215, %dma_wait3A_225] : memref<10000x16xf32, #tpu.memory_space<vmem_shared>> -> memref<625x16xf32, #tpu.memory_space<vmem_shared>>
      tpu.wait_dma2 semaphore(%run_scoped3A : memref<!tpu.dma_semaphore, #tpu.memory_space<semaphore_mem>>) src(%dma_wait3A_226 : memref<625x16xf32, #tpu.memory_space<vmem_shared>>) dst(%dma_wait3A_224 : memref<625x16xf32, #tpu.memory_space<hbm>>)
      tpu.yield
    }) : () -> ()
    return
  }
}

#map = affine_map<(d0, d1) -> (0, 0)>
#map1 = affine_map<(d0, d1) -> (0, 0, 0)>
module attributes {stable_mosaic.version = 14 : i64} {
  func.func @body(%arg0: i32, %arg1: i32, %arg2: memref<160000x16xf32, #tpu.memory_space<hbm>>, %arg3: memref<4000x40xi32, #tpu.memory_space<hbm>>, %arg4: memref<10000x16xf32, #tpu.memory_space<hbm>>, %arg5: memref<2x10000x16xf32, #tpu.memory_space<hbm>>, %arg6: memref<2x10000x16xf32, #tpu.memory_space<hbm>>, %arg7: memref<125x40xi32, #tpu.memory_space<vmem>>, %arg8: memref<5000x16xf32, #tpu.memory_space<vmem>>, %arg9: memref<40x16xf32, #tpu.memory_space<vmem>>, %arg10: memref<10000x16xf32, #tpu.memory_space<vmem_shared>>, %arg11: memref<10000x16xf32, #tpu.memory_space<vmem_shared>>, %arg12: memref<!tpu.dma_semaphore, #tpu.memory_space<semaphore_mem>>) attributes {dimension_semantics = [#tpu.dimension_semantics<core_parallel>, #tpu.dimension_semantics<subcore_parallel>], iteration_bounds = array<i64: 2, 16>, scalar_prefetch = 0 : i64, scratch_operands = 6 : i64, tpu.core_type = #tpu.core_type<sc_vector_subcore>, window_params = [{transform_indices = #map}, {transform_indices = #map}, {transform_indices = #map}, {transform_indices = #map1}, {transform_indices = #map1}]} {
    %mul3A = arith.constant 2 : i32
    %mul3A_0 = arith.muli %arg1, %mul3A : i32
    %add3A = arith.addi %mul3A_0, %arg0 : i32
    %mul3A_1 = arith.constant 625 : i32
    %mul3A_2 = arith.muli %arg1, %mul3A_1 : i32
    %mul3A_3 = arith.constant 625 : i32
    %mul3A_4 = arith.muli %arg1, %mul3A_3 : i32
    "tpu.region"() ({
      %run_scoped3A = tpu.sem_alloc : memref<!tpu.dma_semaphore, #tpu.memory_space<semaphore_mem>>
      %dma_start3A_684 = arith.constant 0 : i32
      %dma_start3A_685 = tpu.memref_slice %arg10[%mul3A_4, %dma_start3A_684] : memref<10000x16xf32, #tpu.memory_space<vmem_shared>> -> memref<625x16xf32, #tpu.memory_space<vmem_shared>>
      %dma_start3A_686 = arith.constant 0 : i32
      %dma_start3A_687 = tpu.memref_slice %arg4[%mul3A_2, %dma_start3A_686] : memref<10000x16xf32, #tpu.memory_space<hbm>> -> memref<625x16xf32, #tpu.memory_space<hbm>>
      tpu.enqueue_dma source(%dma_start3A_687 : memref<625x16xf32, #tpu.memory_space<hbm>>) target(%dma_start3A_685 : memref<625x16xf32, #tpu.memory_space<vmem_shared>>) target_semaphore(%run_scoped3A : memref<!tpu.dma_semaphore, #tpu.memory_space<semaphore_mem>>)
      %dma_wait3A = arith.constant 0 : i32
      %dma_wait3A_688 = tpu.memref_slice %arg10[%mul3A_4, %dma_wait3A] : memref<10000x16xf32, #tpu.memory_space<vmem_shared>> -> memref<625x16xf32, #tpu.memory_space<vmem_shared>>
      %dma_wait3A_689 = arith.constant 0 : i32
      %dma_wait3A_690 = tpu.memref_slice %arg4[%mul3A_2, %dma_wait3A_689] : memref<10000x16xf32, #tpu.memory_space<hbm>> -> memref<625x16xf32, #tpu.memory_space<hbm>>
      tpu.wait_dma2 semaphore(%run_scoped3A : memref<!tpu.dma_semaphore, #tpu.memory_space<semaphore_mem>>) src(%dma_wait3A_690 : memref<625x16xf32, #tpu.memory_space<hbm>>) dst(%dma_wait3A_688 : memref<625x16xf32, #tpu.memory_space<vmem_shared>>)
      tpu.yield
    }) : () -> ()
    %mul3A_5 = arith.constant 625 : i32
    %mul3A_6 = arith.muli %arg1, %mul3A_5 : i32
    %mul3A_7 = arith.constant 625 : i32
    %mul3A_8 = arith.muli %arg1, %mul3A_7 : i32
    "tpu.region"() ({
      %run_scoped3A = tpu.sem_alloc : memref<!tpu.dma_semaphore, #tpu.memory_space<semaphore_mem>>
      %dma_start3A_684 = arith.constant 0 : i32
      %dma_start3A_685 = tpu.memref_slice %arg11[%mul3A_8, %dma_start3A_684] : memref<10000x16xf32, #tpu.memory_space<vmem_shared>> -> memref<625x16xf32, #tpu.memory_space<vmem_shared>>
      %dma_start3A_686 = arith.constant 0 : i32
      %dma_start3A_687 = tpu.memref_slice %arg4[%mul3A_6, %dma_start3A_686] : memref<10000x16xf32, #tpu.memory_space<hbm>> -> memref<625x16xf32, #tpu.memory_space<hbm>>
      tpu.enqueue_dma source(%dma_start3A_687 : memref<625x16xf32, #tpu.memory_space<hbm>>) target(%dma_start3A_685 : memref<625x16xf32, #tpu.memory_space<vmem_shared>>) target_semaphore(%run_scoped3A : memref<!tpu.dma_semaphore, #tpu.memory_space<semaphore_mem>>)
      %dma_wait3A = arith.constant 0 : i32
      %dma_wait3A_688 = tpu.memref_slice %arg11[%mul3A_8, %dma_wait3A] : memref<10000x16xf32, #tpu.memory_space<vmem_shared>> -> memref<625x16xf32, #tpu.memory_space<vmem_shared>>
      %dma_wait3A_689 = arith.constant 0 : i32
      %dma_wait3A_690 = tpu.memref_slice %arg4[%mul3A_6, %dma_wait3A_689] : memref<10000x16xf32, #tpu.memory_space<hbm>> -> memref<625x16xf32, #tpu.memory_space<hbm>>
      tpu.wait_dma2 semaphore(%run_scoped3A : memref<!tpu.dma_semaphore, #tpu.memory_space<semaphore_mem>>) src(%dma_wait3A_690 : memref<625x16xf32, #tpu.memory_space<hbm>>) dst(%dma_wait3A_688 : memref<625x16xf32, #tpu.memory_space<vmem_shared>>)
      tpu.yield
    }) : () -> ()
    %broadcast_in_dim3A = arith.constant 1.000000e+00 : f32
    %broadcast_in_dim3A_9 = vector.broadcast %broadcast_in_dim3A : f32 to vector<16xf32>
    %swap3A = arith.constant 0 : i32
    %swap3A_10 = arith.index_cast %swap3A : i32 to index
    %swap3A_11 = arith.constant 0 : index
    %swap3A_12 = tpu.vector_load %arg9[%swap3A_10, %swap3A_11] {strides = array<i32>} : memref<40x16xf32, #tpu.memory_space<vmem>>, vector<1x16xf32>,
    %swap3A_13 = vector.shape_cast %swap3A_12 : vector<1x16xf32> to vector<16xf32>
    %swap3A_14 = vector.shape_cast %broadcast_in_dim3A_9 : vector<16xf32> to vector<1x16xf32>
    tpu.vector_store %arg9[%swap3A_10, %swap3A_11], %swap3A_14 {strides = array<i32>} : memref<40x16xf32, #tpu.memory_space<vmem>>, vector<1x16xf32>,
    %broadcast_in_dim3A_15 = arith.constant 1.000000e+00 : f32
    %broadcast_in_dim3A_16 = vector.broadcast %broadcast_in_dim3A_15 : f32 to vector<16xf32>
    %swap3A_17 = arith.constant 1 : i32
    %swap3A_18 = arith.index_cast %swap3A_17 : i32 to index
    %swap3A_19 = arith.constant 0 : index
    %swap3A_20 = tpu.vector_load %arg9[%swap3A_18, %swap3A_19] {strides = array<i32>} : memref<40x16xf32, #tpu.memory_space<vmem>>, vector<1x16xf32>,
    %swap3A_21 = vector.shape_cast %swap3A_20 : vector<1x16xf32> to vector<16xf32>
    %swap3A_22 = vector.shape_cast %broadcast_in_dim3A_16 : vector<16xf32> to vector<1x16xf32>
    tpu.vector_store %arg9[%swap3A_18, %swap3A_19], %swap3A_22 {strides = array<i32>} : memref<40x16xf32, #tpu.memory_space<vmem>>, vector<1x16xf32>,
    %broadcast_in_dim3A_23 = arith.constant 1.000000e+00 : f32
    %broadcast_in_dim3A_24 = vector.broadcast %broadcast_in_dim3A_23 : f32 to vector<16xf32>
    %swap3A_25 = arith.constant 2 : i32
    %swap3A_26 = arith.index_cast %swap3A_25 : i32 to index
    %swap3A_27 = arith.constant 0 : index
    %swap3A_28 = tpu.vector_load %arg9[%swap3A_26, %swap3A_27] {strides = array<i32>} : memref<40x16xf32, #tpu.memory_space<vmem>>, vector<1x16xf32>,
    %swap3A_29 = vector.shape_cast %swap3A_28 : vector<1x16xf32> to vector<16xf32>
    %swap3A_30 = vector.shape_cast %broadcast_in_dim3A_24 : vector<16xf32> to vector<1x16xf32>
    tpu.vector_store %arg9[%swap3A_26, %swap3A_27], %swap3A_30 {strides = array<i32>} : memref<40x16xf32, #tpu.memory_space<vmem>>, vector<1x16xf32>,
    %broadcast_in_dim3A_31 = arith.constant 1.000000e+00 : f32
    %broadcast_in_dim3A_32 = vector.broadcast %broadcast_in_dim3A_31 : f32 to vector<16xf32>
    %swap3A_33 = arith.constant 3 : i32
    %swap3A_34 = arith.index_cast %swap3A_33 : i32 to index
    %swap3A_35 = arith.constant 0 : index
    %swap3A_36 = tpu.vector_load %arg9[%swap3A_34, %swap3A_35] {strides = array<i32>} : memref<40x16xf32, #tpu.memory_space<vmem>>, vector<1x16xf32>,
    %swap3A_37 = vector.shape_cast %swap3A_36 : vector<1x16xf32> to vector<16xf32>
    %swap3A_38 = vector.shape_cast %broadcast_in_dim3A_32 : vector<16xf32> to vector<1x16xf32>
    tpu.vector_store %arg9[%swap3A_34, %swap3A_35], %swap3A_38 {strides = array<i32>} : memref<40x16xf32, #tpu.memory_space<vmem>>, vector<1x16xf32>,
    %broadcast_in_dim3A_39 = arith.constant 1.000000e+00 : f32
    %broadcast_in_dim3A_40 = vector.broadcast %broadcast_in_dim3A_39 : f32 to vector<16xf32>
    %swap3A_41 = arith.constant 4 : i32
    %swap3A_42 = arith.index_cast %swap3A_41 : i32 to index
    %swap3A_43 = arith.constant 0 : index
    %swap3A_44 = tpu.vector_load %arg9[%swap3A_42, %swap3A_43] {strides = array<i32>} : memref<40x16xf32, #tpu.memory_space<vmem>>, vector<1x16xf32>,
    %swap3A_45 = vector.shape_cast %swap3A_44 : vector<1x16xf32> to vector<16xf32>
    %swap3A_46 = vector.shape_cast %broadcast_in_dim3A_40 : vector<16xf32> to vector<1x16xf32>
    tpu.vector_store %arg9[%swap3A_42, %swap3A_43], %swap3A_46 {strides = array<i32>} : memref<40x16xf32, #tpu.memory_space<vmem>>, vector<1x16xf32>,
    %broadcast_in_dim3A_47 = arith.constant 1.000000e+00 : f32
    %broadcast_in_dim3A_48 = vector.broadcast %broadcast_in_dim3A_47 : f32 to vector<16xf32>
    %swap3A_49 = arith.constant 5 : i32
    %swap3A_50 = arith.index_cast %swap3A_49 : i32 to index
    %swap3A_51 = arith.constant 0 : index
    %swap3A_52 = tpu.vector_load %arg9[%swap3A_50, %swap3A_51] {strides = array<i32>} : memref<40x16xf32, #tpu.memory_space<vmem>>, vector<1x16xf32>,
    %swap3A_53 = vector.shape_cast %swap3A_52 : vector<1x16xf32> to vector<16xf32>
    %swap3A_54 = vector.shape_cast %broadcast_in_dim3A_48 : vector<16xf32> to vector<1x16xf32>
    tpu.vector_store %arg9[%swap3A_50, %swap3A_51], %swap3A_54 {strides = array<i32>} : memref<40x16xf32, #tpu.memory_space<vmem>>, vector<1x16xf32>,
    %broadcast_in_dim3A_55 = arith.constant 1.000000e+00 : f32
    %broadcast_in_dim3A_56 = vector.broadcast %broadcast_in_dim3A_55 : f32 to vector<16xf32>
    %swap3A_57 = arith.constant 6 : i32
    %swap3A_58 = arith.index_cast %swap3A_57 : i32 to index
    %swap3A_59 = arith.constant 0 : index
    %swap3A_60 = tpu.vector_load %arg9[%swap3A_58, %swap3A_59] {strides = array<i32>} : memref<40x16xf32, #tpu.memory_space<vmem>>, vector<1x16xf32>,
    %swap3A_61 = vector.shape_cast %swap3A_60 : vector<1x16xf32> to vector<16xf32>
    %swap3A_62 = vector.shape_cast %broadcast_in_dim3A_56 : vector<16xf32> to vector<1x16xf32>
    tpu.vector_store %arg9[%swap3A_58, %swap3A_59], %swap3A_62 {strides = array<i32>} : memref<40x16xf32, #tpu.memory_space<vmem>>, vector<1x16xf32>,
    %broadcast_in_dim3A_63 = arith.constant 1.000000e+00 : f32
    %broadcast_in_dim3A_64 = vector.broadcast %broadcast_in_dim3A_63 : f32 to vector<16xf32>
    %swap3A_65 = arith.constant 7 : i32
    %swap3A_66 = arith.index_cast %swap3A_65 : i32 to index
    %swap3A_67 = arith.constant 0 : index
    %swap3A_68 = tpu.vector_load %arg9[%swap3A_66, %swap3A_67] {strides = array<i32>} : memref<40x16xf32, #tpu.memory_space<vmem>>, vector<1x16xf32>,
    %swap3A_69 = vector.shape_cast %swap3A_68 : vector<1x16xf32> to vector<16xf32>
    %swap3A_70 = vector.shape_cast %broadcast_in_dim3A_64 : vector<16xf32> to vector<1x16xf32>
    tpu.vector_store %arg9[%swap3A_66, %swap3A_67], %swap3A_70 {strides = array<i32>} : memref<40x16xf32, #tpu.memory_space<vmem>>, vector<1x16xf32>,
    %broadcast_in_dim3A_71 = arith.constant 1.000000e+00 : f32
    %broadcast_in_dim3A_72 = vector.broadcast %broadcast_in_dim3A_71 : f32 to vector<16xf32>
    %swap3A_73 = arith.constant 8 : i32
    %swap3A_74 = arith.index_cast %swap3A_73 : i32 to index
    %swap3A_75 = arith.constant 0 : index
    %swap3A_76 = tpu.vector_load %arg9[%swap3A_74, %swap3A_75] {strides = array<i32>} : memref<40x16xf32, #tpu.memory_space<vmem>>, vector<1x16xf32>,
    %swap3A_77 = vector.shape_cast %swap3A_76 : vector<1x16xf32> to vector<16xf32>
    %swap3A_78 = vector.shape_cast %broadcast_in_dim3A_72 : vector<16xf32> to vector<1x16xf32>
    tpu.vector_store %arg9[%swap3A_74, %swap3A_75], %swap3A_78 {strides = array<i32>} : memref<40x16xf32, #tpu.memory_space<vmem>>, vector<1x16xf32>,
    %broadcast_in_dim3A_79 = arith.constant 1.000000e+00 : f32
    %broadcast_in_dim3A_80 = vector.broadcast %broadcast_in_dim3A_79 : f32 to vector<16xf32>
    %swap3A_81 = arith.constant 9 : i32
    %swap3A_82 = arith.index_cast %swap3A_81 : i32 to index
    %swap3A_83 = arith.constant 0 : index
    %swap3A_84 = tpu.vector_load %arg9[%swap3A_82, %swap3A_83] {strides = array<i32>} : memref<40x16xf32, #tpu.memory_space<vmem>>, vector<1x16xf32>,
    %swap3A_85 = vector.shape_cast %swap3A_84 : vector<1x16xf32> to vector<16xf32>
    %swap3A_86 = vector.shape_cast %broadcast_in_dim3A_80 : vector<16xf32> to vector<1x16xf32>
    tpu.vector_store %arg9[%swap3A_82, %swap3A_83], %swap3A_86 {strides = array<i32>} : memref<40x16xf32, #tpu.memory_space<vmem>>, vector<1x16xf32>,
    %broadcast_in_dim3A_87 = arith.constant 1.000000e+00 : f32
    %broadcast_in_dim3A_88 = vector.broadcast %broadcast_in_dim3A_87 : f32 to vector<16xf32>
    %swap3A_89 = arith.constant 10 : i32
    %swap3A_90 = arith.index_cast %swap3A_89 : i32 to index
    %swap3A_91 = arith.constant 0 : index
    %swap3A_92 = tpu.vector_load %arg9[%swap3A_90, %swap3A_91] {strides = array<i32>} : memref<40x16xf32, #tpu.memory_space<vmem>>, vector<1x16xf32>,
    %swap3A_93 = vector.shape_cast %swap3A_92 : vector<1x16xf32> to vector<16xf32>
    %swap3A_94 = vector.shape_cast %broadcast_in_dim3A_88 : vector<16xf32> to vector<1x16xf32>
    tpu.vector_store %arg9[%swap3A_90, %swap3A_91], %swap3A_94 {strides = array<i32>} : memref<40x16xf32, #tpu.memory_space<vmem>>, vector<1x16xf32>,
    %broadcast_in_dim3A_95 = arith.constant 1.000000e+00 : f32
    %broadcast_in_dim3A_96 = vector.broadcast %broadcast_in_dim3A_95 : f32 to vector<16xf32>
    %swap3A_97 = arith.constant 11 : i32
    %swap3A_98 = arith.index_cast %swap3A_97 : i32 to index
    %swap3A_99 = arith.constant 0 : index
    %swap3A_100 = tpu.vector_load %arg9[%swap3A_98, %swap3A_99] {strides = array<i32>} : memref<40x16xf32, #tpu.memory_space<vmem>>, vector<1x16xf32>,
    %swap3A_101 = vector.shape_cast %swap3A_100 : vector<1x16xf32> to vector<16xf32>
    %swap3A_102 = vector.shape_cast %broadcast_in_dim3A_96 : vector<16xf32> to vector<1x16xf32>
    tpu.vector_store %arg9[%swap3A_98, %swap3A_99], %swap3A_102 {strides = array<i32>} : memref<40x16xf32, #tpu.memory_space<vmem>>, vector<1x16xf32>,
    %broadcast_in_dim3A_103 = arith.constant 1.000000e+00 : f32
    %broadcast_in_dim3A_104 = vector.broadcast %broadcast_in_dim3A_103 : f32 to vector<16xf32>
    %swap3A_105 = arith.constant 12 : i32
    %swap3A_106 = arith.index_cast %swap3A_105 : i32 to index
    %swap3A_107 = arith.constant 0 : index
    %swap3A_108 = tpu.vector_load %arg9[%swap3A_106, %swap3A_107] {strides = array<i32>} : memref<40x16xf32, #tpu.memory_space<vmem>>, vector<1x16xf32>,
    %swap3A_109 = vector.shape_cast %swap3A_108 : vector<1x16xf32> to vector<16xf32>
    %swap3A_110 = vector.shape_cast %broadcast_in_dim3A_104 : vector<16xf32> to vector<1x16xf32>
    tpu.vector_store %arg9[%swap3A_106, %swap3A_107], %swap3A_110 {strides = array<i32>} : memref<40x16xf32, #tpu.memory_space<vmem>>, vector<1x16xf32>,
    %broadcast_in_dim3A_111 = arith.constant 1.000000e+00 : f32
    %broadcast_in_dim3A_112 = vector.broadcast %broadcast_in_dim3A_111 : f32 to vector<16xf32>
    %swap3A_113 = arith.constant 13 : i32
    %swap3A_114 = arith.index_cast %swap3A_113 : i32 to index
    %swap3A_115 = arith.constant 0 : index
    %swap3A_116 = tpu.vector_load %arg9[%swap3A_114, %swap3A_115] {strides = array<i32>} : memref<40x16xf32, #tpu.memory_space<vmem>>, vector<1x16xf32>,
    %swap3A_117 = vector.shape_cast %swap3A_116 : vector<1x16xf32> to vector<16xf32>
    %swap3A_118 = vector.shape_cast %broadcast_in_dim3A_112 : vector<16xf32> to vector<1x16xf32>
    tpu.vector_store %arg9[%swap3A_114, %swap3A_115], %swap3A_118 {strides = array<i32>} : memref<40x16xf32, #tpu.memory_space<vmem>>, vector<1x16xf32>,
    %broadcast_in_dim3A_119 = arith.constant 1.000000e+00 : f32
    %broadcast_in_dim3A_120 = vector.broadcast %broadcast_in_dim3A_119 : f32 to vector<16xf32>
    %swap3A_121 = arith.constant 14 : i32
    %swap3A_122 = arith.index_cast %swap3A_121 : i32 to index
    %swap3A_123 = arith.constant 0 : index
    %swap3A_124 = tpu.vector_load %arg9[%swap3A_122, %swap3A_123] {strides = array<i32>} : memref<40x16xf32, #tpu.memory_space<vmem>>, vector<1x16xf32>,
    %swap3A_125 = vector.shape_cast %swap3A_124 : vector<1x16xf32> to vector<16xf32>
    %swap3A_126 = vector.shape_cast %broadcast_in_dim3A_120 : vector<16xf32> to vector<1x16xf32>
    tpu.vector_store %arg9[%swap3A_122, %swap3A_123], %swap3A_126 {strides = array<i32>} : memref<40x16xf32, #tpu.memory_space<vmem>>, vector<1x16xf32>,
    %broadcast_in_dim3A_127 = arith.constant 1.000000e+00 : f32
    %broadcast_in_dim3A_128 = vector.broadcast %broadcast_in_dim3A_127 : f32 to vector<16xf32>
    %swap3A_129 = arith.constant 15 : i32
    %swap3A_130 = arith.index_cast %swap3A_129 : i32 to index
    %swap3A_131 = arith.constant 0 : index
    %swap3A_132 = tpu.vector_load %arg9[%swap3A_130, %swap3A_131] {strides = array<i32>} : memref<40x16xf32, #tpu.memory_space<vmem>>, vector<1x16xf32>,
    %swap3A_133 = vector.shape_cast %swap3A_132 : vector<1x16xf32> to vector<16xf32>
    %swap3A_134 = vector.shape_cast %broadcast_in_dim3A_128 : vector<16xf32> to vector<1x16xf32>
    tpu.vector_store %arg9[%swap3A_130, %swap3A_131], %swap3A_134 {strides = array<i32>} : memref<40x16xf32, #tpu.memory_space<vmem>>, vector<1x16xf32>,
    %broadcast_in_dim3A_135 = arith.constant 1.000000e+00 : f32
    %broadcast_in_dim3A_136 = vector.broadcast %broadcast_in_dim3A_135 : f32 to vector<16xf32>
    %swap3A_137 = arith.constant 16 : i32
    %swap3A_138 = arith.index_cast %swap3A_137 : i32 to index
    %swap3A_139 = arith.constant 0 : index
    %swap3A_140 = tpu.vector_load %arg9[%swap3A_138, %swap3A_139] {strides = array<i32>} : memref<40x16xf32, #tpu.memory_space<vmem>>, vector<1x16xf32>,
    %swap3A_141 = vector.shape_cast %swap3A_140 : vector<1x16xf32> to vector<16xf32>
    %swap3A_142 = vector.shape_cast %broadcast_in_dim3A_136 : vector<16xf32> to vector<1x16xf32>
    tpu.vector_store %arg9[%swap3A_138, %swap3A_139], %swap3A_142 {strides = array<i32>} : memref<40x16xf32, #tpu.memory_space<vmem>>, vector<1x16xf32>,
    %broadcast_in_dim3A_143 = arith.constant 1.000000e+00 : f32
    %broadcast_in_dim3A_144 = vector.broadcast %broadcast_in_dim3A_143 : f32 to vector<16xf32>
    %swap3A_145 = arith.constant 17 : i32
    %swap3A_146 = arith.index_cast %swap3A_145 : i32 to index
    %swap3A_147 = arith.constant 0 : index
    %swap3A_148 = tpu.vector_load %arg9[%swap3A_146, %swap3A_147] {strides = array<i32>} : memref<40x16xf32, #tpu.memory_space<vmem>>, vector<1x16xf32>,
    %swap3A_149 = vector.shape_cast %swap3A_148 : vector<1x16xf32> to vector<16xf32>
    %swap3A_150 = vector.shape_cast %broadcast_in_dim3A_144 : vector<16xf32> to vector<1x16xf32>
    tpu.vector_store %arg9[%swap3A_146, %swap3A_147], %swap3A_150 {strides = array<i32>} : memref<40x16xf32, #tpu.memory_space<vmem>>, vector<1x16xf32>,
    %broadcast_in_dim3A_151 = arith.constant 1.000000e+00 : f32
    %broadcast_in_dim3A_152 = vector.broadcast %broadcast_in_dim3A_151 : f32 to vector<16xf32>
    %swap3A_153 = arith.constant 18 : i32
    %swap3A_154 = arith.index_cast %swap3A_153 : i32 to index
    %swap3A_155 = arith.constant 0 : index
    %swap3A_156 = tpu.vector_load %arg9[%swap3A_154, %swap3A_155] {strides = array<i32>} : memref<40x16xf32, #tpu.memory_space<vmem>>, vector<1x16xf32>,
    %swap3A_157 = vector.shape_cast %swap3A_156 : vector<1x16xf32> to vector<16xf32>
    %swap3A_158 = vector.shape_cast %broadcast_in_dim3A_152 : vector<16xf32> to vector<1x16xf32>
    tpu.vector_store %arg9[%swap3A_154, %swap3A_155], %swap3A_158 {strides = array<i32>} : memref<40x16xf32, #tpu.memory_space<vmem>>, vector<1x16xf32>,
    %broadcast_in_dim3A_159 = arith.constant 1.000000e+00 : f32
    %broadcast_in_dim3A_160 = vector.broadcast %broadcast_in_dim3A_159 : f32 to vector<16xf32>
    %swap3A_161 = arith.constant 19 : i32
    %swap3A_162 = arith.index_cast %swap3A_161 : i32 to index
    %swap3A_163 = arith.constant 0 : index
    %swap3A_164 = tpu.vector_load %arg9[%swap3A_162, %swap3A_163] {strides = array<i32>} : memref<40x16xf32, #tpu.memory_space<vmem>>, vector<1x16xf32>,
    %swap3A_165 = vector.shape_cast %swap3A_164 : vector<1x16xf32> to vector<16xf32>
    %swap3A_166 = vector.shape_cast %broadcast_in_dim3A_160 : vector<16xf32> to vector<1x16xf32>
    tpu.vector_store %arg9[%swap3A_162, %swap3A_163], %swap3A_166 {strides = array<i32>} : memref<40x16xf32, #tpu.memory_space<vmem>>, vector<1x16xf32>,
    %broadcast_in_dim3A_167 = arith.constant 1.000000e+00 : f32
    %broadcast_in_dim3A_168 = vector.broadcast %broadcast_in_dim3A_167 : f32 to vector<16xf32>
    %swap3A_169 = arith.constant 20 : i32
    %swap3A_170 = arith.index_cast %swap3A_169 : i32 to index
    %swap3A_171 = arith.constant 0 : index
    %swap3A_172 = tpu.vector_load %arg9[%swap3A_170, %swap3A_171] {strides = array<i32>} : memref<40x16xf32, #tpu.memory_space<vmem>>, vector<1x16xf32>,
    %swap3A_173 = vector.shape_cast %swap3A_172 : vector<1x16xf32> to vector<16xf32>
    %swap3A_174 = vector.shape_cast %broadcast_in_dim3A_168 : vector<16xf32> to vector<1x16xf32>
    tpu.vector_store %arg9[%swap3A_170, %swap3A_171], %swap3A_174 {strides = array<i32>} : memref<40x16xf32, #tpu.memory_space<vmem>>, vector<1x16xf32>,
    %broadcast_in_dim3A_175 = arith.constant 1.000000e+00 : f32
    %broadcast_in_dim3A_176 = vector.broadcast %broadcast_in_dim3A_175 : f32 to vector<16xf32>
    %swap3A_177 = arith.constant 21 : i32
    %swap3A_178 = arith.index_cast %swap3A_177 : i32 to index
    %swap3A_179 = arith.constant 0 : index
    %swap3A_180 = tpu.vector_load %arg9[%swap3A_178, %swap3A_179] {strides = array<i32>} : memref<40x16xf32, #tpu.memory_space<vmem>>, vector<1x16xf32>,
    %swap3A_181 = vector.shape_cast %swap3A_180 : vector<1x16xf32> to vector<16xf32>
    %swap3A_182 = vector.shape_cast %broadcast_in_dim3A_176 : vector<16xf32> to vector<1x16xf32>
    tpu.vector_store %arg9[%swap3A_178, %swap3A_179], %swap3A_182 {strides = array<i32>} : memref<40x16xf32, #tpu.memory_space<vmem>>, vector<1x16xf32>,
    %broadcast_in_dim3A_183 = arith.constant 1.000000e+00 : f32
    %broadcast_in_dim3A_184 = vector.broadcast %broadcast_in_dim3A_183 : f32 to vector<16xf32>
    %swap3A_185 = arith.constant 22 : i32
    %swap3A_186 = arith.index_cast %swap3A_185 : i32 to index
    %swap3A_187 = arith.constant 0 : index
    %swap3A_188 = tpu.vector_load %arg9[%swap3A_186, %swap3A_187] {strides = array<i32>} : memref<40x16xf32, #tpu.memory_space<vmem>>, vector<1x16xf32>,
    %swap3A_189 = vector.shape_cast %swap3A_188 : vector<1x16xf32> to vector<16xf32>
    %swap3A_190 = vector.shape_cast %broadcast_in_dim3A_184 : vector<16xf32> to vector<1x16xf32>
    tpu.vector_store %arg9[%swap3A_186, %swap3A_187], %swap3A_190 {strides = array<i32>} : memref<40x16xf32, #tpu.memory_space<vmem>>, vector<1x16xf32>,
    %broadcast_in_dim3A_191 = arith.constant 1.000000e+00 : f32
    %broadcast_in_dim3A_192 = vector.broadcast %broadcast_in_dim3A_191 : f32 to vector<16xf32>
    %swap3A_193 = arith.constant 23 : i32
    %swap3A_194 = arith.index_cast %swap3A_193 : i32 to index
    %swap3A_195 = arith.constant 0 : index
    %swap3A_196 = tpu.vector_load %arg9[%swap3A_194, %swap3A_195] {strides = array<i32>} : memref<40x16xf32, #tpu.memory_space<vmem>>, vector<1x16xf32>,
    %swap3A_197 = vector.shape_cast %swap3A_196 : vector<1x16xf32> to vector<16xf32>
    %swap3A_198 = vector.shape_cast %broadcast_in_dim3A_192 : vector<16xf32> to vector<1x16xf32>
    tpu.vector_store %arg9[%swap3A_194, %swap3A_195], %swap3A_198 {strides = array<i32>} : memref<40x16xf32, #tpu.memory_space<vmem>>, vector<1x16xf32>,
    %broadcast_in_dim3A_199 = arith.constant 1.000000e+00 : f32
    %broadcast_in_dim3A_200 = vector.broadcast %broadcast_in_dim3A_199 : f32 to vector<16xf32>
    %swap3A_201 = arith.constant 24 : i32
    %swap3A_202 = arith.index_cast %swap3A_201 : i32 to index
    %swap3A_203 = arith.constant 0 : index
    %swap3A_204 = tpu.vector_load %arg9[%swap3A_202, %swap3A_203] {strides = array<i32>} : memref<40x16xf32, #tpu.memory_space<vmem>>, vector<1x16xf32>,
    %swap3A_205 = vector.shape_cast %swap3A_204 : vector<1x16xf32> to vector<16xf32>
    %swap3A_206 = vector.shape_cast %broadcast_in_dim3A_200 : vector<16xf32> to vector<1x16xf32>
    tpu.vector_store %arg9[%swap3A_202, %swap3A_203], %swap3A_206 {strides = array<i32>} : memref<40x16xf32, #tpu.memory_space<vmem>>, vector<1x16xf32>,
    %broadcast_in_dim3A_207 = arith.constant 1.000000e+00 : f32
    %broadcast_in_dim3A_208 = vector.broadcast %broadcast_in_dim3A_207 : f32 to vector<16xf32>
    %swap3A_209 = arith.constant 25 : i32
    %swap3A_210 = arith.index_cast %swap3A_209 : i32 to index
    %swap3A_211 = arith.constant 0 : index
    %swap3A_212 = tpu.vector_load %arg9[%swap3A_210, %swap3A_211] {strides = array<i32>} : memref<40x16xf32, #tpu.memory_space<vmem>>, vector<1x16xf32>,
    %swap3A_213 = vector.shape_cast %swap3A_212 : vector<1x16xf32> to vector<16xf32>
    %swap3A_214 = vector.shape_cast %broadcast_in_dim3A_208 : vector<16xf32> to vector<1x16xf32>
    tpu.vector_store %arg9[%swap3A_210, %swap3A_211], %swap3A_214 {strides = array<i32>} : memref<40x16xf32, #tpu.memory_space<vmem>>, vector<1x16xf32>,
    %broadcast_in_dim3A_215 = arith.constant 1.000000e+00 : f32
    %broadcast_in_dim3A_216 = vector.broadcast %broadcast_in_dim3A_215 : f32 to vector<16xf32>
    %swap3A_217 = arith.constant 26 : i32
    %swap3A_218 = arith.index_cast %swap3A_217 : i32 to index
    %swap3A_219 = arith.constant 0 : index
    %swap3A_220 = tpu.vector_load %arg9[%swap3A_218, %swap3A_219] {strides = array<i32>} : memref<40x16xf32, #tpu.memory_space<vmem>>, vector<1x16xf32>,
    %swap3A_221 = vector.shape_cast %swap3A_220 : vector<1x16xf32> to vector<16xf32>
    %swap3A_222 = vector.shape_cast %broadcast_in_dim3A_216 : vector<16xf32> to vector<1x16xf32>
    tpu.vector_store %arg9[%swap3A_218, %swap3A_219], %swap3A_222 {strides = array<i32>} : memref<40x16xf32, #tpu.memory_space<vmem>>, vector<1x16xf32>,
    %broadcast_in_dim3A_223 = arith.constant 1.000000e+00 : f32
    %broadcast_in_dim3A_224 = vector.broadcast %broadcast_in_dim3A_223 : f32 to vector<16xf32>
    %swap3A_225 = arith.constant 27 : i32
    %swap3A_226 = arith.index_cast %swap3A_225 : i32 to index
    %swap3A_227 = arith.constant 0 : index
    %swap3A_228 = tpu.vector_load %arg9[%swap3A_226, %swap3A_227] {strides = array<i32>} : memref<40x16xf32, #tpu.memory_space<vmem>>, vector<1x16xf32>,
    %swap3A_229 = vector.shape_cast %swap3A_228 : vector<1x16xf32> to vector<16xf32>
    %swap3A_230 = vector.shape_cast %broadcast_in_dim3A_224 : vector<16xf32> to vector<1x16xf32>
    tpu.vector_store %arg9[%swap3A_226, %swap3A_227], %swap3A_230 {strides = array<i32>} : memref<40x16xf32, #tpu.memory_space<vmem>>, vector<1x16xf32>,
    %broadcast_in_dim3A_231 = arith.constant 1.000000e+00 : f32
    %broadcast_in_dim3A_232 = vector.broadcast %broadcast_in_dim3A_231 : f32 to vector<16xf32>
    %swap3A_233 = arith.constant 28 : i32
    %swap3A_234 = arith.index_cast %swap3A_233 : i32 to index
    %swap3A_235 = arith.constant 0 : index
    %swap3A_236 = tpu.vector_load %arg9[%swap3A_234, %swap3A_235] {strides = array<i32>} : memref<40x16xf32, #tpu.memory_space<vmem>>, vector<1x16xf32>,
    %swap3A_237 = vector.shape_cast %swap3A_236 : vector<1x16xf32> to vector<16xf32>
    %swap3A_238 = vector.shape_cast %broadcast_in_dim3A_232 : vector<16xf32> to vector<1x16xf32>
    tpu.vector_store %arg9[%swap3A_234, %swap3A_235], %swap3A_238 {strides = array<i32>} : memref<40x16xf32, #tpu.memory_space<vmem>>, vector<1x16xf32>,
    %broadcast_in_dim3A_239 = arith.constant 1.000000e+00 : f32
    %broadcast_in_dim3A_240 = vector.broadcast %broadcast_in_dim3A_239 : f32 to vector<16xf32>
    %swap3A_241 = arith.constant 29 : i32
    %swap3A_242 = arith.index_cast %swap3A_241 : i32 to index
    %swap3A_243 = arith.constant 0 : index
    %swap3A_244 = tpu.vector_load %arg9[%swap3A_242, %swap3A_243] {strides = array<i32>} : memref<40x16xf32, #tpu.memory_space<vmem>>, vector<1x16xf32>,
    %swap3A_245 = vector.shape_cast %swap3A_244 : vector<1x16xf32> to vector<16xf32>
    %swap3A_246 = vector.shape_cast %broadcast_in_dim3A_240 : vector<16xf32> to vector<1x16xf32>
    tpu.vector_store %arg9[%swap3A_242, %swap3A_243], %swap3A_246 {strides = array<i32>} : memref<40x16xf32, #tpu.memory_space<vmem>>, vector<1x16xf32>,
    %broadcast_in_dim3A_247 = arith.constant 1.000000e+00 : f32
    %broadcast_in_dim3A_248 = vector.broadcast %broadcast_in_dim3A_247 : f32 to vector<16xf32>
    %swap3A_249 = arith.constant 30 : i32
    %swap3A_250 = arith.index_cast %swap3A_249 : i32 to index
    %swap3A_251 = arith.constant 0 : index
    %swap3A_252 = tpu.vector_load %arg9[%swap3A_250, %swap3A_251] {strides = array<i32>} : memref<40x16xf32, #tpu.memory_space<vmem>>, vector<1x16xf32>,
    %swap3A_253 = vector.shape_cast %swap3A_252 : vector<1x16xf32> to vector<16xf32>
    %swap3A_254 = vector.shape_cast %broadcast_in_dim3A_248 : vector<16xf32> to vector<1x16xf32>
    tpu.vector_store %arg9[%swap3A_250, %swap3A_251], %swap3A_254 {strides = array<i32>} : memref<40x16xf32, #tpu.memory_space<vmem>>, vector<1x16xf32>,
    %broadcast_in_dim3A_255 = arith.constant 1.000000e+00 : f32
    %broadcast_in_dim3A_256 = vector.broadcast %broadcast_in_dim3A_255 : f32 to vector<16xf32>
    %swap3A_257 = arith.constant 31 : i32
    %swap3A_258 = arith.index_cast %swap3A_257 : i32 to index
    %swap3A_259 = arith.constant 0 : index
    %swap3A_260 = tpu.vector_load %arg9[%swap3A_258, %swap3A_259] {strides = array<i32>} : memref<40x16xf32, #tpu.memory_space<vmem>>, vector<1x16xf32>,
    %swap3A_261 = vector.shape_cast %swap3A_260 : vector<1x16xf32> to vector<16xf32>
    %swap3A_262 = vector.shape_cast %broadcast_in_dim3A_256 : vector<16xf32> to vector<1x16xf32>
    tpu.vector_store %arg9[%swap3A_258, %swap3A_259], %swap3A_262 {strides = array<i32>} : memref<40x16xf32, #tpu.memory_space<vmem>>, vector<1x16xf32>,
    %broadcast_in_dim3A_263 = arith.constant 1.000000e+00 : f32
    %broadcast_in_dim3A_264 = vector.broadcast %broadcast_in_dim3A_263 : f32 to vector<16xf32>
    %swap3A_265 = arith.constant 32 : i32
    %swap3A_266 = arith.index_cast %swap3A_265 : i32 to index
    %swap3A_267 = arith.constant 0 : index
    %swap3A_268 = tpu.vector_load %arg9[%swap3A_266, %swap3A_267] {strides = array<i32>} : memref<40x16xf32, #tpu.memory_space<vmem>>, vector<1x16xf32>,
    %swap3A_269 = vector.shape_cast %swap3A_268 : vector<1x16xf32> to vector<16xf32>
    %swap3A_270 = vector.shape_cast %broadcast_in_dim3A_264 : vector<16xf32> to vector<1x16xf32>
    tpu.vector_store %arg9[%swap3A_266, %swap3A_267], %swap3A_270 {strides = array<i32>} : memref<40x16xf32, #tpu.memory_space<vmem>>, vector<1x16xf32>,
    %broadcast_in_dim3A_271 = arith.constant 1.000000e+00 : f32
    %broadcast_in_dim3A_272 = vector.broadcast %broadcast_in_dim3A_271 : f32 to vector<16xf32>
    %swap3A_273 = arith.constant 33 : i32
    %swap3A_274 = arith.index_cast %swap3A_273 : i32 to index
    %swap3A_275 = arith.constant 0 : index
    %swap3A_276 = tpu.vector_load %arg9[%swap3A_274, %swap3A_275] {strides = array<i32>} : memref<40x16xf32, #tpu.memory_space<vmem>>, vector<1x16xf32>,
    %swap3A_277 = vector.shape_cast %swap3A_276 : vector<1x16xf32> to vector<16xf32>
    %swap3A_278 = vector.shape_cast %broadcast_in_dim3A_272 : vector<16xf32> to vector<1x16xf32>
    tpu.vector_store %arg9[%swap3A_274, %swap3A_275], %swap3A_278 {strides = array<i32>} : memref<40x16xf32, #tpu.memory_space<vmem>>, vector<1x16xf32>,
    %broadcast_in_dim3A_279 = arith.constant 1.000000e+00 : f32
    %broadcast_in_dim3A_280 = vector.broadcast %broadcast_in_dim3A_279 : f32 to vector<16xf32>
    %swap3A_281 = arith.constant 34 : i32
    %swap3A_282 = arith.index_cast %swap3A_281 : i32 to index
    %swap3A_283 = arith.constant 0 : index
    %swap3A_284 = tpu.vector_load %arg9[%swap3A_282, %swap3A_283] {strides = array<i32>} : memref<40x16xf32, #tpu.memory_space<vmem>>, vector<1x16xf32>,
    %swap3A_285 = vector.shape_cast %swap3A_284 : vector<1x16xf32> to vector<16xf32>
    %swap3A_286 = vector.shape_cast %broadcast_in_dim3A_280 : vector<16xf32> to vector<1x16xf32>
    tpu.vector_store %arg9[%swap3A_282, %swap3A_283], %swap3A_286 {strides = array<i32>} : memref<40x16xf32, #tpu.memory_space<vmem>>, vector<1x16xf32>,
    %broadcast_in_dim3A_287 = arith.constant 1.000000e+00 : f32
    %broadcast_in_dim3A_288 = vector.broadcast %broadcast_in_dim3A_287 : f32 to vector<16xf32>
    %swap3A_289 = arith.constant 35 : i32
    %swap3A_290 = arith.index_cast %swap3A_289 : i32 to index
    %swap3A_291 = arith.constant 0 : index
    %swap3A_292 = tpu.vector_load %arg9[%swap3A_290, %swap3A_291] {strides = array<i32>} : memref<40x16xf32, #tpu.memory_space<vmem>>, vector<1x16xf32>,
    %swap3A_293 = vector.shape_cast %swap3A_292 : vector<1x16xf32> to vector<16xf32>
    %swap3A_294 = vector.shape_cast %broadcast_in_dim3A_288 : vector<16xf32> to vector<1x16xf32>
    tpu.vector_store %arg9[%swap3A_290, %swap3A_291], %swap3A_294 {strides = array<i32>} : memref<40x16xf32, #tpu.memory_space<vmem>>, vector<1x16xf32>,
    %broadcast_in_dim3A_295 = arith.constant 1.000000e+00 : f32
    %broadcast_in_dim3A_296 = vector.broadcast %broadcast_in_dim3A_295 : f32 to vector<16xf32>
    %swap3A_297 = arith.constant 36 : i32
    %swap3A_298 = arith.index_cast %swap3A_297 : i32 to index
    %swap3A_299 = arith.constant 0 : index
    %swap3A_300 = tpu.vector_load %arg9[%swap3A_298, %swap3A_299] {strides = array<i32>} : memref<40x16xf32, #tpu.memory_space<vmem>>, vector<1x16xf32>,
    %swap3A_301 = vector.shape_cast %swap3A_300 : vector<1x16xf32> to vector<16xf32>
    %swap3A_302 = vector.shape_cast %broadcast_in_dim3A_296 : vector<16xf32> to vector<1x16xf32>
    tpu.vector_store %arg9[%swap3A_298, %swap3A_299], %swap3A_302 {strides = array<i32>} : memref<40x16xf32, #tpu.memory_space<vmem>>, vector<1x16xf32>,
    %broadcast_in_dim3A_303 = arith.constant 1.000000e+00 : f32
    %broadcast_in_dim3A_304 = vector.broadcast %broadcast_in_dim3A_303 : f32 to vector<16xf32>
    %swap3A_305 = arith.constant 37 : i32
    %swap3A_306 = arith.index_cast %swap3A_305 : i32 to index
    %swap3A_307 = arith.constant 0 : index
    %swap3A_308 = tpu.vector_load %arg9[%swap3A_306, %swap3A_307] {strides = array<i32>} : memref<40x16xf32, #tpu.memory_space<vmem>>, vector<1x16xf32>,
    %swap3A_309 = vector.shape_cast %swap3A_308 : vector<1x16xf32> to vector<16xf32>
    %swap3A_310 = vector.shape_cast %broadcast_in_dim3A_304 : vector<16xf32> to vector<1x16xf32>
    tpu.vector_store %arg9[%swap3A_306, %swap3A_307], %swap3A_310 {strides = array<i32>} : memref<40x16xf32, #tpu.memory_space<vmem>>, vector<1x16xf32>,
    %broadcast_in_dim3A_311 = arith.constant 1.000000e+00 : f32
    %broadcast_in_dim3A_312 = vector.broadcast %broadcast_in_dim3A_311 : f32 to vector<16xf32>
    %swap3A_313 = arith.constant 38 : i32
    %swap3A_314 = arith.index_cast %swap3A_313 : i32 to index
    %swap3A_315 = arith.constant 0 : index
    %swap3A_316 = tpu.vector_load %arg9[%swap3A_314, %swap3A_315] {strides = array<i32>} : memref<40x16xf32, #tpu.memory_space<vmem>>, vector<1x16xf32>,
    %swap3A_317 = vector.shape_cast %swap3A_316 : vector<1x16xf32> to vector<16xf32>
    %swap3A_318 = vector.shape_cast %broadcast_in_dim3A_312 : vector<16xf32> to vector<1x16xf32>
    tpu.vector_store %arg9[%swap3A_314, %swap3A_315], %swap3A_318 {strides = array<i32>} : memref<40x16xf32, #tpu.memory_space<vmem>>, vector<1x16xf32>,
    %broadcast_in_dim3A_319 = arith.constant 1.000000e+00 : f32
    %broadcast_in_dim3A_320 = vector.broadcast %broadcast_in_dim3A_319 : f32 to vector<16xf32>
    %swap3A_321 = arith.constant 39 : i32
    %swap3A_322 = arith.index_cast %swap3A_321 : i32 to index
    %swap3A_323 = arith.constant 0 : index
    %swap3A_324 = tpu.vector_load %arg9[%swap3A_322, %swap3A_323] {strides = array<i32>} : memref<40x16xf32, #tpu.memory_space<vmem>>, vector<1x16xf32>,
    %swap3A_325 = vector.shape_cast %swap3A_324 : vector<1x16xf32> to vector<16xf32>
    %swap3A_326 = vector.shape_cast %broadcast_in_dim3A_320 : vector<16xf32> to vector<1x16xf32>
    tpu.vector_store %arg9[%swap3A_322, %swap3A_323], %swap3A_326 {strides = array<i32>} : memref<40x16xf32, #tpu.memory_space<vmem>>, vector<1x16xf32>,
    %mul3A_327 = arith.constant 125 : i32
    %mul3A_328 = arith.muli %add3A, %mul3A_327 : i32
    "tpu.region"() ({
      %run_scoped3A = tpu.sem_alloc : memref<!tpu.dma_semaphore, #tpu.memory_space<semaphore_mem>>
      %dma_start3A_684 = arith.constant 0 : i32
      %dma_start3A_685 = tpu.memref_slice %arg3[%mul3A_328, %dma_start3A_684] : memref<4000x40xi32, #tpu.memory_space<hbm>> -> memref<125x40xi32, #tpu.memory_space<hbm>>
      %dma_start3A_686 = arith.constant 0 : i32
      %dma_start3A_687 = tpu.memref_slice %arg3[%mul3A_328, %dma_start3A_686] : memref<4000x40xi32, #tpu.memory_space<hbm>> -> memref<125x40xi32, #tpu.memory_space<hbm>>
      tpu.enqueue_dma source(%dma_start3A_687 : memref<125x40xi32, #tpu.memory_space<hbm>>) target(%arg7 : memref<125x40xi32, #tpu.memory_space<vmem>>) target_semaphore(%run_scoped3A : memref<!tpu.dma_semaphore, #tpu.memory_space<semaphore_mem>>)
      %dma_wait3A = arith.constant 0 : i32
      %dma_wait3A_688 = tpu.memref_slice %arg3[%mul3A_328, %dma_wait3A] : memref<4000x40xi32, #tpu.memory_space<hbm>> -> memref<125x40xi32, #tpu.memory_space<hbm>>
      %dma_wait3A_689 = arith.constant 0 : i32
      %dma_wait3A_690 = tpu.memref_slice %arg3[%mul3A_328, %dma_wait3A_689] : memref<4000x40xi32, #tpu.memory_space<hbm>> -> memref<125x40xi32, #tpu.memory_space<hbm>>
      tpu.wait_dma2 semaphore(%run_scoped3A : memref<!tpu.dma_semaphore, #tpu.memory_space<semaphore_mem>>) src(%dma_wait3A_690 : memref<125x40xi32, #tpu.memory_space<hbm>>) dst(%arg7 : memref<125x40xi32, #tpu.memory_space<vmem>>)
      tpu.yield
    }) : () -> ()
    %mul3A_329 = arith.constant 5000 : i32
    %mul3A_330 = arith.muli %add3A, %mul3A_329 : i32
    "tpu.region"() ({
      %run_scoped3A = tpu.sem_alloc : memref<!tpu.dma_semaphore, #tpu.memory_space<semaphore_mem>>
      %dma_start3A_684 = arith.constant 0 : i32
      %dma_start3A_685 = tpu.memref_slice %arg2[%mul3A_330, %dma_start3A_684] : memref<160000x16xf32, #tpu.memory_space<hbm>> -> memref<5000x16xf32, #tpu.memory_space<hbm>>
      %dma_start3A_686 = arith.constant 0 : i32
      %dma_start3A_687 = tpu.memref_slice %arg2[%mul3A_330, %dma_start3A_686] : memref<160000x16xf32, #tpu.memory_space<hbm>> -> memref<5000x16xf32, #tpu.memory_space<hbm>>
      tpu.enqueue_dma source(%dma_start3A_687 : memref<5000x16xf32, #tpu.memory_space<hbm>>) target(%arg8 : memref<5000x16xf32, #tpu.memory_space<vmem>>) target_semaphore(%run_scoped3A : memref<!tpu.dma_semaphore, #tpu.memory_space<semaphore_mem>>)
      %dma_wait3A = arith.constant 0 : i32
      %dma_wait3A_688 = tpu.memref_slice %arg2[%mul3A_330, %dma_wait3A] : memref<160000x16xf32, #tpu.memory_space<hbm>> -> memref<5000x16xf32, #tpu.memory_space<hbm>>
      %dma_wait3A_689 = arith.constant 0 : i32
      %dma_wait3A_690 = tpu.memref_slice %arg2[%mul3A_330, %dma_wait3A_689] : memref<160000x16xf32, #tpu.memory_space<hbm>> -> memref<5000x16xf32, #tpu.memory_space<hbm>>
      tpu.wait_dma2 semaphore(%run_scoped3A : memref<!tpu.dma_semaphore, #tpu.memory_space<semaphore_mem>>) src(%dma_wait3A_690 : memref<5000x16xf32, #tpu.memory_space<hbm>>) dst(%arg8 : memref<5000x16xf32, #tpu.memory_space<vmem>>)
      tpu.yield
    }) : () -> ()
    %barrier3A = arith.constant 0 : index
    tpu.barrier barrier_id(%barrier3A)
    %dma_start3A = arith.constant 0 : i32
    %dma_start3A_331 = arith.constant 0 : i32
    %dma_start3A_332 = arith.constant 0 : i32
    %dma_start3A_333 = tpu.memref_slice %arg8[%dma_start3A_331, %dma_start3A_332] : memref<5000x16xf32, #tpu.memory_space<vmem>> -> memref<40x16xf32, #tpu.memory_space<vmem>>
    %dma_start3A_334 = arith.constant 0 : i32
    %dma_start3A_335 = tpu.memref_slice %arg7[%dma_start3A, %dma_start3A_334] : memref<125x40xi32, #tpu.memory_space<vmem>> -> memref<1x40xi32, #tpu.memory_space<vmem>>
    %dma_start3A_336 = tpu.memref_squeeze %dma_start3A_335 : memref<1x40xi32, #tpu.memory_space<vmem>> -> memref<40xi32, #tpu.memory_space<vmem>>
    %dma_start3A_337 = arith.constant 0 : i32
    %dma_start3A_338 = arith.constant 0 : i32
    %dma_start3A_339 = tpu.memref_slice %arg10[%dma_start3A_337, %dma_start3A_338] : memref<10000x16xf32, #tpu.memory_space<vmem_shared>> -> memref<10000x16xf32, #tpu.memory_space<vmem_shared>>
    tpu.enqueue_indirect_dma source(%dma_start3A_333 : memref<40x16xf32, #tpu.memory_space<vmem>>) target(%dma_start3A_339 : memref<10000x16xf32, #tpu.memory_space<vmem_shared>>) offsets(%dma_start3A_336 : memref<40xi32, #tpu.memory_space<vmem>>) semaphore(%arg12 : memref<!tpu.dma_semaphore, #tpu.memory_space<semaphore_mem>>) {add = true}
    %dma_start3A_340 = arith.constant 0 : i32
    %dma_start3A_341 = arith.constant 0 : i32
    %dma_start3A_342 = tpu.memref_slice %arg7[%dma_start3A_340, %dma_start3A_341] : memref<125x40xi32, #tpu.memory_space<vmem>> -> memref<1x40xi32, #tpu.memory_space<vmem>>
    %dma_start3A_343 = tpu.memref_squeeze %dma_start3A_342 : memref<1x40xi32, #tpu.memory_space<vmem>> -> memref<40xi32, #tpu.memory_space<vmem>>
    %dma_start3A_344 = arith.constant 0 : i32
    %dma_start3A_345 = arith.constant 0 : i32
    %dma_start3A_346 = tpu.memref_slice %arg11[%dma_start3A_344, %dma_start3A_345] : memref<10000x16xf32, #tpu.memory_space<vmem_shared>> -> memref<10000x16xf32, #tpu.memory_space<vmem_shared>>
    tpu.enqueue_indirect_dma source(%arg9 : memref<40x16xf32, #tpu.memory_space<vmem>>) target(%dma_start3A_346 : memref<10000x16xf32, #tpu.memory_space<vmem_shared>>) offsets(%dma_start3A_343 : memref<40xi32, #tpu.memory_space<vmem>>) semaphore(%arg12 : memref<!tpu.dma_semaphore, #tpu.memory_space<semaphore_mem>>) {add = true}
    %dma_start3A_347 = arith.constant 1 : i32
    %dma_start3A_348 = arith.constant 40 : i32
    %dma_start3A_349 = arith.constant 0 : i32
    %dma_start3A_350 = tpu.memref_slice %arg8[%dma_start3A_348, %dma_start3A_349] : memref<5000x16xf32, #tpu.memory_space<vmem>> -> memref<40x16xf32, #tpu.memory_space<vmem>>
    %dma_start3A_351 = arith.constant 0 : i32
    %dma_start3A_352 = tpu.memref_slice %arg7[%dma_start3A_347, %dma_start3A_351] : memref<125x40xi32, #tpu.memory_space<vmem>> -> memref<1x40xi32, #tpu.memory_space<vmem>>
    %dma_start3A_353 = tpu.memref_squeeze %dma_start3A_352 : memref<1x40xi32, #tpu.memory_space<vmem>> -> memref<40xi32, #tpu.memory_space<vmem>>
    %dma_start3A_354 = arith.constant 0 : i32
    %dma_start3A_355 = arith.constant 0 : i32
    %dma_start3A_356 = tpu.memref_slice %arg10[%dma_start3A_354, %dma_start3A_355] : memref<10000x16xf32, #tpu.memory_space<vmem_shared>> -> memref<10000x16xf32, #tpu.memory_space<vmem_shared>>
    tpu.enqueue_indirect_dma source(%dma_start3A_350 : memref<40x16xf32, #tpu.memory_space<vmem>>) target(%dma_start3A_356 : memref<10000x16xf32, #tpu.memory_space<vmem_shared>>) offsets(%dma_start3A_353 : memref<40xi32, #tpu.memory_space<vmem>>) semaphore(%arg12 : memref<!tpu.dma_semaphore, #tpu.memory_space<semaphore_mem>>) {add = true}
    %dma_start3A_357 = arith.constant 1 : i32
    %dma_start3A_358 = arith.constant 0 : i32
    %dma_start3A_359 = tpu.memref_slice %arg7[%dma_start3A_357, %dma_start3A_358] : memref<125x40xi32, #tpu.memory_space<vmem>> -> memref<1x40xi32, #tpu.memory_space<vmem>>
    %dma_start3A_360 = tpu.memref_squeeze %dma_start3A_359 : memref<1x40xi32, #tpu.memory_space<vmem>> -> memref<40xi32, #tpu.memory_space<vmem>>
    %dma_start3A_361 = arith.constant 0 : i32
    %dma_start3A_362 = arith.constant 0 : i32
    %dma_start3A_363 = tpu.memref_slice %arg11[%dma_start3A_361, %dma_start3A_362] : memref<10000x16xf32, #tpu.memory_space<vmem_shared>> -> memref<10000x16xf32, #tpu.memory_space<vmem_shared>>
    tpu.enqueue_indirect_dma source(%arg9 : memref<40x16xf32, #tpu.memory_space<vmem>>) target(%dma_start3A_363 : memref<10000x16xf32, #tpu.memory_space<vmem_shared>>) offsets(%dma_start3A_360 : memref<40xi32, #tpu.memory_space<vmem>>) semaphore(%arg12 : memref<!tpu.dma_semaphore, #tpu.memory_space<semaphore_mem>>) {add = true}
    %dma_start3A_364 = arith.constant 2 : i32
    %dma_start3A_365 = arith.constant 80 : i32
    %dma_start3A_366 = arith.constant 0 : i32
    %dma_start3A_367 = tpu.memref_slice %arg8[%dma_start3A_365, %dma_start3A_366] : memref<5000x16xf32, #tpu.memory_space<vmem>> -> memref<40x16xf32, #tpu.memory_space<vmem>>
    %dma_start3A_368 = arith.constant 0 : i32
    %dma_start3A_369 = tpu.memref_slice %arg7[%dma_start3A_364, %dma_start3A_368] : memref<125x40xi32, #tpu.memory_space<vmem>> -> memref<1x40xi32, #tpu.memory_space<vmem>>
    %dma_start3A_370 = tpu.memref_squeeze %dma_start3A_369 : memref<1x40xi32, #tpu.memory_space<vmem>> -> memref<40xi32, #tpu.memory_space<vmem>>
    %dma_start3A_371 = arith.constant 0 : i32
    %dma_start3A_372 = arith.constant 0 : i32
    %dma_start3A_373 = tpu.memref_slice %arg10[%dma_start3A_371, %dma_start3A_372] : memref<10000x16xf32, #tpu.memory_space<vmem_shared>> -> memref<10000x16xf32, #tpu.memory_space<vmem_shared>>
    tpu.enqueue_indirect_dma source(%dma_start3A_367 : memref<40x16xf32, #tpu.memory_space<vmem>>) target(%dma_start3A_373 : memref<10000x16xf32, #tpu.memory_space<vmem_shared>>) offsets(%dma_start3A_370 : memref<40xi32, #tpu.memory_space<vmem>>) semaphore(%arg12 : memref<!tpu.dma_semaphore, #tpu.memory_space<semaphore_mem>>) {add = true}
    %dma_start3A_374 = arith.constant 2 : i32
    %dma_start3A_375 = arith.constant 0 : i32
    %dma_start3A_376 = tpu.memref_slice %arg7[%dma_start3A_374, %dma_start3A_375] : memref<125x40xi32, #tpu.memory_space<vmem>> -> memref<1x40xi32, #tpu.memory_space<vmem>>
    %dma_start3A_377 = tpu.memref_squeeze %dma_start3A_376 : memref<1x40xi32, #tpu.memory_space<vmem>> -> memref<40xi32, #tpu.memory_space<vmem>>
    %dma_start3A_378 = arith.constant 0 : i32
    %dma_start3A_379 = arith.constant 0 : i32
    %dma_start3A_380 = tpu.memref_slice %arg11[%dma_start3A_378, %dma_start3A_379] : memref<10000x16xf32, #tpu.memory_space<vmem_shared>> -> memref<10000x16xf32, #tpu.memory_space<vmem_shared>>
    tpu.enqueue_indirect_dma source(%arg9 : memref<40x16xf32, #tpu.memory_space<vmem>>) target(%dma_start3A_380 : memref<10000x16xf32, #tpu.memory_space<vmem_shared>>) offsets(%dma_start3A_377 : memref<40xi32, #tpu.memory_space<vmem>>) semaphore(%arg12 : memref<!tpu.dma_semaphore, #tpu.memory_space<semaphore_mem>>) {add = true}
    %dma_start3A_381 = arith.constant 3 : i32
    %dma_start3A_382 = arith.constant 120 : i32
    %dma_start3A_383 = arith.constant 0 : i32
    %dma_start3A_384 = tpu.memref_slice %arg8[%dma_start3A_382, %dma_start3A_383] : memref<5000x16xf32, #tpu.memory_space<vmem>> -> memref<40x16xf32, #tpu.memory_space<vmem>>
    %dma_start3A_385 = arith.constant 0 : i32
    %dma_start3A_386 = tpu.memref_slice %arg7[%dma_start3A_381, %dma_start3A_385] : memref<125x40xi32, #tpu.memory_space<vmem>> -> memref<1x40xi32, #tpu.memory_space<vmem>>
    %dma_start3A_387 = tpu.memref_squeeze %dma_start3A_386 : memref<1x40xi32, #tpu.memory_space<vmem>> -> memref<40xi32, #tpu.memory_space<vmem>>
    %dma_start3A_388 = arith.constant 0 : i32
    %dma_start3A_389 = arith.constant 0 : i32
    %dma_start3A_390 = tpu.memref_slice %arg10[%dma_start3A_388, %dma_start3A_389] : memref<10000x16xf32, #tpu.memory_space<vmem_shared>> -> memref<10000x16xf32, #tpu.memory_space<vmem_shared>>
    tpu.enqueue_indirect_dma source(%dma_start3A_384 : memref<40x16xf32, #tpu.memory_space<vmem>>) target(%dma_start3A_390 : memref<10000x16xf32, #tpu.memory_space<vmem_shared>>) offsets(%dma_start3A_387 : memref<40xi32, #tpu.memory_space<vmem>>) semaphore(%arg12 : memref<!tpu.dma_semaphore, #tpu.memory_space<semaphore_mem>>) {add = true}
    %dma_start3A_391 = arith.constant 3 : i32
    %dma_start3A_392 = arith.constant 0 : i32
    %dma_start3A_393 = tpu.memref_slice %arg7[%dma_start3A_391, %dma_start3A_392] : memref<125x40xi32, #tpu.memory_space<vmem>> -> memref<1x40xi32, #tpu.memory_space<vmem>>
    %dma_start3A_394 = tpu.memref_squeeze %dma_start3A_393 : memref<1x40xi32, #tpu.memory_space<vmem>> -> memref<40xi32, #tpu.memory_space<vmem>>
    %dma_start3A_395 = arith.constant 0 : i32
    %dma_start3A_396 = arith.constant 0 : i32
    %dma_start3A_397 = tpu.memref_slice %arg11[%dma_start3A_395, %dma_start3A_396] : memref<10000x16xf32, #tpu.memory_space<vmem_shared>> -> memref<10000x16xf32, #tpu.memory_space<vmem_shared>>
    tpu.enqueue_indirect_dma source(%arg9 : memref<40x16xf32, #tpu.memory_space<vmem>>) target(%dma_start3A_397 : memref<10000x16xf32, #tpu.memory_space<vmem_shared>>) offsets(%dma_start3A_394 : memref<40xi32, #tpu.memory_space<vmem>>) semaphore(%arg12 : memref<!tpu.dma_semaphore, #tpu.memory_space<semaphore_mem>>) {add = true}
    %dma_start3A_398 = arith.constant 4 : i32
    %dma_start3A_399 = arith.constant 160 : i32
    %dma_start3A_400 = arith.constant 0 : i32
    %dma_start3A_401 = tpu.memref_slice %arg8[%dma_start3A_399, %dma_start3A_400] : memref<5000x16xf32, #tpu.memory_space<vmem>> -> memref<40x16xf32, #tpu.memory_space<vmem>>
    %dma_start3A_402 = arith.constant 0 : i32
    %dma_start3A_403 = tpu.memref_slice %arg7[%dma_start3A_398, %dma_start3A_402] : memref<125x40xi32, #tpu.memory_space<vmem>> -> memref<1x40xi32, #tpu.memory_space<vmem>>
    %dma_start3A_404 = tpu.memref_squeeze %dma_start3A_403 : memref<1x40xi32, #tpu.memory_space<vmem>> -> memref<40xi32, #tpu.memory_space<vmem>>
    %dma_start3A_405 = arith.constant 0 : i32
    %dma_start3A_406 = arith.constant 0 : i32
    %dma_start3A_407 = tpu.memref_slice %arg10[%dma_start3A_405, %dma_start3A_406] : memref<10000x16xf32, #tpu.memory_space<vmem_shared>> -> memref<10000x16xf32, #tpu.memory_space<vmem_shared>>
    tpu.enqueue_indirect_dma source(%dma_start3A_401 : memref<40x16xf32, #tpu.memory_space<vmem>>) target(%dma_start3A_407 : memref<10000x16xf32, #tpu.memory_space<vmem_shared>>) offsets(%dma_start3A_404 : memref<40xi32, #tpu.memory_space<vmem>>) semaphore(%arg12 : memref<!tpu.dma_semaphore, #tpu.memory_space<semaphore_mem>>) {add = true}
    %dma_start3A_408 = arith.constant 4 : i32
    %dma_start3A_409 = arith.constant 0 : i32
    %dma_start3A_410 = tpu.memref_slice %arg7[%dma_start3A_408, %dma_start3A_409] : memref<125x40xi32, #tpu.memory_space<vmem>> -> memref<1x40xi32, #tpu.memory_space<vmem>>
    %dma_start3A_411 = tpu.memref_squeeze %dma_start3A_410 : memref<1x40xi32, #tpu.memory_space<vmem>> -> memref<40xi32, #tpu.memory_space<vmem>>
    %dma_start3A_412 = arith.constant 0 : i32
    %dma_start3A_413 = arith.constant 0 : i32
    %dma_start3A_414 = tpu.memref_slice %arg11[%dma_start3A_412, %dma_start3A_413] : memref<10000x16xf32, #tpu.memory_space<vmem_shared>> -> memref<10000x16xf32, #tpu.memory_space<vmem_shared>>
    tpu.enqueue_indirect_dma source(%arg9 : memref<40x16xf32, #tpu.memory_space<vmem>>) target(%dma_start3A_414 : memref<10000x16xf32, #tpu.memory_space<vmem_shared>>) offsets(%dma_start3A_411 : memref<40xi32, #tpu.memory_space<vmem>>) semaphore(%arg12 : memref<!tpu.dma_semaphore, #tpu.memory_space<semaphore_mem>>) {add = true}
    %dma_start3A_415 = arith.constant 5 : i32
    %dma_start3A_416 = arith.constant 200 : i32
    %dma_start3A_417 = arith.constant 0 : i32
    %dma_start3A_418 = tpu.memref_slice %arg8[%dma_start3A_416, %dma_start3A_417] : memref<5000x16xf32, #tpu.memory_space<vmem>> -> memref<40x16xf32, #tpu.memory_space<vmem>>
    %dma_start3A_419 = arith.constant 0 : i32
    %dma_start3A_420 = tpu.memref_slice %arg7[%dma_start3A_415, %dma_start3A_419] : memref<125x40xi32, #tpu.memory_space<vmem>> -> memref<1x40xi32, #tpu.memory_space<vmem>>
    %dma_start3A_421 = tpu.memref_squeeze %dma_start3A_420 : memref<1x40xi32, #tpu.memory_space<vmem>> -> memref<40xi32, #tpu.memory_space<vmem>>
    %dma_start3A_422 = arith.constant 0 : i32
    %dma_start3A_423 = arith.constant 0 : i32
    %dma_start3A_424 = tpu.memref_slice %arg10[%dma_start3A_422, %dma_start3A_423] : memref<10000x16xf32, #tpu.memory_space<vmem_shared>> -> memref<10000x16xf32, #tpu.memory_space<vmem_shared>>
    tpu.enqueue_indirect_dma source(%dma_start3A_418 : memref<40x16xf32, #tpu.memory_space<vmem>>) target(%dma_start3A_424 : memref<10000x16xf32, #tpu.memory_space<vmem_shared>>) offsets(%dma_start3A_421 : memref<40xi32, #tpu.memory_space<vmem>>) semaphore(%arg12 : memref<!tpu.dma_semaphore, #tpu.memory_space<semaphore_mem>>) {add = true}
    %dma_start3A_425 = arith.constant 5 : i32
    %dma_start3A_426 = arith.constant 0 : i32
    %dma_start3A_427 = tpu.memref_slice %arg7[%dma_start3A_425, %dma_start3A_426] : memref<125x40xi32, #tpu.memory_space<vmem>> -> memref<1x40xi32, #tpu.memory_space<vmem>>
    %dma_start3A_428 = tpu.memref_squeeze %dma_start3A_427 : memref<1x40xi32, #tpu.memory_space<vmem>> -> memref<40xi32, #tpu.memory_space<vmem>>
    %dma_start3A_429 = arith.constant 0 : i32
    %dma_start3A_430 = arith.constant 0 : i32
    %dma_start3A_431 = tpu.memref_slice %arg11[%dma_start3A_429, %dma_start3A_430] : memref<10000x16xf32, #tpu.memory_space<vmem_shared>> -> memref<10000x16xf32, #tpu.memory_space<vmem_shared>>
    tpu.enqueue_indirect_dma source(%arg9 : memref<40x16xf32, #tpu.memory_space<vmem>>) target(%dma_start3A_431 : memref<10000x16xf32, #tpu.memory_space<vmem_shared>>) offsets(%dma_start3A_428 : memref<40xi32, #tpu.memory_space<vmem>>) semaphore(%arg12 : memref<!tpu.dma_semaphore, #tpu.memory_space<semaphore_mem>>) {add = true}
    %dma_start3A_432 = arith.constant 6 : i32
    %dma_start3A_433 = arith.constant 240 : i32
    %dma_start3A_434 = arith.constant 0 : i32
    %dma_start3A_435 = tpu.memref_slice %arg8[%dma_start3A_433, %dma_start3A_434] : memref<5000x16xf32, #tpu.memory_space<vmem>> -> memref<40x16xf32, #tpu.memory_space<vmem>>
    %dma_start3A_436 = arith.constant 0 : i32
    %dma_start3A_437 = tpu.memref_slice %arg7[%dma_start3A_432, %dma_start3A_436] : memref<125x40xi32, #tpu.memory_space<vmem>> -> memref<1x40xi32, #tpu.memory_space<vmem>>
    %dma_start3A_438 = tpu.memref_squeeze %dma_start3A_437 : memref<1x40xi32, #tpu.memory_space<vmem>> -> memref<40xi32, #tpu.memory_space<vmem>>
    %dma_start3A_439 = arith.constant 0 : i32
    %dma_start3A_440 = arith.constant 0 : i32
    %dma_start3A_441 = tpu.memref_slice %arg10[%dma_start3A_439, %dma_start3A_440] : memref<10000x16xf32, #tpu.memory_space<vmem_shared>> -> memref<10000x16xf32, #tpu.memory_space<vmem_shared>>
    tpu.enqueue_indirect_dma source(%dma_start3A_435 : memref<40x16xf32, #tpu.memory_space<vmem>>) target(%dma_start3A_441 : memref<10000x16xf32, #tpu.memory_space<vmem_shared>>) offsets(%dma_start3A_438 : memref<40xi32, #tpu.memory_space<vmem>>) semaphore(%arg12 : memref<!tpu.dma_semaphore, #tpu.memory_space<semaphore_mem>>) {add = true}
    %dma_start3A_442 = arith.constant 6 : i32
    %dma_start3A_443 = arith.constant 0 : i32
    %dma_start3A_444 = tpu.memref_slice %arg7[%dma_start3A_442, %dma_start3A_443] : memref<125x40xi32, #tpu.memory_space<vmem>> -> memref<1x40xi32, #tpu.memory_space<vmem>>
    %dma_start3A_445 = tpu.memref_squeeze %dma_start3A_444 : memref<1x40xi32, #tpu.memory_space<vmem>> -> memref<40xi32, #tpu.memory_space<vmem>>
    %dma_start3A_446 = arith.constant 0 : i32
    %dma_start3A_447 = arith.constant 0 : i32
    %dma_start3A_448 = tpu.memref_slice %arg11[%dma_start3A_446, %dma_start3A_447] : memref<10000x16xf32, #tpu.memory_space<vmem_shared>> -> memref<10000x16xf32, #tpu.memory_space<vmem_shared>>
    tpu.enqueue_indirect_dma source(%arg9 : memref<40x16xf32, #tpu.memory_space<vmem>>) target(%dma_start3A_448 : memref<10000x16xf32, #tpu.memory_space<vmem_shared>>) offsets(%dma_start3A_445 : memref<40xi32, #tpu.memory_space<vmem>>) semaphore(%arg12 : memref<!tpu.dma_semaphore, #tpu.memory_space<semaphore_mem>>) {add = true}
    %dma_start3A_449 = arith.constant 7 : i32
    %dma_start3A_450 = arith.constant 280 : i32
    %dma_start3A_451 = arith.constant 0 : i32
    %dma_start3A_452 = tpu.memref_slice %arg8[%dma_start3A_450, %dma_start3A_451] : memref<5000x16xf32, #tpu.memory_space<vmem>> -> memref<40x16xf32, #tpu.memory_space<vmem>>
    %dma_start3A_453 = arith.constant 0 : i32
    %dma_start3A_454 = tpu.memref_slice %arg7[%dma_start3A_449, %dma_start3A_453] : memref<125x40xi32, #tpu.memory_space<vmem>> -> memref<1x40xi32, #tpu.memory_space<vmem>>
    %dma_start3A_455 = tpu.memref_squeeze %dma_start3A_454 : memref<1x40xi32, #tpu.memory_space<vmem>> -> memref<40xi32, #tpu.memory_space<vmem>>
    %dma_start3A_456 = arith.constant 0 : i32
    %dma_start3A_457 = arith.constant 0 : i32
    %dma_start3A_458 = tpu.memref_slice %arg10[%dma_start3A_456, %dma_start3A_457] : memref<10000x16xf32, #tpu.memory_space<vmem_shared>> -> memref<10000x16xf32, #tpu.memory_space<vmem_shared>>
    tpu.enqueue_indirect_dma source(%dma_start3A_452 : memref<40x16xf32, #tpu.memory_space<vmem>>) target(%dma_start3A_458 : memref<10000x16xf32, #tpu.memory_space<vmem_shared>>) offsets(%dma_start3A_455 : memref<40xi32, #tpu.memory_space<vmem>>) semaphore(%arg12 : memref<!tpu.dma_semaphore, #tpu.memory_space<semaphore_mem>>) {add = true}
    %dma_start3A_459 = arith.constant 7 : i32
    %dma_start3A_460 = arith.constant 0 : i32
    %dma_start3A_461 = tpu.memref_slice %arg7[%dma_start3A_459, %dma_start3A_460] : memref<125x40xi32, #tpu.memory_space<vmem>> -> memref<1x40xi32, #tpu.memory_space<vmem>>
    %dma_start3A_462 = tpu.memref_squeeze %dma_start3A_461 : memref<1x40xi32, #tpu.memory_space<vmem>> -> memref<40xi32, #tpu.memory_space<vmem>>
    %dma_start3A_463 = arith.constant 0 : i32
    %dma_start3A_464 = arith.constant 0 : i32
    %dma_start3A_465 = tpu.memref_slice %arg11[%dma_start3A_463, %dma_start3A_464] : memref<10000x16xf32, #tpu.memory_space<vmem_shared>> -> memref<10000x16xf32, #tpu.memory_space<vmem_shared>>
    tpu.enqueue_indirect_dma source(%arg9 : memref<40x16xf32, #tpu.memory_space<vmem>>) target(%dma_start3A_465 : memref<10000x16xf32, #tpu.memory_space<vmem_shared>>) offsets(%dma_start3A_462 : memref<40xi32, #tpu.memory_space<vmem>>) semaphore(%arg12 : memref<!tpu.dma_semaphore, #tpu.memory_space<semaphore_mem>>) {add = true}
    %dma_start3A_466 = arith.constant 8 : i32
    %dma_start3A_467 = arith.constant 320 : i32
    %dma_start3A_468 = arith.constant 0 : i32
    %dma_start3A_469 = tpu.memref_slice %arg8[%dma_start3A_467, %dma_start3A_468] : memref<5000x16xf32, #tpu.memory_space<vmem>> -> memref<40x16xf32, #tpu.memory_space<vmem>>
    %dma_start3A_470 = arith.constant 0 : i32
    %dma_start3A_471 = tpu.memref_slice %arg7[%dma_start3A_466, %dma_start3A_470] : memref<125x40xi32, #tpu.memory_space<vmem>> -> memref<1x40xi32, #tpu.memory_space<vmem>>
    %dma_start3A_472 = tpu.memref_squeeze %dma_start3A_471 : memref<1x40xi32, #tpu.memory_space<vmem>> -> memref<40xi32, #tpu.memory_space<vmem>>
    %dma_start3A_473 = arith.constant 0 : i32
    %dma_start3A_474 = arith.constant 0 : i32
    %dma_start3A_475 = tpu.memref_slice %arg10[%dma_start3A_473, %dma_start3A_474] : memref<10000x16xf32, #tpu.memory_space<vmem_shared>> -> memref<10000x16xf32, #tpu.memory_space<vmem_shared>>
    tpu.enqueue_indirect_dma source(%dma_start3A_469 : memref<40x16xf32, #tpu.memory_space<vmem>>) target(%dma_start3A_475 : memref<10000x16xf32, #tpu.memory_space<vmem_shared>>) offsets(%dma_start3A_472 : memref<40xi32, #tpu.memory_space<vmem>>) semaphore(%arg12 : memref<!tpu.dma_semaphore, #tpu.memory_space<semaphore_mem>>) {add = true}
    %dma_start3A_476 = arith.constant 8 : i32
    %dma_start3A_477 = arith.constant 0 : i32
    %dma_start3A_478 = tpu.memref_slice %arg7[%dma_start3A_476, %dma_start3A_477] : memref<125x40xi32, #tpu.memory_space<vmem>> -> memref<1x40xi32, #tpu.memory_space<vmem>>
    %dma_start3A_479 = tpu.memref_squeeze %dma_start3A_478 : memref<1x40xi32, #tpu.memory_space<vmem>> -> memref<40xi32, #tpu.memory_space<vmem>>
    %dma_start3A_480 = arith.constant 0 : i32
    %dma_start3A_481 = arith.constant 0 : i32
    %dma_start3A_482 = tpu.memref_slice %arg11[%dma_start3A_480, %dma_start3A_481] : memref<10000x16xf32, #tpu.memory_space<vmem_shared>> -> memref<10000x16xf32, #tpu.memory_space<vmem_shared>>
    tpu.enqueue_indirect_dma source(%arg9 : memref<40x16xf32, #tpu.memory_space<vmem>>) target(%dma_start3A_482 : memref<10000x16xf32, #tpu.memory_space<vmem_shared>>) offsets(%dma_start3A_479 : memref<40xi32, #tpu.memory_space<vmem>>) semaphore(%arg12 : memref<!tpu.dma_semaphore, #tpu.memory_space<semaphore_mem>>) {add = true}
    %dma_start3A_483 = arith.constant 9 : i32
    %dma_start3A_484 = arith.constant 360 : i32
    %dma_start3A_485 = arith.constant 0 : i32
    %dma_start3A_486 = tpu.memref_slice %arg8[%dma_start3A_484, %dma_start3A_485] : memref<5000x16xf32, #tpu.memory_space<vmem>> -> memref<40x16xf32, #tpu.memory_space<vmem>>
    %dma_start3A_487 = arith.constant 0 : i32
    %dma_start3A_488 = tpu.memref_slice %arg7[%dma_start3A_483, %dma_start3A_487] : memref<125x40xi32, #tpu.memory_space<vmem>> -> memref<1x40xi32, #tpu.memory_space<vmem>>
    %dma_start3A_489 = tpu.memref_squeeze %dma_start3A_488 : memref<1x40xi32, #tpu.memory_space<vmem>> -> memref<40xi32, #tpu.memory_space<vmem>>
    %dma_start3A_490 = arith.constant 0 : i32
    %dma_start3A_491 = arith.constant 0 : i32
    %dma_start3A_492 = tpu.memref_slice %arg10[%dma_start3A_490, %dma_start3A_491] : memref<10000x16xf32, #tpu.memory_space<vmem_shared>> -> memref<10000x16xf32, #tpu.memory_space<vmem_shared>>
    tpu.enqueue_indirect_dma source(%dma_start3A_486 : memref<40x16xf32, #tpu.memory_space<vmem>>) target(%dma_start3A_492 : memref<10000x16xf32, #tpu.memory_space<vmem_shared>>) offsets(%dma_start3A_489 : memref<40xi32, #tpu.memory_space<vmem>>) semaphore(%arg12 : memref<!tpu.dma_semaphore, #tpu.memory_space<semaphore_mem>>) {add = true}
    %dma_start3A_493 = arith.constant 9 : i32
    %dma_start3A_494 = arith.constant 0 : i32
    %dma_start3A_495 = tpu.memref_slice %arg7[%dma_start3A_493, %dma_start3A_494] : memref<125x40xi32, #tpu.memory_space<vmem>> -> memref<1x40xi32, #tpu.memory_space<vmem>>
    %dma_start3A_496 = tpu.memref_squeeze %dma_start3A_495 : memref<1x40xi32, #tpu.memory_space<vmem>> -> memref<40xi32, #tpu.memory_space<vmem>>
    %dma_start3A_497 = arith.constant 0 : i32
    %dma_start3A_498 = arith.constant 0 : i32
    %dma_start3A_499 = tpu.memref_slice %arg11[%dma_start3A_497, %dma_start3A_498] : memref<10000x16xf32, #tpu.memory_space<vmem_shared>> -> memref<10000x16xf32, #tpu.memory_space<vmem_shared>>
    tpu.enqueue_indirect_dma source(%arg9 : memref<40x16xf32, #tpu.memory_space<vmem>>) target(%dma_start3A_499 : memref<10000x16xf32, #tpu.memory_space<vmem_shared>>) offsets(%dma_start3A_496 : memref<40xi32, #tpu.memory_space<vmem>>) semaphore(%arg12 : memref<!tpu.dma_semaphore, #tpu.memory_space<semaphore_mem>>) {add = true}
    %dma_start3A_500 = arith.constant 10 : i32
    %dma_start3A_501 = arith.constant 400 : i32
    %dma_start3A_502 = arith.constant 0 : i32
    %dma_start3A_503 = tpu.memref_slice %arg8[%dma_start3A_501, %dma_start3A_502] : memref<5000x16xf32, #tpu.memory_space<vmem>> -> memref<40x16xf32, #tpu.memory_space<vmem>>
    %dma_start3A_504 = arith.constant 0 : i32
    %dma_start3A_505 = tpu.memref_slice %arg7[%dma_start3A_500, %dma_start3A_504] : memref<125x40xi32, #tpu.memory_space<vmem>> -> memref<1x40xi32, #tpu.memory_space<vmem>>
    %dma_start3A_506 = tpu.memref_squeeze %dma_start3A_505 : memref<1x40xi32, #tpu.memory_space<vmem>> -> memref<40xi32, #tpu.memory_space<vmem>>
    %dma_start3A_507 = arith.constant 0 : i32
    %dma_start3A_508 = arith.constant 0 : i32
    %dma_start3A_509 = tpu.memref_slice %arg10[%dma_start3A_507, %dma_start3A_508] : memref<10000x16xf32, #tpu.memory_space<vmem_shared>> -> memref<10000x16xf32, #tpu.memory_space<vmem_shared>>
    tpu.enqueue_indirect_dma source(%dma_start3A_503 : memref<40x16xf32, #tpu.memory_space<vmem>>) target(%dma_start3A_509 : memref<10000x16xf32, #tpu.memory_space<vmem_shared>>) offsets(%dma_start3A_506 : memref<40xi32, #tpu.memory_space<vmem>>) semaphore(%arg12 : memref<!tpu.dma_semaphore, #tpu.memory_space<semaphore_mem>>) {add = true}
    %dma_start3A_510 = arith.constant 10 : i32
    %dma_start3A_511 = arith.constant 0 : i32
    %dma_start3A_512 = tpu.memref_slice %arg7[%dma_start3A_510, %dma_start3A_511] : memref<125x40xi32, #tpu.memory_space<vmem>> -> memref<1x40xi32, #tpu.memory_space<vmem>>
    %dma_start3A_513 = tpu.memref_squeeze %dma_start3A_512 : memref<1x40xi32, #tpu.memory_space<vmem>> -> memref<40xi32, #tpu.memory_space<vmem>>
    %dma_start3A_514 = arith.constant 0 : i32
    %dma_start3A_515 = arith.constant 0 : i32
    %dma_start3A_516 = tpu.memref_slice %arg11[%dma_start3A_514, %dma_start3A_515] : memref<10000x16xf32, #tpu.memory_space<vmem_shared>> -> memref<10000x16xf32, #tpu.memory_space<vmem_shared>>
    tpu.enqueue_indirect_dma source(%arg9 : memref<40x16xf32, #tpu.memory_space<vmem>>) target(%dma_start3A_516 : memref<10000x16xf32, #tpu.memory_space<vmem_shared>>) offsets(%dma_start3A_513 : memref<40xi32, #tpu.memory_space<vmem>>) semaphore(%arg12 : memref<!tpu.dma_semaphore, #tpu.memory_space<semaphore_mem>>) {add = true}
    %dma_start3A_517 = arith.constant 11 : i32
    %dma_start3A_518 = arith.constant 440 : i32
    %dma_start3A_519 = arith.constant 0 : i32
    %dma_start3A_520 = tpu.memref_slice %arg8[%dma_start3A_518, %dma_start3A_519] : memref<5000x16xf32, #tpu.memory_space<vmem>> -> memref<40x16xf32, #tpu.memory_space<vmem>>
    %dma_start3A_521 = arith.constant 0 : i32
    %dma_start3A_522 = tpu.memref_slice %arg7[%dma_start3A_517, %dma_start3A_521] : memref<125x40xi32, #tpu.memory_space<vmem>> -> memref<1x40xi32, #tpu.memory_space<vmem>>
    %dma_start3A_523 = tpu.memref_squeeze %dma_start3A_522 : memref<1x40xi32, #tpu.memory_space<vmem>> -> memref<40xi32, #tpu.memory_space<vmem>>
    %dma_start3A_524 = arith.constant 0 : i32
    %dma_start3A_525 = arith.constant 0 : i32
    %dma_start3A_526 = tpu.memref_slice %arg10[%dma_start3A_524, %dma_start3A_525] : memref<10000x16xf32, #tpu.memory_space<vmem_shared>> -> memref<10000x16xf32, #tpu.memory_space<vmem_shared>>
    tpu.enqueue_indirect_dma source(%dma_start3A_520 : memref<40x16xf32, #tpu.memory_space<vmem>>) target(%dma_start3A_526 : memref<10000x16xf32, #tpu.memory_space<vmem_shared>>) offsets(%dma_start3A_523 : memref<40xi32, #tpu.memory_space<vmem>>) semaphore(%arg12 : memref<!tpu.dma_semaphore, #tpu.memory_space<semaphore_mem>>) {add = true}
    %dma_start3A_527 = arith.constant 11 : i32
    %dma_start3A_528 = arith.constant 0 : i32
    %dma_start3A_529 = tpu.memref_slice %arg7[%dma_start3A_527, %dma_start3A_528] : memref<125x40xi32, #tpu.memory_space<vmem>> -> memref<1x40xi32, #tpu.memory_space<vmem>>
    %dma_start3A_530 = tpu.memref_squeeze %dma_start3A_529 : memref<1x40xi32, #tpu.memory_space<vmem>> -> memref<40xi32, #tpu.memory_space<vmem>>
    %dma_start3A_531 = arith.constant 0 : i32
    %dma_start3A_532 = arith.constant 0 : i32
    %dma_start3A_533 = tpu.memref_slice %arg11[%dma_start3A_531, %dma_start3A_532] : memref<10000x16xf32, #tpu.memory_space<vmem_shared>> -> memref<10000x16xf32, #tpu.memory_space<vmem_shared>>
    tpu.enqueue_indirect_dma source(%arg9 : memref<40x16xf32, #tpu.memory_space<vmem>>) target(%dma_start3A_533 : memref<10000x16xf32, #tpu.memory_space<vmem_shared>>) offsets(%dma_start3A_530 : memref<40xi32, #tpu.memory_space<vmem>>) semaphore(%arg12 : memref<!tpu.dma_semaphore, #tpu.memory_space<semaphore_mem>>) {add = true}
    %dma_start3A_534 = arith.constant 12 : i32
    %dma_start3A_535 = arith.constant 480 : i32
    %dma_start3A_536 = arith.constant 0 : i32
    %dma_start3A_537 = tpu.memref_slice %arg8[%dma_start3A_535, %dma_start3A_536] : memref<5000x16xf32, #tpu.memory_space<vmem>> -> memref<40x16xf32, #tpu.memory_space<vmem>>
    %dma_start3A_538 = arith.constant 0 : i32
    %dma_start3A_539 = tpu.memref_slice %arg7[%dma_start3A_534, %dma_start3A_538] : memref<125x40xi32, #tpu.memory_space<vmem>> -> memref<1x40xi32, #tpu.memory_space<vmem>>
    %dma_start3A_540 = tpu.memref_squeeze %dma_start3A_539 : memref<1x40xi32, #tpu.memory_space<vmem>> -> memref<40xi32, #tpu.memory_space<vmem>>
    %dma_start3A_541 = arith.constant 0 : i32
    %dma_start3A_542 = arith.constant 0 : i32
    %dma_start3A_543 = tpu.memref_slice %arg10[%dma_start3A_541, %dma_start3A_542] : memref<10000x16xf32, #tpu.memory_space<vmem_shared>> -> memref<10000x16xf32, #tpu.memory_space<vmem_shared>>
    tpu.enqueue_indirect_dma source(%dma_start3A_537 : memref<40x16xf32, #tpu.memory_space<vmem>>) target(%dma_start3A_543 : memref<10000x16xf32, #tpu.memory_space<vmem_shared>>) offsets(%dma_start3A_540 : memref<40xi32, #tpu.memory_space<vmem>>) semaphore(%arg12 : memref<!tpu.dma_semaphore, #tpu.memory_space<semaphore_mem>>) {add = true}
    %dma_start3A_544 = arith.constant 12 : i32
    %dma_start3A_545 = arith.constant 0 : i32
    %dma_start3A_546 = tpu.memref_slice %arg7[%dma_start3A_544, %dma_start3A_545] : memref<125x40xi32, #tpu.memory_space<vmem>> -> memref<1x40xi32, #tpu.memory_space<vmem>>
    %dma_start3A_547 = tpu.memref_squeeze %dma_start3A_546 : memref<1x40xi32, #tpu.memory_space<vmem>> -> memref<40xi32, #tpu.memory_space<vmem>>
    %dma_start3A_548 = arith.constant 0 : i32
    %dma_start3A_549 = arith.constant 0 : i32
    %dma_start3A_550 = tpu.memref_slice %arg11[%dma_start3A_548, %dma_start3A_549] : memref<10000x16xf32, #tpu.memory_space<vmem_shared>> -> memref<10000x16xf32, #tpu.memory_space<vmem_shared>>
    tpu.enqueue_indirect_dma source(%arg9 : memref<40x16xf32, #tpu.memory_space<vmem>>) target(%dma_start3A_550 : memref<10000x16xf32, #tpu.memory_space<vmem_shared>>) offsets(%dma_start3A_547 : memref<40xi32, #tpu.memory_space<vmem>>) semaphore(%arg12 : memref<!tpu.dma_semaphore, #tpu.memory_space<semaphore_mem>>) {add = true}
    %dma_start3A_551 = arith.constant 13 : i32
    %dma_start3A_552 = arith.constant 520 : i32
    %dma_start3A_553 = arith.constant 0 : i32
    %dma_start3A_554 = tpu.memref_slice %arg8[%dma_start3A_552, %dma_start3A_553] : memref<5000x16xf32, #tpu.memory_space<vmem>> -> memref<40x16xf32, #tpu.memory_space<vmem>>
    %dma_start3A_555 = arith.constant 0 : i32
    %dma_start3A_556 = tpu.memref_slice %arg7[%dma_start3A_551, %dma_start3A_555] : memref<125x40xi32, #tpu.memory_space<vmem>> -> memref<1x40xi32, #tpu.memory_space<vmem>>
    %dma_start3A_557 = tpu.memref_squeeze %dma_start3A_556 : memref<1x40xi32, #tpu.memory_space<vmem>> -> memref<40xi32, #tpu.memory_space<vmem>>
    %dma_start3A_558 = arith.constant 0 : i32
    %dma_start3A_559 = arith.constant 0 : i32
    %dma_start3A_560 = tpu.memref_slice %arg10[%dma_start3A_558, %dma_start3A_559] : memref<10000x16xf32, #tpu.memory_space<vmem_shared>> -> memref<10000x16xf32, #tpu.memory_space<vmem_shared>>
    tpu.enqueue_indirect_dma source(%dma_start3A_554 : memref<40x16xf32, #tpu.memory_space<vmem>>) target(%dma_start3A_560 : memref<10000x16xf32, #tpu.memory_space<vmem_shared>>) offsets(%dma_start3A_557 : memref<40xi32, #tpu.memory_space<vmem>>) semaphore(%arg12 : memref<!tpu.dma_semaphore, #tpu.memory_space<semaphore_mem>>) {add = true}
    %dma_start3A_561 = arith.constant 13 : i32
    %dma_start3A_562 = arith.constant 0 : i32
    %dma_start3A_563 = tpu.memref_slice %arg7[%dma_start3A_561, %dma_start3A_562] : memref<125x40xi32, #tpu.memory_space<vmem>> -> memref<1x40xi32, #tpu.memory_space<vmem>>
    %dma_start3A_564 = tpu.memref_squeeze %dma_start3A_563 : memref<1x40xi32, #tpu.memory_space<vmem>> -> memref<40xi32, #tpu.memory_space<vmem>>
    %dma_start3A_565 = arith.constant 0 : i32
    %dma_start3A_566 = arith.constant 0 : i32
    %dma_start3A_567 = tpu.memref_slice %arg11[%dma_start3A_565, %dma_start3A_566] : memref<10000x16xf32, #tpu.memory_space<vmem_shared>> -> memref<10000x16xf32, #tpu.memory_space<vmem_shared>>
    tpu.enqueue_indirect_dma source(%arg9 : memref<40x16xf32, #tpu.memory_space<vmem>>) target(%dma_start3A_567 : memref<10000x16xf32, #tpu.memory_space<vmem_shared>>) offsets(%dma_start3A_564 : memref<40xi32, #tpu.memory_space<vmem>>) semaphore(%arg12 : memref<!tpu.dma_semaphore, #tpu.memory_space<semaphore_mem>>) {add = true}
    %dma_start3A_568 = arith.constant 14 : i32
    %dma_start3A_569 = arith.constant 560 : i32
    %dma_start3A_570 = arith.constant 0 : i32
    %dma_start3A_571 = tpu.memref_slice %arg8[%dma_start3A_569, %dma_start3A_570] : memref<5000x16xf32, #tpu.memory_space<vmem>> -> memref<40x16xf32, #tpu.memory_space<vmem>>
    %dma_start3A_572 = arith.constant 0 : i32
    %dma_start3A_573 = tpu.memref_slice %arg7[%dma_start3A_568, %dma_start3A_572] : memref<125x40xi32, #tpu.memory_space<vmem>> -> memref<1x40xi32, #tpu.memory_space<vmem>>
    %dma_start3A_574 = tpu.memref_squeeze %dma_start3A_573 : memref<1x40xi32, #tpu.memory_space<vmem>> -> memref<40xi32, #tpu.memory_space<vmem>>
    %dma_start3A_575 = arith.constant 0 : i32
    %dma_start3A_576 = arith.constant 0 : i32
    %dma_start3A_577 = tpu.memref_slice %arg10[%dma_start3A_575, %dma_start3A_576] : memref<10000x16xf32, #tpu.memory_space<vmem_shared>> -> memref<10000x16xf32, #tpu.memory_space<vmem_shared>>
    tpu.enqueue_indirect_dma source(%dma_start3A_571 : memref<40x16xf32, #tpu.memory_space<vmem>>) target(%dma_start3A_577 : memref<10000x16xf32, #tpu.memory_space<vmem_shared>>) offsets(%dma_start3A_574 : memref<40xi32, #tpu.memory_space<vmem>>) semaphore(%arg12 : memref<!tpu.dma_semaphore, #tpu.memory_space<semaphore_mem>>) {add = true}
    %dma_start3A_578 = arith.constant 14 : i32
    %dma_start3A_579 = arith.constant 0 : i32
    %dma_start3A_580 = tpu.memref_slice %arg7[%dma_start3A_578, %dma_start3A_579] : memref<125x40xi32, #tpu.memory_space<vmem>> -> memref<1x40xi32, #tpu.memory_space<vmem>>
    %dma_start3A_581 = tpu.memref_squeeze %dma_start3A_580 : memref<1x40xi32, #tpu.memory_space<vmem>> -> memref<40xi32, #tpu.memory_space<vmem>>
    %dma_start3A_582 = arith.constant 0 : i32
    %dma_start3A_583 = arith.constant 0 : i32
    %dma_start3A_584 = tpu.memref_slice %arg11[%dma_start3A_582, %dma_start3A_583] : memref<10000x16xf32, #tpu.memory_space<vmem_shared>> -> memref<10000x16xf32, #tpu.memory_space<vmem_shared>>
    tpu.enqueue_indirect_dma source(%arg9 : memref<40x16xf32, #tpu.memory_space<vmem>>) target(%dma_start3A_584 : memref<10000x16xf32, #tpu.memory_space<vmem_shared>>) offsets(%dma_start3A_581 : memref<40xi32, #tpu.memory_space<vmem>>) semaphore(%arg12 : memref<!tpu.dma_semaphore, #tpu.memory_space<semaphore_mem>>) {add = true}
    %dma_start3A_585 = arith.constant 15 : i32
    %dma_start3A_586 = arith.constant 600 : i32
    %dma_start3A_587 = arith.constant 0 : i32
    %dma_start3A_588 = tpu.memref_slice %arg8[%dma_start3A_586, %dma_start3A_587] : memref<5000x16xf32, #tpu.memory_space<vmem>> -> memref<40x16xf32, #tpu.memory_space<vmem>>
    %dma_start3A_589 = arith.constant 0 : i32
    %dma_start3A_590 = tpu.memref_slice %arg7[%dma_start3A_585, %dma_start3A_589] : memref<125x40xi32, #tpu.memory_space<vmem>> -> memref<1x40xi32, #tpu.memory_space<vmem>>
    %dma_start3A_591 = tpu.memref_squeeze %dma_start3A_590 : memref<1x40xi32, #tpu.memory_space<vmem>> -> memref<40xi32, #tpu.memory_space<vmem>>
    %dma_start3A_592 = arith.constant 0 : i32
    %dma_start3A_593 = arith.constant 0 : i32
    %dma_start3A_594 = tpu.memref_slice %arg10[%dma_start3A_592, %dma_start3A_593] : memref<10000x16xf32, #tpu.memory_space<vmem_shared>> -> memref<10000x16xf32, #tpu.memory_space<vmem_shared>>
    tpu.enqueue_indirect_dma source(%dma_start3A_588 : memref<40x16xf32, #tpu.memory_space<vmem>>) target(%dma_start3A_594 : memref<10000x16xf32, #tpu.memory_space<vmem_shared>>) offsets(%dma_start3A_591 : memref<40xi32, #tpu.memory_space<vmem>>) semaphore(%arg12 : memref<!tpu.dma_semaphore, #tpu.memory_space<semaphore_mem>>) {add = true}
    %dma_start3A_595 = arith.constant 15 : i32
    %dma_start3A_596 = arith.constant 0 : i32
    %dma_start3A_597 = tpu.memref_slice %arg7[%dma_start3A_595, %dma_start3A_596] : memref<125x40xi32, #tpu.memory_space<vmem>> -> memref<1x40xi32, #tpu.memory_space<vmem>>
    %dma_start3A_598 = tpu.memref_squeeze %dma_start3A_597 : memref<1x40xi32, #tpu.memory_space<vmem>> -> memref<40xi32, #tpu.memory_space<vmem>>
    %dma_start3A_599 = arith.constant 0 : i32
    %dma_start3A_600 = arith.constant 0 : i32
    %dma_start3A_601 = tpu.memref_slice %arg11[%dma_start3A_599, %dma_start3A_600] : memref<10000x16xf32, #tpu.memory_space<vmem_shared>> -> memref<10000x16xf32, #tpu.memory_space<vmem_shared>>
    tpu.enqueue_indirect_dma source(%arg9 : memref<40x16xf32, #tpu.memory_space<vmem>>) target(%dma_start3A_601 : memref<10000x16xf32, #tpu.memory_space<vmem_shared>>) offsets(%dma_start3A_598 : memref<40xi32, #tpu.memory_space<vmem>>) semaphore(%arg12 : memref<!tpu.dma_semaphore, #tpu.memory_space<semaphore_mem>>) {add = true}
    %dma_start3A_602 = arith.constant 16 : i32
    %dma_start3A_603 = arith.constant 640 : i32
    %dma_start3A_604 = arith.constant 0 : i32
    %dma_start3A_605 = tpu.memref_slice %arg8[%dma_start3A_603, %dma_start3A_604] : memref<5000x16xf32, #tpu.memory_space<vmem>> -> memref<40x16xf32, #tpu.memory_space<vmem>>
    %dma_start3A_606 = arith.constant 0 : i32
    %dma_start3A_607 = tpu.memref_slice %arg7[%dma_start3A_602, %dma_start3A_606] : memref<125x40xi32, #tpu.memory_space<vmem>> -> memref<1x40xi32, #tpu.memory_space<vmem>>
    %dma_start3A_608 = tpu.memref_squeeze %dma_start3A_607 : memref<1x40xi32, #tpu.memory_space<vmem>> -> memref<40xi32, #tpu.memory_space<vmem>>
    %dma_start3A_609 = arith.constant 0 : i32
    %dma_start3A_610 = arith.constant 0 : i32
    %dma_start3A_611 = tpu.memref_slice %arg10[%dma_start3A_609, %dma_start3A_610] : memref<10000x16xf32, #tpu.memory_space<vmem_shared>> -> memref<10000x16xf32, #tpu.memory_space<vmem_shared>>
    tpu.enqueue_indirect_dma source(%dma_start3A_605 : memref<40x16xf32, #tpu.memory_space<vmem>>) target(%dma_start3A_611 : memref<10000x16xf32, #tpu.memory_space<vmem_shared>>) offsets(%dma_start3A_608 : memref<40xi32, #tpu.memory_space<vmem>>) semaphore(%arg12 : memref<!tpu.dma_semaphore, #tpu.memory_space<semaphore_mem>>) {add = true}
    %dma_start3A_612 = arith.constant 16 : i32
    %dma_start3A_613 = arith.constant 0 : i32
    %dma_start3A_614 = tpu.memref_slice %arg7[%dma_start3A_612, %dma_start3A_613] : memref<125x40xi32, #tpu.memory_space<vmem>> -> memref<1x40xi32, #tpu.memory_space<vmem>>
    %dma_start3A_615 = tpu.memref_squeeze %dma_start3A_614 : memref<1x40xi32, #tpu.memory_space<vmem>> -> memref<40xi32, #tpu.memory_space<vmem>>
    %dma_start3A_616 = arith.constant 0 : i32
    %dma_start3A_617 = arith.constant 0 : i32
    %dma_start3A_618 = tpu.memref_slice %arg11[%dma_start3A_616, %dma_start3A_617] : memref<10000x16xf32, #tpu.memory_space<vmem_shared>> -> memref<10000x16xf32, #tpu.memory_space<vmem_shared>>
    tpu.enqueue_indirect_dma source(%arg9 : memref<40x16xf32, #tpu.memory_space<vmem>>) target(%dma_start3A_618 : memref<10000x16xf32, #tpu.memory_space<vmem_shared>>) offsets(%dma_start3A_615 : memref<40xi32, #tpu.memory_space<vmem>>) semaphore(%arg12 : memref<!tpu.dma_semaphore, #tpu.memory_space<semaphore_mem>>) {add = true}
    %dma_start3A_619 = arith.constant 17 : i32
    %dma_start3A_620 = arith.constant 680 : i32
    %dma_start3A_621 = arith.constant 0 : i32
    %dma_start3A_622 = tpu.memref_slice %arg8[%dma_start3A_620, %dma_start3A_621] : memref<5000x16xf32, #tpu.memory_space<vmem>> -> memref<40x16xf32, #tpu.memory_space<vmem>>
    %dma_start3A_623 = arith.constant 0 : i32
    %dma_start3A_624 = tpu.memref_slice %arg7[%dma_start3A_619, %dma_start3A_623] : memref<125x40xi32, #tpu.memory_space<vmem>> -> memref<1x40xi32, #tpu.memory_space<vmem>>
    %dma_start3A_625 = tpu.memref_squeeze %dma_start3A_624 : memref<1x40xi32, #tpu.memory_space<vmem>> -> memref<40xi32, #tpu.memory_space<vmem>>
    %dma_start3A_626 = arith.constant 0 : i32
    %dma_start3A_627 = arith.constant 0 : i32
    %dma_start3A_628 = tpu.memref_slice %arg10[%dma_start3A_626, %dma_start3A_627] : memref<10000x16xf32, #tpu.memory_space<vmem_shared>> -> memref<10000x16xf32, #tpu.memory_space<vmem_shared>>
    tpu.enqueue_indirect_dma source(%dma_start3A_622 : memref<40x16xf32, #tpu.memory_space<vmem>>) target(%dma_start3A_628 : memref<10000x16xf32, #tpu.memory_space<vmem_shared>>) offsets(%dma_start3A_625 : memref<40xi32, #tpu.memory_space<vmem>>) semaphore(%arg12 : memref<!tpu.dma_semaphore, #tpu.memory_space<semaphore_mem>>) {add = true}
    %dma_start3A_629 = arith.constant 17 : i32
    %dma_start3A_630 = arith.constant 0 : i32
    %dma_start3A_631 = tpu.memref_slice %arg7[%dma_start3A_629, %dma_start3A_630] : memref<125x40xi32, #tpu.memory_space<vmem>> -> memref<1x40xi32, #tpu.memory_space<vmem>>
    %dma_start3A_632 = tpu.memref_squeeze %dma_start3A_631 : memref<1x40xi32, #tpu.memory_space<vmem>> -> memref<40xi32, #tpu.memory_space<vmem>>
    %dma_start3A_633 = arith.constant 0 : i32
    %dma_start3A_634 = arith.constant 0 : i32
    %dma_start3A_635 = tpu.memref_slice %arg11[%dma_start3A_633, %dma_start3A_634] : memref<10000x16xf32, #tpu.memory_space<vmem_shared>> -> memref<10000x16xf32, #tpu.memory_space<vmem_shared>>
    tpu.enqueue_indirect_dma source(%arg9 : memref<40x16xf32, #tpu.memory_space<vmem>>) target(%dma_start3A_635 : memref<10000x16xf32, #tpu.memory_space<vmem_shared>>) offsets(%dma_start3A_632 : memref<40xi32, #tpu.memory_space<vmem>>) semaphore(%arg12 : memref<!tpu.dma_semaphore, #tpu.memory_space<semaphore_mem>>) {add = true}
    %dma_start3A_636 = arith.constant 18 : i32
    %dma_start3A_637 = arith.constant 720 : i32
    %dma_start3A_638 = arith.constant 0 : i32
    %dma_start3A_639 = tpu.memref_slice %arg8[%dma_start3A_637, %dma_start3A_638] : memref<5000x16xf32, #tpu.memory_space<vmem>> -> memref<40x16xf32, #tpu.memory_space<vmem>>
    %dma_start3A_640 = arith.constant 0 : i32
    %dma_start3A_641 = tpu.memref_slice %arg7[%dma_start3A_636, %dma_start3A_640] : memref<125x40xi32, #tpu.memory_space<vmem>> -> memref<1x40xi32, #tpu.memory_space<vmem>>
    %dma_start3A_642 = tpu.memref_squeeze %dma_start3A_641 : memref<1x40xi32, #tpu.memory_space<vmem>> -> memref<40xi32, #tpu.memory_space<vmem>>
    %dma_start3A_643 = arith.constant 0 : i32
    %dma_start3A_644 = arith.constant 0 : i32
    %dma_start3A_645 = tpu.memref_slice %arg10[%dma_start3A_643, %dma_start3A_644] : memref<10000x16xf32, #tpu.memory_space<vmem_shared>> -> memref<10000x16xf32, #tpu.memory_space<vmem_shared>>
    tpu.enqueue_indirect_dma source(%dma_start3A_639 : memref<40x16xf32, #tpu.memory_space<vmem>>) target(%dma_start3A_645 : memref<10000x16xf32, #tpu.memory_space<vmem_shared>>) offsets(%dma_start3A_642 : memref<40xi32, #tpu.memory_space<vmem>>) semaphore(%arg12 : memref<!tpu.dma_semaphore, #tpu.memory_space<semaphore_mem>>) {add = true}
    %dma_start3A_646 = arith.constant 18 : i32
    %dma_start3A_647 = arith.constant 0 : i32
    %dma_start3A_648 = tpu.memref_slice %arg7[%dma_start3A_646, %dma_start3A_647] : memref<125x40xi32, #tpu.memory_space<vmem>> -> memref<1x40xi32, #tpu.memory_space<vmem>>
    %dma_start3A_649 = tpu.memref_squeeze %dma_start3A_648 : memref<1x40xi32, #tpu.memory_space<vmem>> -> memref<40xi32, #tpu.memory_space<vmem>>
    %dma_start3A_650 = arith.constant 0 : i32
    %dma_start3A_651 = arith.constant 0 : i32
    %dma_start3A_652 = tpu.memref_slice %arg11[%dma_start3A_650, %dma_start3A_651] : memref<10000x16xf32, #tpu.memory_space<vmem_shared>> -> memref<10000x16xf32, #tpu.memory_space<vmem_shared>>
    tpu.enqueue_indirect_dma source(%arg9 : memref<40x16xf32, #tpu.memory_space<vmem>>) target(%dma_start3A_652 : memref<10000x16xf32, #tpu.memory_space<vmem_shared>>) offsets(%dma_start3A_649 : memref<40xi32, #tpu.memory_space<vmem>>) semaphore(%arg12 : memref<!tpu.dma_semaphore, #tpu.memory_space<semaphore_mem>>) {add = true}
    %dma_start3A_653 = arith.constant 19 : i32
    %dma_start3A_654 = arith.constant 760 : i32
    %dma_start3A_655 = arith.constant 0 : i32
    %dma_start3A_656 = tpu.memref_slice %arg8[%dma_start3A_654, %dma_start3A_655] : memref<5000x16xf32, #tpu.memory_space<vmem>> -> memref<40x16xf32, #tpu.memory_space<vmem>>
    %dma_start3A_657 = arith.constant 0 : i32
    %dma_start3A_658 = tpu.memref_slice %arg7[%dma_start3A_653, %dma_start3A_657] : memref<125x40xi32, #tpu.memory_space<vmem>> -> memref<1x40xi32, #tpu.memory_space<vmem>>
    %dma_start3A_659 = tpu.memref_squeeze %dma_start3A_658 : memref<1x40xi32, #tpu.memory_space<vmem>> -> memref<40xi32, #tpu.memory_space<vmem>>
    %dma_start3A_660 = arith.constant 0 : i32
    %dma_start3A_661 = arith.constant 0 : i32
    %dma_start3A_662 = tpu.memref_slice %arg10[%dma_start3A_660, %dma_start3A_661] : memref<10000x16xf32, #tpu.memory_space<vmem_shared>> -> memref<10000x16xf32, #tpu.memory_space<vmem_shared>>
    tpu.enqueue_indirect_dma source(%dma_start3A_656 : memref<40x16xf32, #tpu.memory_space<vmem>>) target(%dma_start3A_662 : memref<10000x16xf32, #tpu.memory_space<vmem_shared>>) offsets(%dma_start3A_659 : memref<40xi32, #tpu.memory_space<vmem>>) semaphore(%arg12 : memref<!tpu.dma_semaphore, #tpu.memory_space<semaphore_mem>>) {add = true}
    %dma_start3A_663 = arith.constant 19 : i32
    %dma_start3A_664 = arith.constant 0 : i32
    %dma_start3A_665 = tpu.memref_slice %arg7[%dma_start3A_663, %dma_start3A_664] : memref<125x40xi32, #tpu.memory_space<vmem>> -> memref<1x40xi32, #tpu.memory_space<vmem>>
    %dma_start3A_666 = tpu.memref_squeeze %dma_start3A_665 : memref<1x40xi32, #tpu.memory_space<vmem>> -> memref<40xi32, #tpu.memory_space<vmem>>
    %dma_start3A_667 = arith.constant 0 : i32
    %dma_start3A_668 = arith.constant 0 : i32
    %dma_start3A_669 = tpu.memref_slice %arg11[%dma_start3A_667, %dma_start3A_668] : memref<10000x16xf32, #tpu.memory_space<vmem_shared>> -> memref<10000x16xf32, #tpu.memory_space<vmem_shared>>
    tpu.enqueue_indirect_dma source(%arg9 : memref<40x16xf32, #tpu.memory_space<vmem>>) target(%dma_start3A_669 : memref<10000x16xf32, #tpu.memory_space<vmem_shared>>) offsets(%dma_start3A_666 : memref<40xi32, #tpu.memory_space<vmem>>) semaphore(%arg12 : memref<!tpu.dma_semaphore, #tpu.memory_space<semaphore_mem>>) {add = true}
    %scan3A = arith.constant 0 : i32
    %scan3A_670 = arith.constant 0 : i32
    %scan3A_671 = arith.constant 125 : i32
    %scan3A_672 = arith.addi %scan3A_670, %scan3A_671 : i32
    %scan3A_673 = arith.constant 1 : i32
    scf.for %scan3A_684 = %scan3A_670 to %scan3A_672 step %scan3A_673  : i32 {
      %add3A_685 = arith.constant 20 : i32
      %add3A_686 = arith.addi %scan3A_684, %add3A_685 : i32
      %lt3A = arith.constant 125 : i32
      %lt3A_687 = arith.cmpi slt, %add3A_686, %lt3A : i32
      %convert_element_type3A = arith.extui %lt3A_687 : i1 to i32
      %cond3A = arith.constant 0 : i32
      %cond3A_688 = arith.cmpi ne, %convert_element_type3A, %cond3A : i32
      scf.if %cond3A_688 {
        %mul3A_704 = arith.constant 40 : i32
        %mul3A_705 = arith.muli %add3A_686, %mul3A_704 : i32
        %dma_start3A_706 = arith.constant 0 : i32
        %dma_start3A_707 = tpu.memref_slice %arg8[%mul3A_705, %dma_start3A_706] : memref<5000x16xf32, #tpu.memory_space<vmem>> -> memref<40x16xf32, #tpu.memory_space<vmem>>
        %dma_start3A_708 = arith.constant 0 : i32
        %dma_start3A_709 = tpu.memref_slice %arg7[%add3A_686, %dma_start3A_708] : memref<125x40xi32, #tpu.memory_space<vmem>> -> memref<1x40xi32, #tpu.memory_space<vmem>>
        %dma_start3A_710 = tpu.memref_squeeze %dma_start3A_709 : memref<1x40xi32, #tpu.memory_space<vmem>> -> memref<40xi32, #tpu.memory_space<vmem>>
        %dma_start3A_711 = arith.constant 0 : i32
        %dma_start3A_712 = arith.constant 0 : i32
        %dma_start3A_713 = tpu.memref_slice %arg10[%dma_start3A_711, %dma_start3A_712] : memref<10000x16xf32, #tpu.memory_space<vmem_shared>> -> memref<10000x16xf32, #tpu.memory_space<vmem_shared>>
        tpu.enqueue_indirect_dma source(%dma_start3A_707 : memref<40x16xf32, #tpu.memory_space<vmem>>) target(%dma_start3A_713 : memref<10000x16xf32, #tpu.memory_space<vmem_shared>>) offsets(%dma_start3A_710 : memref<40xi32, #tpu.memory_space<vmem>>) semaphore(%arg12 : memref<!tpu.dma_semaphore, #tpu.memory_space<semaphore_mem>>) {add = true}
        %dma_start3A_714 = arith.constant 0 : i32
        %dma_start3A_715 = tpu.memref_slice %arg7[%add3A_686, %dma_start3A_714] : memref<125x40xi32, #tpu.memory_space<vmem>> -> memref<1x40xi32, #tpu.memory_space<vmem>>
        %dma_start3A_716 = tpu.memref_squeeze %dma_start3A_715 : memref<1x40xi32, #tpu.memory_space<vmem>> -> memref<40xi32, #tpu.memory_space<vmem>>
        %dma_start3A_717 = arith.constant 0 : i32
        %dma_start3A_718 = arith.constant 0 : i32
        %dma_start3A_719 = tpu.memref_slice %arg11[%dma_start3A_717, %dma_start3A_718] : memref<10000x16xf32, #tpu.memory_space<vmem_shared>> -> memref<10000x16xf32, #tpu.memory_space<vmem_shared>>
        tpu.enqueue_indirect_dma source(%arg9 : memref<40x16xf32, #tpu.memory_space<vmem>>) target(%dma_start3A_719 : memref<10000x16xf32, #tpu.memory_space<vmem_shared>>) offsets(%dma_start3A_716 : memref<40xi32, #tpu.memory_space<vmem>>) semaphore(%arg12 : memref<!tpu.dma_semaphore, #tpu.memory_space<semaphore_mem>>) {add = true}
      } else {
      }
      %mul3A_689 = arith.constant 40 : i32
      %mul3A_690 = arith.muli %scan3A_684, %mul3A_689 : i32
      %dma_wait3A = arith.constant 0 : i32
      %dma_wait3A_691 = tpu.memref_slice %arg8[%mul3A_690, %dma_wait3A] : memref<5000x16xf32, #tpu.memory_space<vmem>> -> memref<40x16xf32, #tpu.memory_space<vmem>>
      %dma_wait3A_692 = arith.constant 0 : i32
      %dma_wait3A_693 = tpu.memref_slice %arg7[%scan3A_684, %dma_wait3A_692] : memref<125x40xi32, #tpu.memory_space<vmem>> -> memref<1x40xi32, #tpu.memory_space<vmem>>
      %dma_wait3A_694 = tpu.memref_squeeze %dma_wait3A_693 : memref<1x40xi32, #tpu.memory_space<vmem>> -> memref<40xi32, #tpu.memory_space<vmem>>
      %dma_wait3A_695 = arith.constant 0 : i32
      %dma_wait3A_696 = arith.constant 0 : i32
      %dma_wait3A_697 = tpu.memref_slice %arg10[%dma_wait3A_695, %dma_wait3A_696] : memref<10000x16xf32, #tpu.memory_space<vmem_shared>> -> memref<10000x16xf32, #tpu.memory_space<vmem_shared>>
      tpu.wait_indirect_dma semaphore(%arg12 : memref<!tpu.dma_semaphore, #tpu.memory_space<semaphore_mem>>) src(%dma_wait3A_691 : memref<40x16xf32, #tpu.memory_space<vmem>>) dst(%dma_wait3A_697 : memref<10000x16xf32, #tpu.memory_space<vmem_shared>>)
      %dma_wait3A_698 = arith.constant 0 : i32
      %dma_wait3A_699 = tpu.memref_slice %arg7[%scan3A_684, %dma_wait3A_698] : memref<125x40xi32, #tpu.memory_space<vmem>> -> memref<1x40xi32, #tpu.memory_space<vmem>>
      %dma_wait3A_700 = tpu.memref_squeeze %dma_wait3A_699 : memref<1x40xi32, #tpu.memory_space<vmem>> -> memref<40xi32, #tpu.memory_space<vmem>>
      %dma_wait3A_701 = arith.constant 0 : i32
      %dma_wait3A_702 = arith.constant 0 : i32
      %dma_wait3A_703 = tpu.memref_slice %arg11[%dma_wait3A_701, %dma_wait3A_702] : memref<10000x16xf32, #tpu.memory_space<vmem_shared>> -> memref<10000x16xf32, #tpu.memory_space<vmem_shared>>
      tpu.wait_indirect_dma semaphore(%arg12 : memref<!tpu.dma_semaphore, #tpu.memory_space<semaphore_mem>>) src(%arg9 : memref<40x16xf32, #tpu.memory_space<vmem>>) dst(%dma_wait3A_703 : memref<10000x16xf32, #tpu.memory_space<vmem_shared>>)
    }
    %scan3A_674 = arith.constant 125 : i32
    %barrier3A_675 = arith.constant 0 : index
    tpu.barrier barrier_id(%barrier3A_675)
    %mul3A_676 = arith.constant 625 : i32
    %mul3A_677 = arith.muli %arg1, %mul3A_676 : i32
    %mul3A_678 = arith.constant 625 : i32
    %mul3A_679 = arith.muli %arg1, %mul3A_678 : i32
    "tpu.region"() ({
      %run_scoped3A = tpu.sem_alloc : memref<!tpu.dma_semaphore, #tpu.memory_space<semaphore_mem>>
      %dma_start3A_684 = arith.constant 0 : i32
      %dma_start3A_685 = tpu.memref_slice %arg5[%arg0, %mul3A_679, %dma_start3A_684] : memref<2x10000x16xf32, #tpu.memory_space<hbm>> -> memref<1x625x16xf32, #tpu.memory_space<hbm>>
      %dma_start3A_686 = tpu.memref_squeeze %dma_start3A_685 : memref<1x625x16xf32, #tpu.memory_space<hbm>> -> memref<625x16xf32, #tpu.memory_space<hbm>>
      %dma_start3A_687 = arith.constant 0 : i32
      %dma_start3A_688 = tpu.memref_slice %arg10[%mul3A_677, %dma_start3A_687] : memref<10000x16xf32, #tpu.memory_space<vmem_shared>> -> memref<625x16xf32, #tpu.memory_space<vmem_shared>>
      tpu.enqueue_dma source(%dma_start3A_688 : memref<625x16xf32, #tpu.memory_space<vmem_shared>>) target(%dma_start3A_686 : memref<625x16xf32, #tpu.memory_space<hbm>>) target_semaphore(%run_scoped3A : memref<!tpu.dma_semaphore, #tpu.memory_space<semaphore_mem>>)
      %dma_wait3A = arith.constant 0 : i32
      %dma_wait3A_689 = tpu.memref_slice %arg5[%arg0, %mul3A_679, %dma_wait3A] : memref<2x10000x16xf32, #tpu.memory_space<hbm>> -> memref<1x625x16xf32, #tpu.memory_space<hbm>>
      %dma_wait3A_690 = tpu.memref_squeeze %dma_wait3A_689 : memref<1x625x16xf32, #tpu.memory_space<hbm>> -> memref<625x16xf32, #tpu.memory_space<hbm>>
      %dma_wait3A_691 = arith.constant 0 : i32
      %dma_wait3A_692 = tpu.memref_slice %arg10[%mul3A_677, %dma_wait3A_691] : memref<10000x16xf32, #tpu.memory_space<vmem_shared>> -> memref<625x16xf32, #tpu.memory_space<vmem_shared>>
      tpu.wait_dma2 semaphore(%run_scoped3A : memref<!tpu.dma_semaphore, #tpu.memory_space<semaphore_mem>>) src(%dma_wait3A_692 : memref<625x16xf32, #tpu.memory_space<vmem_shared>>) dst(%dma_wait3A_690 : memref<625x16xf32, #tpu.memory_space<hbm>>)
      tpu.yield
    }) : () -> ()
    %mul3A_680 = arith.constant 625 : i32
    %mul3A_681 = arith.muli %arg1, %mul3A_680 : i32
    %mul3A_682 = arith.constant 625 : i32
    %mul3A_683 = arith.muli %arg1, %mul3A_682 : i32
    "tpu.region"() ({
      %run_scoped3A = tpu.sem_alloc : memref<!tpu.dma_semaphore, #tpu.memory_space<semaphore_mem>>
      %dma_start3A_684 = arith.constant 0 : i32
      %dma_start3A_685 = tpu.memref_slice %arg6[%arg0, %mul3A_683, %dma_start3A_684] : memref<2x10000x16xf32, #tpu.memory_space<hbm>> -> memref<1x625x16xf32, #tpu.memory_space<hbm>>
      %dma_start3A_686 = tpu.memref_squeeze %dma_start3A_685 : memref<1x625x16xf32, #tpu.memory_space<hbm>> -> memref<625x16xf32, #tpu.memory_space<hbm>>
      %dma_start3A_687 = arith.constant 0 : i32
      %dma_start3A_688 = tpu.memref_slice %arg11[%mul3A_681, %dma_start3A_687] : memref<10000x16xf32, #tpu.memory_space<vmem_shared>> -> memref<625x16xf32, #tpu.memory_space<vmem_shared>>
      tpu.enqueue_dma source(%dma_start3A_688 : memref<625x16xf32, #tpu.memory_space<vmem_shared>>) target(%dma_start3A_686 : memref<625x16xf32, #tpu.memory_space<hbm>>) target_semaphore(%run_scoped3A : memref<!tpu.dma_semaphore, #tpu.memory_space<semaphore_mem>>)
      %dma_wait3A = arith.constant 0 : i32
      %dma_wait3A_689 = tpu.memref_slice %arg6[%arg0, %mul3A_683, %dma_wait3A] : memref<2x10000x16xf32, #tpu.memory_space<hbm>> -> memref<1x625x16xf32, #tpu.memory_space<hbm>>
      %dma_wait3A_690 = tpu.memref_squeeze %dma_wait3A_689 : memref<1x625x16xf32, #tpu.memory_space<hbm>> -> memref<625x16xf32, #tpu.memory_space<hbm>>
      %dma_wait3A_691 = arith.constant 0 : i32
      %dma_wait3A_692 = tpu.memref_slice %arg11[%mul3A_681, %dma_wait3A_691] : memref<10000x16xf32, #tpu.memory_space<vmem_shared>> -> memref<625x16xf32, #tpu.memory_space<vmem_shared>>
      tpu.wait_dma2 semaphore(%run_scoped3A : memref<!tpu.dma_semaphore, #tpu.memory_space<semaphore_mem>>) src(%dma_wait3A_692 : memref<625x16xf32, #tpu.memory_space<vmem_shared>>) dst(%dma_wait3A_690 : memref<625x16xf32, #tpu.memory_space<hbm>>)
      tpu.yield
    }) : () -> ()
    return
  }
}

#map = affine_map<(d0, d1) -> (0, 0)>
module attributes {stable_mosaic.version = 14 : i64} {
  func.func @_sc_gather(%arg0: i32, %arg1: i32, %arg2: memref<10000x16xf32, #tpu.memory_space<hbm>>, %arg3: memref<4000x40xi32, #tpu.memory_space<hbm>>, %arg4: memref<160000x16xf32, #tpu.memory_space<hbm>>, %arg5: memref<125x40xi32, #tpu.memory_space<vmem>>, %arg6: memref<5000x16xf32, #tpu.memory_space<vmem>>, %arg7: memref<!tpu.dma_semaphore, #tpu.memory_space<semaphore_mem>>) attributes {dimension_semantics = [#tpu.dimension_semantics<core_parallel>, #tpu.dimension_semantics<subcore_parallel>], iteration_bounds = array<i64: 2, 16>, scalar_prefetch = 0 : i64, scratch_operands = 3 : i64, tpu.core_type = #tpu.core_type<sc_vector_subcore>, window_params = [{transform_indices = #map}, {transform_indices = #map}, {transform_indices = #map}]} {
    %mul3A = arith.constant 2 : i32
    %mul3A_0 = arith.muli %arg1, %mul3A : i32
    %add3A = arith.addi %mul3A_0, %arg0 : i32
    %mul3A_1 = arith.constant 125 : i32
    %mul3A_2 = arith.muli %add3A, %mul3A_1 : i32
    "tpu.region"() ({
      %run_scoped3A = tpu.sem_alloc : memref<!tpu.dma_semaphore, #tpu.memory_space<semaphore_mem>>
      %dma_start3A_209 = arith.constant 0 : i32
      %dma_start3A_210 = tpu.memref_slice %arg3[%mul3A_2, %dma_start3A_209] : memref<4000x40xi32, #tpu.memory_space<hbm>> -> memref<125x40xi32, #tpu.memory_space<hbm>>
      %dma_start3A_211 = arith.constant 0 : i32
      %dma_start3A_212 = tpu.memref_slice %arg3[%mul3A_2, %dma_start3A_211] : memref<4000x40xi32, #tpu.memory_space<hbm>> -> memref<125x40xi32, #tpu.memory_space<hbm>>
      tpu.enqueue_dma source(%dma_start3A_212 : memref<125x40xi32, #tpu.memory_space<hbm>>) target(%arg5 : memref<125x40xi32, #tpu.memory_space<vmem>>) target_semaphore(%run_scoped3A : memref<!tpu.dma_semaphore, #tpu.memory_space<semaphore_mem>>)
      %dma_wait3A = arith.constant 0 : i32
      %dma_wait3A_213 = tpu.memref_slice %arg3[%mul3A_2, %dma_wait3A] : memref<4000x40xi32, #tpu.memory_space<hbm>> -> memref<125x40xi32, #tpu.memory_space<hbm>>
      %dma_wait3A_214 = arith.constant 0 : i32
      %dma_wait3A_215 = tpu.memref_slice %arg3[%mul3A_2, %dma_wait3A_214] : memref<4000x40xi32, #tpu.memory_space<hbm>> -> memref<125x40xi32, #tpu.memory_space<hbm>>
      tpu.wait_dma2 semaphore(%run_scoped3A : memref<!tpu.dma_semaphore, #tpu.memory_space<semaphore_mem>>) src(%dma_wait3A_215 : memref<125x40xi32, #tpu.memory_space<hbm>>) dst(%arg5 : memref<125x40xi32, #tpu.memory_space<vmem>>)
      tpu.yield
    }) : () -> ()
    %dma_start3A = arith.constant 0 : i32
    %dma_start3A_3 = arith.constant 0 : i32
    %dma_start3A_4 = arith.constant 0 : i32
    %dma_start3A_5 = tpu.memref_slice %arg6[%dma_start3A_3, %dma_start3A_4] : memref<5000x16xf32, #tpu.memory_space<vmem>> -> memref<40x16xf32, #tpu.memory_space<vmem>>
    %dma_start3A_6 = arith.constant 0 : i32
    %dma_start3A_7 = tpu.memref_slice %arg5[%dma_start3A, %dma_start3A_6] : memref<125x40xi32, #tpu.memory_space<vmem>> -> memref<1x40xi32, #tpu.memory_space<vmem>>
    %dma_start3A_8 = tpu.memref_squeeze %dma_start3A_7 : memref<1x40xi32, #tpu.memory_space<vmem>> -> memref<40xi32, #tpu.memory_space<vmem>>
    %dma_start3A_9 = arith.constant 0 : i32
    %dma_start3A_10 = arith.constant 0 : i32
    %dma_start3A_11 = tpu.memref_slice %arg2[%dma_start3A_9, %dma_start3A_10] : memref<10000x16xf32, #tpu.memory_space<hbm>> -> memref<10000x16xf32, #tpu.memory_space<hbm>>
    tpu.enqueue_indirect_dma source(%dma_start3A_11 : memref<10000x16xf32, #tpu.memory_space<hbm>>) target(%dma_start3A_5 : memref<40x16xf32, #tpu.memory_space<vmem>>) offsets(%dma_start3A_8 : memref<40xi32, #tpu.memory_space<vmem>>) semaphore(%arg7 : memref<!tpu.dma_semaphore, #tpu.memory_space<semaphore_mem>>)
    %dma_start3A_12 = arith.constant 1 : i32
    %dma_start3A_13 = arith.constant 40 : i32
    %dma_start3A_14 = arith.constant 0 : i32
    %dma_start3A_15 = tpu.memref_slice %arg6[%dma_start3A_13, %dma_start3A_14] : memref<5000x16xf32, #tpu.memory_space<vmem>> -> memref<40x16xf32, #tpu.memory_space<vmem>>
    %dma_start3A_16 = arith.constant 0 : i32
    %dma_start3A_17 = tpu.memref_slice %arg5[%dma_start3A_12, %dma_start3A_16] : memref<125x40xi32, #tpu.memory_space<vmem>> -> memref<1x40xi32, #tpu.memory_space<vmem>>
    %dma_start3A_18 = tpu.memref_squeeze %dma_start3A_17 : memref<1x40xi32, #tpu.memory_space<vmem>> -> memref<40xi32, #tpu.memory_space<vmem>>
    %dma_start3A_19 = arith.constant 0 : i32
    %dma_start3A_20 = arith.constant 0 : i32
    %dma_start3A_21 = tpu.memref_slice %arg2[%dma_start3A_19, %dma_start3A_20] : memref<10000x16xf32, #tpu.memory_space<hbm>> -> memref<10000x16xf32, #tpu.memory_space<hbm>>
    tpu.enqueue_indirect_dma source(%dma_start3A_21 : memref<10000x16xf32, #tpu.memory_space<hbm>>) target(%dma_start3A_15 : memref<40x16xf32, #tpu.memory_space<vmem>>) offsets(%dma_start3A_18 : memref<40xi32, #tpu.memory_space<vmem>>) semaphore(%arg7 : memref<!tpu.dma_semaphore, #tpu.memory_space<semaphore_mem>>)
    %dma_start3A_22 = arith.constant 2 : i32
    %dma_start3A_23 = arith.constant 80 : i32
    %dma_start3A_24 = arith.constant 0 : i32
    %dma_start3A_25 = tpu.memref_slice %arg6[%dma_start3A_23, %dma_start3A_24] : memref<5000x16xf32, #tpu.memory_space<vmem>> -> memref<40x16xf32, #tpu.memory_space<vmem>>
    %dma_start3A_26 = arith.constant 0 : i32
    %dma_start3A_27 = tpu.memref_slice %arg5[%dma_start3A_22, %dma_start3A_26] : memref<125x40xi32, #tpu.memory_space<vmem>> -> memref<1x40xi32, #tpu.memory_space<vmem>>
    %dma_start3A_28 = tpu.memref_squeeze %dma_start3A_27 : memref<1x40xi32, #tpu.memory_space<vmem>> -> memref<40xi32, #tpu.memory_space<vmem>>
    %dma_start3A_29 = arith.constant 0 : i32
    %dma_start3A_30 = arith.constant 0 : i32
    %dma_start3A_31 = tpu.memref_slice %arg2[%dma_start3A_29, %dma_start3A_30] : memref<10000x16xf32, #tpu.memory_space<hbm>> -> memref<10000x16xf32, #tpu.memory_space<hbm>>
    tpu.enqueue_indirect_dma source(%dma_start3A_31 : memref<10000x16xf32, #tpu.memory_space<hbm>>) target(%dma_start3A_25 : memref<40x16xf32, #tpu.memory_space<vmem>>) offsets(%dma_start3A_28 : memref<40xi32, #tpu.memory_space<vmem>>) semaphore(%arg7 : memref<!tpu.dma_semaphore, #tpu.memory_space<semaphore_mem>>)
    %dma_start3A_32 = arith.constant 3 : i32
    %dma_start3A_33 = arith.constant 120 : i32
    %dma_start3A_34 = arith.constant 0 : i32
    %dma_start3A_35 = tpu.memref_slice %arg6[%dma_start3A_33, %dma_start3A_34] : memref<5000x16xf32, #tpu.memory_space<vmem>> -> memref<40x16xf32, #tpu.memory_space<vmem>>
    %dma_start3A_36 = arith.constant 0 : i32
    %dma_start3A_37 = tpu.memref_slice %arg5[%dma_start3A_32, %dma_start3A_36] : memref<125x40xi32, #tpu.memory_space<vmem>> -> memref<1x40xi32, #tpu.memory_space<vmem>>
    %dma_start3A_38 = tpu.memref_squeeze %dma_start3A_37 : memref<1x40xi32, #tpu.memory_space<vmem>> -> memref<40xi32, #tpu.memory_space<vmem>>
    %dma_start3A_39 = arith.constant 0 : i32
    %dma_start3A_40 = arith.constant 0 : i32
    %dma_start3A_41 = tpu.memref_slice %arg2[%dma_start3A_39, %dma_start3A_40] : memref<10000x16xf32, #tpu.memory_space<hbm>> -> memref<10000x16xf32, #tpu.memory_space<hbm>>
    tpu.enqueue_indirect_dma source(%dma_start3A_41 : memref<10000x16xf32, #tpu.memory_space<hbm>>) target(%dma_start3A_35 : memref<40x16xf32, #tpu.memory_space<vmem>>) offsets(%dma_start3A_38 : memref<40xi32, #tpu.memory_space<vmem>>) semaphore(%arg7 : memref<!tpu.dma_semaphore, #tpu.memory_space<semaphore_mem>>)
    %dma_start3A_42 = arith.constant 4 : i32
    %dma_start3A_43 = arith.constant 160 : i32
    %dma_start3A_44 = arith.constant 0 : i32
    %dma_start3A_45 = tpu.memref_slice %arg6[%dma_start3A_43, %dma_start3A_44] : memref<5000x16xf32, #tpu.memory_space<vmem>> -> memref<40x16xf32, #tpu.memory_space<vmem>>
    %dma_start3A_46 = arith.constant 0 : i32
    %dma_start3A_47 = tpu.memref_slice %arg5[%dma_start3A_42, %dma_start3A_46] : memref<125x40xi32, #tpu.memory_space<vmem>> -> memref<1x40xi32, #tpu.memory_space<vmem>>
    %dma_start3A_48 = tpu.memref_squeeze %dma_start3A_47 : memref<1x40xi32, #tpu.memory_space<vmem>> -> memref<40xi32, #tpu.memory_space<vmem>>
    %dma_start3A_49 = arith.constant 0 : i32
    %dma_start3A_50 = arith.constant 0 : i32
    %dma_start3A_51 = tpu.memref_slice %arg2[%dma_start3A_49, %dma_start3A_50] : memref<10000x16xf32, #tpu.memory_space<hbm>> -> memref<10000x16xf32, #tpu.memory_space<hbm>>
    tpu.enqueue_indirect_dma source(%dma_start3A_51 : memref<10000x16xf32, #tpu.memory_space<hbm>>) target(%dma_start3A_45 : memref<40x16xf32, #tpu.memory_space<vmem>>) offsets(%dma_start3A_48 : memref<40xi32, #tpu.memory_space<vmem>>) semaphore(%arg7 : memref<!tpu.dma_semaphore, #tpu.memory_space<semaphore_mem>>)
    %dma_start3A_52 = arith.constant 5 : i32
    %dma_start3A_53 = arith.constant 200 : i32
    %dma_start3A_54 = arith.constant 0 : i32
    %dma_start3A_55 = tpu.memref_slice %arg6[%dma_start3A_53, %dma_start3A_54] : memref<5000x16xf32, #tpu.memory_space<vmem>> -> memref<40x16xf32, #tpu.memory_space<vmem>>
    %dma_start3A_56 = arith.constant 0 : i32
    %dma_start3A_57 = tpu.memref_slice %arg5[%dma_start3A_52, %dma_start3A_56] : memref<125x40xi32, #tpu.memory_space<vmem>> -> memref<1x40xi32, #tpu.memory_space<vmem>>
    %dma_start3A_58 = tpu.memref_squeeze %dma_start3A_57 : memref<1x40xi32, #tpu.memory_space<vmem>> -> memref<40xi32, #tpu.memory_space<vmem>>
    %dma_start3A_59 = arith.constant 0 : i32
    %dma_start3A_60 = arith.constant 0 : i32
    %dma_start3A_61 = tpu.memref_slice %arg2[%dma_start3A_59, %dma_start3A_60] : memref<10000x16xf32, #tpu.memory_space<hbm>> -> memref<10000x16xf32, #tpu.memory_space<hbm>>
    tpu.enqueue_indirect_dma source(%dma_start3A_61 : memref<10000x16xf32, #tpu.memory_space<hbm>>) target(%dma_start3A_55 : memref<40x16xf32, #tpu.memory_space<vmem>>) offsets(%dma_start3A_58 : memref<40xi32, #tpu.memory_space<vmem>>) semaphore(%arg7 : memref<!tpu.dma_semaphore, #tpu.memory_space<semaphore_mem>>)
    %dma_start3A_62 = arith.constant 6 : i32
    %dma_start3A_63 = arith.constant 240 : i32
    %dma_start3A_64 = arith.constant 0 : i32
    %dma_start3A_65 = tpu.memref_slice %arg6[%dma_start3A_63, %dma_start3A_64] : memref<5000x16xf32, #tpu.memory_space<vmem>> -> memref<40x16xf32, #tpu.memory_space<vmem>>
    %dma_start3A_66 = arith.constant 0 : i32
    %dma_start3A_67 = tpu.memref_slice %arg5[%dma_start3A_62, %dma_start3A_66] : memref<125x40xi32, #tpu.memory_space<vmem>> -> memref<1x40xi32, #tpu.memory_space<vmem>>
    %dma_start3A_68 = tpu.memref_squeeze %dma_start3A_67 : memref<1x40xi32, #tpu.memory_space<vmem>> -> memref<40xi32, #tpu.memory_space<vmem>>
    %dma_start3A_69 = arith.constant 0 : i32
    %dma_start3A_70 = arith.constant 0 : i32
    %dma_start3A_71 = tpu.memref_slice %arg2[%dma_start3A_69, %dma_start3A_70] : memref<10000x16xf32, #tpu.memory_space<hbm>> -> memref<10000x16xf32, #tpu.memory_space<hbm>>
    tpu.enqueue_indirect_dma source(%dma_start3A_71 : memref<10000x16xf32, #tpu.memory_space<hbm>>) target(%dma_start3A_65 : memref<40x16xf32, #tpu.memory_space<vmem>>) offsets(%dma_start3A_68 : memref<40xi32, #tpu.memory_space<vmem>>) semaphore(%arg7 : memref<!tpu.dma_semaphore, #tpu.memory_space<semaphore_mem>>)
    %dma_start3A_72 = arith.constant 7 : i32
    %dma_start3A_73 = arith.constant 280 : i32
    %dma_start3A_74 = arith.constant 0 : i32
    %dma_start3A_75 = tpu.memref_slice %arg6[%dma_start3A_73, %dma_start3A_74] : memref<5000x16xf32, #tpu.memory_space<vmem>> -> memref<40x16xf32, #tpu.memory_space<vmem>>
    %dma_start3A_76 = arith.constant 0 : i32
    %dma_start3A_77 = tpu.memref_slice %arg5[%dma_start3A_72, %dma_start3A_76] : memref<125x40xi32, #tpu.memory_space<vmem>> -> memref<1x40xi32, #tpu.memory_space<vmem>>
    %dma_start3A_78 = tpu.memref_squeeze %dma_start3A_77 : memref<1x40xi32, #tpu.memory_space<vmem>> -> memref<40xi32, #tpu.memory_space<vmem>>
    %dma_start3A_79 = arith.constant 0 : i32
    %dma_start3A_80 = arith.constant 0 : i32
    %dma_start3A_81 = tpu.memref_slice %arg2[%dma_start3A_79, %dma_start3A_80] : memref<10000x16xf32, #tpu.memory_space<hbm>> -> memref<10000x16xf32, #tpu.memory_space<hbm>>
    tpu.enqueue_indirect_dma source(%dma_start3A_81 : memref<10000x16xf32, #tpu.memory_space<hbm>>) target(%dma_start3A_75 : memref<40x16xf32, #tpu.memory_space<vmem>>) offsets(%dma_start3A_78 : memref<40xi32, #tpu.memory_space<vmem>>) semaphore(%arg7 : memref<!tpu.dma_semaphore, #tpu.memory_space<semaphore_mem>>)
    %dma_start3A_82 = arith.constant 8 : i32
    %dma_start3A_83 = arith.constant 320 : i32
    %dma_start3A_84 = arith.constant 0 : i32
    %dma_start3A_85 = tpu.memref_slice %arg6[%dma_start3A_83, %dma_start3A_84] : memref<5000x16xf32, #tpu.memory_space<vmem>> -> memref<40x16xf32, #tpu.memory_space<vmem>>
    %dma_start3A_86 = arith.constant 0 : i32
    %dma_start3A_87 = tpu.memref_slice %arg5[%dma_start3A_82, %dma_start3A_86] : memref<125x40xi32, #tpu.memory_space<vmem>> -> memref<1x40xi32, #tpu.memory_space<vmem>>
    %dma_start3A_88 = tpu.memref_squeeze %dma_start3A_87 : memref<1x40xi32, #tpu.memory_space<vmem>> -> memref<40xi32, #tpu.memory_space<vmem>>
    %dma_start3A_89 = arith.constant 0 : i32
    %dma_start3A_90 = arith.constant 0 : i32
    %dma_start3A_91 = tpu.memref_slice %arg2[%dma_start3A_89, %dma_start3A_90] : memref<10000x16xf32, #tpu.memory_space<hbm>> -> memref<10000x16xf32, #tpu.memory_space<hbm>>
    tpu.enqueue_indirect_dma source(%dma_start3A_91 : memref<10000x16xf32, #tpu.memory_space<hbm>>) target(%dma_start3A_85 : memref<40x16xf32, #tpu.memory_space<vmem>>) offsets(%dma_start3A_88 : memref<40xi32, #tpu.memory_space<vmem>>) semaphore(%arg7 : memref<!tpu.dma_semaphore, #tpu.memory_space<semaphore_mem>>)
    %dma_start3A_92 = arith.constant 9 : i32
    %dma_start3A_93 = arith.constant 360 : i32
    %dma_start3A_94 = arith.constant 0 : i32
    %dma_start3A_95 = tpu.memref_slice %arg6[%dma_start3A_93, %dma_start3A_94] : memref<5000x16xf32, #tpu.memory_space<vmem>> -> memref<40x16xf32, #tpu.memory_space<vmem>>
    %dma_start3A_96 = arith.constant 0 : i32
    %dma_start3A_97 = tpu.memref_slice %arg5[%dma_start3A_92, %dma_start3A_96] : memref<125x40xi32, #tpu.memory_space<vmem>> -> memref<1x40xi32, #tpu.memory_space<vmem>>
    %dma_start3A_98 = tpu.memref_squeeze %dma_start3A_97 : memref<1x40xi32, #tpu.memory_space<vmem>> -> memref<40xi32, #tpu.memory_space<vmem>>
    %dma_start3A_99 = arith.constant 0 : i32
    %dma_start3A_100 = arith.constant 0 : i32
    %dma_start3A_101 = tpu.memref_slice %arg2[%dma_start3A_99, %dma_start3A_100] : memref<10000x16xf32, #tpu.memory_space<hbm>> -> memref<10000x16xf32, #tpu.memory_space<hbm>>
    tpu.enqueue_indirect_dma source(%dma_start3A_101 : memref<10000x16xf32, #tpu.memory_space<hbm>>) target(%dma_start3A_95 : memref<40x16xf32, #tpu.memory_space<vmem>>) offsets(%dma_start3A_98 : memref<40xi32, #tpu.memory_space<vmem>>) semaphore(%arg7 : memref<!tpu.dma_semaphore, #tpu.memory_space<semaphore_mem>>)
    %dma_start3A_102 = arith.constant 10 : i32
    %dma_start3A_103 = arith.constant 400 : i32
    %dma_start3A_104 = arith.constant 0 : i32
    %dma_start3A_105 = tpu.memref_slice %arg6[%dma_start3A_103, %dma_start3A_104] : memref<5000x16xf32, #tpu.memory_space<vmem>> -> memref<40x16xf32, #tpu.memory_space<vmem>>
    %dma_start3A_106 = arith.constant 0 : i32
    %dma_start3A_107 = tpu.memref_slice %arg5[%dma_start3A_102, %dma_start3A_106] : memref<125x40xi32, #tpu.memory_space<vmem>> -> memref<1x40xi32, #tpu.memory_space<vmem>>
    %dma_start3A_108 = tpu.memref_squeeze %dma_start3A_107 : memref<1x40xi32, #tpu.memory_space<vmem>> -> memref<40xi32, #tpu.memory_space<vmem>>
    %dma_start3A_109 = arith.constant 0 : i32
    %dma_start3A_110 = arith.constant 0 : i32
    %dma_start3A_111 = tpu.memref_slice %arg2[%dma_start3A_109, %dma_start3A_110] : memref<10000x16xf32, #tpu.memory_space<hbm>> -> memref<10000x16xf32, #tpu.memory_space<hbm>>
    tpu.enqueue_indirect_dma source(%dma_start3A_111 : memref<10000x16xf32, #tpu.memory_space<hbm>>) target(%dma_start3A_105 : memref<40x16xf32, #tpu.memory_space<vmem>>) offsets(%dma_start3A_108 : memref<40xi32, #tpu.memory_space<vmem>>) semaphore(%arg7 : memref<!tpu.dma_semaphore, #tpu.memory_space<semaphore_mem>>)
    %dma_start3A_112 = arith.constant 11 : i32
    %dma_start3A_113 = arith.constant 440 : i32
    %dma_start3A_114 = arith.constant 0 : i32
    %dma_start3A_115 = tpu.memref_slice %arg6[%dma_start3A_113, %dma_start3A_114] : memref<5000x16xf32, #tpu.memory_space<vmem>> -> memref<40x16xf32, #tpu.memory_space<vmem>>
    %dma_start3A_116 = arith.constant 0 : i32
    %dma_start3A_117 = tpu.memref_slice %arg5[%dma_start3A_112, %dma_start3A_116] : memref<125x40xi32, #tpu.memory_space<vmem>> -> memref<1x40xi32, #tpu.memory_space<vmem>>
    %dma_start3A_118 = tpu.memref_squeeze %dma_start3A_117 : memref<1x40xi32, #tpu.memory_space<vmem>> -> memref<40xi32, #tpu.memory_space<vmem>>
    %dma_start3A_119 = arith.constant 0 : i32
    %dma_start3A_120 = arith.constant 0 : i32
    %dma_start3A_121 = tpu.memref_slice %arg2[%dma_start3A_119, %dma_start3A_120] : memref<10000x16xf32, #tpu.memory_space<hbm>> -> memref<10000x16xf32, #tpu.memory_space<hbm>>
    tpu.enqueue_indirect_dma source(%dma_start3A_121 : memref<10000x16xf32, #tpu.memory_space<hbm>>) target(%dma_start3A_115 : memref<40x16xf32, #tpu.memory_space<vmem>>) offsets(%dma_start3A_118 : memref<40xi32, #tpu.memory_space<vmem>>) semaphore(%arg7 : memref<!tpu.dma_semaphore, #tpu.memory_space<semaphore_mem>>)
    %dma_start3A_122 = arith.constant 12 : i32
    %dma_start3A_123 = arith.constant 480 : i32
    %dma_start3A_124 = arith.constant 0 : i32
    %dma_start3A_125 = tpu.memref_slice %arg6[%dma_start3A_123, %dma_start3A_124] : memref<5000x16xf32, #tpu.memory_space<vmem>> -> memref<40x16xf32, #tpu.memory_space<vmem>>
    %dma_start3A_126 = arith.constant 0 : i32
    %dma_start3A_127 = tpu.memref_slice %arg5[%dma_start3A_122, %dma_start3A_126] : memref<125x40xi32, #tpu.memory_space<vmem>> -> memref<1x40xi32, #tpu.memory_space<vmem>>
    %dma_start3A_128 = tpu.memref_squeeze %dma_start3A_127 : memref<1x40xi32, #tpu.memory_space<vmem>> -> memref<40xi32, #tpu.memory_space<vmem>>
    %dma_start3A_129 = arith.constant 0 : i32
    %dma_start3A_130 = arith.constant 0 : i32
    %dma_start3A_131 = tpu.memref_slice %arg2[%dma_start3A_129, %dma_start3A_130] : memref<10000x16xf32, #tpu.memory_space<hbm>> -> memref<10000x16xf32, #tpu.memory_space<hbm>>
    tpu.enqueue_indirect_dma source(%dma_start3A_131 : memref<10000x16xf32, #tpu.memory_space<hbm>>) target(%dma_start3A_125 : memref<40x16xf32, #tpu.memory_space<vmem>>) offsets(%dma_start3A_128 : memref<40xi32, #tpu.memory_space<vmem>>) semaphore(%arg7 : memref<!tpu.dma_semaphore, #tpu.memory_space<semaphore_mem>>)
    %dma_start3A_132 = arith.constant 13 : i32
    %dma_start3A_133 = arith.constant 520 : i32
    %dma_start3A_134 = arith.constant 0 : i32
    %dma_start3A_135 = tpu.memref_slice %arg6[%dma_start3A_133, %dma_start3A_134] : memref<5000x16xf32, #tpu.memory_space<vmem>> -> memref<40x16xf32, #tpu.memory_space<vmem>>
    %dma_start3A_136 = arith.constant 0 : i32
    %dma_start3A_137 = tpu.memref_slice %arg5[%dma_start3A_132, %dma_start3A_136] : memref<125x40xi32, #tpu.memory_space<vmem>> -> memref<1x40xi32, #tpu.memory_space<vmem>>
    %dma_start3A_138 = tpu.memref_squeeze %dma_start3A_137 : memref<1x40xi32, #tpu.memory_space<vmem>> -> memref<40xi32, #tpu.memory_space<vmem>>
    %dma_start3A_139 = arith.constant 0 : i32
    %dma_start3A_140 = arith.constant 0 : i32
    %dma_start3A_141 = tpu.memref_slice %arg2[%dma_start3A_139, %dma_start3A_140] : memref<10000x16xf32, #tpu.memory_space<hbm>> -> memref<10000x16xf32, #tpu.memory_space<hbm>>
    tpu.enqueue_indirect_dma source(%dma_start3A_141 : memref<10000x16xf32, #tpu.memory_space<hbm>>) target(%dma_start3A_135 : memref<40x16xf32, #tpu.memory_space<vmem>>) offsets(%dma_start3A_138 : memref<40xi32, #tpu.memory_space<vmem>>) semaphore(%arg7 : memref<!tpu.dma_semaphore, #tpu.memory_space<semaphore_mem>>)
    %dma_start3A_142 = arith.constant 14 : i32
    %dma_start3A_143 = arith.constant 560 : i32
    %dma_start3A_144 = arith.constant 0 : i32
    %dma_start3A_145 = tpu.memref_slice %arg6[%dma_start3A_143, %dma_start3A_144] : memref<5000x16xf32, #tpu.memory_space<vmem>> -> memref<40x16xf32, #tpu.memory_space<vmem>>
    %dma_start3A_146 = arith.constant 0 : i32
    %dma_start3A_147 = tpu.memref_slice %arg5[%dma_start3A_142, %dma_start3A_146] : memref<125x40xi32, #tpu.memory_space<vmem>> -> memref<1x40xi32, #tpu.memory_space<vmem>>
    %dma_start3A_148 = tpu.memref_squeeze %dma_start3A_147 : memref<1x40xi32, #tpu.memory_space<vmem>> -> memref<40xi32, #tpu.memory_space<vmem>>
    %dma_start3A_149 = arith.constant 0 : i32
    %dma_start3A_150 = arith.constant 0 : i32
    %dma_start3A_151 = tpu.memref_slice %arg2[%dma_start3A_149, %dma_start3A_150] : memref<10000x16xf32, #tpu.memory_space<hbm>> -> memref<10000x16xf32, #tpu.memory_space<hbm>>
    tpu.enqueue_indirect_dma source(%dma_start3A_151 : memref<10000x16xf32, #tpu.memory_space<hbm>>) target(%dma_start3A_145 : memref<40x16xf32, #tpu.memory_space<vmem>>) offsets(%dma_start3A_148 : memref<40xi32, #tpu.memory_space<vmem>>) semaphore(%arg7 : memref<!tpu.dma_semaphore, #tpu.memory_space<semaphore_mem>>)
    %dma_start3A_152 = arith.constant 15 : i32
    %dma_start3A_153 = arith.constant 600 : i32
    %dma_start3A_154 = arith.constant 0 : i32
    %dma_start3A_155 = tpu.memref_slice %arg6[%dma_start3A_153, %dma_start3A_154] : memref<5000x16xf32, #tpu.memory_space<vmem>> -> memref<40x16xf32, #tpu.memory_space<vmem>>
    %dma_start3A_156 = arith.constant 0 : i32
    %dma_start3A_157 = tpu.memref_slice %arg5[%dma_start3A_152, %dma_start3A_156] : memref<125x40xi32, #tpu.memory_space<vmem>> -> memref<1x40xi32, #tpu.memory_space<vmem>>
    %dma_start3A_158 = tpu.memref_squeeze %dma_start3A_157 : memref<1x40xi32, #tpu.memory_space<vmem>> -> memref<40xi32, #tpu.memory_space<vmem>>
    %dma_start3A_159 = arith.constant 0 : i32
    %dma_start3A_160 = arith.constant 0 : i32
    %dma_start3A_161 = tpu.memref_slice %arg2[%dma_start3A_159, %dma_start3A_160] : memref<10000x16xf32, #tpu.memory_space<hbm>> -> memref<10000x16xf32, #tpu.memory_space<hbm>>
    tpu.enqueue_indirect_dma source(%dma_start3A_161 : memref<10000x16xf32, #tpu.memory_space<hbm>>) target(%dma_start3A_155 : memref<40x16xf32, #tpu.memory_space<vmem>>) offsets(%dma_start3A_158 : memref<40xi32, #tpu.memory_space<vmem>>) semaphore(%arg7 : memref<!tpu.dma_semaphore, #tpu.memory_space<semaphore_mem>>)
    %dma_start3A_162 = arith.constant 16 : i32
    %dma_start3A_163 = arith.constant 640 : i32
    %dma_start3A_164 = arith.constant 0 : i32
    %dma_start3A_165 = tpu.memref_slice %arg6[%dma_start3A_163, %dma_start3A_164] : memref<5000x16xf32, #tpu.memory_space<vmem>> -> memref<40x16xf32, #tpu.memory_space<vmem>>
    %dma_start3A_166 = arith.constant 0 : i32
    %dma_start3A_167 = tpu.memref_slice %arg5[%dma_start3A_162, %dma_start3A_166] : memref<125x40xi32, #tpu.memory_space<vmem>> -> memref<1x40xi32, #tpu.memory_space<vmem>>
    %dma_start3A_168 = tpu.memref_squeeze %dma_start3A_167 : memref<1x40xi32, #tpu.memory_space<vmem>> -> memref<40xi32, #tpu.memory_space<vmem>>
    %dma_start3A_169 = arith.constant 0 : i32
    %dma_start3A_170 = arith.constant 0 : i32
    %dma_start3A_171 = tpu.memref_slice %arg2[%dma_start3A_169, %dma_start3A_170] : memref<10000x16xf32, #tpu.memory_space<hbm>> -> memref<10000x16xf32, #tpu.memory_space<hbm>>
    tpu.enqueue_indirect_dma source(%dma_start3A_171 : memref<10000x16xf32, #tpu.memory_space<hbm>>) target(%dma_start3A_165 : memref<40x16xf32, #tpu.memory_space<vmem>>) offsets(%dma_start3A_168 : memref<40xi32, #tpu.memory_space<vmem>>) semaphore(%arg7 : memref<!tpu.dma_semaphore, #tpu.memory_space<semaphore_mem>>)
    %dma_start3A_172 = arith.constant 17 : i32
    %dma_start3A_173 = arith.constant 680 : i32
    %dma_start3A_174 = arith.constant 0 : i32
    %dma_start3A_175 = tpu.memref_slice %arg6[%dma_start3A_173, %dma_start3A_174] : memref<5000x16xf32, #tpu.memory_space<vmem>> -> memref<40x16xf32, #tpu.memory_space<vmem>>
    %dma_start3A_176 = arith.constant 0 : i32
    %dma_start3A_177 = tpu.memref_slice %arg5[%dma_start3A_172, %dma_start3A_176] : memref<125x40xi32, #tpu.memory_space<vmem>> -> memref<1x40xi32, #tpu.memory_space<vmem>>
    %dma_start3A_178 = tpu.memref_squeeze %dma_start3A_177 : memref<1x40xi32, #tpu.memory_space<vmem>> -> memref<40xi32, #tpu.memory_space<vmem>>
    %dma_start3A_179 = arith.constant 0 : i32
    %dma_start3A_180 = arith.constant 0 : i32
    %dma_start3A_181 = tpu.memref_slice %arg2[%dma_start3A_179, %dma_start3A_180] : memref<10000x16xf32, #tpu.memory_space<hbm>> -> memref<10000x16xf32, #tpu.memory_space<hbm>>
    tpu.enqueue_indirect_dma source(%dma_start3A_181 : memref<10000x16xf32, #tpu.memory_space<hbm>>) target(%dma_start3A_175 : memref<40x16xf32, #tpu.memory_space<vmem>>) offsets(%dma_start3A_178 : memref<40xi32, #tpu.memory_space<vmem>>) semaphore(%arg7 : memref<!tpu.dma_semaphore, #tpu.memory_space<semaphore_mem>>)
    %dma_start3A_182 = arith.constant 18 : i32
    %dma_start3A_183 = arith.constant 720 : i32
    %dma_start3A_184 = arith.constant 0 : i32
    %dma_start3A_185 = tpu.memref_slice %arg6[%dma_start3A_183, %dma_start3A_184] : memref<5000x16xf32, #tpu.memory_space<vmem>> -> memref<40x16xf32, #tpu.memory_space<vmem>>
    %dma_start3A_186 = arith.constant 0 : i32
    %dma_start3A_187 = tpu.memref_slice %arg5[%dma_start3A_182, %dma_start3A_186] : memref<125x40xi32, #tpu.memory_space<vmem>> -> memref<1x40xi32, #tpu.memory_space<vmem>>
    %dma_start3A_188 = tpu.memref_squeeze %dma_start3A_187 : memref<1x40xi32, #tpu.memory_space<vmem>> -> memref<40xi32, #tpu.memory_space<vmem>>
    %dma_start3A_189 = arith.constant 0 : i32
    %dma_start3A_190 = arith.constant 0 : i32
    %dma_start3A_191 = tpu.memref_slice %arg2[%dma_start3A_189, %dma_start3A_190] : memref<10000x16xf32, #tpu.memory_space<hbm>> -> memref<10000x16xf32, #tpu.memory_space<hbm>>
    tpu.enqueue_indirect_dma source(%dma_start3A_191 : memref<10000x16xf32, #tpu.memory_space<hbm>>) target(%dma_start3A_185 : memref<40x16xf32, #tpu.memory_space<vmem>>) offsets(%dma_start3A_188 : memref<40xi32, #tpu.memory_space<vmem>>) semaphore(%arg7 : memref<!tpu.dma_semaphore, #tpu.memory_space<semaphore_mem>>)
    %dma_start3A_192 = arith.constant 19 : i32
    %dma_start3A_193 = arith.constant 760 : i32
    %dma_start3A_194 = arith.constant 0 : i32
    %dma_start3A_195 = tpu.memref_slice %arg6[%dma_start3A_193, %dma_start3A_194] : memref<5000x16xf32, #tpu.memory_space<vmem>> -> memref<40x16xf32, #tpu.memory_space<vmem>>
    %dma_start3A_196 = arith.constant 0 : i32
    %dma_start3A_197 = tpu.memref_slice %arg5[%dma_start3A_192, %dma_start3A_196] : memref<125x40xi32, #tpu.memory_space<vmem>> -> memref<1x40xi32, #tpu.memory_space<vmem>>
    %dma_start3A_198 = tpu.memref_squeeze %dma_start3A_197 : memref<1x40xi32, #tpu.memory_space<vmem>> -> memref<40xi32, #tpu.memory_space<vmem>>
    %dma_start3A_199 = arith.constant 0 : i32
    %dma_start3A_200 = arith.constant 0 : i32
    %dma_start3A_201 = tpu.memref_slice %arg2[%dma_start3A_199, %dma_start3A_200] : memref<10000x16xf32, #tpu.memory_space<hbm>> -> memref<10000x16xf32, #tpu.memory_space<hbm>>
    tpu.enqueue_indirect_dma source(%dma_start3A_201 : memref<10000x16xf32, #tpu.memory_space<hbm>>) target(%dma_start3A_195 : memref<40x16xf32, #tpu.memory_space<vmem>>) offsets(%dma_start3A_198 : memref<40xi32, #tpu.memory_space<vmem>>) semaphore(%arg7 : memref<!tpu.dma_semaphore, #tpu.memory_space<semaphore_mem>>)
    %scan3A = arith.constant 0 : i32
    %scan3A_202 = arith.constant 0 : i32
    %scan3A_203 = arith.constant 125 : i32
    %scan3A_204 = arith.addi %scan3A_202, %scan3A_203 : i32
    %scan3A_205 = arith.constant 1 : i32
    scf.for %scan3A_209 = %scan3A_202 to %scan3A_204 step %scan3A_205  : i32 {
      %add3A_210 = arith.constant 20 : i32
      %add3A_211 = arith.addi %scan3A_209, %add3A_210 : i32
      %lt3A = arith.constant 125 : i32
      %lt3A_212 = arith.cmpi slt, %add3A_211, %lt3A : i32
      %convert_element_type3A = arith.extui %lt3A_212 : i1 to i32
      %cond3A = arith.constant 0 : i32
      %cond3A_213 = arith.cmpi ne, %convert_element_type3A, %cond3A : i32
      scf.if %cond3A_213 {
        %mul3A_223 = arith.constant 40 : i32
        %mul3A_224 = arith.muli %add3A_211, %mul3A_223 : i32
        %dma_start3A_225 = arith.constant 0 : i32
        %dma_start3A_226 = tpu.memref_slice %arg6[%mul3A_224, %dma_start3A_225] : memref<5000x16xf32, #tpu.memory_space<vmem>> -> memref<40x16xf32, #tpu.memory_space<vmem>>
        %dma_start3A_227 = arith.constant 0 : i32
        %dma_start3A_228 = tpu.memref_slice %arg5[%add3A_211, %dma_start3A_227] : memref<125x40xi32, #tpu.memory_space<vmem>> -> memref<1x40xi32, #tpu.memory_space<vmem>>
        %dma_start3A_229 = tpu.memref_squeeze %dma_start3A_228 : memref<1x40xi32, #tpu.memory_space<vmem>> -> memref<40xi32, #tpu.memory_space<vmem>>
        %dma_start3A_230 = arith.constant 0 : i32
        %dma_start3A_231 = arith.constant 0 : i32
        %dma_start3A_232 = tpu.memref_slice %arg2[%dma_start3A_230, %dma_start3A_231] : memref<10000x16xf32, #tpu.memory_space<hbm>> -> memref<10000x16xf32, #tpu.memory_space<hbm>>
        tpu.enqueue_indirect_dma source(%dma_start3A_232 : memref<10000x16xf32, #tpu.memory_space<hbm>>) target(%dma_start3A_226 : memref<40x16xf32, #tpu.memory_space<vmem>>) offsets(%dma_start3A_229 : memref<40xi32, #tpu.memory_space<vmem>>) semaphore(%arg7 : memref<!tpu.dma_semaphore, #tpu.memory_space<semaphore_mem>>)
      } else {
      }
      %mul3A_214 = arith.constant 40 : i32
      %mul3A_215 = arith.muli %scan3A_209, %mul3A_214 : i32
      %dma_wait3A = arith.constant 0 : i32
      %dma_wait3A_216 = tpu.memref_slice %arg6[%mul3A_215, %dma_wait3A] : memref<5000x16xf32, #tpu.memory_space<vmem>> -> memref<40x16xf32, #tpu.memory_space<vmem>>
      %dma_wait3A_217 = arith.constant 0 : i32
      %dma_wait3A_218 = tpu.memref_slice %arg5[%scan3A_209, %dma_wait3A_217] : memref<125x40xi32, #tpu.memory_space<vmem>> -> memref<1x40xi32, #tpu.memory_space<vmem>>
      %dma_wait3A_219 = tpu.memref_squeeze %dma_wait3A_218 : memref<1x40xi32, #tpu.memory_space<vmem>> -> memref<40xi32, #tpu.memory_space<vmem>>
      %dma_wait3A_220 = arith.constant 0 : i32
      %dma_wait3A_221 = arith.constant 0 : i32
      %dma_wait3A_222 = tpu.memref_slice %arg2[%dma_wait3A_220, %dma_wait3A_221] : memref<10000x16xf32, #tpu.memory_space<hbm>> -> memref<10000x16xf32, #tpu.memory_space<hbm>>
      tpu.wait_indirect_dma semaphore(%arg7 : memref<!tpu.dma_semaphore, #tpu.memory_space<semaphore_mem>>) src(%dma_wait3A_222 : memref<10000x16xf32, #tpu.memory_space<hbm>>) dst(%dma_wait3A_216 : memref<40x16xf32, #tpu.memory_space<vmem>>)
    }
    %scan3A_206 = arith.constant 125 : i32
    %mul3A_207 = arith.constant 5000 : i32
    %mul3A_208 = arith.muli %add3A, %mul3A_207 : i32
    "tpu.region"() ({
      %run_scoped3A = tpu.sem_alloc : memref<!tpu.dma_semaphore, #tpu.memory_space<semaphore_mem>>
      %dma_start3A_209 = arith.constant 0 : i32
      %dma_start3A_210 = tpu.memref_slice %arg4[%mul3A_208, %dma_start3A_209] : memref<160000x16xf32, #tpu.memory_space<hbm>> -> memref<5000x16xf32, #tpu.memory_space<hbm>>
      %dma_start3A_211 = arith.constant 0 : i32
      %dma_start3A_212 = tpu.memref_slice %arg4[%mul3A_208, %dma_start3A_211] : memref<160000x16xf32, #tpu.memory_space<hbm>> -> memref<5000x16xf32, #tpu.memory_space<hbm>>
      tpu.enqueue_dma source(%arg6 : memref<5000x16xf32, #tpu.memory_space<vmem>>) target(%dma_start3A_212 : memref<5000x16xf32, #tpu.memory_space<hbm>>) target_semaphore(%run_scoped3A : memref<!tpu.dma_semaphore, #tpu.memory_space<semaphore_mem>>)
      %dma_wait3A = arith.constant 0 : i32
      %dma_wait3A_213 = tpu.memref_slice %arg4[%mul3A_208, %dma_wait3A] : memref<160000x16xf32, #tpu.memory_space<hbm>> -> memref<5000x16xf32, #tpu.memory_space<hbm>>
      %dma_wait3A_214 = arith.constant 0 : i32
      %dma_wait3A_215 = tpu.memref_slice %arg4[%mul3A_208, %dma_wait3A_214] : memref<160000x16xf32, #tpu.memory_space<hbm>> -> memref<5000x16xf32, #tpu.memory_space<hbm>>
      tpu.wait_dma2 semaphore(%run_scoped3A : memref<!tpu.dma_semaphore, #tpu.memory_space<semaphore_mem>>) src(%arg6 : memref<5000x16xf32, #tpu.memory_space<vmem>>) dst(%dma_wait3A_215 : memref<5000x16xf32, #tpu.memory_space<hbm>>)
      tpu.yield
    }) : () -> ()
    return
  }
}

#map = affine_map<(d0, d1) -> (0, 0)>
module attributes {stable_mosaic.version = 14 : i64} {
  func.func @_sc_gather(%arg0: i32, %arg1: i32, %arg2: memref<10000x16xf32, #tpu.memory_space<hbm>>, %arg3: memref<4000x40xi32, #tpu.memory_space<hbm>>, %arg4: memref<160000x16xf32, #tpu.memory_space<hbm>>, %arg5: memref<125x40xi32, #tpu.memory_space<vmem>>, %arg6: memref<5000x16xf32, #tpu.memory_space<vmem>>, %arg7: memref<!tpu.dma_semaphore, #tpu.memory_space<semaphore_mem>>) attributes {dimension_semantics = [#tpu.dimension_semantics<core_parallel>, #tpu.dimension_semantics<subcore_parallel>], iteration_bounds = array<i64: 2, 16>, scalar_prefetch = 0 : i64, scratch_operands = 3 : i64, tpu.core_type = #tpu.core_type<sc_vector_subcore>, window_params = [{transform_indices = #map}, {transform_indices = #map}, {transform_indices = #map}]} {
    %mul3A = arith.constant 2 : i32
    %mul3A_0 = arith.muli %arg1, %mul3A : i32
    %add3A = arith.addi %mul3A_0, %arg0 : i32
    %mul3A_1 = arith.constant 125 : i32
    %mul3A_2 = arith.muli %add3A, %mul3A_1 : i32
    "tpu.region"() ({
      %run_scoped3A = tpu.sem_alloc : memref<!tpu.dma_semaphore, #tpu.memory_space<semaphore_mem>>
      %dma_start3A_209 = arith.constant 0 : i32
      %dma_start3A_210 = tpu.memref_slice %arg3[%mul3A_2, %dma_start3A_209] : memref<4000x40xi32, #tpu.memory_space<hbm>> -> memref<125x40xi32, #tpu.memory_space<hbm>>
      %dma_start3A_211 = arith.constant 0 : i32
      %dma_start3A_212 = tpu.memref_slice %arg3[%mul3A_2, %dma_start3A_211] : memref<4000x40xi32, #tpu.memory_space<hbm>> -> memref<125x40xi32, #tpu.memory_space<hbm>>
      tpu.enqueue_dma source(%dma_start3A_212 : memref<125x40xi32, #tpu.memory_space<hbm>>) target(%arg5 : memref<125x40xi32, #tpu.memory_space<vmem>>) target_semaphore(%run_scoped3A : memref<!tpu.dma_semaphore, #tpu.memory_space<semaphore_mem>>)
      %dma_wait3A = arith.constant 0 : i32
      %dma_wait3A_213 = tpu.memref_slice %arg3[%mul3A_2, %dma_wait3A] : memref<4000x40xi32, #tpu.memory_space<hbm>> -> memref<125x40xi32, #tpu.memory_space<hbm>>
      %dma_wait3A_214 = arith.constant 0 : i32
      %dma_wait3A_215 = tpu.memref_slice %arg3[%mul3A_2, %dma_wait3A_214] : memref<4000x40xi32, #tpu.memory_space<hbm>> -> memref<125x40xi32, #tpu.memory_space<hbm>>
      tpu.wait_dma2 semaphore(%run_scoped3A : memref<!tpu.dma_semaphore, #tpu.memory_space<semaphore_mem>>) src(%dma_wait3A_215 : memref<125x40xi32, #tpu.memory_space<hbm>>) dst(%arg5 : memref<125x40xi32, #tpu.memory_space<vmem>>)
      tpu.yield
    }) : () -> ()
    %dma_start3A = arith.constant 0 : i32
    %dma_start3A_3 = arith.constant 0 : i32
    %dma_start3A_4 = arith.constant 0 : i32
    %dma_start3A_5 = tpu.memref_slice %arg6[%dma_start3A_3, %dma_start3A_4] : memref<5000x16xf32, #tpu.memory_space<vmem>> -> memref<40x16xf32, #tpu.memory_space<vmem>>
    %dma_start3A_6 = arith.constant 0 : i32
    %dma_start3A_7 = tpu.memref_slice %arg5[%dma_start3A, %dma_start3A_6] : memref<125x40xi32, #tpu.memory_space<vmem>> -> memref<1x40xi32, #tpu.memory_space<vmem>>
    %dma_start3A_8 = tpu.memref_squeeze %dma_start3A_7 : memref<1x40xi32, #tpu.memory_space<vmem>> -> memref<40xi32, #tpu.memory_space<vmem>>
    %dma_start3A_9 = arith.constant 0 : i32
    %dma_start3A_10 = arith.constant 0 : i32
    %dma_start3A_11 = tpu.memref_slice %arg2[%dma_start3A_9, %dma_start3A_10] : memref<10000x16xf32, #tpu.memory_space<hbm>> -> memref<10000x16xf32, #tpu.memory_space<hbm>>
    tpu.enqueue_indirect_dma source(%dma_start3A_11 : memref<10000x16xf32, #tpu.memory_space<hbm>>) target(%dma_start3A_5 : memref<40x16xf32, #tpu.memory_space<vmem>>) offsets(%dma_start3A_8 : memref<40xi32, #tpu.memory_space<vmem>>) semaphore(%arg7 : memref<!tpu.dma_semaphore, #tpu.memory_space<semaphore_mem>>)
    %dma_start3A_12 = arith.constant 1 : i32
    %dma_start3A_13 = arith.constant 40 : i32
    %dma_start3A_14 = arith.constant 0 : i32
    %dma_start3A_15 = tpu.memref_slice %arg6[%dma_start3A_13, %dma_start3A_14] : memref<5000x16xf32, #tpu.memory_space<vmem>> -> memref<40x16xf32, #tpu.memory_space<vmem>>
    %dma_start3A_16 = arith.constant 0 : i32
    %dma_start3A_17 = tpu.memref_slice %arg5[%dma_start3A_12, %dma_start3A_16] : memref<125x40xi32, #tpu.memory_space<vmem>> -> memref<1x40xi32, #tpu.memory_space<vmem>>
    %dma_start3A_18 = tpu.memref_squeeze %dma_start3A_17 : memref<1x40xi32, #tpu.memory_space<vmem>> -> memref<40xi32, #tpu.memory_space<vmem>>
    %dma_start3A_19 = arith.constant 0 : i32
    %dma_start3A_20 = arith.constant 0 : i32
    %dma_start3A_21 = tpu.memref_slice %arg2[%dma_start3A_19, %dma_start3A_20] : memref<10000x16xf32, #tpu.memory_space<hbm>> -> memref<10000x16xf32, #tpu.memory_space<hbm>>
    tpu.enqueue_indirect_dma source(%dma_start3A_21 : memref<10000x16xf32, #tpu.memory_space<hbm>>) target(%dma_start3A_15 : memref<40x16xf32, #tpu.memory_space<vmem>>) offsets(%dma_start3A_18 : memref<40xi32, #tpu.memory_space<vmem>>) semaphore(%arg7 : memref<!tpu.dma_semaphore, #tpu.memory_space<semaphore_mem>>)
    %dma_start3A_22 = arith.constant 2 : i32
    %dma_start3A_23 = arith.constant 80 : i32
    %dma_start3A_24 = arith.constant 0 : i32
    %dma_start3A_25 = tpu.memref_slice %arg6[%dma_start3A_23, %dma_start3A_24] : memref<5000x16xf32, #tpu.memory_space<vmem>> -> memref<40x16xf32, #tpu.memory_space<vmem>>
    %dma_start3A_26 = arith.constant 0 : i32
    %dma_start3A_27 = tpu.memref_slice %arg5[%dma_start3A_22, %dma_start3A_26] : memref<125x40xi32, #tpu.memory_space<vmem>> -> memref<1x40xi32, #tpu.memory_space<vmem>>
    %dma_start3A_28 = tpu.memref_squeeze %dma_start3A_27 : memref<1x40xi32, #tpu.memory_space<vmem>> -> memref<40xi32, #tpu.memory_space<vmem>>
    %dma_start3A_29 = arith.constant 0 : i32
    %dma_start3A_30 = arith.constant 0 : i32
    %dma_start3A_31 = tpu.memref_slice %arg2[%dma_start3A_29, %dma_start3A_30] : memref<10000x16xf32, #tpu.memory_space<hbm>> -> memref<10000x16xf32, #tpu.memory_space<hbm>>
    tpu.enqueue_indirect_dma source(%dma_start3A_31 : memref<10000x16xf32, #tpu.memory_space<hbm>>) target(%dma_start3A_25 : memref<40x16xf32, #tpu.memory_space<vmem>>) offsets(%dma_start3A_28 : memref<40xi32, #tpu.memory_space<vmem>>) semaphore(%arg7 : memref<!tpu.dma_semaphore, #tpu.memory_space<semaphore_mem>>)
    %dma_start3A_32 = arith.constant 3 : i32
    %dma_start3A_33 = arith.constant 120 : i32
    %dma_start3A_34 = arith.constant 0 : i32
    %dma_start3A_35 = tpu.memref_slice %arg6[%dma_start3A_33, %dma_start3A_34] : memref<5000x16xf32, #tpu.memory_space<vmem>> -> memref<40x16xf32, #tpu.memory_space<vmem>>
    %dma_start3A_36 = arith.constant 0 : i32
    %dma_start3A_37 = tpu.memref_slice %arg5[%dma_start3A_32, %dma_start3A_36] : memref<125x40xi32, #tpu.memory_space<vmem>> -> memref<1x40xi32, #tpu.memory_space<vmem>>
    %dma_start3A_38 = tpu.memref_squeeze %dma_start3A_37 : memref<1x40xi32, #tpu.memory_space<vmem>> -> memref<40xi32, #tpu.memory_space<vmem>>
    %dma_start3A_39 = arith.constant 0 : i32
    %dma_start3A_40 = arith.constant 0 : i32
    %dma_start3A_41 = tpu.memref_slice %arg2[%dma_start3A_39, %dma_start3A_40] : memref<10000x16xf32, #tpu.memory_space<hbm>> -> memref<10000x16xf32, #tpu.memory_space<hbm>>
    tpu.enqueue_indirect_dma source(%dma_start3A_41 : memref<10000x16xf32, #tpu.memory_space<hbm>>) target(%dma_start3A_35 : memref<40x16xf32, #tpu.memory_space<vmem>>) offsets(%dma_start3A_38 : memref<40xi32, #tpu.memory_space<vmem>>) semaphore(%arg7 : memref<!tpu.dma_semaphore, #tpu.memory_space<semaphore_mem>>)
    %dma_start3A_42 = arith.constant 4 : i32
    %dma_start3A_43 = arith.constant 160 : i32
    %dma_start3A_44 = arith.constant 0 : i32
    %dma_start3A_45 = tpu.memref_slice %arg6[%dma_start3A_43, %dma_start3A_44] : memref<5000x16xf32, #tpu.memory_space<vmem>> -> memref<40x16xf32, #tpu.memory_space<vmem>>
    %dma_start3A_46 = arith.constant 0 : i32
    %dma_start3A_47 = tpu.memref_slice %arg5[%dma_start3A_42, %dma_start3A_46] : memref<125x40xi32, #tpu.memory_space<vmem>> -> memref<1x40xi32, #tpu.memory_space<vmem>>
    %dma_start3A_48 = tpu.memref_squeeze %dma_start3A_47 : memref<1x40xi32, #tpu.memory_space<vmem>> -> memref<40xi32, #tpu.memory_space<vmem>>
    %dma_start3A_49 = arith.constant 0 : i32
    %dma_start3A_50 = arith.constant 0 : i32
    %dma_start3A_51 = tpu.memref_slice %arg2[%dma_start3A_49, %dma_start3A_50] : memref<10000x16xf32, #tpu.memory_space<hbm>> -> memref<10000x16xf32, #tpu.memory_space<hbm>>
    tpu.enqueue_indirect_dma source(%dma_start3A_51 : memref<10000x16xf32, #tpu.memory_space<hbm>>) target(%dma_start3A_45 : memref<40x16xf32, #tpu.memory_space<vmem>>) offsets(%dma_start3A_48 : memref<40xi32, #tpu.memory_space<vmem>>) semaphore(%arg7 : memref<!tpu.dma_semaphore, #tpu.memory_space<semaphore_mem>>)
    %dma_start3A_52 = arith.constant 5 : i32
    %dma_start3A_53 = arith.constant 200 : i32
    %dma_start3A_54 = arith.constant 0 : i32
    %dma_start3A_55 = tpu.memref_slice %arg6[%dma_start3A_53, %dma_start3A_54] : memref<5000x16xf32, #tpu.memory_space<vmem>> -> memref<40x16xf32, #tpu.memory_space<vmem>>
    %dma_start3A_56 = arith.constant 0 : i32
    %dma_start3A_57 = tpu.memref_slice %arg5[%dma_start3A_52, %dma_start3A_56] : memref<125x40xi32, #tpu.memory_space<vmem>> -> memref<1x40xi32, #tpu.memory_space<vmem>>
    %dma_start3A_58 = tpu.memref_squeeze %dma_start3A_57 : memref<1x40xi32, #tpu.memory_space<vmem>> -> memref<40xi32, #tpu.memory_space<vmem>>
    %dma_start3A_59 = arith.constant 0 : i32
    %dma_start3A_60 = arith.constant 0 : i32
    %dma_start3A_61 = tpu.memref_slice %arg2[%dma_start3A_59, %dma_start3A_60] : memref<10000x16xf32, #tpu.memory_space<hbm>> -> memref<10000x16xf32, #tpu.memory_space<hbm>>
    tpu.enqueue_indirect_dma source(%dma_start3A_61 : memref<10000x16xf32, #tpu.memory_space<hbm>>) target(%dma_start3A_55 : memref<40x16xf32, #tpu.memory_space<vmem>>) offsets(%dma_start3A_58 : memref<40xi32, #tpu.memory_space<vmem>>) semaphore(%arg7 : memref<!tpu.dma_semaphore, #tpu.memory_space<semaphore_mem>>)
    %dma_start3A_62 = arith.constant 6 : i32
    %dma_start3A_63 = arith.constant 240 : i32
    %dma_start3A_64 = arith.constant 0 : i32
    %dma_start3A_65 = tpu.memref_slice %arg6[%dma_start3A_63, %dma_start3A_64] : memref<5000x16xf32, #tpu.memory_space<vmem>> -> memref<40x16xf32, #tpu.memory_space<vmem>>
    %dma_start3A_66 = arith.constant 0 : i32
    %dma_start3A_67 = tpu.memref_slice %arg5[%dma_start3A_62, %dma_start3A_66] : memref<125x40xi32, #tpu.memory_space<vmem>> -> memref<1x40xi32, #tpu.memory_space<vmem>>
    %dma_start3A_68 = tpu.memref_squeeze %dma_start3A_67 : memref<1x40xi32, #tpu.memory_space<vmem>> -> memref<40xi32, #tpu.memory_space<vmem>>
    %dma_start3A_69 = arith.constant 0 : i32
    %dma_start3A_70 = arith.constant 0 : i32
    %dma_start3A_71 = tpu.memref_slice %arg2[%dma_start3A_69, %dma_start3A_70] : memref<10000x16xf32, #tpu.memory_space<hbm>> -> memref<10000x16xf32, #tpu.memory_space<hbm>>
    tpu.enqueue_indirect_dma source(%dma_start3A_71 : memref<10000x16xf32, #tpu.memory_space<hbm>>) target(%dma_start3A_65 : memref<40x16xf32, #tpu.memory_space<vmem>>) offsets(%dma_start3A_68 : memref<40xi32, #tpu.memory_space<vmem>>) semaphore(%arg7 : memref<!tpu.dma_semaphore, #tpu.memory_space<semaphore_mem>>)
    %dma_start3A_72 = arith.constant 7 : i32
    %dma_start3A_73 = arith.constant 280 : i32
    %dma_start3A_74 = arith.constant 0 : i32
    %dma_start3A_75 = tpu.memref_slice %arg6[%dma_start3A_73, %dma_start3A_74] : memref<5000x16xf32, #tpu.memory_space<vmem>> -> memref<40x16xf32, #tpu.memory_space<vmem>>
    %dma_start3A_76 = arith.constant 0 : i32
    %dma_start3A_77 = tpu.memref_slice %arg5[%dma_start3A_72, %dma_start3A_76] : memref<125x40xi32, #tpu.memory_space<vmem>> -> memref<1x40xi32, #tpu.memory_space<vmem>>
    %dma_start3A_78 = tpu.memref_squeeze %dma_start3A_77 : memref<1x40xi32, #tpu.memory_space<vmem>> -> memref<40xi32, #tpu.memory_space<vmem>>
    %dma_start3A_79 = arith.constant 0 : i32
    %dma_start3A_80 = arith.constant 0 : i32
    %dma_start3A_81 = tpu.memref_slice %arg2[%dma_start3A_79, %dma_start3A_80] : memref<10000x16xf32, #tpu.memory_space<hbm>> -> memref<10000x16xf32, #tpu.memory_space<hbm>>
    tpu.enqueue_indirect_dma source(%dma_start3A_81 : memref<10000x16xf32, #tpu.memory_space<hbm>>) target(%dma_start3A_75 : memref<40x16xf32, #tpu.memory_space<vmem>>) offsets(%dma_start3A_78 : memref<40xi32, #tpu.memory_space<vmem>>) semaphore(%arg7 : memref<!tpu.dma_semaphore, #tpu.memory_space<semaphore_mem>>)
    %dma_start3A_82 = arith.constant 8 : i32
    %dma_start3A_83 = arith.constant 320 : i32
    %dma_start3A_84 = arith.constant 0 : i32
    %dma_start3A_85 = tpu.memref_slice %arg6[%dma_start3A_83, %dma_start3A_84] : memref<5000x16xf32, #tpu.memory_space<vmem>> -> memref<40x16xf32, #tpu.memory_space<vmem>>
    %dma_start3A_86 = arith.constant 0 : i32
    %dma_start3A_87 = tpu.memref_slice %arg5[%dma_start3A_82, %dma_start3A_86] : memref<125x40xi32, #tpu.memory_space<vmem>> -> memref<1x40xi32, #tpu.memory_space<vmem>>
    %dma_start3A_88 = tpu.memref_squeeze %dma_start3A_87 : memref<1x40xi32, #tpu.memory_space<vmem>> -> memref<40xi32, #tpu.memory_space<vmem>>
    %dma_start3A_89 = arith.constant 0 : i32
    %dma_start3A_90 = arith.constant 0 : i32
    %dma_start3A_91 = tpu.memref_slice %arg2[%dma_start3A_89, %dma_start3A_90] : memref<10000x16xf32, #tpu.memory_space<hbm>> -> memref<10000x16xf32, #tpu.memory_space<hbm>>
    tpu.enqueue_indirect_dma source(%dma_start3A_91 : memref<10000x16xf32, #tpu.memory_space<hbm>>) target(%dma_start3A_85 : memref<40x16xf32, #tpu.memory_space<vmem>>) offsets(%dma_start3A_88 : memref<40xi32, #tpu.memory_space<vmem>>) semaphore(%arg7 : memref<!tpu.dma_semaphore, #tpu.memory_space<semaphore_mem>>)
    %dma_start3A_92 = arith.constant 9 : i32
    %dma_start3A_93 = arith.constant 360 : i32
    %dma_start3A_94 = arith.constant 0 : i32
    %dma_start3A_95 = tpu.memref_slice %arg6[%dma_start3A_93, %dma_start3A_94] : memref<5000x16xf32, #tpu.memory_space<vmem>> -> memref<40x16xf32, #tpu.memory_space<vmem>>
    %dma_start3A_96 = arith.constant 0 : i32
    %dma_start3A_97 = tpu.memref_slice %arg5[%dma_start3A_92, %dma_start3A_96] : memref<125x40xi32, #tpu.memory_space<vmem>> -> memref<1x40xi32, #tpu.memory_space<vmem>>
    %dma_start3A_98 = tpu.memref_squeeze %dma_start3A_97 : memref<1x40xi32, #tpu.memory_space<vmem>> -> memref<40xi32, #tpu.memory_space<vmem>>
    %dma_start3A_99 = arith.constant 0 : i32
    %dma_start3A_100 = arith.constant 0 : i32
    %dma_start3A_101 = tpu.memref_slice %arg2[%dma_start3A_99, %dma_start3A_100] : memref<10000x16xf32, #tpu.memory_space<hbm>> -> memref<10000x16xf32, #tpu.memory_space<hbm>>
    tpu.enqueue_indirect_dma source(%dma_start3A_101 : memref<10000x16xf32, #tpu.memory_space<hbm>>) target(%dma_start3A_95 : memref<40x16xf32, #tpu.memory_space<vmem>>) offsets(%dma_start3A_98 : memref<40xi32, #tpu.memory_space<vmem>>) semaphore(%arg7 : memref<!tpu.dma_semaphore, #tpu.memory_space<semaphore_mem>>)
    %dma_start3A_102 = arith.constant 10 : i32
    %dma_start3A_103 = arith.constant 400 : i32
    %dma_start3A_104 = arith.constant 0 : i32
    %dma_start3A_105 = tpu.memref_slice %arg6[%dma_start3A_103, %dma_start3A_104] : memref<5000x16xf32, #tpu.memory_space<vmem>> -> memref<40x16xf32, #tpu.memory_space<vmem>>
    %dma_start3A_106 = arith.constant 0 : i32
    %dma_start3A_107 = tpu.memref_slice %arg5[%dma_start3A_102, %dma_start3A_106] : memref<125x40xi32, #tpu.memory_space<vmem>> -> memref<1x40xi32, #tpu.memory_space<vmem>>
    %dma_start3A_108 = tpu.memref_squeeze %dma_start3A_107 : memref<1x40xi32, #tpu.memory_space<vmem>> -> memref<40xi32, #tpu.memory_space<vmem>>
    %dma_start3A_109 = arith.constant 0 : i32
    %dma_start3A_110 = arith.constant 0 : i32
    %dma_start3A_111 = tpu.memref_slice %arg2[%dma_start3A_109, %dma_start3A_110] : memref<10000x16xf32, #tpu.memory_space<hbm>> -> memref<10000x16xf32, #tpu.memory_space<hbm>>
    tpu.enqueue_indirect_dma source(%dma_start3A_111 : memref<10000x16xf32, #tpu.memory_space<hbm>>) target(%dma_start3A_105 : memref<40x16xf32, #tpu.memory_space<vmem>>) offsets(%dma_start3A_108 : memref<40xi32, #tpu.memory_space<vmem>>) semaphore(%arg7 : memref<!tpu.dma_semaphore, #tpu.memory_space<semaphore_mem>>)
    %dma_start3A_112 = arith.constant 11 : i32
    %dma_start3A_113 = arith.constant 440 : i32
    %dma_start3A_114 = arith.constant 0 : i32
    %dma_start3A_115 = tpu.memref_slice %arg6[%dma_start3A_113, %dma_start3A_114] : memref<5000x16xf32, #tpu.memory_space<vmem>> -> memref<40x16xf32, #tpu.memory_space<vmem>>
    %dma_start3A_116 = arith.constant 0 : i32
    %dma_start3A_117 = tpu.memref_slice %arg5[%dma_start3A_112, %dma_start3A_116] : memref<125x40xi32, #tpu.memory_space<vmem>> -> memref<1x40xi32, #tpu.memory_space<vmem>>
    %dma_start3A_118 = tpu.memref_squeeze %dma_start3A_117 : memref<1x40xi32, #tpu.memory_space<vmem>> -> memref<40xi32, #tpu.memory_space<vmem>>
    %dma_start3A_119 = arith.constant 0 : i32
    %dma_start3A_120 = arith.constant 0 : i32
    %dma_start3A_121 = tpu.memref_slice %arg2[%dma_start3A_119, %dma_start3A_120] : memref<10000x16xf32, #tpu.memory_space<hbm>> -> memref<10000x16xf32, #tpu.memory_space<hbm>>
    tpu.enqueue_indirect_dma source(%dma_start3A_121 : memref<10000x16xf32, #tpu.memory_space<hbm>>) target(%dma_start3A_115 : memref<40x16xf32, #tpu.memory_space<vmem>>) offsets(%dma_start3A_118 : memref<40xi32, #tpu.memory_space<vmem>>) semaphore(%arg7 : memref<!tpu.dma_semaphore, #tpu.memory_space<semaphore_mem>>)
    %dma_start3A_122 = arith.constant 12 : i32
    %dma_start3A_123 = arith.constant 480 : i32
    %dma_start3A_124 = arith.constant 0 : i32
    %dma_start3A_125 = tpu.memref_slice %arg6[%dma_start3A_123, %dma_start3A_124] : memref<5000x16xf32, #tpu.memory_space<vmem>> -> memref<40x16xf32, #tpu.memory_space<vmem>>
    %dma_start3A_126 = arith.constant 0 : i32
    %dma_start3A_127 = tpu.memref_slice %arg5[%dma_start3A_122, %dma_start3A_126] : memref<125x40xi32, #tpu.memory_space<vmem>> -> memref<1x40xi32, #tpu.memory_space<vmem>>
    %dma_start3A_128 = tpu.memref_squeeze %dma_start3A_127 : memref<1x40xi32, #tpu.memory_space<vmem>> -> memref<40xi32, #tpu.memory_space<vmem>>
    %dma_start3A_129 = arith.constant 0 : i32
    %dma_start3A_130 = arith.constant 0 : i32
    %dma_start3A_131 = tpu.memref_slice %arg2[%dma_start3A_129, %dma_start3A_130] : memref<10000x16xf32, #tpu.memory_space<hbm>> -> memref<10000x16xf32, #tpu.memory_space<hbm>>
    tpu.enqueue_indirect_dma source(%dma_start3A_131 : memref<10000x16xf32, #tpu.memory_space<hbm>>) target(%dma_start3A_125 : memref<40x16xf32, #tpu.memory_space<vmem>>) offsets(%dma_start3A_128 : memref<40xi32, #tpu.memory_space<vmem>>) semaphore(%arg7 : memref<!tpu.dma_semaphore, #tpu.memory_space<semaphore_mem>>)
    %dma_start3A_132 = arith.constant 13 : i32
    %dma_start3A_133 = arith.constant 520 : i32
    %dma_start3A_134 = arith.constant 0 : i32
    %dma_start3A_135 = tpu.memref_slice %arg6[%dma_start3A_133, %dma_start3A_134] : memref<5000x16xf32, #tpu.memory_space<vmem>> -> memref<40x16xf32, #tpu.memory_space<vmem>>
    %dma_start3A_136 = arith.constant 0 : i32
    %dma_start3A_137 = tpu.memref_slice %arg5[%dma_start3A_132, %dma_start3A_136] : memref<125x40xi32, #tpu.memory_space<vmem>> -> memref<1x40xi32, #tpu.memory_space<vmem>>
    %dma_start3A_138 = tpu.memref_squeeze %dma_start3A_137 : memref<1x40xi32, #tpu.memory_space<vmem>> -> memref<40xi32, #tpu.memory_space<vmem>>
    %dma_start3A_139 = arith.constant 0 : i32
    %dma_start3A_140 = arith.constant 0 : i32
    %dma_start3A_141 = tpu.memref_slice %arg2[%dma_start3A_139, %dma_start3A_140] : memref<10000x16xf32, #tpu.memory_space<hbm>> -> memref<10000x16xf32, #tpu.memory_space<hbm>>
    tpu.enqueue_indirect_dma source(%dma_start3A_141 : memref<10000x16xf32, #tpu.memory_space<hbm>>) target(%dma_start3A_135 : memref<40x16xf32, #tpu.memory_space<vmem>>) offsets(%dma_start3A_138 : memref<40xi32, #tpu.memory_space<vmem>>) semaphore(%arg7 : memref<!tpu.dma_semaphore, #tpu.memory_space<semaphore_mem>>)
    %dma_start3A_142 = arith.constant 14 : i32
    %dma_start3A_143 = arith.constant 560 : i32
    %dma_start3A_144 = arith.constant 0 : i32
    %dma_start3A_145 = tpu.memref_slice %arg6[%dma_start3A_143, %dma_start3A_144] : memref<5000x16xf32, #tpu.memory_space<vmem>> -> memref<40x16xf32, #tpu.memory_space<vmem>>
    %dma_start3A_146 = arith.constant 0 : i32
    %dma_start3A_147 = tpu.memref_slice %arg5[%dma_start3A_142, %dma_start3A_146] : memref<125x40xi32, #tpu.memory_space<vmem>> -> memref<1x40xi32, #tpu.memory_space<vmem>>
    %dma_start3A_148 = tpu.memref_squeeze %dma_start3A_147 : memref<1x40xi32, #tpu.memory_space<vmem>> -> memref<40xi32, #tpu.memory_space<vmem>>
    %dma_start3A_149 = arith.constant 0 : i32
    %dma_start3A_150 = arith.constant 0 : i32
    %dma_start3A_151 = tpu.memref_slice %arg2[%dma_start3A_149, %dma_start3A_150] : memref<10000x16xf32, #tpu.memory_space<hbm>> -> memref<10000x16xf32, #tpu.memory_space<hbm>>
    tpu.enqueue_indirect_dma source(%dma_start3A_151 : memref<10000x16xf32, #tpu.memory_space<hbm>>) target(%dma_start3A_145 : memref<40x16xf32, #tpu.memory_space<vmem>>) offsets(%dma_start3A_148 : memref<40xi32, #tpu.memory_space<vmem>>) semaphore(%arg7 : memref<!tpu.dma_semaphore, #tpu.memory_space<semaphore_mem>>)
    %dma_start3A_152 = arith.constant 15 : i32
    %dma_start3A_153 = arith.constant 600 : i32
    %dma_start3A_154 = arith.constant 0 : i32
    %dma_start3A_155 = tpu.memref_slice %arg6[%dma_start3A_153, %dma_start3A_154] : memref<5000x16xf32, #tpu.memory_space<vmem>> -> memref<40x16xf32, #tpu.memory_space<vmem>>
    %dma_start3A_156 = arith.constant 0 : i32
    %dma_start3A_157 = tpu.memref_slice %arg5[%dma_start3A_152, %dma_start3A_156] : memref<125x40xi32, #tpu.memory_space<vmem>> -> memref<1x40xi32, #tpu.memory_space<vmem>>
    %dma_start3A_158 = tpu.memref_squeeze %dma_start3A_157 : memref<1x40xi32, #tpu.memory_space<vmem>> -> memref<40xi32, #tpu.memory_space<vmem>>
    %dma_start3A_159 = arith.constant 0 : i32
    %dma_start3A_160 = arith.constant 0 : i32
    %dma_start3A_161 = tpu.memref_slice %arg2[%dma_start3A_159, %dma_start3A_160] : memref<10000x16xf32, #tpu.memory_space<hbm>> -> memref<10000x16xf32, #tpu.memory_space<hbm>>
    tpu.enqueue_indirect_dma source(%dma_start3A_161 : memref<10000x16xf32, #tpu.memory_space<hbm>>) target(%dma_start3A_155 : memref<40x16xf32, #tpu.memory_space<vmem>>) offsets(%dma_start3A_158 : memref<40xi32, #tpu.memory_space<vmem>>) semaphore(%arg7 : memref<!tpu.dma_semaphore, #tpu.memory_space<semaphore_mem>>)
    %dma_start3A_162 = arith.constant 16 : i32
    %dma_start3A_163 = arith.constant 640 : i32
    %dma_start3A_164 = arith.constant 0 : i32
    %dma_start3A_165 = tpu.memref_slice %arg6[%dma_start3A_163, %dma_start3A_164] : memref<5000x16xf32, #tpu.memory_space<vmem>> -> memref<40x16xf32, #tpu.memory_space<vmem>>
    %dma_start3A_166 = arith.constant 0 : i32
    %dma_start3A_167 = tpu.memref_slice %arg5[%dma_start3A_162, %dma_start3A_166] : memref<125x40xi32, #tpu.memory_space<vmem>> -> memref<1x40xi32, #tpu.memory_space<vmem>>
    %dma_start3A_168 = tpu.memref_squeeze %dma_start3A_167 : memref<1x40xi32, #tpu.memory_space<vmem>> -> memref<40xi32, #tpu.memory_space<vmem>>
    %dma_start3A_169 = arith.constant 0 : i32
    %dma_start3A_170 = arith.constant 0 : i32
    %dma_start3A_171 = tpu.memref_slice %arg2[%dma_start3A_169, %dma_start3A_170] : memref<10000x16xf32, #tpu.memory_space<hbm>> -> memref<10000x16xf32, #tpu.memory_space<hbm>>
    tpu.enqueue_indirect_dma source(%dma_start3A_171 : memref<10000x16xf32, #tpu.memory_space<hbm>>) target(%dma_start3A_165 : memref<40x16xf32, #tpu.memory_space<vmem>>) offsets(%dma_start3A_168 : memref<40xi32, #tpu.memory_space<vmem>>) semaphore(%arg7 : memref<!tpu.dma_semaphore, #tpu.memory_space<semaphore_mem>>)
    %dma_start3A_172 = arith.constant 17 : i32
    %dma_start3A_173 = arith.constant 680 : i32
    %dma_start3A_174 = arith.constant 0 : i32
    %dma_start3A_175 = tpu.memref_slice %arg6[%dma_start3A_173, %dma_start3A_174] : memref<5000x16xf32, #tpu.memory_space<vmem>> -> memref<40x16xf32, #tpu.memory_space<vmem>>
    %dma_start3A_176 = arith.constant 0 : i32
    %dma_start3A_177 = tpu.memref_slice %arg5[%dma_start3A_172, %dma_start3A_176] : memref<125x40xi32, #tpu.memory_space<vmem>> -> memref<1x40xi32, #tpu.memory_space<vmem>>
    %dma_start3A_178 = tpu.memref_squeeze %dma_start3A_177 : memref<1x40xi32, #tpu.memory_space<vmem>> -> memref<40xi32, #tpu.memory_space<vmem>>
    %dma_start3A_179 = arith.constant 0 : i32
    %dma_start3A_180 = arith.constant 0 : i32
    %dma_start3A_181 = tpu.memref_slice %arg2[%dma_start3A_179, %dma_start3A_180] : memref<10000x16xf32, #tpu.memory_space<hbm>> -> memref<10000x16xf32, #tpu.memory_space<hbm>>
    tpu.enqueue_indirect_dma source(%dma_start3A_181 : memref<10000x16xf32, #tpu.memory_space<hbm>>) target(%dma_start3A_175 : memref<40x16xf32, #tpu.memory_space<vmem>>) offsets(%dma_start3A_178 : memref<40xi32, #tpu.memory_space<vmem>>) semaphore(%arg7 : memref<!tpu.dma_semaphore, #tpu.memory_space<semaphore_mem>>)
    %dma_start3A_182 = arith.constant 18 : i32
    %dma_start3A_183 = arith.constant 720 : i32
    %dma_start3A_184 = arith.constant 0 : i32
    %dma_start3A_185 = tpu.memref_slice %arg6[%dma_start3A_183, %dma_start3A_184] : memref<5000x16xf32, #tpu.memory_space<vmem>> -> memref<40x16xf32, #tpu.memory_space<vmem>>
    %dma_start3A_186 = arith.constant 0 : i32
    %dma_start3A_187 = tpu.memref_slice %arg5[%dma_start3A_182, %dma_start3A_186] : memref<125x40xi32, #tpu.memory_space<vmem>> -> memref<1x40xi32, #tpu.memory_space<vmem>>
    %dma_start3A_188 = tpu.memref_squeeze %dma_start3A_187 : memref<1x40xi32, #tpu.memory_space<vmem>> -> memref<40xi32, #tpu.memory_space<vmem>>
    %dma_start3A_189 = arith.constant 0 : i32
    %dma_start3A_190 = arith.constant 0 : i32
    %dma_start3A_191 = tpu.memref_slice %arg2[%dma_start3A_189, %dma_start3A_190] : memref<10000x16xf32, #tpu.memory_space<hbm>> -> memref<10000x16xf32, #tpu.memory_space<hbm>>
    tpu.enqueue_indirect_dma source(%dma_start3A_191 : memref<10000x16xf32, #tpu.memory_space<hbm>>) target(%dma_start3A_185 : memref<40x16xf32, #tpu.memory_space<vmem>>) offsets(%dma_start3A_188 : memref<40xi32, #tpu.memory_space<vmem>>) semaphore(%arg7 : memref<!tpu.dma_semaphore, #tpu.memory_space<semaphore_mem>>)
    %dma_start3A_192 = arith.constant 19 : i32
    %dma_start3A_193 = arith.constant 760 : i32
    %dma_start3A_194 = arith.constant 0 : i32
    %dma_start3A_195 = tpu.memref_slice %arg6[%dma_start3A_193, %dma_start3A_194] : memref<5000x16xf32, #tpu.memory_space<vmem>> -> memref<40x16xf32, #tpu.memory_space<vmem>>
    %dma_start3A_196 = arith.constant 0 : i32
    %dma_start3A_197 = tpu.memref_slice %arg5[%dma_start3A_192, %dma_start3A_196] : memref<125x40xi32, #tpu.memory_space<vmem>> -> memref<1x40xi32, #tpu.memory_space<vmem>>
    %dma_start3A_198 = tpu.memref_squeeze %dma_start3A_197 : memref<1x40xi32, #tpu.memory_space<vmem>> -> memref<40xi32, #tpu.memory_space<vmem>>
    %dma_start3A_199 = arith.constant 0 : i32
    %dma_start3A_200 = arith.constant 0 : i32
    %dma_start3A_201 = tpu.memref_slice %arg2[%dma_start3A_199, %dma_start3A_200] : memref<10000x16xf32, #tpu.memory_space<hbm>> -> memref<10000x16xf32, #tpu.memory_space<hbm>>
    tpu.enqueue_indirect_dma source(%dma_start3A_201 : memref<10000x16xf32, #tpu.memory_space<hbm>>) target(%dma_start3A_195 : memref<40x16xf32, #tpu.memory_space<vmem>>) offsets(%dma_start3A_198 : memref<40xi32, #tpu.memory_space<vmem>>) semaphore(%arg7 : memref<!tpu.dma_semaphore, #tpu.memory_space<semaphore_mem>>)
    %scan3A = arith.constant 0 : i32
    %scan3A_202 = arith.constant 0 : i32
    %scan3A_203 = arith.constant 125 : i32
    %scan3A_204 = arith.addi %scan3A_202, %scan3A_203 : i32
    %scan3A_205 = arith.constant 1 : i32
    scf.for %scan3A_209 = %scan3A_202 to %scan3A_204 step %scan3A_205  : i32 {
      %add3A_210 = arith.constant 20 : i32
      %add3A_211 = arith.addi %scan3A_209, %add3A_210 : i32
      %lt3A = arith.constant 125 : i32
      %lt3A_212 = arith.cmpi slt, %add3A_211, %lt3A : i32
      %convert_element_type3A = arith.extui %lt3A_212 : i1 to i32
      %cond3A = arith.constant 0 : i32
      %cond3A_213 = arith.cmpi ne, %convert_element_type3A, %cond3A : i32
      scf.if %cond3A_213 {
        %mul3A_223 = arith.constant 40 : i32
        %mul3A_224 = arith.muli %add3A_211, %mul3A_223 : i32
        %dma_start3A_225 = arith.constant 0 : i32
        %dma_start3A_226 = tpu.memref_slice %arg6[%mul3A_224, %dma_start3A_225] : memref<5000x16xf32, #tpu.memory_space<vmem>> -> memref<40x16xf32, #tpu.memory_space<vmem>>
        %dma_start3A_227 = arith.constant 0 : i32
        %dma_start3A_228 = tpu.memref_slice %arg5[%add3A_211, %dma_start3A_227] : memref<125x40xi32, #tpu.memory_space<vmem>> -> memref<1x40xi32, #tpu.memory_space<vmem>>
        %dma_start3A_229 = tpu.memref_squeeze %dma_start3A_228 : memref<1x40xi32, #tpu.memory_space<vmem>> -> memref<40xi32, #tpu.memory_space<vmem>>
        %dma_start3A_230 = arith.constant 0 : i32
        %dma_start3A_231 = arith.constant 0 : i32
        %dma_start3A_232 = tpu.memref_slice %arg2[%dma_start3A_230, %dma_start3A_231] : memref<10000x16xf32, #tpu.memory_space<hbm>> -> memref<10000x16xf32, #tpu.memory_space<hbm>>
        tpu.enqueue_indirect_dma source(%dma_start3A_232 : memref<10000x16xf32, #tpu.memory_space<hbm>>) target(%dma_start3A_226 : memref<40x16xf32, #tpu.memory_space<vmem>>) offsets(%dma_start3A_229 : memref<40xi32, #tpu.memory_space<vmem>>) semaphore(%arg7 : memref<!tpu.dma_semaphore, #tpu.memory_space<semaphore_mem>>)
      } else {
      }
      %mul3A_214 = arith.constant 40 : i32
      %mul3A_215 = arith.muli %scan3A_209, %mul3A_214 : i32
      %dma_wait3A = arith.constant 0 : i32
      %dma_wait3A_216 = tpu.memref_slice %arg6[%mul3A_215, %dma_wait3A] : memref<5000x16xf32, #tpu.memory_space<vmem>> -> memref<40x16xf32, #tpu.memory_space<vmem>>
      %dma_wait3A_217 = arith.constant 0 : i32
      %dma_wait3A_218 = tpu.memref_slice %arg5[%scan3A_209, %dma_wait3A_217] : memref<125x40xi32, #tpu.memory_space<vmem>> -> memref<1x40xi32, #tpu.memory_space<vmem>>
      %dma_wait3A_219 = tpu.memref_squeeze %dma_wait3A_218 : memref<1x40xi32, #tpu.memory_space<vmem>> -> memref<40xi32, #tpu.memory_space<vmem>>
      %dma_wait3A_220 = arith.constant 0 : i32
      %dma_wait3A_221 = arith.constant 0 : i32
      %dma_wait3A_222 = tpu.memref_slice %arg2[%dma_wait3A_220, %dma_wait3A_221] : memref<10000x16xf32, #tpu.memory_space<hbm>> -> memref<10000x16xf32, #tpu.memory_space<hbm>>
      tpu.wait_indirect_dma semaphore(%arg7 : memref<!tpu.dma_semaphore, #tpu.memory_space<semaphore_mem>>) src(%dma_wait3A_222 : memref<10000x16xf32, #tpu.memory_space<hbm>>) dst(%dma_wait3A_216 : memref<40x16xf32, #tpu.memory_space<vmem>>)
    }
    %scan3A_206 = arith.constant 125 : i32
    %mul3A_207 = arith.constant 5000 : i32
    %mul3A_208 = arith.muli %add3A, %mul3A_207 : i32
    "tpu.region"() ({
      %run_scoped3A = tpu.sem_alloc : memref<!tpu.dma_semaphore, #tpu.memory_space<semaphore_mem>>
      %dma_start3A_209 = arith.constant 0 : i32
      %dma_start3A_210 = tpu.memref_slice %arg4[%mul3A_208, %dma_start3A_209] : memref<160000x16xf32, #tpu.memory_space<hbm>> -> memref<5000x16xf32, #tpu.memory_space<hbm>>
      %dma_start3A_211 = arith.constant 0 : i32
      %dma_start3A_212 = tpu.memref_slice %arg4[%mul3A_208, %dma_start3A_211] : memref<160000x16xf32, #tpu.memory_space<hbm>> -> memref<5000x16xf32, #tpu.memory_space<hbm>>
      tpu.enqueue_dma source(%arg6 : memref<5000x16xf32, #tpu.memory_space<vmem>>) target(%dma_start3A_212 : memref<5000x16xf32, #tpu.memory_space<hbm>>) target_semaphore(%run_scoped3A : memref<!tpu.dma_semaphore, #tpu.memory_space<semaphore_mem>>)
      %dma_wait3A = arith.constant 0 : i32
      %dma_wait3A_213 = tpu.memref_slice %arg4[%mul3A_208, %dma_wait3A] : memref<160000x16xf32, #tpu.memory_space<hbm>> -> memref<5000x16xf32, #tpu.memory_space<hbm>>
      %dma_wait3A_214 = arith.constant 0 : i32
      %dma_wait3A_215 = tpu.memref_slice %arg4[%mul3A_208, %dma_wait3A_214] : memref<160000x16xf32, #tpu.memory_space<hbm>> -> memref<5000x16xf32, #tpu.memory_space<hbm>>
      tpu.wait_dma2 semaphore(%run_scoped3A : memref<!tpu.dma_semaphore, #tpu.memory_space<semaphore_mem>>) src(%arg6 : memref<5000x16xf32, #tpu.memory_space<vmem>>) dst(%dma_wait3A_215 : memref<5000x16xf32, #tpu.memory_space<hbm>>)
      tpu.yield
    }) : () -> ()
    return
  }
}

#map = affine_map<(d0, d1) -> (0, 0)>
#map1 = affine_map<(d0, d1) -> (0, 0, 0)>
module attributes {stable_mosaic.version = 14 : i64} {
  func.func @body(%arg0: i32, %arg1: i32, %arg2: memref<160000x16xf32, #tpu.memory_space<hbm>>, %arg3: memref<4000x40xi32, #tpu.memory_space<hbm>>, %arg4: memref<10000x16xf32, #tpu.memory_space<hbm>>, %arg5: memref<2x10000x16xf32, #tpu.memory_space<hbm>>, %arg6: memref<125x40xi32, #tpu.memory_space<vmem>>, %arg7: memref<5000x16xf32, #tpu.memory_space<vmem>>, %arg8: memref<40x16xf32, #tpu.memory_space<vmem>>, %arg9: memref<10000x16xf32, #tpu.memory_space<vmem_shared>>, %arg10: memref<10000x16xf32, #tpu.memory_space<vmem_shared>>, %arg11: memref<!tpu.dma_semaphore, #tpu.memory_space<semaphore_mem>>) attributes {dimension_semantics = [#tpu.dimension_semantics<core_parallel>, #tpu.dimension_semantics<subcore_parallel>], iteration_bounds = array<i64: 2, 16>, scalar_prefetch = 0 : i64, scratch_operands = 6 : i64, tpu.core_type = #tpu.core_type<sc_vector_subcore>, window_params = [{transform_indices = #map}, {transform_indices = #map}, {transform_indices = #map}, {transform_indices = #map1}]} {
    %mul3A = arith.constant 2 : i32
    %mul3A_0 = arith.muli %arg1, %mul3A : i32
    %add3A = arith.addi %mul3A_0, %arg0 : i32
    %mul3A_1 = arith.constant 625 : i32
    %mul3A_2 = arith.muli %arg1, %mul3A_1 : i32
    %mul3A_3 = arith.constant 625 : i32
    %mul3A_4 = arith.muli %arg1, %mul3A_3 : i32
    "tpu.region"() ({
      %run_scoped3A = tpu.sem_alloc : memref<!tpu.dma_semaphore, #tpu.memory_space<semaphore_mem>>
      %dma_start3A_218 = arith.constant 0 : i32
      %dma_start3A_219 = tpu.memref_slice %arg9[%mul3A_4, %dma_start3A_218] : memref<10000x16xf32, #tpu.memory_space<vmem_shared>> -> memref<625x16xf32, #tpu.memory_space<vmem_shared>>
      %dma_start3A_220 = arith.constant 0 : i32
      %dma_start3A_221 = tpu.memref_slice %arg4[%mul3A_2, %dma_start3A_220] : memref<10000x16xf32, #tpu.memory_space<hbm>> -> memref<625x16xf32, #tpu.memory_space<hbm>>
      tpu.enqueue_dma source(%dma_start3A_221 : memref<625x16xf32, #tpu.memory_space<hbm>>) target(%dma_start3A_219 : memref<625x16xf32, #tpu.memory_space<vmem_shared>>) target_semaphore(%run_scoped3A : memref<!tpu.dma_semaphore, #tpu.memory_space<semaphore_mem>>)
      %dma_wait3A = arith.constant 0 : i32
      %dma_wait3A_222 = tpu.memref_slice %arg9[%mul3A_4, %dma_wait3A] : memref<10000x16xf32, #tpu.memory_space<vmem_shared>> -> memref<625x16xf32, #tpu.memory_space<vmem_shared>>
      %dma_wait3A_223 = arith.constant 0 : i32
      %dma_wait3A_224 = tpu.memref_slice %arg4[%mul3A_2, %dma_wait3A_223] : memref<10000x16xf32, #tpu.memory_space<hbm>> -> memref<625x16xf32, #tpu.memory_space<hbm>>
      tpu.wait_dma2 semaphore(%run_scoped3A : memref<!tpu.dma_semaphore, #tpu.memory_space<semaphore_mem>>) src(%dma_wait3A_224 : memref<625x16xf32, #tpu.memory_space<hbm>>) dst(%dma_wait3A_222 : memref<625x16xf32, #tpu.memory_space<vmem_shared>>)
      tpu.yield
    }) : () -> ()
    %mul3A_5 = arith.constant 125 : i32
    %mul3A_6 = arith.muli %add3A, %mul3A_5 : i32
    "tpu.region"() ({
      %run_scoped3A = tpu.sem_alloc : memref<!tpu.dma_semaphore, #tpu.memory_space<semaphore_mem>>
      %dma_start3A_218 = arith.constant 0 : i32
      %dma_start3A_219 = tpu.memref_slice %arg3[%mul3A_6, %dma_start3A_218] : memref<4000x40xi32, #tpu.memory_space<hbm>> -> memref<125x40xi32, #tpu.memory_space<hbm>>
      %dma_start3A_220 = arith.constant 0 : i32
      %dma_start3A_221 = tpu.memref_slice %arg3[%mul3A_6, %dma_start3A_220] : memref<4000x40xi32, #tpu.memory_space<hbm>> -> memref<125x40xi32, #tpu.memory_space<hbm>>
      tpu.enqueue_dma source(%dma_start3A_221 : memref<125x40xi32, #tpu.memory_space<hbm>>) target(%arg6 : memref<125x40xi32, #tpu.memory_space<vmem>>) target_semaphore(%run_scoped3A : memref<!tpu.dma_semaphore, #tpu.memory_space<semaphore_mem>>)
      %dma_wait3A = arith.constant 0 : i32
      %dma_wait3A_222 = tpu.memref_slice %arg3[%mul3A_6, %dma_wait3A] : memref<4000x40xi32, #tpu.memory_space<hbm>> -> memref<125x40xi32, #tpu.memory_space<hbm>>
      %dma_wait3A_223 = arith.constant 0 : i32
      %dma_wait3A_224 = tpu.memref_slice %arg3[%mul3A_6, %dma_wait3A_223] : memref<4000x40xi32, #tpu.memory_space<hbm>> -> memref<125x40xi32, #tpu.memory_space<hbm>>
      tpu.wait_dma2 semaphore(%run_scoped3A : memref<!tpu.dma_semaphore, #tpu.memory_space<semaphore_mem>>) src(%dma_wait3A_224 : memref<125x40xi32, #tpu.memory_space<hbm>>) dst(%arg6 : memref<125x40xi32, #tpu.memory_space<vmem>>)
      tpu.yield
    }) : () -> ()
    %mul3A_7 = arith.constant 5000 : i32
    %mul3A_8 = arith.muli %add3A, %mul3A_7 : i32
    "tpu.region"() ({
      %run_scoped3A = tpu.sem_alloc : memref<!tpu.dma_semaphore, #tpu.memory_space<semaphore_mem>>
      %dma_start3A_218 = arith.constant 0 : i32
      %dma_start3A_219 = tpu.memref_slice %arg2[%mul3A_8, %dma_start3A_218] : memref<160000x16xf32, #tpu.memory_space<hbm>> -> memref<5000x16xf32, #tpu.memory_space<hbm>>
      %dma_start3A_220 = arith.constant 0 : i32
      %dma_start3A_221 = tpu.memref_slice %arg2[%mul3A_8, %dma_start3A_220] : memref<160000x16xf32, #tpu.memory_space<hbm>> -> memref<5000x16xf32, #tpu.memory_space<hbm>>
      tpu.enqueue_dma source(%dma_start3A_221 : memref<5000x16xf32, #tpu.memory_space<hbm>>) target(%arg7 : memref<5000x16xf32, #tpu.memory_space<vmem>>) target_semaphore(%run_scoped3A : memref<!tpu.dma_semaphore, #tpu.memory_space<semaphore_mem>>)
      %dma_wait3A = arith.constant 0 : i32
      %dma_wait3A_222 = tpu.memref_slice %arg2[%mul3A_8, %dma_wait3A] : memref<160000x16xf32, #tpu.memory_space<hbm>> -> memref<5000x16xf32, #tpu.memory_space<hbm>>
      %dma_wait3A_223 = arith.constant 0 : i32
      %dma_wait3A_224 = tpu.memref_slice %arg2[%mul3A_8, %dma_wait3A_223] : memref<160000x16xf32, #tpu.memory_space<hbm>> -> memref<5000x16xf32, #tpu.memory_space<hbm>>
      tpu.wait_dma2 semaphore(%run_scoped3A : memref<!tpu.dma_semaphore, #tpu.memory_space<semaphore_mem>>) src(%dma_wait3A_224 : memref<5000x16xf32, #tpu.memory_space<hbm>>) dst(%arg7 : memref<5000x16xf32, #tpu.memory_space<vmem>>)
      tpu.yield
    }) : () -> ()
    %barrier3A = arith.constant 0 : index
    tpu.barrier barrier_id(%barrier3A)
    %dma_start3A = arith.constant 0 : i32
    %dma_start3A_9 = arith.constant 0 : i32
    %dma_start3A_10 = arith.constant 0 : i32
    %dma_start3A_11 = tpu.memref_slice %arg7[%dma_start3A_9, %dma_start3A_10] : memref<5000x16xf32, #tpu.memory_space<vmem>> -> memref<40x16xf32, #tpu.memory_space<vmem>>
    %dma_start3A_12 = arith.constant 0 : i32
    %dma_start3A_13 = tpu.memref_slice %arg6[%dma_start3A, %dma_start3A_12] : memref<125x40xi32, #tpu.memory_space<vmem>> -> memref<1x40xi32, #tpu.memory_space<vmem>>
    %dma_start3A_14 = tpu.memref_squeeze %dma_start3A_13 : memref<1x40xi32, #tpu.memory_space<vmem>> -> memref<40xi32, #tpu.memory_space<vmem>>
    %dma_start3A_15 = arith.constant 0 : i32
    %dma_start3A_16 = arith.constant 0 : i32
    %dma_start3A_17 = tpu.memref_slice %arg9[%dma_start3A_15, %dma_start3A_16] : memref<10000x16xf32, #tpu.memory_space<vmem_shared>> -> memref<10000x16xf32, #tpu.memory_space<vmem_shared>>
    tpu.enqueue_indirect_dma source(%dma_start3A_11 : memref<40x16xf32, #tpu.memory_space<vmem>>) target(%dma_start3A_17 : memref<10000x16xf32, #tpu.memory_space<vmem_shared>>) offsets(%dma_start3A_14 : memref<40xi32, #tpu.memory_space<vmem>>) semaphore(%arg11 : memref<!tpu.dma_semaphore, #tpu.memory_space<semaphore_mem>>) {add = true}
    %dma_start3A_18 = arith.constant 1 : i32
    %dma_start3A_19 = arith.constant 40 : i32
    %dma_start3A_20 = arith.constant 0 : i32
    %dma_start3A_21 = tpu.memref_slice %arg7[%dma_start3A_19, %dma_start3A_20] : memref<5000x16xf32, #tpu.memory_space<vmem>> -> memref<40x16xf32, #tpu.memory_space<vmem>>
    %dma_start3A_22 = arith.constant 0 : i32
    %dma_start3A_23 = tpu.memref_slice %arg6[%dma_start3A_18, %dma_start3A_22] : memref<125x40xi32, #tpu.memory_space<vmem>> -> memref<1x40xi32, #tpu.memory_space<vmem>>
    %dma_start3A_24 = tpu.memref_squeeze %dma_start3A_23 : memref<1x40xi32, #tpu.memory_space<vmem>> -> memref<40xi32, #tpu.memory_space<vmem>>
    %dma_start3A_25 = arith.constant 0 : i32
    %dma_start3A_26 = arith.constant 0 : i32
    %dma_start3A_27 = tpu.memref_slice %arg9[%dma_start3A_25, %dma_start3A_26] : memref<10000x16xf32, #tpu.memory_space<vmem_shared>> -> memref<10000x16xf32, #tpu.memory_space<vmem_shared>>
    tpu.enqueue_indirect_dma source(%dma_start3A_21 : memref<40x16xf32, #tpu.memory_space<vmem>>) target(%dma_start3A_27 : memref<10000x16xf32, #tpu.memory_space<vmem_shared>>) offsets(%dma_start3A_24 : memref<40xi32, #tpu.memory_space<vmem>>) semaphore(%arg11 : memref<!tpu.dma_semaphore, #tpu.memory_space<semaphore_mem>>) {add = true}
    %dma_start3A_28 = arith.constant 2 : i32
    %dma_start3A_29 = arith.constant 80 : i32
    %dma_start3A_30 = arith.constant 0 : i32
    %dma_start3A_31 = tpu.memref_slice %arg7[%dma_start3A_29, %dma_start3A_30] : memref<5000x16xf32, #tpu.memory_space<vmem>> -> memref<40x16xf32, #tpu.memory_space<vmem>>
    %dma_start3A_32 = arith.constant 0 : i32
    %dma_start3A_33 = tpu.memref_slice %arg6[%dma_start3A_28, %dma_start3A_32] : memref<125x40xi32, #tpu.memory_space<vmem>> -> memref<1x40xi32, #tpu.memory_space<vmem>>
    %dma_start3A_34 = tpu.memref_squeeze %dma_start3A_33 : memref<1x40xi32, #tpu.memory_space<vmem>> -> memref<40xi32, #tpu.memory_space<vmem>>
    %dma_start3A_35 = arith.constant 0 : i32
    %dma_start3A_36 = arith.constant 0 : i32
    %dma_start3A_37 = tpu.memref_slice %arg9[%dma_start3A_35, %dma_start3A_36] : memref<10000x16xf32, #tpu.memory_space<vmem_shared>> -> memref<10000x16xf32, #tpu.memory_space<vmem_shared>>
    tpu.enqueue_indirect_dma source(%dma_start3A_31 : memref<40x16xf32, #tpu.memory_space<vmem>>) target(%dma_start3A_37 : memref<10000x16xf32, #tpu.memory_space<vmem_shared>>) offsets(%dma_start3A_34 : memref<40xi32, #tpu.memory_space<vmem>>) semaphore(%arg11 : memref<!tpu.dma_semaphore, #tpu.memory_space<semaphore_mem>>) {add = true}
    %dma_start3A_38 = arith.constant 3 : i32
    %dma_start3A_39 = arith.constant 120 : i32
    %dma_start3A_40 = arith.constant 0 : i32
    %dma_start3A_41 = tpu.memref_slice %arg7[%dma_start3A_39, %dma_start3A_40] : memref<5000x16xf32, #tpu.memory_space<vmem>> -> memref<40x16xf32, #tpu.memory_space<vmem>>
    %dma_start3A_42 = arith.constant 0 : i32
    %dma_start3A_43 = tpu.memref_slice %arg6[%dma_start3A_38, %dma_start3A_42] : memref<125x40xi32, #tpu.memory_space<vmem>> -> memref<1x40xi32, #tpu.memory_space<vmem>>
    %dma_start3A_44 = tpu.memref_squeeze %dma_start3A_43 : memref<1x40xi32, #tpu.memory_space<vmem>> -> memref<40xi32, #tpu.memory_space<vmem>>
    %dma_start3A_45 = arith.constant 0 : i32
    %dma_start3A_46 = arith.constant 0 : i32
    %dma_start3A_47 = tpu.memref_slice %arg9[%dma_start3A_45, %dma_start3A_46] : memref<10000x16xf32, #tpu.memory_space<vmem_shared>> -> memref<10000x16xf32, #tpu.memory_space<vmem_shared>>
    tpu.enqueue_indirect_dma source(%dma_start3A_41 : memref<40x16xf32, #tpu.memory_space<vmem>>) target(%dma_start3A_47 : memref<10000x16xf32, #tpu.memory_space<vmem_shared>>) offsets(%dma_start3A_44 : memref<40xi32, #tpu.memory_space<vmem>>) semaphore(%arg11 : memref<!tpu.dma_semaphore, #tpu.memory_space<semaphore_mem>>) {add = true}
    %dma_start3A_48 = arith.constant 4 : i32
    %dma_start3A_49 = arith.constant 160 : i32
    %dma_start3A_50 = arith.constant 0 : i32
    %dma_start3A_51 = tpu.memref_slice %arg7[%dma_start3A_49, %dma_start3A_50] : memref<5000x16xf32, #tpu.memory_space<vmem>> -> memref<40x16xf32, #tpu.memory_space<vmem>>
    %dma_start3A_52 = arith.constant 0 : i32
    %dma_start3A_53 = tpu.memref_slice %arg6[%dma_start3A_48, %dma_start3A_52] : memref<125x40xi32, #tpu.memory_space<vmem>> -> memref<1x40xi32, #tpu.memory_space<vmem>>
    %dma_start3A_54 = tpu.memref_squeeze %dma_start3A_53 : memref<1x40xi32, #tpu.memory_space<vmem>> -> memref<40xi32, #tpu.memory_space<vmem>>
    %dma_start3A_55 = arith.constant 0 : i32
    %dma_start3A_56 = arith.constant 0 : i32
    %dma_start3A_57 = tpu.memref_slice %arg9[%dma_start3A_55, %dma_start3A_56] : memref<10000x16xf32, #tpu.memory_space<vmem_shared>> -> memref<10000x16xf32, #tpu.memory_space<vmem_shared>>
    tpu.enqueue_indirect_dma source(%dma_start3A_51 : memref<40x16xf32, #tpu.memory_space<vmem>>) target(%dma_start3A_57 : memref<10000x16xf32, #tpu.memory_space<vmem_shared>>) offsets(%dma_start3A_54 : memref<40xi32, #tpu.memory_space<vmem>>) semaphore(%arg11 : memref<!tpu.dma_semaphore, #tpu.memory_space<semaphore_mem>>) {add = true}
    %dma_start3A_58 = arith.constant 5 : i32
    %dma_start3A_59 = arith.constant 200 : i32
    %dma_start3A_60 = arith.constant 0 : i32
    %dma_start3A_61 = tpu.memref_slice %arg7[%dma_start3A_59, %dma_start3A_60] : memref<5000x16xf32, #tpu.memory_space<vmem>> -> memref<40x16xf32, #tpu.memory_space<vmem>>
    %dma_start3A_62 = arith.constant 0 : i32
    %dma_start3A_63 = tpu.memref_slice %arg6[%dma_start3A_58, %dma_start3A_62] : memref<125x40xi32, #tpu.memory_space<vmem>> -> memref<1x40xi32, #tpu.memory_space<vmem>>
    %dma_start3A_64 = tpu.memref_squeeze %dma_start3A_63 : memref<1x40xi32, #tpu.memory_space<vmem>> -> memref<40xi32, #tpu.memory_space<vmem>>
    %dma_start3A_65 = arith.constant 0 : i32
    %dma_start3A_66 = arith.constant 0 : i32
    %dma_start3A_67 = tpu.memref_slice %arg9[%dma_start3A_65, %dma_start3A_66] : memref<10000x16xf32, #tpu.memory_space<vmem_shared>> -> memref<10000x16xf32, #tpu.memory_space<vmem_shared>>
    tpu.enqueue_indirect_dma source(%dma_start3A_61 : memref<40x16xf32, #tpu.memory_space<vmem>>) target(%dma_start3A_67 : memref<10000x16xf32, #tpu.memory_space<vmem_shared>>) offsets(%dma_start3A_64 : memref<40xi32, #tpu.memory_space<vmem>>) semaphore(%arg11 : memref<!tpu.dma_semaphore, #tpu.memory_space<semaphore_mem>>) {add = true}
    %dma_start3A_68 = arith.constant 6 : i32
    %dma_start3A_69 = arith.constant 240 : i32
    %dma_start3A_70 = arith.constant 0 : i32
    %dma_start3A_71 = tpu.memref_slice %arg7[%dma_start3A_69, %dma_start3A_70] : memref<5000x16xf32, #tpu.memory_space<vmem>> -> memref<40x16xf32, #tpu.memory_space<vmem>>
    %dma_start3A_72 = arith.constant 0 : i32
    %dma_start3A_73 = tpu.memref_slice %arg6[%dma_start3A_68, %dma_start3A_72] : memref<125x40xi32, #tpu.memory_space<vmem>> -> memref<1x40xi32, #tpu.memory_space<vmem>>
    %dma_start3A_74 = tpu.memref_squeeze %dma_start3A_73 : memref<1x40xi32, #tpu.memory_space<vmem>> -> memref<40xi32, #tpu.memory_space<vmem>>
    %dma_start3A_75 = arith.constant 0 : i32
    %dma_start3A_76 = arith.constant 0 : i32
    %dma_start3A_77 = tpu.memref_slice %arg9[%dma_start3A_75, %dma_start3A_76] : memref<10000x16xf32, #tpu.memory_space<vmem_shared>> -> memref<10000x16xf32, #tpu.memory_space<vmem_shared>>
    tpu.enqueue_indirect_dma source(%dma_start3A_71 : memref<40x16xf32, #tpu.memory_space<vmem>>) target(%dma_start3A_77 : memref<10000x16xf32, #tpu.memory_space<vmem_shared>>) offsets(%dma_start3A_74 : memref<40xi32, #tpu.memory_space<vmem>>) semaphore(%arg11 : memref<!tpu.dma_semaphore, #tpu.memory_space<semaphore_mem>>) {add = true}
    %dma_start3A_78 = arith.constant 7 : i32
    %dma_start3A_79 = arith.constant 280 : i32
    %dma_start3A_80 = arith.constant 0 : i32
    %dma_start3A_81 = tpu.memref_slice %arg7[%dma_start3A_79, %dma_start3A_80] : memref<5000x16xf32, #tpu.memory_space<vmem>> -> memref<40x16xf32, #tpu.memory_space<vmem>>
    %dma_start3A_82 = arith.constant 0 : i32
    %dma_start3A_83 = tpu.memref_slice %arg6[%dma_start3A_78, %dma_start3A_82] : memref<125x40xi32, #tpu.memory_space<vmem>> -> memref<1x40xi32, #tpu.memory_space<vmem>>
    %dma_start3A_84 = tpu.memref_squeeze %dma_start3A_83 : memref<1x40xi32, #tpu.memory_space<vmem>> -> memref<40xi32, #tpu.memory_space<vmem>>
    %dma_start3A_85 = arith.constant 0 : i32
    %dma_start3A_86 = arith.constant 0 : i32
    %dma_start3A_87 = tpu.memref_slice %arg9[%dma_start3A_85, %dma_start3A_86] : memref<10000x16xf32, #tpu.memory_space<vmem_shared>> -> memref<10000x16xf32, #tpu.memory_space<vmem_shared>>
    tpu.enqueue_indirect_dma source(%dma_start3A_81 : memref<40x16xf32, #tpu.memory_space<vmem>>) target(%dma_start3A_87 : memref<10000x16xf32, #tpu.memory_space<vmem_shared>>) offsets(%dma_start3A_84 : memref<40xi32, #tpu.memory_space<vmem>>) semaphore(%arg11 : memref<!tpu.dma_semaphore, #tpu.memory_space<semaphore_mem>>) {add = true}
    %dma_start3A_88 = arith.constant 8 : i32
    %dma_start3A_89 = arith.constant 320 : i32
    %dma_start3A_90 = arith.constant 0 : i32
    %dma_start3A_91 = tpu.memref_slice %arg7[%dma_start3A_89, %dma_start3A_90] : memref<5000x16xf32, #tpu.memory_space<vmem>> -> memref<40x16xf32, #tpu.memory_space<vmem>>
    %dma_start3A_92 = arith.constant 0 : i32
    %dma_start3A_93 = tpu.memref_slice %arg6[%dma_start3A_88, %dma_start3A_92] : memref<125x40xi32, #tpu.memory_space<vmem>> -> memref<1x40xi32, #tpu.memory_space<vmem>>
    %dma_start3A_94 = tpu.memref_squeeze %dma_start3A_93 : memref<1x40xi32, #tpu.memory_space<vmem>> -> memref<40xi32, #tpu.memory_space<vmem>>
    %dma_start3A_95 = arith.constant 0 : i32
    %dma_start3A_96 = arith.constant 0 : i32
    %dma_start3A_97 = tpu.memref_slice %arg9[%dma_start3A_95, %dma_start3A_96] : memref<10000x16xf32, #tpu.memory_space<vmem_shared>> -> memref<10000x16xf32, #tpu.memory_space<vmem_shared>>
    tpu.enqueue_indirect_dma source(%dma_start3A_91 : memref<40x16xf32, #tpu.memory_space<vmem>>) target(%dma_start3A_97 : memref<10000x16xf32, #tpu.memory_space<vmem_shared>>) offsets(%dma_start3A_94 : memref<40xi32, #tpu.memory_space<vmem>>) semaphore(%arg11 : memref<!tpu.dma_semaphore, #tpu.memory_space<semaphore_mem>>) {add = true}
    %dma_start3A_98 = arith.constant 9 : i32
    %dma_start3A_99 = arith.constant 360 : i32
    %dma_start3A_100 = arith.constant 0 : i32
    %dma_start3A_101 = tpu.memref_slice %arg7[%dma_start3A_99, %dma_start3A_100] : memref<5000x16xf32, #tpu.memory_space<vmem>> -> memref<40x16xf32, #tpu.memory_space<vmem>>
    %dma_start3A_102 = arith.constant 0 : i32
    %dma_start3A_103 = tpu.memref_slice %arg6[%dma_start3A_98, %dma_start3A_102] : memref<125x40xi32, #tpu.memory_space<vmem>> -> memref<1x40xi32, #tpu.memory_space<vmem>>
    %dma_start3A_104 = tpu.memref_squeeze %dma_start3A_103 : memref<1x40xi32, #tpu.memory_space<vmem>> -> memref<40xi32, #tpu.memory_space<vmem>>
    %dma_start3A_105 = arith.constant 0 : i32
    %dma_start3A_106 = arith.constant 0 : i32
    %dma_start3A_107 = tpu.memref_slice %arg9[%dma_start3A_105, %dma_start3A_106] : memref<10000x16xf32, #tpu.memory_space<vmem_shared>> -> memref<10000x16xf32, #tpu.memory_space<vmem_shared>>
    tpu.enqueue_indirect_dma source(%dma_start3A_101 : memref<40x16xf32, #tpu.memory_space<vmem>>) target(%dma_start3A_107 : memref<10000x16xf32, #tpu.memory_space<vmem_shared>>) offsets(%dma_start3A_104 : memref<40xi32, #tpu.memory_space<vmem>>) semaphore(%arg11 : memref<!tpu.dma_semaphore, #tpu.memory_space<semaphore_mem>>) {add = true}
    %dma_start3A_108 = arith.constant 10 : i32
    %dma_start3A_109 = arith.constant 400 : i32
    %dma_start3A_110 = arith.constant 0 : i32
    %dma_start3A_111 = tpu.memref_slice %arg7[%dma_start3A_109, %dma_start3A_110] : memref<5000x16xf32, #tpu.memory_space<vmem>> -> memref<40x16xf32, #tpu.memory_space<vmem>>
    %dma_start3A_112 = arith.constant 0 : i32
    %dma_start3A_113 = tpu.memref_slice %arg6[%dma_start3A_108, %dma_start3A_112] : memref<125x40xi32, #tpu.memory_space<vmem>> -> memref<1x40xi32, #tpu.memory_space<vmem>>
    %dma_start3A_114 = tpu.memref_squeeze %dma_start3A_113 : memref<1x40xi32, #tpu.memory_space<vmem>> -> memref<40xi32, #tpu.memory_space<vmem>>
    %dma_start3A_115 = arith.constant 0 : i32
    %dma_start3A_116 = arith.constant 0 : i32
    %dma_start3A_117 = tpu.memref_slice %arg9[%dma_start3A_115, %dma_start3A_116] : memref<10000x16xf32, #tpu.memory_space<vmem_shared>> -> memref<10000x16xf32, #tpu.memory_space<vmem_shared>>
    tpu.enqueue_indirect_dma source(%dma_start3A_111 : memref<40x16xf32, #tpu.memory_space<vmem>>) target(%dma_start3A_117 : memref<10000x16xf32, #tpu.memory_space<vmem_shared>>) offsets(%dma_start3A_114 : memref<40xi32, #tpu.memory_space<vmem>>) semaphore(%arg11 : memref<!tpu.dma_semaphore, #tpu.memory_space<semaphore_mem>>) {add = true}
    %dma_start3A_118 = arith.constant 11 : i32
    %dma_start3A_119 = arith.constant 440 : i32
    %dma_start3A_120 = arith.constant 0 : i32
    %dma_start3A_121 = tpu.memref_slice %arg7[%dma_start3A_119, %dma_start3A_120] : memref<5000x16xf32, #tpu.memory_space<vmem>> -> memref<40x16xf32, #tpu.memory_space<vmem>>
    %dma_start3A_122 = arith.constant 0 : i32
    %dma_start3A_123 = tpu.memref_slice %arg6[%dma_start3A_118, %dma_start3A_122] : memref<125x40xi32, #tpu.memory_space<vmem>> -> memref<1x40xi32, #tpu.memory_space<vmem>>
    %dma_start3A_124 = tpu.memref_squeeze %dma_start3A_123 : memref<1x40xi32, #tpu.memory_space<vmem>> -> memref<40xi32, #tpu.memory_space<vmem>>
    %dma_start3A_125 = arith.constant 0 : i32
    %dma_start3A_126 = arith.constant 0 : i32
    %dma_start3A_127 = tpu.memref_slice %arg9[%dma_start3A_125, %dma_start3A_126] : memref<10000x16xf32, #tpu.memory_space<vmem_shared>> -> memref<10000x16xf32, #tpu.memory_space<vmem_shared>>
    tpu.enqueue_indirect_dma source(%dma_start3A_121 : memref<40x16xf32, #tpu.memory_space<vmem>>) target(%dma_start3A_127 : memref<10000x16xf32, #tpu.memory_space<vmem_shared>>) offsets(%dma_start3A_124 : memref<40xi32, #tpu.memory_space<vmem>>) semaphore(%arg11 : memref<!tpu.dma_semaphore, #tpu.memory_space<semaphore_mem>>) {add = true}
    %dma_start3A_128 = arith.constant 12 : i32
    %dma_start3A_129 = arith.constant 480 : i32
    %dma_start3A_130 = arith.constant 0 : i32
    %dma_start3A_131 = tpu.memref_slice %arg7[%dma_start3A_129, %dma_start3A_130] : memref<5000x16xf32, #tpu.memory_space<vmem>> -> memref<40x16xf32, #tpu.memory_space<vmem>>
    %dma_start3A_132 = arith.constant 0 : i32
    %dma_start3A_133 = tpu.memref_slice %arg6[%dma_start3A_128, %dma_start3A_132] : memref<125x40xi32, #tpu.memory_space<vmem>> -> memref<1x40xi32, #tpu.memory_space<vmem>>
    %dma_start3A_134 = tpu.memref_squeeze %dma_start3A_133 : memref<1x40xi32, #tpu.memory_space<vmem>> -> memref<40xi32, #tpu.memory_space<vmem>>
    %dma_start3A_135 = arith.constant 0 : i32
    %dma_start3A_136 = arith.constant 0 : i32
    %dma_start3A_137 = tpu.memref_slice %arg9[%dma_start3A_135, %dma_start3A_136] : memref<10000x16xf32, #tpu.memory_space<vmem_shared>> -> memref<10000x16xf32, #tpu.memory_space<vmem_shared>>
    tpu.enqueue_indirect_dma source(%dma_start3A_131 : memref<40x16xf32, #tpu.memory_space<vmem>>) target(%dma_start3A_137 : memref<10000x16xf32, #tpu.memory_space<vmem_shared>>) offsets(%dma_start3A_134 : memref<40xi32, #tpu.memory_space<vmem>>) semaphore(%arg11 : memref<!tpu.dma_semaphore, #tpu.memory_space<semaphore_mem>>) {add = true}
    %dma_start3A_138 = arith.constant 13 : i32
    %dma_start3A_139 = arith.constant 520 : i32
    %dma_start3A_140 = arith.constant 0 : i32
    %dma_start3A_141 = tpu.memref_slice %arg7[%dma_start3A_139, %dma_start3A_140] : memref<5000x16xf32, #tpu.memory_space<vmem>> -> memref<40x16xf32, #tpu.memory_space<vmem>>
    %dma_start3A_142 = arith.constant 0 : i32
    %dma_start3A_143 = tpu.memref_slice %arg6[%dma_start3A_138, %dma_start3A_142] : memref<125x40xi32, #tpu.memory_space<vmem>> -> memref<1x40xi32, #tpu.memory_space<vmem>>
    %dma_start3A_144 = tpu.memref_squeeze %dma_start3A_143 : memref<1x40xi32, #tpu.memory_space<vmem>> -> memref<40xi32, #tpu.memory_space<vmem>>
    %dma_start3A_145 = arith.constant 0 : i32
    %dma_start3A_146 = arith.constant 0 : i32
    %dma_start3A_147 = tpu.memref_slice %arg9[%dma_start3A_145, %dma_start3A_146] : memref<10000x16xf32, #tpu.memory_space<vmem_shared>> -> memref<10000x16xf32, #tpu.memory_space<vmem_shared>>
    tpu.enqueue_indirect_dma source(%dma_start3A_141 : memref<40x16xf32, #tpu.memory_space<vmem>>) target(%dma_start3A_147 : memref<10000x16xf32, #tpu.memory_space<vmem_shared>>) offsets(%dma_start3A_144 : memref<40xi32, #tpu.memory_space<vmem>>) semaphore(%arg11 : memref<!tpu.dma_semaphore, #tpu.memory_space<semaphore_mem>>) {add = true}
    %dma_start3A_148 = arith.constant 14 : i32
    %dma_start3A_149 = arith.constant 560 : i32
    %dma_start3A_150 = arith.constant 0 : i32
    %dma_start3A_151 = tpu.memref_slice %arg7[%dma_start3A_149, %dma_start3A_150] : memref<5000x16xf32, #tpu.memory_space<vmem>> -> memref<40x16xf32, #tpu.memory_space<vmem>>
    %dma_start3A_152 = arith.constant 0 : i32
    %dma_start3A_153 = tpu.memref_slice %arg6[%dma_start3A_148, %dma_start3A_152] : memref<125x40xi32, #tpu.memory_space<vmem>> -> memref<1x40xi32, #tpu.memory_space<vmem>>
    %dma_start3A_154 = tpu.memref_squeeze %dma_start3A_153 : memref<1x40xi32, #tpu.memory_space<vmem>> -> memref<40xi32, #tpu.memory_space<vmem>>
    %dma_start3A_155 = arith.constant 0 : i32
    %dma_start3A_156 = arith.constant 0 : i32
    %dma_start3A_157 = tpu.memref_slice %arg9[%dma_start3A_155, %dma_start3A_156] : memref<10000x16xf32, #tpu.memory_space<vmem_shared>> -> memref<10000x16xf32, #tpu.memory_space<vmem_shared>>
    tpu.enqueue_indirect_dma source(%dma_start3A_151 : memref<40x16xf32, #tpu.memory_space<vmem>>) target(%dma_start3A_157 : memref<10000x16xf32, #tpu.memory_space<vmem_shared>>) offsets(%dma_start3A_154 : memref<40xi32, #tpu.memory_space<vmem>>) semaphore(%arg11 : memref<!tpu.dma_semaphore, #tpu.memory_space<semaphore_mem>>) {add = true}
    %dma_start3A_158 = arith.constant 15 : i32
    %dma_start3A_159 = arith.constant 600 : i32
    %dma_start3A_160 = arith.constant 0 : i32
    %dma_start3A_161 = tpu.memref_slice %arg7[%dma_start3A_159, %dma_start3A_160] : memref<5000x16xf32, #tpu.memory_space<vmem>> -> memref<40x16xf32, #tpu.memory_space<vmem>>
    %dma_start3A_162 = arith.constant 0 : i32
    %dma_start3A_163 = tpu.memref_slice %arg6[%dma_start3A_158, %dma_start3A_162] : memref<125x40xi32, #tpu.memory_space<vmem>> -> memref<1x40xi32, #tpu.memory_space<vmem>>
    %dma_start3A_164 = tpu.memref_squeeze %dma_start3A_163 : memref<1x40xi32, #tpu.memory_space<vmem>> -> memref<40xi32, #tpu.memory_space<vmem>>
    %dma_start3A_165 = arith.constant 0 : i32
    %dma_start3A_166 = arith.constant 0 : i32
    %dma_start3A_167 = tpu.memref_slice %arg9[%dma_start3A_165, %dma_start3A_166] : memref<10000x16xf32, #tpu.memory_space<vmem_shared>> -> memref<10000x16xf32, #tpu.memory_space<vmem_shared>>
    tpu.enqueue_indirect_dma source(%dma_start3A_161 : memref<40x16xf32, #tpu.memory_space<vmem>>) target(%dma_start3A_167 : memref<10000x16xf32, #tpu.memory_space<vmem_shared>>) offsets(%dma_start3A_164 : memref<40xi32, #tpu.memory_space<vmem>>) semaphore(%arg11 : memref<!tpu.dma_semaphore, #tpu.memory_space<semaphore_mem>>) {add = true}
    %dma_start3A_168 = arith.constant 16 : i32
    %dma_start3A_169 = arith.constant 640 : i32
    %dma_start3A_170 = arith.constant 0 : i32
    %dma_start3A_171 = tpu.memref_slice %arg7[%dma_start3A_169, %dma_start3A_170] : memref<5000x16xf32, #tpu.memory_space<vmem>> -> memref<40x16xf32, #tpu.memory_space<vmem>>
    %dma_start3A_172 = arith.constant 0 : i32
    %dma_start3A_173 = tpu.memref_slice %arg6[%dma_start3A_168, %dma_start3A_172] : memref<125x40xi32, #tpu.memory_space<vmem>> -> memref<1x40xi32, #tpu.memory_space<vmem>>
    %dma_start3A_174 = tpu.memref_squeeze %dma_start3A_173 : memref<1x40xi32, #tpu.memory_space<vmem>> -> memref<40xi32, #tpu.memory_space<vmem>>
    %dma_start3A_175 = arith.constant 0 : i32
    %dma_start3A_176 = arith.constant 0 : i32
    %dma_start3A_177 = tpu.memref_slice %arg9[%dma_start3A_175, %dma_start3A_176] : memref<10000x16xf32, #tpu.memory_space<vmem_shared>> -> memref<10000x16xf32, #tpu.memory_space<vmem_shared>>
    tpu.enqueue_indirect_dma source(%dma_start3A_171 : memref<40x16xf32, #tpu.memory_space<vmem>>) target(%dma_start3A_177 : memref<10000x16xf32, #tpu.memory_space<vmem_shared>>) offsets(%dma_start3A_174 : memref<40xi32, #tpu.memory_space<vmem>>) semaphore(%arg11 : memref<!tpu.dma_semaphore, #tpu.memory_space<semaphore_mem>>) {add = true}
    %dma_start3A_178 = arith.constant 17 : i32
    %dma_start3A_179 = arith.constant 680 : i32
    %dma_start3A_180 = arith.constant 0 : i32
    %dma_start3A_181 = tpu.memref_slice %arg7[%dma_start3A_179, %dma_start3A_180] : memref<5000x16xf32, #tpu.memory_space<vmem>> -> memref<40x16xf32, #tpu.memory_space<vmem>>
    %dma_start3A_182 = arith.constant 0 : i32
    %dma_start3A_183 = tpu.memref_slice %arg6[%dma_start3A_178, %dma_start3A_182] : memref<125x40xi32, #tpu.memory_space<vmem>> -> memref<1x40xi32, #tpu.memory_space<vmem>>
    %dma_start3A_184 = tpu.memref_squeeze %dma_start3A_183 : memref<1x40xi32, #tpu.memory_space<vmem>> -> memref<40xi32, #tpu.memory_space<vmem>>
    %dma_start3A_185 = arith.constant 0 : i32
    %dma_start3A_186 = arith.constant 0 : i32
    %dma_start3A_187 = tpu.memref_slice %arg9[%dma_start3A_185, %dma_start3A_186] : memref<10000x16xf32, #tpu.memory_space<vmem_shared>> -> memref<10000x16xf32, #tpu.memory_space<vmem_shared>>
    tpu.enqueue_indirect_dma source(%dma_start3A_181 : memref<40x16xf32, #tpu.memory_space<vmem>>) target(%dma_start3A_187 : memref<10000x16xf32, #tpu.memory_space<vmem_shared>>) offsets(%dma_start3A_184 : memref<40xi32, #tpu.memory_space<vmem>>) semaphore(%arg11 : memref<!tpu.dma_semaphore, #tpu.memory_space<semaphore_mem>>) {add = true}
    %dma_start3A_188 = arith.constant 18 : i32
    %dma_start3A_189 = arith.constant 720 : i32
    %dma_start3A_190 = arith.constant 0 : i32
    %dma_start3A_191 = tpu.memref_slice %arg7[%dma_start3A_189, %dma_start3A_190] : memref<5000x16xf32, #tpu.memory_space<vmem>> -> memref<40x16xf32, #tpu.memory_space<vmem>>
    %dma_start3A_192 = arith.constant 0 : i32
    %dma_start3A_193 = tpu.memref_slice %arg6[%dma_start3A_188, %dma_start3A_192] : memref<125x40xi32, #tpu.memory_space<vmem>> -> memref<1x40xi32, #tpu.memory_space<vmem>>
    %dma_start3A_194 = tpu.memref_squeeze %dma_start3A_193 : memref<1x40xi32, #tpu.memory_space<vmem>> -> memref<40xi32, #tpu.memory_space<vmem>>
    %dma_start3A_195 = arith.constant 0 : i32
    %dma_start3A_196 = arith.constant 0 : i32
    %dma_start3A_197 = tpu.memref_slice %arg9[%dma_start3A_195, %dma_start3A_196] : memref<10000x16xf32, #tpu.memory_space<vmem_shared>> -> memref<10000x16xf32, #tpu.memory_space<vmem_shared>>
    tpu.enqueue_indirect_dma source(%dma_start3A_191 : memref<40x16xf32, #tpu.memory_space<vmem>>) target(%dma_start3A_197 : memref<10000x16xf32, #tpu.memory_space<vmem_shared>>) offsets(%dma_start3A_194 : memref<40xi32, #tpu.memory_space<vmem>>) semaphore(%arg11 : memref<!tpu.dma_semaphore, #tpu.memory_space<semaphore_mem>>) {add = true}
    %dma_start3A_198 = arith.constant 19 : i32
    %dma_start3A_199 = arith.constant 760 : i32
    %dma_start3A_200 = arith.constant 0 : i32
    %dma_start3A_201 = tpu.memref_slice %arg7[%dma_start3A_199, %dma_start3A_200] : memref<5000x16xf32, #tpu.memory_space<vmem>> -> memref<40x16xf32, #tpu.memory_space<vmem>>
    %dma_start3A_202 = arith.constant 0 : i32
    %dma_start3A_203 = tpu.memref_slice %arg6[%dma_start3A_198, %dma_start3A_202] : memref<125x40xi32, #tpu.memory_space<vmem>> -> memref<1x40xi32, #tpu.memory_space<vmem>>
    %dma_start3A_204 = tpu.memref_squeeze %dma_start3A_203 : memref<1x40xi32, #tpu.memory_space<vmem>> -> memref<40xi32, #tpu.memory_space<vmem>>
    %dma_start3A_205 = arith.constant 0 : i32
    %dma_start3A_206 = arith.constant 0 : i32
    %dma_start3A_207 = tpu.memref_slice %arg9[%dma_start3A_205, %dma_start3A_206] : memref<10000x16xf32, #tpu.memory_space<vmem_shared>> -> memref<10000x16xf32, #tpu.memory_space<vmem_shared>>
    tpu.enqueue_indirect_dma source(%dma_start3A_201 : memref<40x16xf32, #tpu.memory_space<vmem>>) target(%dma_start3A_207 : memref<10000x16xf32, #tpu.memory_space<vmem_shared>>) offsets(%dma_start3A_204 : memref<40xi32, #tpu.memory_space<vmem>>) semaphore(%arg11 : memref<!tpu.dma_semaphore, #tpu.memory_space<semaphore_mem>>) {add = true}
    %scan3A = arith.constant 0 : i32
    %scan3A_208 = arith.constant 0 : i32
    %scan3A_209 = arith.constant 125 : i32
    %scan3A_210 = arith.addi %scan3A_208, %scan3A_209 : i32
    %scan3A_211 = arith.constant 1 : i32
    scf.for %scan3A_218 = %scan3A_208 to %scan3A_210 step %scan3A_211  : i32 {
      %add3A_219 = arith.constant 20 : i32
      %add3A_220 = arith.addi %scan3A_218, %add3A_219 : i32
      %lt3A = arith.constant 125 : i32
      %lt3A_221 = arith.cmpi slt, %add3A_220, %lt3A : i32
      %convert_element_type3A = arith.extui %lt3A_221 : i1 to i32
      %cond3A = arith.constant 0 : i32
      %cond3A_222 = arith.cmpi ne, %convert_element_type3A, %cond3A : i32
      scf.if %cond3A_222 {
        %mul3A_232 = arith.constant 40 : i32
        %mul3A_233 = arith.muli %add3A_220, %mul3A_232 : i32
        %dma_start3A_234 = arith.constant 0 : i32
        %dma_start3A_235 = tpu.memref_slice %arg7[%mul3A_233, %dma_start3A_234] : memref<5000x16xf32, #tpu.memory_space<vmem>> -> memref<40x16xf32, #tpu.memory_space<vmem>>
        %dma_start3A_236 = arith.constant 0 : i32
        %dma_start3A_237 = tpu.memref_slice %arg6[%add3A_220, %dma_start3A_236] : memref<125x40xi32, #tpu.memory_space<vmem>> -> memref<1x40xi32, #tpu.memory_space<vmem>>
        %dma_start3A_238 = tpu.memref_squeeze %dma_start3A_237 : memref<1x40xi32, #tpu.memory_space<vmem>> -> memref<40xi32, #tpu.memory_space<vmem>>
        %dma_start3A_239 = arith.constant 0 : i32
        %dma_start3A_240 = arith.constant 0 : i32
        %dma_start3A_241 = tpu.memref_slice %arg9[%dma_start3A_239, %dma_start3A_240] : memref<10000x16xf32, #tpu.memory_space<vmem_shared>> -> memref<10000x16xf32, #tpu.memory_space<vmem_shared>>
        tpu.enqueue_indirect_dma source(%dma_start3A_235 : memref<40x16xf32, #tpu.memory_space<vmem>>) target(%dma_start3A_241 : memref<10000x16xf32, #tpu.memory_space<vmem_shared>>) offsets(%dma_start3A_238 : memref<40xi32, #tpu.memory_space<vmem>>) semaphore(%arg11 : memref<!tpu.dma_semaphore, #tpu.memory_space<semaphore_mem>>) {add = true}
      } else {
      }
      %mul3A_223 = arith.constant 40 : i32
      %mul3A_224 = arith.muli %scan3A_218, %mul3A_223 : i32
      %dma_wait3A = arith.constant 0 : i32
      %dma_wait3A_225 = tpu.memref_slice %arg7[%mul3A_224, %dma_wait3A] : memref<5000x16xf32, #tpu.memory_space<vmem>> -> memref<40x16xf32, #tpu.memory_space<vmem>>
      %dma_wait3A_226 = arith.constant 0 : i32
      %dma_wait3A_227 = tpu.memref_slice %arg6[%scan3A_218, %dma_wait3A_226] : memref<125x40xi32, #tpu.memory_space<vmem>> -> memref<1x40xi32, #tpu.memory_space<vmem>>
      %dma_wait3A_228 = tpu.memref_squeeze %dma_wait3A_227 : memref<1x40xi32, #tpu.memory_space<vmem>> -> memref<40xi32, #tpu.memory_space<vmem>>
      %dma_wait3A_229 = arith.constant 0 : i32
      %dma_wait3A_230 = arith.constant 0 : i32
      %dma_wait3A_231 = tpu.memref_slice %arg9[%dma_wait3A_229, %dma_wait3A_230] : memref<10000x16xf32, #tpu.memory_space<vmem_shared>> -> memref<10000x16xf32, #tpu.memory_space<vmem_shared>>
      tpu.wait_indirect_dma semaphore(%arg11 : memref<!tpu.dma_semaphore, #tpu.memory_space<semaphore_mem>>) src(%dma_wait3A_225 : memref<40x16xf32, #tpu.memory_space<vmem>>) dst(%dma_wait3A_231 : memref<10000x16xf32, #tpu.memory_space<vmem_shared>>)
    }
    %scan3A_212 = arith.constant 125 : i32
    %barrier3A_213 = arith.constant 0 : index
    tpu.barrier barrier_id(%barrier3A_213)
    %mul3A_214 = arith.constant 625 : i32
    %mul3A_215 = arith.muli %arg1, %mul3A_214 : i32
    %mul3A_216 = arith.constant 625 : i32
    %mul3A_217 = arith.muli %arg1, %mul3A_216 : i32
    "tpu.region"() ({
      %run_scoped3A = tpu.sem_alloc : memref<!tpu.dma_semaphore, #tpu.memory_space<semaphore_mem>>
      %dma_start3A_218 = arith.constant 0 : i32
      %dma_start3A_219 = tpu.memref_slice %arg5[%arg0, %mul3A_217, %dma_start3A_218] : memref<2x10000x16xf32, #tpu.memory_space<hbm>> -> memref<1x625x16xf32, #tpu.memory_space<hbm>>
      %dma_start3A_220 = tpu.memref_squeeze %dma_start3A_219 : memref<1x625x16xf32, #tpu.memory_space<hbm>> -> memref<625x16xf32, #tpu.memory_space<hbm>>
      %dma_start3A_221 = arith.constant 0 : i32
      %dma_start3A_222 = tpu.memref_slice %arg9[%mul3A_215, %dma_start3A_221] : memref<10000x16xf32, #tpu.memory_space<vmem_shared>> -> memref<625x16xf32, #tpu.memory_space<vmem_shared>>
      tpu.enqueue_dma source(%dma_start3A_222 : memref<625x16xf32, #tpu.memory_space<vmem_shared>>) target(%dma_start3A_220 : memref<625x16xf32, #tpu.memory_space<hbm>>) target_semaphore(%run_scoped3A : memref<!tpu.dma_semaphore, #tpu.memory_space<semaphore_mem>>)
      %dma_wait3A = arith.constant 0 : i32
      %dma_wait3A_223 = tpu.memref_slice %arg5[%arg0, %mul3A_217, %dma_wait3A] : memref<2x10000x16xf32, #tpu.memory_space<hbm>> -> memref<1x625x16xf32, #tpu.memory_space<hbm>>
      %dma_wait3A_224 = tpu.memref_squeeze %dma_wait3A_223 : memref<1x625x16xf32, #tpu.memory_space<hbm>> -> memref<625x16xf32, #tpu.memory_space<hbm>>
      %dma_wait3A_225 = arith.constant 0 : i32
      %dma_wait3A_226 = tpu.memref_slice %arg9[%mul3A_215, %dma_wait3A_225] : memref<10000x16xf32, #tpu.memory_space<vmem_shared>> -> memref<625x16xf32, #tpu.memory_space<vmem_shared>>
      tpu.wait_dma2 semaphore(%run_scoped3A : memref<!tpu.dma_semaphore, #tpu.memory_space<semaphore_mem>>) src(%dma_wait3A_226 : memref<625x16xf32, #tpu.memory_space<vmem_shared>>) dst(%dma_wait3A_224 : memref<625x16xf32, #tpu.memory_space<hbm>>)
      tpu.yield
    }) : () -> ()
    return
  }
}

module attributes {stable_mosaic.version = 14 : i64} {
  func.func @_pre_body(%arg0: memref<10000x128xf32, #tpu.memory_space<vmem>>, %arg1: memref<128x16xf32, #tpu.memory_space<vmem>>, %arg2: memref<1x16xf32, #tpu.memory_space<vmem>>, %arg3: memref<10000x16xf32, #tpu.memory_space<vmem>>) attributes {dimension_semantics = [], scalar_prefetch = 0 : i64, scratch_operands = 0 : i64, tpu.core_type = #tpu.core_type<tc>} {
    %get3A = arith.constant 0 : index
    %get3A_0 = arith.constant 0 : index
    %get3A_1 = vector.load %arg0[%get3A, %get3A_0] : memref<10000x128xf32, #tpu.memory_space<vmem>>, vector<10000x128xf32>
    %get3A_2 = arith.constant 0 : index
    %get3A_3 = arith.constant 0 : index
    %get3A_4 = vector.load %arg1[%get3A_2, %get3A_3] : memref<128x16xf32, #tpu.memory_space<vmem>>, vector<128x16xf32>
    %dot_general3A = arith.constant dense<0.000000e+00> : vector<10000x16xf32>
    %dot_general3A_5 = tpu.matmul %get3A_1, %get3A_4, %dot_general3A {dimension_numbers = #tpu.dot_dimension_numbers<[1], [0], [0], [1], [0, 0, 1, 1], [], []>, transpose_lhs_hint = false} : vector<10000x128xf32>, vector<128x16xf32>, vector<10000x16xf32> -> vector<10000x16xf32>
    %get3A_6 = arith.constant 0 : index
    %get3A_7 = arith.constant 0 : index
    %get3A_8 = vector.load %arg2[%get3A_6, %get3A_7] : memref<1x16xf32, #tpu.memory_space<vmem>>, vector<1x16xf32>
    %add3A = vector.broadcast %get3A_8 : vector<1x16xf32> to vector<10000x16xf32>
    %add3A_9 = arith.addf %dot_general3A_5, %add3A : vector<10000x16xf32>
    %max3A = arith.constant 0.000000e+00 : f32
    %max3A_10 = vector.broadcast %max3A : f32 to vector<10000x16xf32>
    %max3A_11 = arith.maximumf %add3A_9, %max3A_10 : vector<10000x16xf32>
    %swap3A = arith.constant 0 : index
    %swap3A_12 = arith.constant 0 : index
    %swap3A_13 = vector.load %arg3[%swap3A, %swap3A_12] : memref<10000x16xf32, #tpu.memory_space<vmem>>, vector<10000x16xf32>
    tpu.vector_store %arg3[%swap3A, %swap3A_12], %max3A_11 {strides = array<i32>} : memref<10000x16xf32, #tpu.memory_space<vmem>>, vector<10000x16xf32>,
    return
  }
}

module attributes {stable_mosaic.version = 14 : i64} {
  func.func @_edge_body(%arg0: i32, %arg1: memref<1000x128xf32, #tpu.memory_space<vmem>>, %arg2: memref<1000x128xf32, #tpu.memory_space<vmem>>, %arg3: memref<128x512xf32, #tpu.memory_space<vmem>>, %arg4: memref<1x512xf32, #tpu.memory_space<vmem>>, %arg5: memref<512x2048xf32, #tpu.memory_space<vmem>>, %arg6: memref<1x2048xf32, #tpu.memory_space<vmem>>, %arg7: memref<128x2048xf32, #tpu.memory_space<vmem>>, %arg8: memref<2048x128xf32, #tpu.memory_space<vmem>>, %arg9: memref<1000x128xf32, #tpu.memory_space<vmem>>) attributes {dimension_semantics = [#tpu.dimension_semantics<parallel>], iteration_bounds = array<i64: 20>, scalar_prefetch = 0 : i64, scratch_operands = 0 : i64, tpu.core_type = #tpu.core_type<tc>, window_params = [{transform_indices = @transform_0, window_bounds = array<i64: 1000, 128>}, {transform_indices = @transform_1, window_bounds = array<i64: 1000, 128>}, {pipeline_mode = #tpu.pipeline_mode<synchronous>, transform_indices = @transform_2, window_bounds = array<i64: 128, 512>}, {pipeline_mode = #tpu.pipeline_mode<synchronous>, transform_indices = @transform_3, window_bounds = array<i64: 1, 512>}, {pipeline_mode = #tpu.pipeline_mode<synchronous>, transform_indices = @transform_4, window_bounds = array<i64: 512, 2048>}, {pipeline_mode = #tpu.pipeline_mode<synchronous>, transform_indices = @transform_5, window_bounds = array<i64: 1, 2048>}, {pipeline_mode = #tpu.pipeline_mode<synchronous>, transform_indices = @transform_6, window_bounds = array<i64: 128, 2048>}, {pipeline_mode = #tpu.pipeline_mode<synchronous>, transform_indices = @transform_7, window_bounds = array<i64: 2048, 128>}, {transform_indices = @transform_8, window_bounds = array<i64: 1000, 128>}]} {
    %get3A = arith.constant 0 : index
    %get3A_0 = arith.constant 0 : index
    %get3A_1 = vector.load %arg1[%get3A, %get3A_0] : memref<1000x128xf32, #tpu.memory_space<vmem>>, vector<1000x128xf32>
    %get3A_2 = arith.constant 0 : index
    %get3A_3 = arith.constant 0 : index
    %get3A_4 = vector.load %arg3[%get3A_2, %get3A_3] : memref<128x512xf32, #tpu.memory_space<vmem>>, vector<128x512xf32>
    %dot_general3A = arith.constant dense<0.000000e+00> : vector<1000x512xf32>
    %dot_general3A_5 = tpu.matmul %get3A_1, %get3A_4, %dot_general3A {dimension_numbers = #tpu.dot_dimension_numbers<[1], [0], [0], [1], [0, 0, 1, 1], [], []>, transpose_lhs_hint = false} : vector<1000x128xf32>, vector<128x512xf32>, vector<1000x512xf32> -> vector<1000x512xf32>
    %get3A_6 = arith.constant 0 : index
    %get3A_7 = arith.constant 0 : index
    %get3A_8 = vector.load %arg4[%get3A_6, %get3A_7] : memref<1x512xf32, #tpu.memory_space<vmem>>, vector<1x512xf32>
    %add3A = vector.broadcast %get3A_8 : vector<1x512xf32> to vector<1000x512xf32>
    %add3A_9 = arith.addf %dot_general3A_5, %add3A : vector<1000x512xf32>
    %max3A = arith.constant 0.000000e+00 : f32
    %max3A_10 = vector.broadcast %max3A : f32 to vector<1000x512xf32>
    %max3A_11 = arith.maximumf %add3A_9, %max3A_10 : vector<1000x512xf32>
    %get3A_12 = arith.constant 0 : index
    %get3A_13 = arith.constant 0 : index
    %get3A_14 = vector.load %arg5[%get3A_12, %get3A_13] : memref<512x2048xf32, #tpu.memory_space<vmem>>, vector<512x2048xf32>
    %dot_general3A_15 = arith.constant dense<0.000000e+00> : vector<1000x2048xf32>
    %dot_general3A_16 = tpu.matmul %max3A_11, %get3A_14, %dot_general3A_15 {dimension_numbers = #tpu.dot_dimension_numbers<[1], [0], [0], [1], [0, 0, 1, 1], [], []>, transpose_lhs_hint = false} : vector<1000x512xf32>, vector<512x2048xf32>, vector<1000x2048xf32> -> vector<1000x2048xf32>
    %get3A_17 = arith.constant 0 : index
    %get3A_18 = arith.constant 0 : index
    %get3A_19 = vector.load %arg6[%get3A_17, %get3A_18] : memref<1x2048xf32, #tpu.memory_space<vmem>>, vector<1x2048xf32>
    %add3A_20 = vector.broadcast %get3A_19 : vector<1x2048xf32> to vector<1000x2048xf32>
    %add3A_21 = arith.addf %dot_general3A_16, %add3A_20 : vector<1000x2048xf32>
    %get3A_22 = arith.constant 0 : index
    %get3A_23 = arith.constant 0 : index
    %get3A_24 = vector.load %arg2[%get3A_22, %get3A_23] : memref<1000x128xf32, #tpu.memory_space<vmem>>, vector<1000x128xf32>
    %get3A_25 = arith.constant 0 : index
    %get3A_26 = arith.constant 0 : index
    %get3A_27 = vector.load %arg7[%get3A_25, %get3A_26] : memref<128x2048xf32, #tpu.memory_space<vmem>>, vector<128x2048xf32>
    %dot_general3A_28 = arith.constant dense<0.000000e+00> : vector<1000x2048xf32>
    %dot_general3A_29 = tpu.matmul %get3A_24, %get3A_27, %dot_general3A_28 {dimension_numbers = #tpu.dot_dimension_numbers<[1], [0], [0], [1], [0, 0, 1, 1], [], []>, transpose_lhs_hint = false} : vector<1000x128xf32>, vector<128x2048xf32>, vector<1000x2048xf32> -> vector<1000x2048xf32>
    %mul3A = arith.mulf %add3A_21, %dot_general3A_29 : vector<1000x2048xf32>
    %get3A_30 = arith.constant 0 : index
    %get3A_31 = arith.constant 0 : index
    %get3A_32 = vector.load %arg8[%get3A_30, %get3A_31] : memref<2048x128xf32, #tpu.memory_space<vmem>>, vector<2048x128xf32>
    %dot_general3A_33 = arith.constant dense<0.000000e+00> : vector<1000x128xf32>
    %dot_general3A_34 = tpu.matmul %mul3A, %get3A_32, %dot_general3A_33 {dimension_numbers = #tpu.dot_dimension_numbers<[1], [0], [0], [1], [0, 0, 1, 1], [], []>, transpose_lhs_hint = false} : vector<1000x2048xf32>, vector<2048x128xf32>, vector<1000x128xf32> -> vector<1000x128xf32>
    %swap3A = arith.constant 0 : index
    %swap3A_35 = arith.constant 0 : index
    %swap3A_36 = vector.load %arg9[%swap3A, %swap3A_35] : memref<1000x128xf32, #tpu.memory_space<vmem>>, vector<1000x128xf32>
    tpu.vector_store %arg9[%swap3A, %swap3A_35], %dot_general3A_34 {strides = array<i32>} : memref<1000x128xf32, #tpu.memory_space<vmem>>, vector<1000x128xf32>,
    return
  }
  func.func @transform_0(%arg0: i32) -> (i32, i32) {
    %c0_i32 = arith.constant 0 : i32
    %c0_i32_0 = arith.constant 0 : i32
    return %arg0, %c0_i32 : i32, i32
  }
  func.func @transform_1(%arg0: i32) -> (i32, i32) {
    %c0_i32 = arith.constant 0 : i32
    %c0_i32_0 = arith.constant 0 : i32
    return %arg0, %c0_i32 : i32, i32
  }
  func.func @transform_2(%arg0: i32) -> (i32, i32) {
    %c0_i32 = arith.constant 0 : i32
    %c0_i32_0 = arith.constant 0 : i32
    %c0_i32_1 = arith.constant 0 : i32
    return %c0_i32, %c0_i32_0 : i32, i32
  }
  func.func @transform_3(%arg0: i32) -> (i32, i32) {
    %c0_i32 = arith.constant 0 : i32
    %c0_i32_0 = arith.constant 0 : i32
    %c0_i32_1 = arith.constant 0 : i32
    return %c0_i32, %c0_i32_0 : i32, i32
  }
  func.func @transform_4(%arg0: i32) -> (i32, i32) {
    %c0_i32 = arith.constant 0 : i32
    %c0_i32_0 = arith.constant 0 : i32
    %c0_i32_1 = arith.constant 0 : i32
    return %c0_i32, %c0_i32_0 : i32, i32
  }
  func.func @transform_5(%arg0: i32) -> (i32, i32) {
    %c0_i32 = arith.constant 0 : i32
    %c0_i32_0 = arith.constant 0 : i32
    %c0_i32_1 = arith.constant 0 : i32
    return %c0_i32, %c0_i32_0 : i32, i32
  }
  func.func @transform_6(%arg0: i32) -> (i32, i32) {
    %c0_i32 = arith.constant 0 : i32
    %c0_i32_0 = arith.constant 0 : i32
    %c0_i32_1 = arith.constant 0 : i32
    return %c0_i32, %c0_i32_0 : i32, i32
  }
  func.func @transform_7(%arg0: i32) -> (i32, i32) {
    %c0_i32 = arith.constant 0 : i32
    %c0_i32_0 = arith.constant 0 : i32
    %c0_i32_1 = arith.constant 0 : i32
    return %c0_i32, %c0_i32_0 : i32, i32
  }
  func.func @transform_8(%arg0: i32) -> (i32, i32) {
    %c0_i32 = arith.constant 0 : i32
    %c0_i32_0 = arith.constant 0 : i32
    return %arg0, %c0_i32 : i32, i32
  }
}

module attributes {stable_mosaic.version = 14 : i64} {
  func.func @_node_body(%arg0: memref<2x10000x16xf32, #tpu.memory_space<vmem>>, %arg1: memref<2x10000x16xf32, #tpu.memory_space<vmem>>, %arg2: memref<10000x16xf32, #tpu.memory_space<vmem>>, %arg3: memref<16x16xf32, #tpu.memory_space<vmem>>, %arg4: memref<1x16xf32, #tpu.memory_space<vmem>>, %arg5: memref<1x16xf32, #tpu.memory_space<vmem>>, %arg6: memref<1x16xf32, #tpu.memory_space<vmem>>, %arg7: memref<16x16xf32, #tpu.memory_space<vmem>>, %arg8: memref<16x16xf32, #tpu.memory_space<vmem>>, %arg9: memref<16x16xf32, #tpu.memory_space<vmem>>, %arg10: memref<16x16xf32, #tpu.memory_space<vmem>>, %arg11: memref<16x16xf32, #tpu.memory_space<vmem>>, %arg12: memref<16x16xf32, #tpu.memory_space<vmem>>, %arg13: memref<1x16xf32, #tpu.memory_space<vmem>>, %arg14: memref<1x16xf32, #tpu.memory_space<vmem>>, %arg15: memref<1x16xf32, #tpu.memory_space<vmem>>, %arg16: memref<1x16xf32, #tpu.memory_space<vmem>>, %arg17: memref<1x16xf32, #tpu.memory_space<vmem>>, %arg18: memref<1x16xf32, #tpu.memory_space<vmem>>, %arg19: memref<10000x16xf32, #tpu.memory_space<vmem>>) attributes {dimension_semantics = [], scalar_prefetch = 0 : i64, scratch_operands = 0 : i64, tpu.core_type = #tpu.core_type<tc>} {
    %get3A = arith.constant 0 : index
    %get3A_0 = arith.constant 0 : index
    %get3A_1 = arith.constant 0 : index
    %get3A_2 = vector.load %arg1[%get3A, %get3A_0, %get3A_1] : memref<2x10000x16xf32, #tpu.memory_space<vmem>>, vector<1x10000x16xf32>
    %get3A_3 = vector.shape_cast %get3A_2 : vector<1x10000x16xf32> to vector<10000x16xf32>
    %get3A_4 = arith.constant 1 : index
    %get3A_5 = arith.constant 0 : index
    %get3A_6 = arith.constant 0 : index
    %get3A_7 = vector.load %arg1[%get3A_4, %get3A_5, %get3A_6] : memref<2x10000x16xf32, #tpu.memory_space<vmem>>, vector<1x10000x16xf32>
    %get3A_8 = vector.shape_cast %get3A_7 : vector<1x10000x16xf32> to vector<10000x16xf32>
    %add3A = arith.addf %get3A_3, %get3A_8 : vector<10000x16xf32>
    %max3A = arith.constant 1.000000e+00 : f32
    %max3A_9 = vector.broadcast %max3A : f32 to vector<10000x16xf32>
    %max3A_10 = arith.maximumf %add3A, %max3A_9 : vector<10000x16xf32>
    %get3A_11 = arith.constant 0 : index
    %get3A_12 = arith.constant 0 : index
    %get3A_13 = arith.constant 0 : index
    %get3A_14 = vector.load %arg0[%get3A_11, %get3A_12, %get3A_13] : memref<2x10000x16xf32, #tpu.memory_space<vmem>>, vector<1x10000x16xf32>
    %get3A_15 = vector.shape_cast %get3A_14 : vector<1x10000x16xf32> to vector<10000x16xf32>
    %get3A_16 = arith.constant 1 : index
    %get3A_17 = arith.constant 0 : index
    %get3A_18 = arith.constant 0 : index
    %get3A_19 = vector.load %arg0[%get3A_16, %get3A_17, %get3A_18] : memref<2x10000x16xf32, #tpu.memory_space<vmem>>, vector<1x10000x16xf32>
    %get3A_20 = vector.shape_cast %get3A_19 : vector<1x10000x16xf32> to vector<10000x16xf32>
    %add3A_21 = arith.addf %get3A_15, %get3A_20 : vector<10000x16xf32>
    %div3A = arith.divf %add3A_21, %max3A_10 : vector<10000x16xf32>
    %get3A_22 = arith.constant 0 : index
    %get3A_23 = arith.constant 0 : index
    %get3A_24 = vector.load %arg2[%get3A_22, %get3A_23] : memref<10000x16xf32, #tpu.memory_space<vmem>>, vector<10000x16xf32>
    %get3A_25 = arith.constant 0 : index
    %get3A_26 = arith.constant 0 : index
    %get3A_27 = vector.load %arg3[%get3A_25, %get3A_26] : memref<16x16xf32, #tpu.memory_space<vmem>>, vector<16x16xf32>
    %dot_general3A = arith.constant dense<0.000000e+00> : vector<10000x16xf32>
    %dot_general3A_28 = tpu.matmul %get3A_24, %get3A_27, %dot_general3A {dimension_numbers = #tpu.dot_dimension_numbers<[1], [0], [0], [1], [0, 0, 1, 1], [], []>, transpose_lhs_hint = false} : vector<10000x16xf32>, vector<16x16xf32>, vector<10000x16xf32> -> vector<10000x16xf32>
    %add3A_29 = arith.addf %div3A, %dot_general3A_28 : vector<10000x16xf32>
    %get3A_30 = arith.constant 0 : index
    %get3A_31 = arith.constant 0 : index
    %get3A_32 = vector.load %arg4[%get3A_30, %get3A_31] : memref<1x16xf32, #tpu.memory_space<vmem>>, vector<1x16xf32>
    %add3A_33 = vector.broadcast %get3A_32 : vector<1x16xf32> to vector<10000x16xf32>
    %add3A_34 = arith.addf %add3A_29, %add3A_33 : vector<10000x16xf32>
    %reduce_sum3A = arith.constant dense<0.000000e+00> : vector<16xf32>
    %reduce_sum3A_35 = vector.multi_reduction <add>, %add3A_34, %reduce_sum3A [0] : vector<10000x16xf32> to vector<16xf32>
    %broadcast_in_dim3A = vector.shape_cast %reduce_sum3A_35 : vector<16xf32> to vector<1x16xf32>
    %div3A_36 = arith.constant 1.000000e+04 : f32
    %div3A_37 = vector.broadcast %div3A_36 : f32 to vector<1x16xf32>
    %div3A_38 = arith.divf %broadcast_in_dim3A, %div3A_37 : vector<1x16xf32>
    %sub3A = vector.broadcast %div3A_38 : vector<1x16xf32> to vector<10000x16xf32>
    %sub3A_39 = arith.subf %add3A_34, %sub3A : vector<10000x16xf32>
    %square3A = arith.mulf %sub3A_39, %sub3A_39 : vector<10000x16xf32>
    %reduce_sum3A_40 = arith.constant dense<0.000000e+00> : vector<16xf32>
    %reduce_sum3A_41 = vector.multi_reduction <add>, %square3A, %reduce_sum3A_40 [0] : vector<10000x16xf32> to vector<16xf32>
    %broadcast_in_dim3A_42 = vector.shape_cast %reduce_sum3A_41 : vector<16xf32> to vector<1x16xf32>
    %div3A_43 = arith.constant 1.000000e+04 : f32
    %div3A_44 = vector.broadcast %div3A_43 : f32 to vector<1x16xf32>
    %div3A_45 = arith.divf %broadcast_in_dim3A_42, %div3A_44 : vector<1x16xf32>
    %sub3A_46 = vector.broadcast %div3A_38 : vector<1x16xf32> to vector<10000x16xf32>
    %sub3A_47 = arith.subf %add3A_34, %sub3A_46 : vector<10000x16xf32>
    %add3A_48 = arith.constant 9.99999974E-6 : f32
    %add3A_49 = vector.broadcast %add3A_48 : f32 to vector<1x16xf32>
    %add3A_50 = arith.addf %div3A_45, %add3A_49 : vector<1x16xf32>
    %rsqrt3A = math.rsqrt %add3A_50 : vector<1x16xf32>
    %mul3A = vector.broadcast %rsqrt3A : vector<1x16xf32> to vector<10000x16xf32>
    %mul3A_51 = arith.mulf %sub3A_47, %mul3A : vector<10000x16xf32>
    %get3A_52 = arith.constant 0 : index
    %get3A_53 = arith.constant 0 : index
    %get3A_54 = vector.load %arg5[%get3A_52, %get3A_53] : memref<1x16xf32, #tpu.memory_space<vmem>>, vector<1x16xf32>
    %mul3A_55 = vector.broadcast %get3A_54 : vector<1x16xf32> to vector<10000x16xf32>
    %mul3A_56 = arith.mulf %mul3A_51, %mul3A_55 : vector<10000x16xf32>
    %get3A_57 = arith.constant 0 : index
    %get3A_58 = arith.constant 0 : index
    %get3A_59 = vector.load %arg6[%get3A_57, %get3A_58] : memref<1x16xf32, #tpu.memory_space<vmem>>, vector<1x16xf32>
    %add3A_60 = vector.broadcast %get3A_59 : vector<1x16xf32> to vector<10000x16xf32>
    %add3A_61 = arith.addf %mul3A_56, %add3A_60 : vector<10000x16xf32>
    %max3A_62 = arith.constant 0.000000e+00 : f32
    %max3A_63 = vector.broadcast %max3A_62 : f32 to vector<10000x16xf32>
    %max3A_64 = arith.maximumf %add3A_61, %max3A_63 : vector<10000x16xf32>
    %get3A_65 = arith.constant 0 : index
    %get3A_66 = arith.constant 0 : index
    %get3A_67 = vector.load %arg7[%get3A_65, %get3A_66] : memref<16x16xf32, #tpu.memory_space<vmem>>, vector<16x16xf32>
    %dot_general3A_68 = arith.constant dense<0.000000e+00> : vector<10000x16xf32>
    %dot_general3A_69 = tpu.matmul %max3A_64, %get3A_67, %dot_general3A_68 {dimension_numbers = #tpu.dot_dimension_numbers<[1], [0], [0], [1], [0, 0, 1, 1], [], []>, transpose_lhs_hint = false} : vector<10000x16xf32>, vector<16x16xf32>, vector<10000x16xf32> -> vector<10000x16xf32>
    %get3A_70 = arith.constant 0 : index
    %get3A_71 = arith.constant 0 : index
    %get3A_72 = vector.load %arg13[%get3A_70, %get3A_71] : memref<1x16xf32, #tpu.memory_space<vmem>>, vector<1x16xf32>
    %add3A_73 = vector.broadcast %get3A_72 : vector<1x16xf32> to vector<10000x16xf32>
    %add3A_74 = arith.addf %dot_general3A_69, %add3A_73 : vector<10000x16xf32>
    %get3A_75 = arith.constant 0 : index
    %get3A_76 = arith.constant 0 : index
    %get3A_77 = vector.load %arg10[%get3A_75, %get3A_76] : memref<16x16xf32, #tpu.memory_space<vmem>>, vector<16x16xf32>
    %dot_general3A_78 = arith.constant dense<0.000000e+00> : vector<10000x16xf32>
    %dot_general3A_79 = tpu.matmul %get3A_24, %get3A_77, %dot_general3A_78 {dimension_numbers = #tpu.dot_dimension_numbers<[1], [0], [0], [1], [0, 0, 1, 1], [], []>, transpose_lhs_hint = false} : vector<10000x16xf32>, vector<16x16xf32>, vector<10000x16xf32> -> vector<10000x16xf32>
    %add3A_80 = arith.addf %add3A_74, %dot_general3A_79 : vector<10000x16xf32>
    %get3A_81 = arith.constant 0 : index
    %get3A_82 = arith.constant 0 : index
    %get3A_83 = vector.load %arg16[%get3A_81, %get3A_82] : memref<1x16xf32, #tpu.memory_space<vmem>>, vector<1x16xf32>
    %add3A_84 = vector.broadcast %get3A_83 : vector<1x16xf32> to vector<10000x16xf32>
    %add3A_85 = arith.addf %add3A_80, %add3A_84 : vector<10000x16xf32>
    %logistic3A = arith.negf %add3A_85 : vector<10000x16xf32>
    %logistic3A_86 = math.exp %logistic3A : vector<10000x16xf32>
    %logistic3A_87 = arith.constant 1.000000e+00 : f32
    %logistic3A_88 = vector.broadcast %logistic3A_87 : f32 to vector<10000x16xf32>
    %logistic3A_89 = arith.addf %logistic3A_88, %logistic3A_86 : vector<10000x16xf32>
    %logistic3A_90 = arith.divf %logistic3A_88, %logistic3A_89 : vector<10000x16xf32>
    %get3A_91 = arith.constant 0 : index
    %get3A_92 = arith.constant 0 : index
    %get3A_93 = vector.load %arg8[%get3A_91, %get3A_92] : memref<16x16xf32, #tpu.memory_space<vmem>>, vector<16x16xf32>
    %dot_general3A_94 = arith.constant dense<0.000000e+00> : vector<10000x16xf32>
    %dot_general3A_95 = tpu.matmul %max3A_64, %get3A_93, %dot_general3A_94 {dimension_numbers = #tpu.dot_dimension_numbers<[1], [0], [0], [1], [0, 0, 1, 1], [], []>, transpose_lhs_hint = false} : vector<10000x16xf32>, vector<16x16xf32>, vector<10000x16xf32> -> vector<10000x16xf32>
    %get3A_96 = arith.constant 0 : index
    %get3A_97 = arith.constant 0 : index
    %get3A_98 = vector.load %arg14[%get3A_96, %get3A_97] : memref<1x16xf32, #tpu.memory_space<vmem>>, vector<1x16xf32>
    %add3A_99 = vector.broadcast %get3A_98 : vector<1x16xf32> to vector<10000x16xf32>
    %add3A_100 = arith.addf %dot_general3A_95, %add3A_99 : vector<10000x16xf32>
    %get3A_101 = arith.constant 0 : index
    %get3A_102 = arith.constant 0 : index
    %get3A_103 = vector.load %arg11[%get3A_101, %get3A_102] : memref<16x16xf32, #tpu.memory_space<vmem>>, vector<16x16xf32>
    %dot_general3A_104 = arith.constant dense<0.000000e+00> : vector<10000x16xf32>
    %dot_general3A_105 = tpu.matmul %get3A_24, %get3A_103, %dot_general3A_104 {dimension_numbers = #tpu.dot_dimension_numbers<[1], [0], [0], [1], [0, 0, 1, 1], [], []>, transpose_lhs_hint = false} : vector<10000x16xf32>, vector<16x16xf32>, vector<10000x16xf32> -> vector<10000x16xf32>
    %add3A_106 = arith.addf %add3A_100, %dot_general3A_105 : vector<10000x16xf32>
    %get3A_107 = arith.constant 0 : index
    %get3A_108 = arith.constant 0 : index
    %get3A_109 = vector.load %arg17[%get3A_107, %get3A_108] : memref<1x16xf32, #tpu.memory_space<vmem>>, vector<1x16xf32>
    %add3A_110 = vector.broadcast %get3A_109 : vector<1x16xf32> to vector<10000x16xf32>
    %add3A_111 = arith.addf %add3A_106, %add3A_110 : vector<10000x16xf32>
    %logistic3A_112 = arith.negf %add3A_111 : vector<10000x16xf32>
    %logistic3A_113 = math.exp %logistic3A_112 : vector<10000x16xf32>
    %logistic3A_114 = arith.constant 1.000000e+00 : f32
    %logistic3A_115 = vector.broadcast %logistic3A_114 : f32 to vector<10000x16xf32>
    %logistic3A_116 = arith.addf %logistic3A_115, %logistic3A_113 : vector<10000x16xf32>
    %logistic3A_117 = arith.divf %logistic3A_115, %logistic3A_116 : vector<10000x16xf32>
    %get3A_118 = arith.constant 0 : index
    %get3A_119 = arith.constant 0 : index
    %get3A_120 = vector.load %arg9[%get3A_118, %get3A_119] : memref<16x16xf32, #tpu.memory_space<vmem>>, vector<16x16xf32>
    %dot_general3A_121 = arith.constant dense<0.000000e+00> : vector<10000x16xf32>
    %dot_general3A_122 = tpu.matmul %max3A_64, %get3A_120, %dot_general3A_121 {dimension_numbers = #tpu.dot_dimension_numbers<[1], [0], [0], [1], [0, 0, 1, 1], [], []>, transpose_lhs_hint = false} : vector<10000x16xf32>, vector<16x16xf32>, vector<10000x16xf32> -> vector<10000x16xf32>
    %get3A_123 = arith.constant 0 : index
    %get3A_124 = arith.constant 0 : index
    %get3A_125 = vector.load %arg15[%get3A_123, %get3A_124] : memref<1x16xf32, #tpu.memory_space<vmem>>, vector<1x16xf32>
    %add3A_126 = vector.broadcast %get3A_125 : vector<1x16xf32> to vector<10000x16xf32>
    %add3A_127 = arith.addf %dot_general3A_122, %add3A_126 : vector<10000x16xf32>
    %get3A_128 = arith.constant 0 : index
    %get3A_129 = arith.constant 0 : index
    %get3A_130 = vector.load %arg12[%get3A_128, %get3A_129] : memref<16x16xf32, #tpu.memory_space<vmem>>, vector<16x16xf32>
    %dot_general3A_131 = arith.constant dense<0.000000e+00> : vector<10000x16xf32>
    %dot_general3A_132 = tpu.matmul %get3A_24, %get3A_130, %dot_general3A_131 {dimension_numbers = #tpu.dot_dimension_numbers<[1], [0], [0], [1], [0, 0, 1, 1], [], []>, transpose_lhs_hint = false} : vector<10000x16xf32>, vector<16x16xf32>, vector<10000x16xf32> -> vector<10000x16xf32>
    %get3A_133 = arith.constant 0 : index
    %get3A_134 = arith.constant 0 : index
    %get3A_135 = vector.load %arg18[%get3A_133, %get3A_134] : memref<1x16xf32, #tpu.memory_space<vmem>>, vector<1x16xf32>
    %add3A_136 = vector.broadcast %get3A_135 : vector<1x16xf32> to vector<10000x16xf32>
    %add3A_137 = arith.addf %dot_general3A_132, %add3A_136 : vector<10000x16xf32>
    %mul3A_138 = arith.mulf %logistic3A_90, %add3A_137 : vector<10000x16xf32>
    %add3A_139 = arith.addf %add3A_127, %mul3A_138 : vector<10000x16xf32>
    %tanh3A = math.tanh %add3A_139 : vector<10000x16xf32>
    %sub3A_140 = arith.constant 1.000000e+00 : f32
    %sub3A_141 = vector.broadcast %sub3A_140 : f32 to vector<10000x16xf32>
    %sub3A_142 = arith.subf %sub3A_141, %logistic3A_117 : vector<10000x16xf32>
    %mul3A_143 = arith.mulf %sub3A_142, %tanh3A : vector<10000x16xf32>
    %mul3A_144 = arith.mulf %logistic3A_117, %get3A_24 : vector<10000x16xf32>
    %add3A_145 = arith.addf %mul3A_143, %mul3A_144 : vector<10000x16xf32>
    %swap3A = arith.constant 0 : index
    %swap3A_146 = arith.constant 0 : index
    %swap3A_147 = vector.load %arg19[%swap3A, %swap3A_146] : memref<10000x16xf32, #tpu.memory_space<vmem>>, vector<10000x16xf32>
    tpu.vector_store %arg19[%swap3A, %swap3A_146], %add3A_145 {strides = array<i32>} : memref<10000x16xf32, #tpu.memory_space<vmem>>, vector<10000x16xf32>,
    return
  }
}

module attributes {stable_mosaic.version = 14 : i64} {
  func.func @_final_body(%arg0: memref<2x10000x16xf32, #tpu.memory_space<vmem>>, %arg1: memref<2x10000x16xf32, #tpu.memory_space<vmem>>, %arg2: memref<10000x16xf32, #tpu.memory_space<vmem>>, %arg3: memref<16x16xf32, #tpu.memory_space<vmem>>, %arg4: memref<1x16xf32, #tpu.memory_space<vmem>>, %arg5: memref<1x16xf32, #tpu.memory_space<vmem>>, %arg6: memref<1x16xf32, #tpu.memory_space<vmem>>, %arg7: memref<16x16xf32, #tpu.memory_space<vmem>>, %arg8: memref<16x16xf32, #tpu.memory_space<vmem>>, %arg9: memref<16x16xf32, #tpu.memory_space<vmem>>, %arg10: memref<16x16xf32, #tpu.memory_space<vmem>>, %arg11: memref<16x16xf32, #tpu.memory_space<vmem>>, %arg12: memref<16x16xf32, #tpu.memory_space<vmem>>, %arg13: memref<1x16xf32, #tpu.memory_space<vmem>>, %arg14: memref<1x16xf32, #tpu.memory_space<vmem>>, %arg15: memref<1x16xf32, #tpu.memory_space<vmem>>, %arg16: memref<1x16xf32, #tpu.memory_space<vmem>>, %arg17: memref<1x16xf32, #tpu.memory_space<vmem>>, %arg18: memref<1x16xf32, #tpu.memory_space<vmem>>, %arg19: memref<1x10000xi32, #tpu.memory_space<vmem>>, %arg20: memref<16x64xf32, #tpu.memory_space<vmem>>, %arg21: memref<1x64xf32, #tpu.memory_space<vmem>>, %arg22: memref<64x1xf32, #tpu.memory_space<vmem>>, %arg23: memref<1x1xf32, #tpu.memory_space<vmem>>, %arg24: memref<128x1xf32, #tpu.memory_space<vmem>>) attributes {dimension_semantics = [], scalar_prefetch = 0 : i64, scratch_operands = 0 : i64, tpu.core_type = #tpu.core_type<tc>} {
    %get3A = arith.constant 0 : index
    %get3A_0 = arith.constant 0 : index
    %get3A_1 = arith.constant 0 : index
    %get3A_2 = vector.load %arg1[%get3A, %get3A_0, %get3A_1] : memref<2x10000x16xf32, #tpu.memory_space<vmem>>, vector<1x10000x16xf32>
    %get3A_3 = vector.shape_cast %get3A_2 : vector<1x10000x16xf32> to vector<10000x16xf32>
    %get3A_4 = arith.constant 1 : index
    %get3A_5 = arith.constant 0 : index
    %get3A_6 = arith.constant 0 : index
    %get3A_7 = vector.load %arg1[%get3A_4, %get3A_5, %get3A_6] : memref<2x10000x16xf32, #tpu.memory_space<vmem>>, vector<1x10000x16xf32>
    %get3A_8 = vector.shape_cast %get3A_7 : vector<1x10000x16xf32> to vector<10000x16xf32>
    %add3A = arith.addf %get3A_3, %get3A_8 : vector<10000x16xf32>
    %max3A = arith.constant 1.000000e+00 : f32
    %max3A_9 = vector.broadcast %max3A : f32 to vector<10000x16xf32>
    %max3A_10 = arith.maximumf %add3A, %max3A_9 : vector<10000x16xf32>
    %get3A_11 = arith.constant 0 : index
    %get3A_12 = arith.constant 0 : index
    %get3A_13 = arith.constant 0 : index
    %get3A_14 = vector.load %arg0[%get3A_11, %get3A_12, %get3A_13] : memref<2x10000x16xf32, #tpu.memory_space<vmem>>, vector<1x10000x16xf32>
    %get3A_15 = vector.shape_cast %get3A_14 : vector<1x10000x16xf32> to vector<10000x16xf32>
    %get3A_16 = arith.constant 1 : index
    %get3A_17 = arith.constant 0 : index
    %get3A_18 = arith.constant 0 : index
    %get3A_19 = vector.load %arg0[%get3A_16, %get3A_17, %get3A_18] : memref<2x10000x16xf32, #tpu.memory_space<vmem>>, vector<1x10000x16xf32>
    %get3A_20 = vector.shape_cast %get3A_19 : vector<1x10000x16xf32> to vector<10000x16xf32>
    %add3A_21 = arith.addf %get3A_15, %get3A_20 : vector<10000x16xf32>
    %div3A = arith.divf %add3A_21, %max3A_10 : vector<10000x16xf32>
    %get3A_22 = arith.constant 0 : index
    %get3A_23 = arith.constant 0 : index
    %get3A_24 = vector.load %arg2[%get3A_22, %get3A_23] : memref<10000x16xf32, #tpu.memory_space<vmem>>, vector<10000x16xf32>
    %get3A_25 = arith.constant 0 : index
    %get3A_26 = arith.constant 0 : index
    %get3A_27 = vector.load %arg3[%get3A_25, %get3A_26] : memref<16x16xf32, #tpu.memory_space<vmem>>, vector<16x16xf32>
    %dot_general3A = arith.constant dense<0.000000e+00> : vector<10000x16xf32>
    %dot_general3A_28 = tpu.matmul %get3A_24, %get3A_27, %dot_general3A {dimension_numbers = #tpu.dot_dimension_numbers<[1], [0], [0], [1], [0, 0, 1, 1], [], []>, transpose_lhs_hint = false} : vector<10000x16xf32>, vector<16x16xf32>, vector<10000x16xf32> -> vector<10000x16xf32>
    %add3A_29 = arith.addf %div3A, %dot_general3A_28 : vector<10000x16xf32>
    %get3A_30 = arith.constant 0 : index
    %get3A_31 = arith.constant 0 : index
    %get3A_32 = vector.load %arg4[%get3A_30, %get3A_31] : memref<1x16xf32, #tpu.memory_space<vmem>>, vector<1x16xf32>
    %add3A_33 = vector.broadcast %get3A_32 : vector<1x16xf32> to vector<10000x16xf32>
    %add3A_34 = arith.addf %add3A_29, %add3A_33 : vector<10000x16xf32>
    %reduce_sum3A = arith.constant dense<0.000000e+00> : vector<16xf32>
    %reduce_sum3A_35 = vector.multi_reduction <add>, %add3A_34, %reduce_sum3A [0] : vector<10000x16xf32> to vector<16xf32>
    %broadcast_in_dim3A = vector.shape_cast %reduce_sum3A_35 : vector<16xf32> to vector<1x16xf32>
    %div3A_36 = arith.constant 1.000000e+04 : f32
    %div3A_37 = vector.broadcast %div3A_36 : f32 to vector<1x16xf32>
    %div3A_38 = arith.divf %broadcast_in_dim3A, %div3A_37 : vector<1x16xf32>
    %sub3A = vector.broadcast %div3A_38 : vector<1x16xf32> to vector<10000x16xf32>
    %sub3A_39 = arith.subf %add3A_34, %sub3A : vector<10000x16xf32>
    %square3A = arith.mulf %sub3A_39, %sub3A_39 : vector<10000x16xf32>
    %reduce_sum3A_40 = arith.constant dense<0.000000e+00> : vector<16xf32>
    %reduce_sum3A_41 = vector.multi_reduction <add>, %square3A, %reduce_sum3A_40 [0] : vector<10000x16xf32> to vector<16xf32>
    %broadcast_in_dim3A_42 = vector.shape_cast %reduce_sum3A_41 : vector<16xf32> to vector<1x16xf32>
    %div3A_43 = arith.constant 1.000000e+04 : f32
    %div3A_44 = vector.broadcast %div3A_43 : f32 to vector<1x16xf32>
    %div3A_45 = arith.divf %broadcast_in_dim3A_42, %div3A_44 : vector<1x16xf32>
    %sub3A_46 = vector.broadcast %div3A_38 : vector<1x16xf32> to vector<10000x16xf32>
    %sub3A_47 = arith.subf %add3A_34, %sub3A_46 : vector<10000x16xf32>
    %add3A_48 = arith.constant 9.99999974E-6 : f32
    %add3A_49 = vector.broadcast %add3A_48 : f32 to vector<1x16xf32>
    %add3A_50 = arith.addf %div3A_45, %add3A_49 : vector<1x16xf32>
    %rsqrt3A = math.rsqrt %add3A_50 : vector<1x16xf32>
    %mul3A = vector.broadcast %rsqrt3A : vector<1x16xf32> to vector<10000x16xf32>
    %mul3A_51 = arith.mulf %sub3A_47, %mul3A : vector<10000x16xf32>
    %get3A_52 = arith.constant 0 : index
    %get3A_53 = arith.constant 0 : index
    %get3A_54 = vector.load %arg5[%get3A_52, %get3A_53] : memref<1x16xf32, #tpu.memory_space<vmem>>, vector<1x16xf32>
    %mul3A_55 = vector.broadcast %get3A_54 : vector<1x16xf32> to vector<10000x16xf32>
    %mul3A_56 = arith.mulf %mul3A_51, %mul3A_55 : vector<10000x16xf32>
    %get3A_57 = arith.constant 0 : index
    %get3A_58 = arith.constant 0 : index
    %get3A_59 = vector.load %arg6[%get3A_57, %get3A_58] : memref<1x16xf32, #tpu.memory_space<vmem>>, vector<1x16xf32>
    %add3A_60 = vector.broadcast %get3A_59 : vector<1x16xf32> to vector<10000x16xf32>
    %add3A_61 = arith.addf %mul3A_56, %add3A_60 : vector<10000x16xf32>
    %max3A_62 = arith.constant 0.000000e+00 : f32
    %max3A_63 = vector.broadcast %max3A_62 : f32 to vector<10000x16xf32>
    %max3A_64 = arith.maximumf %add3A_61, %max3A_63 : vector<10000x16xf32>
    %get3A_65 = arith.constant 0 : index
    %get3A_66 = arith.constant 0 : index
    %get3A_67 = vector.load %arg7[%get3A_65, %get3A_66] : memref<16x16xf32, #tpu.memory_space<vmem>>, vector<16x16xf32>
    %dot_general3A_68 = arith.constant dense<0.000000e+00> : vector<10000x16xf32>
    %dot_general3A_69 = tpu.matmul %max3A_64, %get3A_67, %dot_general3A_68 {dimension_numbers = #tpu.dot_dimension_numbers<[1], [0], [0], [1], [0, 0, 1, 1], [], []>, transpose_lhs_hint = false} : vector<10000x16xf32>, vector<16x16xf32>, vector<10000x16xf32> -> vector<10000x16xf32>
    %get3A_70 = arith.constant 0 : index
    %get3A_71 = arith.constant 0 : index
    %get3A_72 = vector.load %arg13[%get3A_70, %get3A_71] : memref<1x16xf32, #tpu.memory_space<vmem>>, vector<1x16xf32>
    %add3A_73 = vector.broadcast %get3A_72 : vector<1x16xf32> to vector<10000x16xf32>
    %add3A_74 = arith.addf %dot_general3A_69, %add3A_73 : vector<10000x16xf32>
    %get3A_75 = arith.constant 0 : index
    %get3A_76 = arith.constant 0 : index
    %get3A_77 = vector.load %arg10[%get3A_75, %get3A_76] : memref<16x16xf32, #tpu.memory_space<vmem>>, vector<16x16xf32>
    %dot_general3A_78 = arith.constant dense<0.000000e+00> : vector<10000x16xf32>
    %dot_general3A_79 = tpu.matmul %get3A_24, %get3A_77, %dot_general3A_78 {dimension_numbers = #tpu.dot_dimension_numbers<[1], [0], [0], [1], [0, 0, 1, 1], [], []>, transpose_lhs_hint = false} : vector<10000x16xf32>, vector<16x16xf32>, vector<10000x16xf32> -> vector<10000x16xf32>
    %add3A_80 = arith.addf %add3A_74, %dot_general3A_79 : vector<10000x16xf32>
    %get3A_81 = arith.constant 0 : index
    %get3A_82 = arith.constant 0 : index
    %get3A_83 = vector.load %arg16[%get3A_81, %get3A_82] : memref<1x16xf32, #tpu.memory_space<vmem>>, vector<1x16xf32>
    %add3A_84 = vector.broadcast %get3A_83 : vector<1x16xf32> to vector<10000x16xf32>
    %add3A_85 = arith.addf %add3A_80, %add3A_84 : vector<10000x16xf32>
    %logistic3A = arith.negf %add3A_85 : vector<10000x16xf32>
    %logistic3A_86 = math.exp %logistic3A : vector<10000x16xf32>
    %logistic3A_87 = arith.constant 1.000000e+00 : f32
    %logistic3A_88 = vector.broadcast %logistic3A_87 : f32 to vector<10000x16xf32>
    %logistic3A_89 = arith.addf %logistic3A_88, %logistic3A_86 : vector<10000x16xf32>
    %logistic3A_90 = arith.divf %logistic3A_88, %logistic3A_89 : vector<10000x16xf32>
    %get3A_91 = arith.constant 0 : index
    %get3A_92 = arith.constant 0 : index
    %get3A_93 = vector.load %arg8[%get3A_91, %get3A_92] : memref<16x16xf32, #tpu.memory_space<vmem>>, vector<16x16xf32>
    %dot_general3A_94 = arith.constant dense<0.000000e+00> : vector<10000x16xf32>
    %dot_general3A_95 = tpu.matmul %max3A_64, %get3A_93, %dot_general3A_94 {dimension_numbers = #tpu.dot_dimension_numbers<[1], [0], [0], [1], [0, 0, 1, 1], [], []>, transpose_lhs_hint = false} : vector<10000x16xf32>, vector<16x16xf32>, vector<10000x16xf32> -> vector<10000x16xf32>
    %get3A_96 = arith.constant 0 : index
    %get3A_97 = arith.constant 0 : index
    %get3A_98 = vector.load %arg14[%get3A_96, %get3A_97] : memref<1x16xf32, #tpu.memory_space<vmem>>, vector<1x16xf32>
    %add3A_99 = vector.broadcast %get3A_98 : vector<1x16xf32> to vector<10000x16xf32>
    %add3A_100 = arith.addf %dot_general3A_95, %add3A_99 : vector<10000x16xf32>
    %get3A_101 = arith.constant 0 : index
    %get3A_102 = arith.constant 0 : index
    %get3A_103 = vector.load %arg11[%get3A_101, %get3A_102] : memref<16x16xf32, #tpu.memory_space<vmem>>, vector<16x16xf32>
    %dot_general3A_104 = arith.constant dense<0.000000e+00> : vector<10000x16xf32>
    %dot_general3A_105 = tpu.matmul %get3A_24, %get3A_103, %dot_general3A_104 {dimension_numbers = #tpu.dot_dimension_numbers<[1], [0], [0], [1], [0, 0, 1, 1], [], []>, transpose_lhs_hint = false} : vector<10000x16xf32>, vector<16x16xf32>, vector<10000x16xf32> -> vector<10000x16xf32>
    %add3A_106 = arith.addf %add3A_100, %dot_general3A_105 : vector<10000x16xf32>
    %get3A_107 = arith.constant 0 : index
    %get3A_108 = arith.constant 0 : index
    %get3A_109 = vector.load %arg17[%get3A_107, %get3A_108] : memref<1x16xf32, #tpu.memory_space<vmem>>, vector<1x16xf32>
    %add3A_110 = vector.broadcast %get3A_109 : vector<1x16xf32> to vector<10000x16xf32>
    %add3A_111 = arith.addf %add3A_106, %add3A_110 : vector<10000x16xf32>
    %logistic3A_112 = arith.negf %add3A_111 : vector<10000x16xf32>
    %logistic3A_113 = math.exp %logistic3A_112 : vector<10000x16xf32>
    %logistic3A_114 = arith.constant 1.000000e+00 : f32
    %logistic3A_115 = vector.broadcast %logistic3A_114 : f32 to vector<10000x16xf32>
    %logistic3A_116 = arith.addf %logistic3A_115, %logistic3A_113 : vector<10000x16xf32>
    %logistic3A_117 = arith.divf %logistic3A_115, %logistic3A_116 : vector<10000x16xf32>
    %get3A_118 = arith.constant 0 : index
    %get3A_119 = arith.constant 0 : index
    %get3A_120 = vector.load %arg9[%get3A_118, %get3A_119] : memref<16x16xf32, #tpu.memory_space<vmem>>, vector<16x16xf32>
    %dot_general3A_121 = arith.constant dense<0.000000e+00> : vector<10000x16xf32>
    %dot_general3A_122 = tpu.matmul %max3A_64, %get3A_120, %dot_general3A_121 {dimension_numbers = #tpu.dot_dimension_numbers<[1], [0], [0], [1], [0, 0, 1, 1], [], []>, transpose_lhs_hint = false} : vector<10000x16xf32>, vector<16x16xf32>, vector<10000x16xf32> -> vector<10000x16xf32>
    %get3A_123 = arith.constant 0 : index
    %get3A_124 = arith.constant 0 : index
    %get3A_125 = vector.load %arg15[%get3A_123, %get3A_124] : memref<1x16xf32, #tpu.memory_space<vmem>>, vector<1x16xf32>
    %add3A_126 = vector.broadcast %get3A_125 : vector<1x16xf32> to vector<10000x16xf32>
    %add3A_127 = arith.addf %dot_general3A_122, %add3A_126 : vector<10000x16xf32>
    %get3A_128 = arith.constant 0 : index
    %get3A_129 = arith.constant 0 : index
    %get3A_130 = vector.load %arg12[%get3A_128, %get3A_129] : memref<16x16xf32, #tpu.memory_space<vmem>>, vector<16x16xf32>
    %dot_general3A_131 = arith.constant dense<0.000000e+00> : vector<10000x16xf32>
    %dot_general3A_132 = tpu.matmul %get3A_24, %get3A_130, %dot_general3A_131 {dimension_numbers = #tpu.dot_dimension_numbers<[1], [0], [0], [1], [0, 0, 1, 1], [], []>, transpose_lhs_hint = false} : vector<10000x16xf32>, vector<16x16xf32>, vector<10000x16xf32> -> vector<10000x16xf32>
    %get3A_133 = arith.constant 0 : index
    %get3A_134 = arith.constant 0 : index
    %get3A_135 = vector.load %arg18[%get3A_133, %get3A_134] : memref<1x16xf32, #tpu.memory_space<vmem>>, vector<1x16xf32>
    %add3A_136 = vector.broadcast %get3A_135 : vector<1x16xf32> to vector<10000x16xf32>
    %add3A_137 = arith.addf %dot_general3A_132, %add3A_136 : vector<10000x16xf32>
    %mul3A_138 = arith.mulf %logistic3A_90, %add3A_137 : vector<10000x16xf32>
    %add3A_139 = arith.addf %add3A_127, %mul3A_138 : vector<10000x16xf32>
    %tanh3A = math.tanh %add3A_139 : vector<10000x16xf32>
    %sub3A_140 = arith.constant 1.000000e+00 : f32
    %sub3A_141 = vector.broadcast %sub3A_140 : f32 to vector<10000x16xf32>
    %sub3A_142 = arith.subf %sub3A_141, %logistic3A_117 : vector<10000x16xf32>
    %mul3A_143 = arith.mulf %sub3A_142, %tanh3A : vector<10000x16xf32>
    %mul3A_144 = arith.mulf %logistic3A_117, %get3A_24 : vector<10000x16xf32>
    %add3A_145 = arith.addf %mul3A_143, %mul3A_144 : vector<10000x16xf32>
    %iota3A = tpu.iota {dimensions = array<i32: 0>} : vector<128x10000xi32>
    %get3A_146 = arith.constant 0 : index
    %get3A_147 = arith.constant 0 : index
    %get3A_148 = vector.load %arg19[%get3A_146, %get3A_147] : memref<1x10000xi32, #tpu.memory_space<vmem>>, vector<1x10000xi32>
    %eq3A = vector.broadcast %get3A_148 : vector<1x10000xi32> to vector<128x10000xi32>
    %eq3A_149 = arith.cmpi eq, %iota3A, %eq3A : vector<128x10000xi32>
    %convert_element_type3A = arith.extui %eq3A_149 : vector<128x10000xi1> to vector<128x10000xi32>
    %convert_element_type3A_150 = arith.sitofp %convert_element_type3A : vector<128x10000xi32> to vector<128x10000xf32>
    %dot_general3A_151 = arith.constant dense<0.000000e+00> : vector<128x16xf32>
    %dot_general3A_152 = tpu.matmul %convert_element_type3A_150, %add3A_145, %dot_general3A_151 {dimension_numbers = #tpu.dot_dimension_numbers<[1], [0], [0], [1], [0, 0, 1, 1], [], []>, transpose_lhs_hint = false} : vector<128x10000xf32>, vector<10000x16xf32>, vector<128x16xf32> -> vector<128x16xf32>
    %reduce_sum3A_153 = arith.constant dense<0.000000e+00> : vector<128xf32>
    %reduce_sum3A_154 = vector.multi_reduction <add>, %convert_element_type3A_150, %reduce_sum3A_153 [1] : vector<128x10000xf32> to vector<128xf32>
    %broadcast_in_dim3A_155 = vector.shape_cast %reduce_sum3A_154 : vector<128xf32> to vector<128x1xf32>
    %max3A_156 = arith.constant 1.000000e+00 : f32
    %max3A_157 = vector.broadcast %max3A_156 : f32 to vector<128x1xf32>
    %max3A_158 = arith.maximumf %broadcast_in_dim3A_155, %max3A_157 : vector<128x1xf32>
    %div3A_159 = vector.broadcast %max3A_158 : vector<128x1xf32> to vector<128x16xf32>
    %div3A_160 = arith.divf %dot_general3A_152, %div3A_159 : vector<128x16xf32>
    %get3A_161 = arith.constant 0 : index
    %get3A_162 = arith.constant 0 : index
    %get3A_163 = vector.load %arg20[%get3A_161, %get3A_162] : memref<16x64xf32, #tpu.memory_space<vmem>>, vector<16x64xf32>
    %dot_general3A_164 = arith.constant dense<0.000000e+00> : vector<128x64xf32>
    %dot_general3A_165 = tpu.matmul %div3A_160, %get3A_163, %dot_general3A_164 {dimension_numbers = #tpu.dot_dimension_numbers<[1], [0], [0], [1], [0, 0, 1, 1], [], []>, transpose_lhs_hint = false} : vector<128x16xf32>, vector<16x64xf32>, vector<128x64xf32> -> vector<128x64xf32>
    %get3A_166 = arith.constant 0 : index
    %get3A_167 = arith.constant 0 : index
    %get3A_168 = vector.load %arg21[%get3A_166, %get3A_167] : memref<1x64xf32, #tpu.memory_space<vmem>>, vector<1x64xf32>
    %add3A_169 = vector.broadcast %get3A_168 : vector<1x64xf32> to vector<128x64xf32>
    %add3A_170 = arith.addf %dot_general3A_165, %add3A_169 : vector<128x64xf32>
    %max3A_171 = arith.constant 0.000000e+00 : f32
    %max3A_172 = vector.broadcast %max3A_171 : f32 to vector<128x64xf32>
    %max3A_173 = arith.maximumf %add3A_170, %max3A_172 : vector<128x64xf32>
    %get3A_174 = arith.constant 0 : index
    %get3A_175 = arith.constant 0 : index
    %get3A_176 = vector.load %arg22[%get3A_174, %get3A_175] : memref<64x1xf32, #tpu.memory_space<vmem>>, vector<64x1xf32>
    %dot_general3A_177 = arith.constant dense<0.000000e+00> : vector<128x1xf32>
    %dot_general3A_178 = tpu.matmul %max3A_173, %get3A_176, %dot_general3A_177 {dimension_numbers = #tpu.dot_dimension_numbers<[1], [0], [0], [1], [0, 0, 1, 1], [], []>, transpose_lhs_hint = false} : vector<128x64xf32>, vector<64x1xf32>, vector<128x1xf32> -> vector<128x1xf32>
    %get3A_179 = arith.constant 0 : index
    %get3A_180 = arith.constant 0 : index
    %get3A_181 = vector.load %arg23[%get3A_179, %get3A_180] : memref<1x1xf32, #tpu.memory_space<vmem>>, vector<1x1xf32>
    %add3A_182 = vector.broadcast %get3A_181 : vector<1x1xf32> to vector<128x1xf32>
    %add3A_183 = arith.addf %dot_general3A_178, %add3A_182 : vector<128x1xf32>
    %swap3A = arith.constant 0 : index
    %swap3A_184 = arith.constant 0 : index
    %swap3A_185 = vector.load %arg24[%swap3A, %swap3A_184] : memref<128x1xf32, #tpu.memory_space<vmem>>, vector<128x1xf32>
    tpu.vector_store %arg24[%swap3A, %swap3A_184], %add3A_183 {strides = array<i32>} : memref<128x1xf32, #tpu.memory_space<vmem>>, vector<128x1xf32>,
    return
  }
}

</mosaic_0001>

<sc_bundles>
// kernel: kernel.15.cloned.1.call-start
scs
__scs_entry_jumppad:
0x0: {  	(pc) =	sbr.rel $0x88, $3  }
0x1: {  	(tag) =	ssettag $0x0;
	lr =	simm.s32 $0x1  }
0x2: {  	[smem:$0x3F8B] =	sst lr;
	_ =	strace $0xD0000000  }
0x3: {  	_ = 	snop  }
0x4: {  	_ = 	snop  }
0x5: {  	_ = 	snop  }
0x6: {  	_ = 	snop  }
0x7: {  	_ = 	snop  }
__scs_overlays_trampoline_lowered:
0x8: {  	[smem:$0x3F9A] =	sst s0  }
0x9: {  	[smem:$0x3F9B] =	sst s1  }
0xa: {  	[smem:$0x3F9C] =	sst s2  }
0xb: {  	[smem:$0x3F9D] =	sst s3  }
0xc: {  	[smem:$0x3F9E] =	sst s4  }
0xd: {  	[smem:$0x3F9F] =	sst s5  }
0xe: {  	[smem:$0x3FA0] =	sst s6  }
0xf: {  	[smem:$0x3FA1] =	sst s7  }
0x10: {  	[smem:$0x3FA2] =	sst s8  }
0x11: {  	[smem:$0x3FA3] =	sst s9;
	s0 =	simm.s32 @!p0 $0x0  }
0x12: {  	s1 =	sld [smem:$0x3F89];
	s0 =	simm.s32 @p0 $0x1  }
0x13: {  	[smem:$0x3FA4] =	sst s0;
	s0 =	simm.s32 @!p1 $0x0  }
0x14: {  	s2 =	sld [smem:$0x3F88];
	s0 =	simm.s32 @p1 $0x1  }
0x15: {  	[smem:$0x3FA5] =	sst s0;
	s0 =	simm.s32 @!p2 $0x0  }
0x16: {  	s3 =	sld [smem:$0x3FDB];
	s0 =	simm.s32 @p2 $0x1  }
0x17: {  	s4 =	simm.s32 $0x1BF5;
	[smem:$0x3FA7] =	sst s0  }
0x18: {  	s0 =	sld [smem:$0x3F8A];
	_ =	swait.ge [sflag:s4], $0x0  }
0x19: {  	s7 =	sld [smem:$0x3F8B]  }
0x1a: {  	s8 =	sadd.s32 $0xFFFFE003, lr  }
0x1b: {  	s9 =	sadd.s32 $0xFFFFFEF7, lr;
	s5 =	simm.s32 $0xFFFFFFFF;
	p2 =	slt.u32 s8, $0xFFFFF086  }
0x1c: {  	p1 =	slt.u32 s9, $0xF7A;
	s5 =	simm.s32 @!p2 $0x0  }
0x1d: {  	s5 =	simm.s32 @p1 $0x1;
	p0 =	seq.s32 s7, s2  }
0x1e: {  	s7 =	smul.u32 @!p0 $0xF7A, s2;
	p2 =	seq.s32 @!p0 s5, $0x0  }
0x1f: {  	s9 =	smul.u32 $0xF7A, s1;
	s8 =	simm.s32 @!p0 $0x1BF5;
	p2 =	por !p2, p0  }
0x20: {  	[sflag:s8] =	ssyncset.s32 @!p0 $0xFFFFF086;
	s6 =	sadd.s32 @!p0 s3, s7;
	s7 =	simm.s32 @!p0 $0x108  }
0x21: {  	s3 =	sadd.s32 s3, s9;
	s6 =	sadd.s32 @!p0 $0x88, s6;
	s7 =	simm.s32 @p2 $0x1082  }
0x22: {  	[simem:s7], [sflag:s8] =	dma.local @!p0 [hbm:s6], $0xF7A  }
0x23: {  	s9 =	sor.u32 $0xD0000000, s2;
	s6 =	simm.s32 $0x108;
	_ =	swait.ge @!p0 [sflag:s8], $0x0  }
0x24: {  	s3 =	sadd.s32 $0x88, s3;
	s6 =	simm.s32 @!p1 $0x1082;
	[sflag:s4] =	ssyncset.s32 $0xFFFFF086  }
0x25: {  	[simem:s6], [sflag:s4] =	dma.local [hbm:s3], $0xF7A  }
0x26: {  	[smem:$0x3F8B] =	sst s1;
	(tag) =	ssettag s2;
	_ =	strace s9  }
0x27: {  	s1 =	sld [smem:$0x3F9B]  }
0x28: {  	s2 =	sld [smem:$0x3F9C]  }
0x29: {  	s4 =	sld [smem:$0x3F9E]  }
0x2a: {  	p0 =	seq.s32 s5, $0x0;
	s5 =	sld [smem:$0x3F9F]  }
0x2b: {  	s6 =	sld [smem:$0x3FA0]  }
0x2c: {  	s7 =	sld [smem:$0x3FA1]  }
0x2d: {  	s3 =	simm.s32 $0x108;
	s8 =	sld [smem:$0x3FA2]  }
0x2e: {  	s3 =	simm.s32 @!p0 $0x1082;
	s9 =	sld [smem:$0x3FA3]  }
0x2f: {  	lr =	sadd.s32 s0, s3;
	s0 =	sld [smem:$0x3F9A]  }
0x30: {  	s3 =	sld [smem:$0x3F9D]  }
0x31: {  	[smem:$0x3FA6] =	sst s10  }
0x32: {  	s10 =	sld [smem:$0x3FA4];
	_ =	sdelay $0x3  }
0x33: {  	p0 =	seq.s32 s10, $0x1;
	s10 =	sld [smem:$0x3FA6];
	_ =	sdelay $0x3  }
0x34: {  	[smem:$0x3FA6] =	sst s10  }
0x35: {  	s10 =	sld [smem:$0x3FA5];
	_ =	sdelay $0x3  }
0x36: {  	p1 =	seq.s32 s10, $0x1;
	s10 =	sld [smem:$0x3FA6];
	_ =	sdelay $0x3  }
0x37: {  	[smem:$0x3FA6] =	sst s10  }
0x38: {  	s10 =	sld [smem:$0x3FA7]  }
0x39: {  	_ = 	snop;
	(pc) =	sbr.ind lr, $3  }
0x3a: {  	_ = 	snop  }
0x3b: {  	_ = 	snop  }
0x3c: {  	p2 =	seq.s32 s10, $0x1;
	s10 =	sld [smem:$0x3FA6]  }
0x3d: {  	_ =	shalt  }
0x3e: {  	_ =	shalt  }
0x3f: {  	_ =	shalt  }
0x40: {  	_ =	shalt  }
0x41: {  	_ =	shalt  }
0x42: {  	_ =	shalt  }
0x43: {  	_ =	shalt  }
0x44: {  	_ =	shalt  }
0x45: {  	_ =	shalt  }
0x46: {  	_ =	shalt  }
0x47: {  	_ =	shalt  }
0x48: {  	_ =	shalt  }
0x49: {  	_ =	shalt  }
0x4a: {  	_ =	shalt  }
0x4b: {  	_ =	shalt  }
0x4c: {  	_ =	shalt  }
0x4d: {  	_ =	shalt  }
0x4e: {  	_ =	shalt  }
0x4f: {  	_ =	shalt  }
0x50: {  	_ =	shalt  }
0x51: {  	_ =	shalt  }
0x52: {  	_ =	shalt  }
0x53: {  	_ =	shalt  }
0x54: {  	_ =	shalt  }
0x55: {  	_ =	shalt  }
0x56: {  	_ =	shalt  }
0x57: {  	_ =	shalt  }
0x58: {  	_ =	shalt  }
0x59: {  	_ =	shalt  }
0x5a: {  	_ =	shalt  }
0x5b: {  	_ =	shalt  }
0x5c: {  	_ =	shalt  }
0x5d: {  	_ =	shalt  }
0x5e: {  	_ =	shalt  }
0x5f: {  	_ =	shalt  }
0x60: {  	_ =	shalt  }
0x61: {  	_ =	shalt  }
0x62: {  	_ =	shalt  }
0x63: {  	_ =	shalt  }
0x64: {  	_ =	shalt  }
0x65: {  	_ =	shalt  }
0x66: {  	_ =	shalt  }
0x67: {  	_ =	shalt  }
0x68: {  	_ =	shalt  }
0x69: {  	_ =	shalt  }
0x6a: {  	_ =	shalt  }
0x6b: {  	_ =	shalt  }
0x6c: {  	_ =	shalt  }
0x6d: {  	_ =	shalt  }
0x6e: {  	_ =	shalt  }
0x6f: {  	_ =	shalt  }
0x70: {  	_ =	shalt  }
0x71: {  	_ =	shalt  }
0x72: {  	_ =	shalt  }
0x73: {  	_ =	shalt  }
0x74: {  	_ =	shalt  }
0x75: {  	_ =	shalt  }
0x76: {  	_ =	shalt  }
0x77: {  	_ =	shalt  }
0x78: {  	_ =	shalt  }
0x79: {  	_ =	shalt  }
0x7a: {  	_ =	shalt  }
0x7b: {  	_ =	shalt  }
0x7c: {  	_ =	shalt  }
0x7d: {  	_ =	shalt  }
0x7e: {  	_ =	shalt  }
0x7f: {  	_ =	shalt  }
0x80: {  	_ =	shalt  }
0x81: {  	_ =	shalt  }
0x82: {  	_ =	shalt  }
0x83: {  	_ =	shalt  }
0x84: {  	_ =	shalt  }
0x85: {  	_ =	shalt  }
0x86: {  	_ =	shalt  }
0x87: {  	_ =	shalt  }
.Lfunc_end0:
.L_simem_size_0:
called_computation_lowered:
.L_overlay_start_0:
0x88: {  	s2 =	sld [smem:$0x3FD9]  }
0x89: {  	s3 =	sld [smem:$0x3FFE];
	_ =	sdelay $0x1  }
0x8a: {  	s1 =	srdreg.scid  }
0x8b: {  	s0 =	sand.u32 $0x1, s1  }
0x8c: {  	s16 =	sshll.u32 s0, $0xA;
	s2 =	sadd.s32 s3, s2  }
0x8d: {  	s2 =	sadd.s32 s2, s16  }
0x8e: {  	[smem:$0x3FB2] =	sst s2  }
0x8f: {  	_ = 	snop  }
0x90: {  	(tm) =	ssettm $0x1  }
0x91: {  	s17 =	sld [smem:$0x3FFB];
	_ =	sdelay $0x3  }
0x92: {  	_ =	strace s17  }
0x93: {  	s2 =	sld [smem:$0x3FFC];
	_ =	sdelay $0x3  }
0x94: {  	_ =	strace s2  }
0x95: {  	s2 =	sld [smem:$0x3FFD];
	_ =	sdelay $0x3  }
0x96: {  	_ =	strace s2  }
0x97: {  	_ =	strace $0x8FFFFFFF  }
0x98: {  	s18 =	sld [smem:$0x3FDB];
	_ =	sdelay $0x1  }
0x99: {  	s19 =	simm.s32 $_scs_section_size  }
0x9a: {  	s4 =	simm.s32 $_size__tile_overlayer_lowered;
	s5 =	simm.s32 $_tile_overlayer_lowered  }
0x9b: {  	s22 =	simm.s32 $0x1BFF;
	s21 =	sshll.u32 s5, $0x1;
	s2 =	sadd.s32 s19, s18  }
0x9c: {  	s6 =	simm.s32 $0x0;
	s20 =	sshll.u32 s4, $0x1;
	s4 =	sadd.s32 s21, s2  }
0x9d: {  	[timem:s6], [sflag:s22] =	dma.local [hbm:s4], s20  }
0x9e: {  	_ =	swait.ge [sflag:s22], s20  }
0x9f: {  	s3 =	ssub.s32 $0x0, s20;
	[sflag:s22] =	ssyncset.done $0x0  }
0xa0: {  	[sflag:s22] =	ssyncadd.s32 s3;
	_ =	sdelay $0x1  }
0xa1: {  	s23 =	simm.s32 $0x1B8B  }
0xa2: {  	_ =	swait.ge [sflag:s23], $0x1  }
0xa3: {  	[sflag:s23] =	ssyncset.done $0x0  }
0xa4: {  	s25 =	simm.s32 $0x1B8E;
	s24 =	sld [smem:$0x3FFE];
	[sflag:s23] =	ssyncadd.s32 $0xFFFFFFFF  }
0xa5: {  	s26 =	simm.s32 $execute0_lowered;
	[smem:$0x3FD2] =	sst s25  }
0xa6: {  	s4 =	sshll.u32 s26, $0x1;
	_ =	strace $0x80000046;
	[dreg:$0x1] =	wrdreg $0xFFFFFFFF  }
0xa7: {  	s28 =	simm.s32 $_size_execute0_lowered;
	s2 =	sadd.s32 s2, s4;
	[dreg:$0x0] =	wrdreg $0x0  }
0xa8: {  	s4 =	sshll.u32 s28, $0x1;
	[dreg:$0x2] =	wrdreg s2  }
0xa9: {  	[dreg:$0x3] =	wrdreg s4  }
0xaa: {  	[dreg:$0x4] =	wrdreg $0xC0  }
0xab: {  	_ =	task [dreg:s6], $0x5FFFF  }
0xac: {  	[dreg:$0x1] =	wrdreg $0xFFFFFFFF  }
0xad: {  	[dreg:$0x0] =	wrdreg $0x60  }
0xae: {  	[dreg:$0x2] =	wrdreg s24  }
0xaf: {  	[dreg:$0x3] =	wrdreg $0x9  }
0xb0: {  	_ =	task.clear_ibuf [dreg:s6], $0x4FFFF;
	_ =	strace $0x90000046  }
0xb1: {  	s29 =	simm.s32 $0x9;
	_ =	strace $0x80000048  }
0xb2: {  	_ =	swait.ge [sflag:s29], $0x1  }
0xb3: {  	[sflag:s29] =	ssyncadd.s32 $0xFFFFFFFF  }
0xb4: {  	_ =	strace $0x90000048  }
0xb5: {  	_ =	sfence  }
0xb6: {  	s30 =	sld [smem:$0x0];
	_ =	sdelay $0x2  }
0xb7: {  	s31 =	sshll.u32 s1, $0xD;
	s1 =	sshrl.u32 s1, $0x2  }
0xb8: {  	s3 =	sand.u32 $0x4000, s31;
	s1 =	sadd.s32 s1, s30  }
0xb9: {  	s0 =	sor.u32 s3, s0;
	s1 =	sshll.u32 s1, $0x11  }
0xba: {  	s0 =	sor.u32 s1, s0  }
0xbb: {  	s0 =	sadd.s32 $0x8F2B, s0  }
0xbc: {  	[sflag:s0] =	ssyncadd.remote.s32 $0x1  }
0xbd: {  	_ =	sfence.sel $0xFFFF  }
0xbe: {  	[dreg:$0x0] =	wrdreg $0xFFFFFFFF;
	(pc) =	sbr.abs _section_cstart, $3  }
0xbf: {  	[dreg:$0x1] =	wrdreg $0xFFFFFFFF  }
0xc0: {  	_ =	task.clear_ibuf [dreg:s6], $0x2FFFF;
	_ =	strace $0x9FFFFFFF  }
0xc1: {  	(tm) =	ssettm $0x7FFFFFFF  }
tec
execute0_lowered:
.L_overlay_start_1:
0x0: {  	(tag) =	ssettag $0x1  }
0x1: {  	s0 =	srdreg.scid  }
0x2: {  	s1 =	stileid.u32;
	s4 =	rddreg [dreg:$0x0]  }
0x3: {  	s2 =	simm.s32 $0x0;
	s7 =	simm.s32 $0x2;
	s8 =	simm.s32 $0x28  }
0x4: {  	s9 =	simm.s32 $0x1388;
	s31 =	simm.s32 $0x2F08;
	s10 =	simm.s32 $0x208  }
0x5: {  	s11 =	simm.s32 $0x3408;
	s12 =	simm.s32 $0x230;
	s13 =	simm.s32 $0x3688  }
0x6: {  	s14 =	simm.s32 $0x258;
	s15 =	simm.s32 $0x3908;
	s16 =	simm.s32 $0x280  }
0x7: {  	s17 =	simm.s32 $0x3B88;
	s18 =	simm.s32 $0x2A8;
	s19 =	simm.s32 $0x3E08  }
0x8: {  	s20 =	simm.s32 $0x2D0;
	s21 =	simm.s32 $0x4088;
	s22 =	simm.s32 $0x2F8  }
0x9: {  	s23 =	simm.s32 $0x4308;
	s0 =	sand.u32 $0x1, s0;
	s1 =	sshll.u32 s1, $0x1  }
0xa: {  	s24 =	simm.s32 $0x1;
	s25 =	simm.s32 $0x0;
	s1 =	sor.u32 s0, s1  }
0xb: {  	[smem:$0x7FF] =	sst s2;
	s0 =	ssub.s32 $0x2, s0;
	s5 =	smul.u32 $0x271, s1  }
0xc: {  	s3 =	sadd.s32 $0x7600, s4;
	s1 =	smul.u32 $0x2710, s1;
	s6 =	sshrl.u32 s0, $0x1  }
0xd: {  	_ =	strace $0x80000047;
	s0 =	ssub.s32 s0, s6;
	s5 =	sadd.s32 s5, s4  }
0xe: {  	s1 =	sadd.s32 s1, s4;
	s6 =	smax.u32 s0, $0x1;
	s0 =	simm.s32 $0x3188  }
0xf: {  	s4 =	sadd.s32 $0xC600, s5;
	s5 =	sadd.s32 $0x16600, s1;
	s1 =	simm.s32 $0x1E0  }
.LBB2_1:
0x10: {  	[tilespmem:s2], [sflag:$0x2] =	stream.linear.gather [hbm4b:s4+s2], $0x1388, $0x38;
	[tilespmem:$0x14C08] =	vst v63  }
0x11: {  	_ =	swait.ge [sflag:s7], $0x1388  }
0x12: {  	[sflag:s7] =	ssyncset.done $0x0  }
0x13: {  	[sflag:s7] =	ssyncadd.s32 $0xFFFFEC78  }
0x14: {  	[tilespmem:s9], [sflag:$0x1] =	stream.indirect.gather [hbm4b:s3+s8], $0x10, s2, s8, $0xb8;
	[tilespmem:$0x14C08] =	vst v63  }
0x15: {  	s26 =	simm.s32 $0x1608  }
0x16: {  	[tilespmem:s26], [sflag:$0x1] =	stream.indirect.gather [hbm4b:s3+s8], $0x10, s8, s8, $0xb8;
	[tilespmem:$0x14C08] =	vst v63  }
0x17: {  	s30 =	simm.s32 $0x50;
	s28 =	simm.s32 $0x1888  }
0x18: {  	[tilespmem:s28], [sflag:$0x1] =	stream.indirect.gather [hbm4b:s3+s8], $0x10, s30, s8, $0xb8;
	[tilespmem:$0x14C08] =	vst v63  }
0x19: {  	s30 =	simm.s32 $0x78;
	s28 =	simm.s32 $0x1B08  }
0x1a: {  	[tilespmem:s28], [sflag:$0x1] =	stream.indirect.gather [hbm4b:s3+s8], $0x10, s30, s8, $0xb8;
	[tilespmem:$0x14C08] =	vst v63  }
0x1b: {  	s30 =	simm.s32 $0xA0;
	s28 =	simm.s32 $0x1D88  }
0x1c: {  	[tilespmem:s28], [sflag:$0x1] =	stream.indirect.gather [hbm4b:s3+s8], $0x10, s30, s8, $0xb8;
	[tilespmem:$0x14C08] =	vst v63  }
0x1d: {  	s30 =	simm.s32 $0xC8;
	s28 =	simm.s32 $0x2008  }
0x1e: {  	[tilespmem:s28], [sflag:$0x1] =	stream.indirect.gather [hbm4b:s3+s8], $0x10, s30, s8, $0xb8;
	[tilespmem:$0x14C08] =	vst v63  }
0x1f: {  	s30 =	simm.s32 $0xF0;
	s28 =	simm.s32 $0x2288  }
0x20: {  	[tilespmem:s28], [sflag:$0x1] =	stream.indirect.gather [hbm4b:s3+s8], $0x10, s30, s8, $0xb8;
	[tilespmem:$0x14C08] =	vst v63  }
0x21: {  	s30 =	simm.s32 $0x118;
	s28 =	simm.s32 $0x2508  }
0x22: {  	[tilespmem:s28], [sflag:$0x1] =	stream.indirect.gather [hbm4b:s3+s8], $0x10, s30, s8, $0xb8;
	[tilespmem:$0x14C08] =	vst v63  }
0x23: {  	s30 =	simm.s32 $0x140;
	s28 =	simm.s32 $0x2788  }
0x24: {  	[tilespmem:s28], [sflag:$0x1] =	stream.indirect.gather [hbm4b:s3+s8], $0x10, s30, s8, $0xb8;
	[tilespmem:$0x14C08] =	vst v63  }
0x25: {  	s30 =	simm.s32 $0x168;
	s28 =	simm.s32 $0x2A08  }
0x26: {  	[tilespmem:s28], [sflag:$0x1] =	stream.indirect.gather [hbm4b:s3+s8], $0x10, s30, s8, $0xb8;
	[tilespmem:$0x14C08] =	vst v63  }
0x27: {  	s30 =	simm.s32 $0x190;
	s28 =	simm.s32 $0x2C88  }
0x28: {  	[tilespmem:s28], [sflag:$0x1] =	stream.indirect.gather [hbm4b:s3+s8], $0x10, s30, s8, $0xb8;
	[tilespmem:$0x14C08] =	vst v63  }
0x29: {  	s30 =	simm.s32 $0x1B8  }
0x2a: {  	[tilespmem:s31], [sflag:$0x1] =	stream.indirect.gather [hbm4b:s3+s8], $0x10, s30, s8, $0xb8;
	[tilespmem:$0x14C08] =	vst v63  }
0x2b: {  	_ = 	snop  }
0x2c: {  	[tilespmem:s0], [sflag:$0x1] =	stream.indirect.gather [hbm4b:s3+s8], $0x10, s1, s8, $0xb8;
	[tilespmem:$0x14C08] =	vst v63  }
0x2d: {  	_ = 	snop  }
0x2e: {  	[tilespmem:s11], [sflag:$0x1] =	stream.indirect.gather [hbm4b:s3+s8], $0x10, s10, s8, $0xb8;
	[tilespmem:$0x14C08] =	vst v63  }
0x2f: {  	_ = 	snop  }
0x30: {  	[tilespmem:s13], [sflag:$0x1] =	stream.indirect.gather [hbm4b:s3+s8], $0x10, s12, s8, $0xb8;
	[tilespmem:$0x14C08] =	vst v63  }
0x31: {  	_ = 	snop  }
0x32: {  	[tilespmem:s15], [sflag:$0x1] =	stream.indirect.gather [hbm4b:s3+s8], $0x10, s14, s8, $0xb8;
	[tilespmem:$0x14C08] =	vst v63  }
0x33: {  	_ = 	snop  }
0x34: {  	[tilespmem:s17], [sflag:$0x1] =	stream.indirect.gather [hbm4b:s3+s8], $0x10, s16, s8, $0xb8;
	[tilespmem:$0x14C08] =	vst v63  }
0x35: {  	_ = 	snop  }
0x36: {  	[tilespmem:s19], [sflag:$0x1] =	stream.indirect.gather [hbm4b:s3+s8], $0x10, s18, s8, $0xb8;
	[tilespmem:$0x14C08] =	vst v63  }
0x37: {  	_ = 	snop  }
0x38: {  	[tilespmem:s21], [sflag:$0x1] =	stream.indirect.gather [hbm4b:s3+s8], $0x10, s20, s8, $0xb8;
	[tilespmem:$0x14C08] =	vst v63  }
0x39: {  	p0 =	por $0x0, $0x0  }
0x3a: {  	[tilespmem:s23], [sflag:$0x1] =	stream.indirect.gather [hbm4b:s3+s8], $0x10, s22, s8, $0xb8;
	[tilespmem:$0x14C08] =	vst v63  }
0x3b: {  	s29 =	simm.s32 @!p0 $0x28;
	s26 =	simm.s32 $0x4588;
	s28 =	simm.s32 $0x320  }
0x3c: {  	[tilespmem:s26], [sflag:$0x1] =	stream.indirect.gather @!p0 [hbm4b:s3+s29], $0x10, s28, s29, $0xb8;
	[tilespmem:$0x14C08] =	vst v63  }
0x3d: {  	_ =	swait.ge [sflag:s24], $0x280  }
0x3e: {  	s28 =	simm.s32 $0x1;
	s29 =	simm.s32 $0x348;
	[sflag:s24] =	ssyncset.done $0x0  }
.LBB2_2:
0x3f: {  	s30 =	smov.u32 s28;
	s28 =	sadd.s32 $0x1, s28  }
0x40: {  	[sflag:s24] =	ssyncadd.s32 $0xFFFFFD80;
	s26 =	sadd.s32 $0x280, s26;
	p1 =	sne.s32 s28, $0x7D  }
.Ltmp0:
0x41: {  	p0 =	sgt.u32 s30, $0x68;
	(pc) =	sbr.rel @p1 .LBB2_2-.Ltmp0, $4  }
0x42: {  	s30 =	simm.s32 @!p0 $0x28  }
0x43: {  	[tilespmem:s26], [sflag:$0x1] =	stream.indirect.gather @!p0 [hbm4b:s3+s30], $0x10, s29, s30, $0xb8;
	[tilespmem:$0x14C08] =	vst v63  }
0x44: {  	_ =	swait.ge [sflag:s24], $0x280  }
0x45: {  	s29 =	sadd.s32 $0x28, s29;
	[sflag:s24] =	ssyncset.done $0x0  }
0x46: {  	s25 =	sadd.s32 $0x1, s25  }
0x47: {  	p0 =	sne.s32 s25, s6  }
.Ltmp1:
0x48: {  	[sflag:s24] =	ssyncadd.s32 $0xFFFFFD80;
	(pc) =	sbr.rel @p0 .LBB2_1-.Ltmp1, $4  }
0x49: {  	[hbm4b:s5+s2] =	stream.linear.scatter [tilespmem:s9], [sflag:$0x2], $0x13880, $0x38;
	[tilespmem:$0x14C08] =	vst v63  }
0x4a: {  	_ =	swait.ge [sflag:s7], $0x13880  }
0x4b: {  	[sflag:s7] =	ssyncset.done $0x0  }
0x4c: {  	[sflag:s7] =	ssyncadd.s32 $0xFFFEC780  }
0x4d: {  	_ =	sfence.sel $0x180000  }
0x4e: {  	[bflag:$0x0] =	sbarrier.arrive $0xFFFF  }
0x4f: {  	_ =	strace $0x90000047  }
0x50: {  	s0 =	stileid.u32;
	[bflag:$0x2] =	sbarrier.arrive $0xFFFF  }
0x51: {  	p0 =	sne.s32 s0, $0x0;
	s0 =	rddreg [dreg:$0x1]  }
0x52: {  	s0 =	sadd.s32 @!p0 $0x100000, s0  }
0x53: {  	[sflag:s0] =	ssyncadd.tile.s32 @!p0 $0x1;
	_ =	shalt  }
.Lfunc_end2:
_tile_overlayer_lowered:
.L_overlay_start_2:
0x54: {  	(tag) =	ssettag $0x2  }
0x55: {  	s0 =	rddreg [dreg:$0x0];
	s2 =	stileid.u32  }
0x56: {  	s1 =	rddreg [dreg:$0x1];
	p0 =	sne.s32 s2, $0x0  }
0x57: {  	s3 =	rddreg [dreg:$0x2];
	[bflag:$0x3] =	sbarrier.arrive $0xFFFF;
	s2 =	simm.s32 @!p0 $0x1C02  }
0x58: {  	[timem:s3], [sflag:s2] =	dma.local @!p0 [hbm:s0], s1  }
0x59: {  	s0 =	simm.s32 @!p0 $0x2  }
0x5a: {  	_ =	swait.ge @!p0 [sflag:s0], s1  }
0x5b: {  	s1 =	ssub.s32 @!p0 $0x0, s1;
	[sflag:s0] =	ssyncset.done @!p0 $0x0  }
0x5c: {  	[sflag:s0] =	ssyncadd.s32 @!p0 s1  }
0x5d: {  	[bflag:$0x3] =	sbarrier.arrive $0xFFFF  }
0x5e: {  	_ =	shalt  }

// kernel: kernel.18.cloned.1.call-start
scs
__scs_entry_jumppad:
0x0: {  	(pc) =	sbr.rel $0x88, $3  }
0x1: {  	(tag) =	ssettag $0x0;
	lr =	simm.s32 $0x1  }
0x2: {  	[smem:$0x3F8B] =	sst lr;
	_ =	strace $0xD0000000  }
0x3: {  	_ = 	snop  }
0x4: {  	_ = 	snop  }
0x5: {  	_ = 	snop  }
0x6: {  	_ = 	snop  }
0x7: {  	_ = 	snop  }
__scs_overlays_trampoline_lowered:
0x8: {  	[smem:$0x3F9A] =	sst s0  }
0x9: {  	[smem:$0x3F9B] =	sst s1  }
0xa: {  	[smem:$0x3F9C] =	sst s2  }
0xb: {  	[smem:$0x3F9D] =	sst s3  }
0xc: {  	[smem:$0x3F9E] =	sst s4  }
0xd: {  	[smem:$0x3F9F] =	sst s5  }
0xe: {  	[smem:$0x3FA0] =	sst s6  }
0xf: {  	[smem:$0x3FA1] =	sst s7  }
0x10: {  	[smem:$0x3FA2] =	sst s8  }
0x11: {  	[smem:$0x3FA3] =	sst s9;
	s0 =	simm.s32 @!p0 $0x0  }
0x12: {  	s1 =	sld [smem:$0x3F89];
	s0 =	simm.s32 @p0 $0x1  }
0x13: {  	[smem:$0x3FA4] =	sst s0;
	s0 =	simm.s32 @!p1 $0x0  }
0x14: {  	s2 =	sld [smem:$0x3F88];
	s0 =	simm.s32 @p1 $0x1  }
0x15: {  	[smem:$0x3FA5] =	sst s0;
	s0 =	simm.s32 @!p2 $0x0  }
0x16: {  	s3 =	sld [smem:$0x3FDB];
	s0 =	simm.s32 @p2 $0x1  }
0x17: {  	s4 =	simm.s32 $0x1BF5;
	[smem:$0x3FA7] =	sst s0  }
0x18: {  	s0 =	sld [smem:$0x3F8A];
	_ =	swait.ge [sflag:s4], $0x0  }
0x19: {  	s7 =	sld [smem:$0x3F8B]  }
0x1a: {  	s8 =	sadd.s32 $0xFFFFE003, lr  }
0x1b: {  	s9 =	sadd.s32 $0xFFFFFEF7, lr;
	s5 =	simm.s32 $0xFFFFFFFF;
	p2 =	slt.u32 s8, $0xFFFFF086  }
0x1c: {  	p1 =	slt.u32 s9, $0xF7A;
	s5 =	simm.s32 @!p2 $0x0  }
0x1d: {  	s5 =	simm.s32 @p1 $0x1;
	p0 =	seq.s32 s7, s2  }
0x1e: {  	s7 =	smul.u32 @!p0 $0xF7A, s2;
	p2 =	seq.s32 @!p0 s5, $0x0  }
0x1f: {  	s9 =	smul.u32 $0xF7A, s1;
	s8 =	simm.s32 @!p0 $0x1BF5;
	p2 =	por !p2, p0  }
0x20: {  	[sflag:s8] =	ssyncset.s32 @!p0 $0xFFFFF086;
	s6 =	sadd.s32 @!p0 s3, s7;
	s7 =	simm.s32 @!p0 $0x108  }
0x21: {  	s3 =	sadd.s32 s3, s9;
	s6 =	sadd.s32 @!p0 $0x88, s6;
	s7 =	simm.s32 @p2 $0x1082  }
0x22: {  	[simem:s7], [sflag:s8] =	dma.local @!p0 [hbm:s6], $0xF7A  }
0x23: {  	s9 =	sor.u32 $0xD0000000, s2;
	s6 =	simm.s32 $0x108;
	_ =	swait.ge @!p0 [sflag:s8], $0x0  }
0x24: {  	s3 =	sadd.s32 $0x88, s3;
	s6 =	simm.s32 @!p1 $0x1082;
	[sflag:s4] =	ssyncset.s32 $0xFFFFF086  }
0x25: {  	[simem:s6], [sflag:s4] =	dma.local [hbm:s3], $0xF7A  }
0x26: {  	[smem:$0x3F8B] =	sst s1;
	(tag) =	ssettag s2;
	_ =	strace s9  }
0x27: {  	s1 =	sld [smem:$0x3F9B]  }
0x28: {  	s2 =	sld [smem:$0x3F9C]  }
0x29: {  	s4 =	sld [smem:$0x3F9E]  }
0x2a: {  	p0 =	seq.s32 s5, $0x0;
	s5 =	sld [smem:$0x3F9F]  }
0x2b: {  	s6 =	sld [smem:$0x3FA0]  }
0x2c: {  	s7 =	sld [smem:$0x3FA1]  }
0x2d: {  	s3 =	simm.s32 $0x108;
	s8 =	sld [smem:$0x3FA2]  }
0x2e: {  	s3 =	simm.s32 @!p0 $0x1082;
	s9 =	sld [smem:$0x3FA3]  }
0x2f: {  	lr =	sadd.s32 s0, s3;
	s0 =	sld [smem:$0x3F9A]  }
0x30: {  	s3 =	sld [smem:$0x3F9D]  }
0x31: {  	[smem:$0x3FA6] =	sst s10  }
0x32: {  	s10 =	sld [smem:$0x3FA4];
	_ =	sdelay $0x3  }
0x33: {  	p0 =	seq.s32 s10, $0x1;
	s10 =	sld [smem:$0x3FA6];
	_ =	sdelay $0x3  }
0x34: {  	[smem:$0x3FA6] =	sst s10  }
0x35: {  	s10 =	sld [smem:$0x3FA5];
	_ =	sdelay $0x3  }
0x36: {  	p1 =	seq.s32 s10, $0x1;
	s10 =	sld [smem:$0x3FA6];
	_ =	sdelay $0x3  }
0x37: {  	[smem:$0x3FA6] =	sst s10  }
0x38: {  	s10 =	sld [smem:$0x3FA7]  }
0x39: {  	_ = 	snop;
	(pc) =	sbr.ind lr, $3  }
0x3a: {  	_ = 	snop  }
0x3b: {  	_ = 	snop  }
0x3c: {  	p2 =	seq.s32 s10, $0x1;
	s10 =	sld [smem:$0x3FA6]  }
0x3d: {  	_ =	shalt  }
0x3e: {  	_ =	shalt  }
0x3f: {  	_ =	shalt  }
0x40: {  	_ =	shalt  }
0x41: {  	_ =	shalt  }
0x42: {  	_ =	shalt  }
0x43: {  	_ =	shalt  }
0x44: {  	_ =	shalt  }
0x45: {  	_ =	shalt  }
0x46: {  	_ =	shalt  }
0x47: {  	_ =	shalt  }
0x48: {  	_ =	shalt  }
0x49: {  	_ =	shalt  }
0x4a: {  	_ =	shalt  }
0x4b: {  	_ =	shalt  }
0x4c: {  	_ =	shalt  }
0x4d: {  	_ =	shalt  }
0x4e: {  	_ =	shalt  }
0x4f: {  	_ =	shalt  }
0x50: {  	_ =	shalt  }
0x51: {  	_ =	shalt  }
0x52: {  	_ =	shalt  }
0x53: {  	_ =	shalt  }
0x54: {  	_ =	shalt  }
0x55: {  	_ =	shalt  }
0x56: {  	_ =	shalt  }
0x57: {  	_ =	shalt  }
0x58: {  	_ =	shalt  }
0x59: {  	_ =	shalt  }
0x5a: {  	_ =	shalt  }
0x5b: {  	_ =	shalt  }
0x5c: {  	_ =	shalt  }
0x5d: {  	_ =	shalt  }
0x5e: {  	_ =	shalt  }
0x5f: {  	_ =	shalt  }
0x60: {  	_ =	shalt  }
0x61: {  	_ =	shalt  }
0x62: {  	_ =	shalt  }
0x63: {  	_ =	shalt  }
0x64: {  	_ =	shalt  }
0x65: {  	_ =	shalt  }
0x66: {  	_ =	shalt  }
0x67: {  	_ =	shalt  }
0x68: {  	_ =	shalt  }
0x69: {  	_ =	shalt  }
0x6a: {  	_ =	shalt  }
0x6b: {  	_ =	shalt  }
0x6c: {  	_ =	shalt  }
0x6d: {  	_ =	shalt  }
0x6e: {  	_ =	shalt  }
0x6f: {  	_ =	shalt  }
0x70: {  	_ =	shalt  }
0x71: {  	_ =	shalt  }
0x72: {  	_ =	shalt  }
0x73: {  	_ =	shalt  }
0x74: {  	_ =	shalt  }
0x75: {  	_ =	shalt  }
0x76: {  	_ =	shalt  }
0x77: {  	_ =	shalt  }
0x78: {  	_ =	shalt  }
0x79: {  	_ =	shalt  }
0x7a: {  	_ =	shalt  }
0x7b: {  	_ =	shalt  }
0x7c: {  	_ =	shalt  }
0x7d: {  	_ =	shalt  }
0x7e: {  	_ =	shalt  }
0x7f: {  	_ =	shalt  }
0x80: {  	_ =	shalt  }
0x81: {  	_ =	shalt  }
0x82: {  	_ =	shalt  }
0x83: {  	_ =	shalt  }
0x84: {  	_ =	shalt  }
0x85: {  	_ =	shalt  }
0x86: {  	_ =	shalt  }
0x87: {  	_ =	shalt  }
.Lfunc_end0:
.L_simem_size_0:
called_computation.1_lowered:
.L_overlay_start_0:
0x88: {  	s2 =	sld [smem:$0x3FD9]  }
0x89: {  	s3 =	sld [smem:$0x3FFE];
	_ =	sdelay $0x1  }
0x8a: {  	s1 =	srdreg.scid  }
0x8b: {  	s0 =	sand.u32 $0x1, s1  }
0x8c: {  	s16 =	sshll.u32 s0, $0xA;
	s2 =	sadd.s32 s3, s2  }
0x8d: {  	s2 =	sadd.s32 s2, s16  }
0x8e: {  	[smem:$0x3FB2] =	sst s2  }
0x8f: {  	_ = 	snop  }
0x90: {  	(tm) =	ssettm $0x1  }
0x91: {  	s17 =	sld [smem:$0x3FFB];
	_ =	sdelay $0x3  }
0x92: {  	_ =	strace s17  }
0x93: {  	s2 =	sld [smem:$0x3FFC];
	_ =	sdelay $0x3  }
0x94: {  	_ =	strace s2  }
0x95: {  	s2 =	sld [smem:$0x3FFD];
	_ =	sdelay $0x3  }
0x96: {  	_ =	strace s2  }
0x97: {  	_ =	strace $0x8FFFFFFF  }
0x98: {  	s18 =	sld [smem:$0x3FDB];
	_ =	sdelay $0x1  }
0x99: {  	s19 =	simm.s32 $_scs_section_size  }
0x9a: {  	s4 =	simm.s32 $_size__tile_overlayer_lowered;
	s5 =	simm.s32 $_tile_overlayer_lowered  }
0x9b: {  	s22 =	simm.s32 $0x1BFF;
	s21 =	sshll.u32 s5, $0x1;
	s2 =	sadd.s32 s19, s18  }
0x9c: {  	s6 =	simm.s32 $0x0;
	s20 =	sshll.u32 s4, $0x1;
	s4 =	sadd.s32 s21, s2  }
0x9d: {  	[timem:s6], [sflag:s22] =	dma.local [hbm:s4], s20  }
0x9e: {  	_ =	swait.ge [sflag:s22], s20  }
0x9f: {  	s3 =	ssub.s32 $0x0, s20;
	[sflag:s22] =	ssyncset.done $0x0  }
0xa0: {  	[sflag:s22] =	ssyncadd.s32 s3;
	_ =	sdelay $0x1  }
0xa1: {  	s23 =	simm.s32 $0x1B8B  }
0xa2: {  	_ =	swait.ge [sflag:s23], $0x1  }
0xa3: {  	[sflag:s23] =	ssyncset.done $0x0  }
0xa4: {  	s25 =	simm.s32 $0x1B8E;
	s24 =	sld [smem:$0x3FFE];
	[sflag:s23] =	ssyncadd.s32 $0xFFFFFFFF  }
0xa5: {  	s26 =	simm.s32 $execute0_lowered;
	[smem:$0x3FD2] =	sst s25  }
0xa6: {  	s4 =	sshll.u32 s26, $0x1;
	_ =	strace $0x80000049;
	[dreg:$0x1] =	wrdreg $0xFFFFFFFF  }
0xa7: {  	s28 =	simm.s32 $_size_execute0_lowered;
	s2 =	sadd.s32 s2, s4;
	[dreg:$0x0] =	wrdreg $0x0  }
0xa8: {  	s4 =	sshll.u32 s28, $0x1;
	[dreg:$0x2] =	wrdreg s2  }
0xa9: {  	[dreg:$0x3] =	wrdreg s4  }
0xaa: {  	[dreg:$0x4] =	wrdreg $0xC0  }
0xab: {  	_ =	task [dreg:s6], $0x5FFFF  }
0xac: {  	[dreg:$0x1] =	wrdreg $0xFFFFFFFF  }
0xad: {  	[dreg:$0x0] =	wrdreg $0x60  }
0xae: {  	[dreg:$0x2] =	wrdreg s24  }
0xaf: {  	[dreg:$0x3] =	wrdreg $0x14E880  }
0xb0: {  	[dreg:$0x4] =	wrdreg $0x175980  }
0xb1: {  	[dreg:$0x5] =	wrdreg $0x9  }
0xb2: {  	_ =	task.clear_ibuf [dreg:s6], $0x6FFFF;
	_ =	strace $0x90000049  }
0xb3: {  	s29 =	simm.s32 $0x9;
	_ =	strace $0x8000004B  }
0xb4: {  	_ =	swait.ge [sflag:s29], $0x1  }
0xb5: {  	[sflag:s29] =	ssyncadd.s32 $0xFFFFFFFF  }
0xb6: {  	_ =	strace $0x9000004B  }
0xb7: {  	_ =	sfence  }
0xb8: {  	s30 =	sld [smem:$0x0];
	_ =	sdelay $0x2  }
0xb9: {  	s31 =	sshll.u32 s1, $0xD;
	s1 =	sshrl.u32 s1, $0x2  }
0xba: {  	s3 =	sand.u32 $0x4000, s31;
	s1 =	sadd.s32 s1, s30  }
0xbb: {  	s0 =	sor.u32 s3, s0;
	s1 =	sshll.u32 s1, $0x11  }
0xbc: {  	s0 =	sor.u32 s1, s0  }
0xbd: {  	s0 =	sadd.s32 $0x8F2B, s0  }
0xbe: {  	[sflag:s0] =	ssyncadd.remote.s32 $0x1  }
0xbf: {  	_ =	sfence.sel $0xFFFF  }
0xc0: {  	[dreg:$0x0] =	wrdreg $0xFFFFFFFF;
	(pc) =	sbr.abs _section_cstart, $3  }
0xc1: {  	[dreg:$0x1] =	wrdreg $0xFFFFFFFF  }
0xc2: {  	_ =	task.clear_ibuf [dreg:s6], $0x2FFFF;
	_ =	strace $0x9FFFFFFF  }
0xc3: {  	(tm) =	ssettm $0x7FFFFFFF  }
tec
execute0_lowered:
.L_overlay_start_1:
0x0: {  	(tag) =	ssettag $0x1  }
0x1: {  	s5 =	rddreg [dreg:$0x0]  }
0x2: {  	s0 =	srdreg.scid;
	s2 =	rddreg [dreg:$0x1]  }
0x3: {  	s11 =	stileid.u32;
	s3 =	rddreg [dreg:$0x2];
	s4 =	simm.s32 $0x0  }
0x4: {  	s13 =	simm.s32 $0x2;
	s16 =	simm.s32 $0x28;
	s17 =	simm.s32 $0x14C08  }
0x5: {  	s30 =	simm.s32 $0x118;
	s18 =	simm.s32 $0x168;
	s31 =	simm.s32 $0x1E0  }
0x6: {  	s20 =	simm.s32 $0x208;
	s29 =	simm.s32 $0x230;
	s0 =	sand.u32 $0x1, s0  }
0x7: {  	s1 =	sshll.u32 s11, $0x1;
	s7 =	smul.u32 $0x2710, s11;
	[smem:$0x7FF] =	sst s4  }
0x8: {  	s23 =	sshll.u32 s11, $0x6;
	s1 =	sor.u32 s0, s1;
	s8 =	smul.u32 $0x27100, s0  }
0x9: {  	s11 =	simm.s32 $0x0;
	_ =	strace $0x8000004A;
	s6 =	smul.u32 $0x2710, s1  }
0xa: {  	s0 =	ssub.s32 $0x2, s0;
	s1 =	smul.u32 $0x271, s1;
	s22 =	sshrl.u32 s7, $0x3  }
0xb: {  	s10 =	sshrl.u32 s0, $0x1;
	s24 =	sadd.s32 s7, s2;
	s8 =	sadd.s32 s7, s8  }
0xc: {  	s0 =	ssub.s32 s0, s10;
	s7 =	sadd.s32 s7, s3;
	s12 =	sshrl.u32 s24, $0x3  }
0xd: {  	s24 =	simm.s32 $0x258;
	s10 =	simm.s32 $0x1;
	s9 =	sadd.s32 s6, s5  }
0xe: {  	s1 =	sadd.s32 s1, s5;
	s6 =	sadd.s32 s22, s5;
	s8 =	sshrl.u32 s8, $0x3  }
0xf: {  	s0 =	smax.u32 s0, $0x1;
	s14 =	sshrl.u32 s7, $0x3;
	s22 =	simm.s32 $0x190  }
0x10: {  	s7 =	simm.s32 $0x2A8;
	s8 =	sadd.s32 s8, s5;
	s5 =	sadd.s32 $0x7600, s6  }
0x11: {  	s6 =	sor.u32 $0x1C02, s23;
	s1 =	sadd.s32 $0x11600, s1;
	[dreg:$0x8] =	wrdreg s0  }
0x12: {  	s25 =	sadd.s32 $0x16600, s9;
	s0 =	simm.s32 $0x280;
	[dreg:$0x4] =	wrdreg s1  }
0x13: {  	s9 =	simm.s32 $0x2F8;
	[dreg:$0x5] =	wrdreg s25;
	s26 =	sadd.s32 $0xA8800, s8  }
0x14: {  	s28 =	sadd.s32 $0xB2600, s8;
	s1 =	simm.s32 $0x140;
	[dreg:$0x6] =	wrdreg s26  }
0x15: {  	v0 =	vimm.f32 $1.000000000e+00;
	s8 =	simm.s32 $0x2D0;
	[dreg:$0x7] =	wrdreg s28;
	s26 =	simm.s32 $0x1B8  }
.LBB2_1:
0x16: {  	[spmem:s12], [sflag:s6] =	dma.local [hbm:s5], $0x4E2  }
0x17: {  	_ =	swait.ge [sflag:s13], $0x4E2  }
0x18: {  	[sflag:s13] =	ssyncset.done $0x0  }
0x19: {  	[sflag:s13] =	ssyncadd.s32 $0xFFFFFB1E  }
0x1a: {  	[spmem:s14], [sflag:s6] =	dma.local [hbm:s5], $0x4E2  }
0x1b: {  	_ =	swait.ge [sflag:s13], $0x4E2  }
0x1c: {  	[sflag:s13] =	ssyncset.done $0x0  }
0x1d: {  	[sflag:s13] =	ssyncadd.s32 $0xFFFFFB1E  }
0x1e: {  	[tilespmem:$0x14C08] =	vst v0  }
0x1f: {  	[tilespmem:$0x14C18] =	vst v0  }
0x20: {  	[tilespmem:$0x14C28] =	vst v0  }
0x21: {  	[tilespmem:$0x14C38] =	vst v0  }
0x22: {  	[tilespmem:$0x14C48] =	vst v0  }
0x23: {  	[tilespmem:$0x14C58] =	vst v0  }
0x24: {  	[tilespmem:$0x14C68] =	vst v0  }
0x25: {  	[tilespmem:$0x14C78] =	vst v0  }
0x26: {  	[tilespmem:$0x14C88] =	vst v0  }
0x27: {  	[tilespmem:$0x14C98] =	vst v0  }
0x28: {  	[tilespmem:$0x14CA8] =	vst v0  }
0x29: {  	[tilespmem:$0x14CB8] =	vst v0  }
0x2a: {  	[tilespmem:$0x14CC8] =	vst v0  }
0x2b: {  	[tilespmem:$0x14CD8] =	vst v0  }
0x2c: {  	[tilespmem:$0x14CE8] =	vst v0  }
0x2d: {  	[tilespmem:$0x14CF8] =	vst v0  }
0x2e: {  	[tilespmem:$0x14D08] =	vst v0  }
0x2f: {  	[tilespmem:$0x14D18] =	vst v0  }
0x30: {  	[tilespmem:$0x14D28] =	vst v0  }
0x31: {  	[tilespmem:$0x14D38] =	vst v0  }
0x32: {  	[tilespmem:$0x14D48] =	vst v0  }
0x33: {  	[tilespmem:$0x14D58] =	vst v0  }
0x34: {  	[tilespmem:$0x14D68] =	vst v0  }
0x35: {  	[tilespmem:$0x14D78] =	vst v0  }
0x36: {  	[tilespmem:$0x14D88] =	vst v0  }
0x37: {  	[tilespmem:$0x14D98] =	vst v0  }
0x38: {  	[tilespmem:$0x14DA8] =	vst v0  }
0x39: {  	[tilespmem:$0x14DB8] =	vst v0  }
0x3a: {  	[tilespmem:$0x14DC8] =	vst v0  }
0x3b: {  	[tilespmem:$0x14DD8] =	vst v0  }
0x3c: {  	[tilespmem:$0x14DE8] =	vst v0  }
0x3d: {  	[tilespmem:$0x14DF8] =	vst v0  }
0x3e: {  	[tilespmem:$0x14E08] =	vst v0  }
0x3f: {  	[tilespmem:$0x14E18] =	vst v0  }
0x40: {  	[tilespmem:$0x14E28] =	vst v0  }
0x41: {  	[tilespmem:$0x14E38] =	vst v0  }
0x42: {  	[tilespmem:$0x14E48] =	vst v0  }
0x43: {  	[tilespmem:$0x14E58] =	vst v0  }
0x44: {  	[tilespmem:$0x14E68] =	vst v0  }
0x45: {  	s15 =	rddreg [dreg:$0x4];
	[tilespmem:$0x14E78] =	vst v0  }
0x46: {  	[tilespmem:s4], [sflag:$0x2] =	stream.linear.gather [hbm4b:s15+s4], $0x1388, $0x38;
	[tilespmem:$0x19CA8] =	vst v63  }
0x47: {  	_ =	swait.ge [sflag:s13], $0x1388  }
0x48: {  	[sflag:s13] =	ssyncset.done $0x0  }
0x49: {  	s19 =	simm.s32 $0x1388;
	s23 =	rddreg [dreg:$0x5];
	[sflag:s13] =	ssyncadd.s32 $0xFFFFEC78  }
0x4a: {  	[tilespmem:s19], [sflag:$0x2] =	stream.linear.gather [hbm4b:s23+s4], $0x13880, $0x38;
	[tilespmem:$0x19CA8] =	vst v63  }
0x4b: {  	_ =	swait.ge [sflag:s13], $0x13880  }
0x4c: {  	[sflag:s13] =	ssyncset.done $0x0  }
0x4d: {  	[sflag:s13] =	ssyncadd.s32 $0xFFFEC780  }
0x4e: {  	[bflag:$0x0] =	sbarrier.arrive $0xFFFF  }
0x4f: {  	[spmem:s2] =	stream.indirect.scatter.add.f32 [tilespmem:s19], [sflag:$0x1], $0x10, s4, s16, $0xb8;
	[tilespmem:$0x19CA8] =	vst v63  }
0x50: {  	_ = 	snop  }
0x51: {  	[spmem:s3] =	stream.indirect.scatter.add.f32 [tilespmem:s17], [sflag:$0x1], $0x10, s4, s16, $0xb8;
	[tilespmem:$0x19CA8] =	vst v63  }
0x52: {  	s25 =	simm.s32 $0x1608  }
0x53: {  	[spmem:s2] =	stream.indirect.scatter.add.f32 [tilespmem:s25], [sflag:$0x1], $0x10, s16, s16, $0xb8;
	[tilespmem:$0x19CA8] =	vst v63  }
0x54: {  	_ = 	snop  }
0x55: {  	[spmem:s3] =	stream.indirect.scatter.add.f32 [tilespmem:s17], [sflag:$0x1], $0x10, s16, s16, $0xb8;
	[tilespmem:$0x19CA8] =	vst v63  }
0x56: {  	s28 =	simm.s32 $0x50;
	s21 =	simm.s32 $0x1888  }
0x57: {  	[spmem:s2] =	stream.indirect.scatter.add.f32 [tilespmem:s21], [sflag:$0x1], $0x10, s28, s16, $0xb8;
	[tilespmem:$0x19CA8] =	vst v63  }
0x58: {  	_ = 	snop  }
0x59: {  	[spmem:s3] =	stream.indirect.scatter.add.f32 [tilespmem:s17], [sflag:$0x1], $0x10, s28, s16, $0xb8;
	[tilespmem:$0x19CA8] =	vst v63  }
0x5a: {  	s23 =	simm.s32 $0x78;
	s25 =	simm.s32 $0x1B08  }
0x5b: {  	[spmem:s2] =	stream.indirect.scatter.add.f32 [tilespmem:s25], [sflag:$0x1], $0x10, s23, s16, $0xb8;
	[tilespmem:$0x19CA8] =	vst v63  }
0x5c: {  	_ = 	snop  }
0x5d: {  	[spmem:s3] =	stream.indirect.scatter.add.f32 [tilespmem:s17], [sflag:$0x1], $0x10, s23, s16, $0xb8;
	[tilespmem:$0x19CA8] =	vst v63  }
0x5e: {  	s21 =	simm.s32 $0x1D88;
	s28 =	simm.s32 $0xA0  }
0x5f: {  	[spmem:s2] =	stream.indirect.scatter.add.f32 [tilespmem:s21], [sflag:$0x1], $0x10, s28, s16, $0xb8;
	[tilespmem:$0x19CA8] =	vst v63  }
0x60: {  	_ = 	snop  }
0x61: {  	[spmem:s3] =	stream.indirect.scatter.add.f32 [tilespmem:s17], [sflag:$0x1], $0x10, s28, s16, $0xb8;
	[tilespmem:$0x19CA8] =	vst v63  }
0x62: {  	s25 =	simm.s32 $0x2008;
	s23 =	simm.s32 $0xC8  }
0x63: {  	[spmem:s2] =	stream.indirect.scatter.add.f32 [tilespmem:s25], [sflag:$0x1], $0x10, s23, s16, $0xb8;
	[tilespmem:$0x19CA8] =	vst v63  }
0x64: {  	_ = 	snop  }
0x65: {  	[spmem:s3] =	stream.indirect.scatter.add.f32 [tilespmem:s17], [sflag:$0x1], $0x10, s23, s16, $0xb8;
	[tilespmem:$0x19CA8] =	vst v63  }
0x66: {  	s21 =	simm.s32 $0x2288;
	s28 =	simm.s32 $0xF0  }
0x67: {  	[spmem:s2] =	stream.indirect.scatter.add.f32 [tilespmem:s21], [sflag:$0x1], $0x10, s28, s16, $0xb8;
	[tilespmem:$0x19CA8] =	vst v63  }
0x68: {  	_ = 	snop  }
0x69: {  	[spmem:s3] =	stream.indirect.scatter.add.f32 [tilespmem:s17], [sflag:$0x1], $0x10, s28, s16, $0xb8;
	[tilespmem:$0x19CA8] =	vst v63  }
0x6a: {  	s23 =	simm.s32 $0x2508  }
0x6b: {  	[spmem:s2] =	stream.indirect.scatter.add.f32 [tilespmem:s23], [sflag:$0x1], $0x10, s30, s16, $0xb8;
	[tilespmem:$0x19CA8] =	vst v63  }
0x6c: {  	_ = 	snop  }
0x6d: {  	[spmem:s3] =	stream.indirect.scatter.add.f32 [tilespmem:s17], [sflag:$0x1], $0x10, s30, s16, $0xb8;
	[tilespmem:$0x19CA8] =	vst v63  }
0x6e: {  	s25 =	simm.s32 $0x2788  }
0x6f: {  	[spmem:s2] =	stream.indirect.scatter.add.f32 [tilespmem:s25], [sflag:$0x1], $0x10, s1, s16, $0xb8;
	[tilespmem:$0x19CA8] =	vst v63  }
0x70: {  	_ = 	snop  }
0x71: {  	[spmem:s3] =	stream.indirect.scatter.add.f32 [tilespmem:s17], [sflag:$0x1], $0x10, s1, s16, $0xb8;
	[tilespmem:$0x19CA8] =	vst v63  }
0x72: {  	s28 =	simm.s32 $0x2A08  }
0x73: {  	[spmem:s2] =	stream.indirect.scatter.add.f32 [tilespmem:s28], [sflag:$0x1], $0x10, s18, s16, $0xb8;
	[tilespmem:$0x19CA8] =	vst v63  }
0x74: {  	_ = 	snop  }
0x75: {  	[spmem:s3] =	stream.indirect.scatter.add.f32 [tilespmem:s17], [sflag:$0x1], $0x10, s18, s16, $0xb8;
	[tilespmem:$0x19CA8] =	vst v63  }
0x76: {  	s19 =	simm.s32 $0x2C88  }
0x77: {  	[spmem:s2] =	stream.indirect.scatter.add.f32 [tilespmem:s19], [sflag:$0x1], $0x10, s22, s16, $0xb8;
	[tilespmem:$0x19CA8] =	vst v63  }
0x78: {  	_ = 	snop  }
0x79: {  	[spmem:s3] =	stream.indirect.scatter.add.f32 [tilespmem:s17], [sflag:$0x1], $0x10, s22, s16, $0xb8;
	[tilespmem:$0x19CA8] =	vst v63  }
0x7a: {  	s21 =	simm.s32 $0x2F08  }
0x7b: {  	[spmem:s2] =	stream.indirect.scatter.add.f32 [tilespmem:s21], [sflag:$0x1], $0x10, s26, s16, $0xb8;
	[tilespmem:$0x19CA8] =	vst v63  }
0x7c: {  	_ = 	snop  }
0x7d: {  	[spmem:s3] =	stream.indirect.scatter.add.f32 [tilespmem:s17], [sflag:$0x1], $0x10, s26, s16, $0xb8;
	[tilespmem:$0x19CA8] =	vst v63  }
0x7e: {  	s23 =	simm.s32 $0x3188  }
0x7f: {  	[spmem:s2] =	stream.indirect.scatter.add.f32 [tilespmem:s23], [sflag:$0x1], $0x10, s31, s16, $0xb8;
	[tilespmem:$0x19CA8] =	vst v63  }
0x80: {  	_ = 	snop  }
0x81: {  	[spmem:s3] =	stream.indirect.scatter.add.f32 [tilespmem:s17], [sflag:$0x1], $0x10, s31, s16, $0xb8;
	[tilespmem:$0x19CA8] =	vst v63  }
0x82: {  	s25 =	simm.s32 $0x3408  }
0x83: {  	[spmem:s2] =	stream.indirect.scatter.add.f32 [tilespmem:s25], [sflag:$0x1], $0x10, s20, s16, $0xb8;
	[tilespmem:$0x19CA8] =	vst v63  }
0x84: {  	_ = 	snop  }
0x85: {  	[spmem:s3] =	stream.indirect.scatter.add.f32 [tilespmem:s17], [sflag:$0x1], $0x10, s20, s16, $0xb8;
	[tilespmem:$0x19CA8] =	vst v63  }
0x86: {  	s28 =	simm.s32 $0x3688  }
0x87: {  	[spmem:s2] =	stream.indirect.scatter.add.f32 [tilespmem:s28], [sflag:$0x1], $0x10, s29, s16, $0xb8;
	[tilespmem:$0x19CA8] =	vst v63  }
0x88: {  	_ = 	snop  }
0x89: {  	[spmem:s3] =	stream.indirect.scatter.add.f32 [tilespmem:s17], [sflag:$0x1], $0x10, s29, s16, $0xb8;
	[tilespmem:$0x19CA8] =	vst v63  }
0x8a: {  	s19 =	simm.s32 $0x3908  }
0x8b: {  	[spmem:s2] =	stream.indirect.scatter.add.f32 [tilespmem:s19], [sflag:$0x1], $0x10, s24, s16, $0xb8;
	[tilespmem:$0x19CA8] =	vst v63  }
0x8c: {  	_ = 	snop  }
0x8d: {  	[spmem:s3] =	stream.indirect.scatter.add.f32 [tilespmem:s17], [sflag:$0x1], $0x10, s24, s16, $0xb8;
	[tilespmem:$0x19CA8] =	vst v63  }
0x8e: {  	s21 =	simm.s32 $0x3B88  }
0x8f: {  	[spmem:s2] =	stream.indirect.scatter.add.f32 [tilespmem:s21], [sflag:$0x1], $0x10, s0, s16, $0xb8;
	[tilespmem:$0x19CA8] =	vst v63  }
0x90: {  	_ = 	snop  }
0x91: {  	[spmem:s3] =	stream.indirect.scatter.add.f32 [tilespmem:s17], [sflag:$0x1], $0x10, s0, s16, $0xb8;
	[tilespmem:$0x19CA8] =	vst v63  }
0x92: {  	s23 =	simm.s32 $0x3E08  }
0x93: {  	[spmem:s2] =	stream.indirect.scatter.add.f32 [tilespmem:s23], [sflag:$0x1], $0x10, s7, s16, $0xb8;
	[tilespmem:$0x19CA8] =	vst v63  }
0x94: {  	_ = 	snop  }
0x95: {  	[spmem:s3] =	stream.indirect.scatter.add.f32 [tilespmem:s17], [sflag:$0x1], $0x10, s7, s16, $0xb8;
	[tilespmem:$0x19CA8] =	vst v63  }
0x96: {  	s25 =	simm.s32 $0x4088  }
0x97: {  	[spmem:s2] =	stream.indirect.scatter.add.f32 [tilespmem:s25], [sflag:$0x1], $0x10, s8, s16, $0xb8;
	[tilespmem:$0x19CA8] =	vst v63  }
0x98: {  	_ = 	snop  }
0x99: {  	[spmem:s3] =	stream.indirect.scatter.add.f32 [tilespmem:s17], [sflag:$0x1], $0x10, s8, s16, $0xb8;
	[tilespmem:$0x19CA8] =	vst v63  }
0x9a: {  	s28 =	simm.s32 $0x4308  }
0x9b: {  	[spmem:s2] =	stream.indirect.scatter.add.f32 [tilespmem:s28], [sflag:$0x1], $0x10, s9, s16, $0xb8;
	[tilespmem:$0x19CA8] =	vst v63  }
0x9c: {  	p0 =	por $0x0, $0x0  }
0x9d: {  	[spmem:s3] =	stream.indirect.scatter.add.f32 [tilespmem:s17], [sflag:$0x1], $0x10, s9, s16, $0xb8;
	[tilespmem:$0x19CA8] =	vst v63  }
0x9e: {  	s15 =	simm.s32 $0x4588;
	s19 =	simm.s32 $0x320;
	s21 =	simm.s32 @!p0 $0x28  }
0x9f: {  	[spmem:s2] =	stream.indirect.scatter.add.f32 @!p0 [tilespmem:s15], [sflag:$0x1], $0x10, s19, s21, $0xb8;
	[tilespmem:$0x19CA8] =	vst v63  }
0xa0: {  	s15 =	simm.s32 @!p0 $0x14C08  }
0xa1: {  	[spmem:s3] =	stream.indirect.scatter.add.f32 @!p0 [tilespmem:s15], [sflag:$0x1], $0x10, s19, s21, $0xb8;
	[tilespmem:$0x19CA8] =	vst v63  }
0xa2: {  	_ =	swait.ge [sflag:s10], $0x280  }
0xa3: {  	[sflag:s10] =	ssyncset.done $0x0  }
0xa4: {  	[sflag:s10] =	ssyncadd.s32 $0xFFFFFD80  }
0xa5: {  	s19 =	simm.s32 $0x2;
	s15 =	simm.s32 $0x348;
	_ =	swait.ge [sflag:s10], $0x280  }
0xa6: {  	p0 =	por $0x0, $0x0;
	s21 =	simm.s32 $0x4808;
	[sflag:s10] =	ssyncset.done $0x0  }
.LBB2_2:
0xa7: {  	s23 =	simm.s32 @!p0 $0x28  }
0xa8: {  	[sflag:s10] =	ssyncadd.s32 $0xFFFFFD80;
	s25 =	smov.u32 s19;
	s19 =	sadd.s32 $0x1, s19  }
0xa9: {  	[spmem:s2] =	stream.indirect.scatter.add.f32 @!p0 [tilespmem:s21], [sflag:$0x1], $0x10, s15, s23, $0xb8;
	[tilespmem:$0x19CA8] =	vst v63  }
0xaa: {  	s28 =	simm.s32 @!p0 $0x14C08;
	p1 =	sne.s32 s19, $0x7D  }
0xab: {  	[spmem:s3] =	stream.indirect.scatter.add.f32 @!p0 [tilespmem:s28], [sflag:$0x1], $0x10, s15, s23, $0xb8;
	[tilespmem:$0x19CA8] =	vst v63  }
.Ltmp0:
0xac: {  	_ =	swait.ge [sflag:s10], $0x280;
	(pc) =	sbr.rel @p1 .LBB2_2-.Ltmp0, $4  }
0xad: {  	[sflag:s10] =	ssyncset.done $0x0  }
0xae: {  	[sflag:s10] =	ssyncadd.s32 $0xFFFFFD80  }
0xaf: {  	s15 =	sadd.s32 $0x28, s15;
	_ =	swait.ge [sflag:s10], $0x280  }
0xb0: {  	s21 =	sadd.s32 $0x280, s21;
	p0 =	sgt.u32 s25, $0x68;
	[sflag:s10] =	ssyncset.done $0x0  }
0xb1: {  	s19 =	simm.s32 @!p0 $0x28;
	[sflag:s10] =	ssyncadd.s32 $0xFFFFFD80  }
0xb2: {  	[spmem:s2] =	stream.indirect.scatter.add.f32 @!p0 [tilespmem:s21], [sflag:$0x1], $0x10, s15, s19, $0xb8;
	[tilespmem:$0x19CA8] =	vst v63  }
0xb3: {  	s21 =	simm.s32 @!p0 $0x14C08  }
0xb4: {  	[spmem:s3] =	stream.indirect.scatter.add.f32 @!p0 [tilespmem:s21], [sflag:$0x1], $0x10, s15, s19, $0xb8;
	[tilespmem:$0x19CA8] =	vst v63  }
0xb5: {  	_ =	swait.ge [sflag:s10], $0x280  }
0xb6: {  	[sflag:s10] =	ssyncset.done $0x0  }
0xb7: {  	[sflag:s10] =	ssyncadd.s32 $0xFFFFFD80  }
0xb8: {  	_ =	swait.ge [sflag:s10], $0x280  }
0xb9: {  	[sflag:s10] =	ssyncset.done $0x0  }
0xba: {  	[sflag:s10] =	ssyncadd.s32 $0xFFFFFD80  }
0xbb: {  	[bflag:$0x0] =	sbarrier.arrive $0xFFFF  }
0xbc: {  	s23 =	rddreg [dreg:$0x6]  }
0xbd: {  	[hbm:s23], [sflag:s6] =	dma.local [spmem:s12], $0x4E2  }
0xbe: {  	_ =	swait.ge [sflag:s13], $0x4E2  }
0xbf: {  	[sflag:s13] =	ssyncset.done $0x0  }
0xc0: {  	s25 =	rddreg [dreg:$0x7];
	[sflag:s13] =	ssyncadd.s32 $0xFFFFFB1E  }
0xc1: {  	[hbm:s25], [sflag:s6] =	dma.local [spmem:s14], $0x4E2  }
0xc2: {  	_ =	swait.ge [sflag:s13], $0x4E2  }
0xc3: {  	s11 =	sadd.s32 $0x1, s11;
	s28 =	rddreg [dreg:$0x8]  }
0xc4: {  	p0 =	sne.s32 s11, s28  }
.Ltmp1:
0xc5: {  	_ = 	snop;
	(pc) =	sbr.rel @p0 .LBB2_1-.Ltmp1, $3  }
0xc6: {  	_ =	sdelay $0x1  }
0xc7: {  	[sflag:s13] =	ssyncset.done $0x0  }
0xc8: {  	[sflag:s13] =	ssyncadd.s32 $0xFFFFFB1E  }
0xc9: {  	_ =	sfence.sel $0x180000  }
0xca: {  	[bflag:$0x0] =	sbarrier.arrive $0xFFFF  }
0xcb: {  	_ =	strace $0x9000004A  }
0xcc: {  	s0 =	stileid.u32;
	[bflag:$0x2] =	sbarrier.arrive $0xFFFF  }
0xcd: {  	p0 =	sne.s32 s0, $0x0;
	s0 =	rddreg [dreg:$0x3]  }
0xce: {  	s0 =	sadd.s32 @!p0 $0x100000, s0  }
0xcf: {  	[sflag:s0] =	ssyncadd.tile.s32 @!p0 $0x1;
	_ =	shalt  }
.Lfunc_end2:
_tile_overlayer_lowered:
.L_overlay_start_2:
0xd0: {  	(tag) =	ssettag $0x2  }
0xd1: {  	s0 =	rddreg [dreg:$0x0];
	s2 =	stileid.u32  }
0xd2: {  	s1 =	rddreg [dreg:$0x1];
	p0 =	sne.s32 s2, $0x0  }
0xd3: {  	s3 =	rddreg [dreg:$0x2];
	[bflag:$0x3] =	sbarrier.arrive $0xFFFF;
	s2 =	simm.s32 @!p0 $0x1C02  }
0xd4: {  	[timem:s3], [sflag:s2] =	dma.local @!p0 [hbm:s0], s1  }
0xd5: {  	s0 =	simm.s32 @!p0 $0x2  }
0xd6: {  	_ =	swait.ge @!p0 [sflag:s0], s1  }
0xd7: {  	s1 =	ssub.s32 @!p0 $0x0, s1;
	[sflag:s0] =	ssyncset.done @!p0 $0x0  }
0xd8: {  	[sflag:s0] =	ssyncadd.s32 @!p0 s1  }
0xd9: {  	[bflag:$0x3] =	sbarrier.arrive $0xFFFF  }
0xda: {  	_ =	shalt  }

// kernel: kernel.21.cloned.1.call-start
scs
__scs_entry_jumppad:
0x0: {  	(pc) =	sbr.rel $0x88, $3  }
0x1: {  	(tag) =	ssettag $0x0;
	lr =	simm.s32 $0x1  }
0x2: {  	[smem:$0x3F8B] =	sst lr;
	_ =	strace $0xD0000000  }
0x3: {  	_ = 	snop  }
0x4: {  	_ = 	snop  }
0x5: {  	_ = 	snop  }
0x6: {  	_ = 	snop  }
0x7: {  	_ = 	snop  }
__scs_overlays_trampoline_lowered:
0x8: {  	[smem:$0x3F9A] =	sst s0  }
0x9: {  	[smem:$0x3F9B] =	sst s1  }
0xa: {  	[smem:$0x3F9C] =	sst s2  }
0xb: {  	[smem:$0x3F9D] =	sst s3  }
0xc: {  	[smem:$0x3F9E] =	sst s4  }
0xd: {  	[smem:$0x3F9F] =	sst s5  }
0xe: {  	[smem:$0x3FA0] =	sst s6  }
0xf: {  	[smem:$0x3FA1] =	sst s7  }
0x10: {  	[smem:$0x3FA2] =	sst s8  }
0x11: {  	[smem:$0x3FA3] =	sst s9;
	s0 =	simm.s32 @!p0 $0x0  }
0x12: {  	s1 =	sld [smem:$0x3F89];
	s0 =	simm.s32 @p0 $0x1  }
0x13: {  	[smem:$0x3FA4] =	sst s0;
	s0 =	simm.s32 @!p1 $0x0  }
0x14: {  	s2 =	sld [smem:$0x3F88];
	s0 =	simm.s32 @p1 $0x1  }
0x15: {  	[smem:$0x3FA5] =	sst s0;
	s0 =	simm.s32 @!p2 $0x0  }
0x16: {  	s3 =	sld [smem:$0x3FDB];
	s0 =	simm.s32 @p2 $0x1  }
0x17: {  	s4 =	simm.s32 $0x1BF5;
	[smem:$0x3FA7] =	sst s0  }
0x18: {  	s0 =	sld [smem:$0x3F8A];
	_ =	swait.ge [sflag:s4], $0x0  }
0x19: {  	s7 =	sld [smem:$0x3F8B]  }
0x1a: {  	s8 =	sadd.s32 $0xFFFFE003, lr  }
0x1b: {  	s9 =	sadd.s32 $0xFFFFFEF7, lr;
	s5 =	simm.s32 $0xFFFFFFFF;
	p2 =	slt.u32 s8, $0xFFFFF086  }
0x1c: {  	p1 =	slt.u32 s9, $0xF7A;
	s5 =	simm.s32 @!p2 $0x0  }
0x1d: {  	s5 =	simm.s32 @p1 $0x1;
	p0 =	seq.s32 s7, s2  }
0x1e: {  	s7 =	smul.u32 @!p0 $0xF7A, s2;
	p2 =	seq.s32 @!p0 s5, $0x0  }
0x1f: {  	s9 =	smul.u32 $0xF7A, s1;
	s8 =	simm.s32 @!p0 $0x1BF5;
	p2 =	por !p2, p0  }
0x20: {  	[sflag:s8] =	ssyncset.s32 @!p0 $0xFFFFF086;
	s6 =	sadd.s32 @!p0 s3, s7;
	s7 =	simm.s32 @!p0 $0x108  }
0x21: {  	s3 =	sadd.s32 s3, s9;
	s6 =	sadd.s32 @!p0 $0x88, s6;
	s7 =	simm.s32 @p2 $0x1082  }
0x22: {  	[simem:s7], [sflag:s8] =	dma.local @!p0 [hbm:s6], $0xF7A  }
0x23: {  	s9 =	sor.u32 $0xD0000000, s2;
	s6 =	simm.s32 $0x108;
	_ =	swait.ge @!p0 [sflag:s8], $0x0  }
0x24: {  	s3 =	sadd.s32 $0x88, s3;
	s6 =	simm.s32 @!p1 $0x1082;
	[sflag:s4] =	ssyncset.s32 $0xFFFFF086  }
0x25: {  	[simem:s6], [sflag:s4] =	dma.local [hbm:s3], $0xF7A  }
0x26: {  	[smem:$0x3F8B] =	sst s1;
	(tag) =	ssettag s2;
	_ =	strace s9  }
0x27: {  	s1 =	sld [smem:$0x3F9B]  }
0x28: {  	s2 =	sld [smem:$0x3F9C]  }
0x29: {  	s4 =	sld [smem:$0x3F9E]  }
0x2a: {  	p0 =	seq.s32 s5, $0x0;
	s5 =	sld [smem:$0x3F9F]  }
0x2b: {  	s6 =	sld [smem:$0x3FA0]  }
0x2c: {  	s7 =	sld [smem:$0x3FA1]  }
0x2d: {  	s3 =	simm.s32 $0x108;
	s8 =	sld [smem:$0x3FA2]  }
0x2e: {  	s3 =	simm.s32 @!p0 $0x1082;
	s9 =	sld [smem:$0x3FA3]  }
0x2f: {  	lr =	sadd.s32 s0, s3;
	s0 =	sld [smem:$0x3F9A]  }
0x30: {  	s3 =	sld [smem:$0x3F9D]  }
0x31: {  	[smem:$0x3FA6] =	sst s10  }
0x32: {  	s10 =	sld [smem:$0x3FA4];
	_ =	sdelay $0x3  }
0x33: {  	p0 =	seq.s32 s10, $0x1;
	s10 =	sld [smem:$0x3FA6];
	_ =	sdelay $0x3  }
0x34: {  	[smem:$0x3FA6] =	sst s10  }
0x35: {  	s10 =	sld [smem:$0x3FA5];
	_ =	sdelay $0x3  }
0x36: {  	p1 =	seq.s32 s10, $0x1;
	s10 =	sld [smem:$0x3FA6];
	_ =	sdelay $0x3  }
0x37: {  	[smem:$0x3FA6] =	sst s10  }
0x38: {  	s10 =	sld [smem:$0x3FA7]  }
0x39: {  	_ = 	snop;
	(pc) =	sbr.ind lr, $3  }
0x3a: {  	_ = 	snop  }
0x3b: {  	_ = 	snop  }
0x3c: {  	p2 =	seq.s32 s10, $0x1;
	s10 =	sld [smem:$0x3FA6]  }
0x3d: {  	_ =	shalt  }
0x3e: {  	_ =	shalt  }
0x3f: {  	_ =	shalt  }
0x40: {  	_ =	shalt  }
0x41: {  	_ =	shalt  }
0x42: {  	_ =	shalt  }
0x43: {  	_ =	shalt  }
0x44: {  	_ =	shalt  }
0x45: {  	_ =	shalt  }
0x46: {  	_ =	shalt  }
0x47: {  	_ =	shalt  }
0x48: {  	_ =	shalt  }
0x49: {  	_ =	shalt  }
0x4a: {  	_ =	shalt  }
0x4b: {  	_ =	shalt  }
0x4c: {  	_ =	shalt  }
0x4d: {  	_ =	shalt  }
0x4e: {  	_ =	shalt  }
0x4f: {  	_ =	shalt  }
0x50: {  	_ =	shalt  }
0x51: {  	_ =	shalt  }
0x52: {  	_ =	shalt  }
0x53: {  	_ =	shalt  }
0x54: {  	_ =	shalt  }
0x55: {  	_ =	shalt  }
0x56: {  	_ =	shalt  }
0x57: {  	_ =	shalt  }
0x58: {  	_ =	shalt  }
0x59: {  	_ =	shalt  }
0x5a: {  	_ =	shalt  }
0x5b: {  	_ =	shalt  }
0x5c: {  	_ =	shalt  }
0x5d: {  	_ =	shalt  }
0x5e: {  	_ =	shalt  }
0x5f: {  	_ =	shalt  }
0x60: {  	_ =	shalt  }
0x61: {  	_ =	shalt  }
0x62: {  	_ =	shalt  }
0x63: {  	_ =	shalt  }
0x64: {  	_ =	shalt  }
0x65: {  	_ =	shalt  }
0x66: {  	_ =	shalt  }
0x67: {  	_ =	shalt  }
0x68: {  	_ =	shalt  }
0x69: {  	_ =	shalt  }
0x6a: {  	_ =	shalt  }
0x6b: {  	_ =	shalt  }
0x6c: {  	_ =	shalt  }
0x6d: {  	_ =	shalt  }
0x6e: {  	_ =	shalt  }
0x6f: {  	_ =	shalt  }
0x70: {  	_ =	shalt  }
0x71: {  	_ =	shalt  }
0x72: {  	_ =	shalt  }
0x73: {  	_ =	shalt  }
0x74: {  	_ =	shalt  }
0x75: {  	_ =	shalt  }
0x76: {  	_ =	shalt  }
0x77: {  	_ =	shalt  }
0x78: {  	_ =	shalt  }
0x79: {  	_ =	shalt  }
0x7a: {  	_ =	shalt  }
0x7b: {  	_ =	shalt  }
0x7c: {  	_ =	shalt  }
0x7d: {  	_ =	shalt  }
0x7e: {  	_ =	shalt  }
0x7f: {  	_ =	shalt  }
0x80: {  	_ =	shalt  }
0x81: {  	_ =	shalt  }
0x82: {  	_ =	shalt  }
0x83: {  	_ =	shalt  }
0x84: {  	_ =	shalt  }
0x85: {  	_ =	shalt  }
0x86: {  	_ =	shalt  }
0x87: {  	_ =	shalt  }
.Lfunc_end0:
.L_simem_size_0:
called_computation.2_lowered:
.L_overlay_start_0:
0x88: {  	s2 =	sld [smem:$0x3FD9]  }
0x89: {  	s3 =	sld [smem:$0x3FFE];
	_ =	sdelay $0x1  }
0x8a: {  	s1 =	srdreg.scid  }
0x8b: {  	s0 =	sand.u32 $0x1, s1  }
0x8c: {  	s16 =	sshll.u32 s0, $0xA;
	s2 =	sadd.s32 s3, s2  }
0x8d: {  	s2 =	sadd.s32 s2, s16  }
0x8e: {  	[smem:$0x3FB2] =	sst s2  }
0x8f: {  	_ = 	snop  }
0x90: {  	(tm) =	ssettm $0x1  }
0x91: {  	s17 =	sld [smem:$0x3FFB];
	_ =	sdelay $0x3  }
0x92: {  	_ =	strace s17  }
0x93: {  	s2 =	sld [smem:$0x3FFC];
	_ =	sdelay $0x3  }
0x94: {  	_ =	strace s2  }
0x95: {  	s2 =	sld [smem:$0x3FFD];
	_ =	sdelay $0x3  }
0x96: {  	_ =	strace s2  }
0x97: {  	_ =	strace $0x8FFFFFFF  }
0x98: {  	s18 =	sld [smem:$0x3FDB];
	_ =	sdelay $0x1  }
0x99: {  	s19 =	simm.s32 $_scs_section_size  }
0x9a: {  	s4 =	simm.s32 $_size__tile_overlayer_lowered;
	s5 =	simm.s32 $_tile_overlayer_lowered  }
0x9b: {  	s22 =	simm.s32 $0x1BFF;
	s21 =	sshll.u32 s5, $0x1;
	s2 =	sadd.s32 s19, s18  }
0x9c: {  	s6 =	simm.s32 $0x0;
	s20 =	sshll.u32 s4, $0x1;
	s4 =	sadd.s32 s21, s2  }
0x9d: {  	[timem:s6], [sflag:s22] =	dma.local [hbm:s4], s20  }
0x9e: {  	_ =	swait.ge [sflag:s22], s20  }
0x9f: {  	s3 =	ssub.s32 $0x0, s20;
	[sflag:s22] =	ssyncset.done $0x0  }
0xa0: {  	[sflag:s22] =	ssyncadd.s32 s3;
	_ =	sdelay $0x1  }
0xa1: {  	s23 =	simm.s32 $0x1B8B  }
0xa2: {  	_ =	swait.ge [sflag:s23], $0x1  }
0xa3: {  	[sflag:s23] =	ssyncset.done $0x0  }
0xa4: {  	s25 =	simm.s32 $0x1B8E;
	s24 =	sld [smem:$0x3FFE];
	[sflag:s23] =	ssyncadd.s32 $0xFFFFFFFF  }
0xa5: {  	s26 =	simm.s32 $execute0_lowered;
	[smem:$0x3FD2] =	sst s25  }
0xa6: {  	s4 =	sshll.u32 s26, $0x1;
	_ =	strace $0x8000004C;
	[dreg:$0x1] =	wrdreg $0xFFFFFFFF  }
0xa7: {  	s28 =	simm.s32 $_size_execute0_lowered;
	s2 =	sadd.s32 s2, s4;
	[dreg:$0x0] =	wrdreg $0x0  }
0xa8: {  	s4 =	sshll.u32 s28, $0x1;
	[dreg:$0x2] =	wrdreg s2  }
0xa9: {  	[dreg:$0x3] =	wrdreg s4  }
0xaa: {  	[dreg:$0x4] =	wrdreg $0xC0  }
0xab: {  	_ =	task [dreg:s6], $0x5FFFF  }
0xac: {  	[dreg:$0x1] =	wrdreg $0xFFFFFFFF  }
0xad: {  	[dreg:$0x0] =	wrdreg $0x60  }
0xae: {  	[dreg:$0x2] =	wrdreg s24  }
0xaf: {  	[dreg:$0x3] =	wrdreg $0x9  }
0xb0: {  	_ =	task.clear_ibuf [dreg:s6], $0x4FFFF;
	_ =	strace $0x9000004C  }
0xb1: {  	s29 =	simm.s32 $0x9;
	_ =	strace $0x8000004E  }
0xb2: {  	_ =	swait.ge [sflag:s29], $0x1  }
0xb3: {  	[sflag:s29] =	ssyncadd.s32 $0xFFFFFFFF  }
0xb4: {  	_ =	strace $0x9000004E  }
0xb5: {  	_ =	sfence  }
0xb6: {  	s30 =	sld [smem:$0x0];
	_ =	sdelay $0x2  }
0xb7: {  	s31 =	sshll.u32 s1, $0xD;
	s1 =	sshrl.u32 s1, $0x2  }
0xb8: {  	s3 =	sand.u32 $0x4000, s31;
	s1 =	sadd.s32 s1, s30  }
0xb9: {  	s0 =	sor.u32 s3, s0;
	s1 =	sshll.u32 s1, $0x11  }
0xba: {  	s0 =	sor.u32 s1, s0  }
0xbb: {  	s0 =	sadd.s32 $0x8F2B, s0  }
0xbc: {  	[sflag:s0] =	ssyncadd.remote.s32 $0x1  }
0xbd: {  	_ =	sfence.sel $0xFFFF  }
0xbe: {  	[dreg:$0x0] =	wrdreg $0xFFFFFFFF;
	(pc) =	sbr.abs _section_cstart, $3  }
0xbf: {  	[dreg:$0x1] =	wrdreg $0xFFFFFFFF  }
0xc0: {  	_ =	task.clear_ibuf [dreg:s6], $0x2FFFF;
	_ =	strace $0x9FFFFFFF  }
0xc1: {  	(tm) =	ssettm $0x7FFFFFFF  }
tec
execute0_lowered:
.L_overlay_start_1:
0x0: {  	(tag) =	ssettag $0x1  }
0x1: {  	s0 =	srdreg.scid  }
0x2: {  	s1 =	stileid.u32;
	s4 =	rddreg [dreg:$0x0]  }
0x3: {  	s2 =	simm.s32 $0x0;
	s7 =	simm.s32 $0x2;
	s8 =	simm.s32 $0x28  }
0x4: {  	s9 =	simm.s32 $0x1388;
	s31 =	simm.s32 $0x2F08;
	s10 =	simm.s32 $0x208  }
0x5: {  	s11 =	simm.s32 $0x3408;
	s12 =	simm.s32 $0x230;
	s13 =	simm.s32 $0x3688  }
0x6: {  	s14 =	simm.s32 $0x258;
	s15 =	simm.s32 $0x3908;
	s16 =	simm.s32 $0x280  }
0x7: {  	s17 =	simm.s32 $0x3B88;
	s18 =	simm.s32 $0x2A8;
	s19 =	simm.s32 $0x3E08  }
0x8: {  	s20 =	simm.s32 $0x2D0;
	s21 =	simm.s32 $0x4088;
	s22 =	simm.s32 $0x2F8  }
0x9: {  	s23 =	simm.s32 $0x4308;
	s0 =	sand.u32 $0x1, s0;
	s1 =	sshll.u32 s1, $0x1  }
0xa: {  	s24 =	simm.s32 $0x1;
	s25 =	simm.s32 $0x0;
	s1 =	sor.u32 s0, s1  }
0xb: {  	[smem:$0x7FF] =	sst s2;
	s0 =	ssub.s32 $0x2, s0;
	s5 =	smul.u32 $0x271, s1  }
0xc: {  	s3 =	sadd.s32 $0xA8800, s4;
	s1 =	smul.u32 $0x2710, s1;
	s6 =	sshrl.u32 s0, $0x1  }
0xd: {  	_ =	strace $0x8000004D;
	s0 =	ssub.s32 s0, s6;
	s5 =	sadd.s32 s5, s4  }
0xe: {  	s1 =	sadd.s32 s1, s4;
	s6 =	smax.u32 s0, $0x1;
	s0 =	simm.s32 $0x3188  }
0xf: {  	s4 =	sadd.s32 $0xC600, s5;
	s5 =	sadd.s32 $0xAD800, s1;
	s1 =	simm.s32 $0x1E0  }
.LBB2_1:
0x10: {  	[tilespmem:s2], [sflag:$0x2] =	stream.linear.gather [hbm4b:s4+s2], $0x1388, $0x38;
	[tilespmem:$0x14C08] =	vst v63  }
0x11: {  	_ =	swait.ge [sflag:s7], $0x1388  }
0x12: {  	[sflag:s7] =	ssyncset.done $0x0  }
0x13: {  	[sflag:s7] =	ssyncadd.s32 $0xFFFFEC78  }
0x14: {  	[tilespmem:s9], [sflag:$0x1] =	stream.indirect.gather [hbm4b:s3+s8], $0x10, s2, s8, $0xb8;
	[tilespmem:$0x14C08] =	vst v63  }
0x15: {  	s26 =	simm.s32 $0x1608  }
0x16: {  	[tilespmem:s26], [sflag:$0x1] =	stream.indirect.gather [hbm4b:s3+s8], $0x10, s8, s8, $0xb8;
	[tilespmem:$0x14C08] =	vst v63  }
0x17: {  	s30 =	simm.s32 $0x50;
	s28 =	simm.s32 $0x1888  }
0x18: {  	[tilespmem:s28], [sflag:$0x1] =	stream.indirect.gather [hbm4b:s3+s8], $0x10, s30, s8, $0xb8;
	[tilespmem:$0x14C08] =	vst v63  }
0x19: {  	s30 =	simm.s32 $0x78;
	s28 =	simm.s32 $0x1B08  }
0x1a: {  	[tilespmem:s28], [sflag:$0x1] =	stream.indirect.gather [hbm4b:s3+s8], $0x10, s30, s8, $0xb8;
	[tilespmem:$0x14C08] =	vst v63  }
0x1b: {  	s30 =	simm.s32 $0xA0;
	s28 =	simm.s32 $0x1D88  }
0x1c: {  	[tilespmem:s28], [sflag:$0x1] =	stream.indirect.gather [hbm4b:s3+s8], $0x10, s30, s8, $0xb8;
	[tilespmem:$0x14C08] =	vst v63  }
0x1d: {  	s30 =	simm.s32 $0xC8;
	s28 =	simm.s32 $0x2008  }
0x1e: {  	[tilespmem:s28], [sflag:$0x1] =	stream.indirect.gather [hbm4b:s3+s8], $0x10, s30, s8, $0xb8;
	[tilespmem:$0x14C08] =	vst v63  }
0x1f: {  	s30 =	simm.s32 $0xF0;
	s28 =	simm.s32 $0x2288  }
0x20: {  	[tilespmem:s28], [sflag:$0x1] =	stream.indirect.gather [hbm4b:s3+s8], $0x10, s30, s8, $0xb8;
	[tilespmem:$0x14C08] =	vst v63  }
0x21: {  	s30 =	simm.s32 $0x118;
	s28 =	simm.s32 $0x2508  }
0x22: {  	[tilespmem:s28], [sflag:$0x1] =	stream.indirect.gather [hbm4b:s3+s8], $0x10, s30, s8, $0xb8;
	[tilespmem:$0x14C08] =	vst v63  }
0x23: {  	s30 =	simm.s32 $0x140;
	s28 =	simm.s32 $0x2788  }
0x24: {  	[tilespmem:s28], [sflag:$0x1] =	stream.indirect.gather [hbm4b:s3+s8], $0x10, s30, s8, $0xb8;
	[tilespmem:$0x14C08] =	vst v63  }
0x25: {  	s30 =	simm.s32 $0x168;
	s28 =	simm.s32 $0x2A08  }
0x26: {  	[tilespmem:s28], [sflag:$0x1] =	stream.indirect.gather [hbm4b:s3+s8], $0x10, s30, s8, $0xb8;
	[tilespmem:$0x14C08] =	vst v63  }
0x27: {  	s30 =	simm.s32 $0x190;
	s28 =	simm.s32 $0x2C88  }
0x28: {  	[tilespmem:s28], [sflag:$0x1] =	stream.indirect.gather [hbm4b:s3+s8], $0x10, s30, s8, $0xb8;
	[tilespmem:$0x14C08] =	vst v63  }
0x29: {  	s30 =	simm.s32 $0x1B8  }
0x2a: {  	[tilespmem:s31], [sflag:$0x1] =	stream.indirect.gather [hbm4b:s3+s8], $0x10, s30, s8, $0xb8;
	[tilespmem:$0x14C08] =	vst v63  }
0x2b: {  	_ = 	snop  }
0x2c: {  	[tilespmem:s0], [sflag:$0x1] =	stream.indirect.gather [hbm4b:s3+s8], $0x10, s1, s8, $0xb8;
	[tilespmem:$0x14C08] =	vst v63  }
0x2d: {  	_ = 	snop  }
0x2e: {  	[tilespmem:s11], [sflag:$0x1] =	stream.indirect.gather [hbm4b:s3+s8], $0x10, s10, s8, $0xb8;
	[tilespmem:$0x14C08] =	vst v63  }
0x2f: {  	_ = 	snop  }
0x30: {  	[tilespmem:s13], [sflag:$0x1] =	stream.indirect.gather [hbm4b:s3+s8], $0x10, s12, s8, $0xb8;
	[tilespmem:$0x14C08] =	vst v63  }
0x31: {  	_ = 	snop  }
0x32: {  	[tilespmem:s15], [sflag:$0x1] =	stream.indirect.gather [hbm4b:s3+s8], $0x10, s14, s8, $0xb8;
	[tilespmem:$0x14C08] =	vst v63  }
0x33: {  	_ = 	snop  }
0x34: {  	[tilespmem:s17], [sflag:$0x1] =	stream.indirect.gather [hbm4b:s3+s8], $0x10, s16, s8, $0xb8;
	[tilespmem:$0x14C08] =	vst v63  }
0x35: {  	_ = 	snop  }
0x36: {  	[tilespmem:s19], [sflag:$0x1] =	stream.indirect.gather [hbm4b:s3+s8], $0x10, s18, s8, $0xb8;
	[tilespmem:$0x14C08] =	vst v63  }
0x37: {  	_ = 	snop  }
0x38: {  	[tilespmem:s21], [sflag:$0x1] =	stream.indirect.gather [hbm4b:s3+s8], $0x10, s20, s8, $0xb8;
	[tilespmem:$0x14C08] =	vst v63  }
0x39: {  	p0 =	por $0x0, $0x0  }
0x3a: {  	[tilespmem:s23], [sflag:$0x1] =	stream.indirect.gather [hbm4b:s3+s8], $0x10, s22, s8, $0xb8;
	[tilespmem:$0x14C08] =	vst v63  }
0x3b: {  	s29 =	simm.s32 @!p0 $0x28;
	s26 =	simm.s32 $0x4588;
	s28 =	simm.s32 $0x320  }
0x3c: {  	[tilespmem:s26], [sflag:$0x1] =	stream.indirect.gather @!p0 [hbm4b:s3+s29], $0x10, s28, s29, $0xb8;
	[tilespmem:$0x14C08] =	vst v63  }
0x3d: {  	_ =	swait.ge [sflag:s24], $0x280  }
0x3e: {  	s28 =	simm.s32 $0x1;
	s29 =	simm.s32 $0x348;
	[sflag:s24] =	ssyncset.done $0x0  }
.LBB2_2:
0x3f: {  	s30 =	smov.u32 s28;
	s28 =	sadd.s32 $0x1, s28  }
0x40: {  	[sflag:s24] =	ssyncadd.s32 $0xFFFFFD80;
	s26 =	sadd.s32 $0x280, s26;
	p1 =	sne.s32 s28, $0x7D  }
.Ltmp0:
0x41: {  	p0 =	sgt.u32 s30, $0x68;
	(pc) =	sbr.rel @p1 .LBB2_2-.Ltmp0, $4  }
0x42: {  	s30 =	simm.s32 @!p0 $0x28  }
0x43: {  	[tilespmem:s26], [sflag:$0x1] =	stream.indirect.gather @!p0 [hbm4b:s3+s30], $0x10, s29, s30, $0xb8;
	[tilespmem:$0x14C08] =	vst v63  }
0x44: {  	_ =	swait.ge [sflag:s24], $0x280  }
0x45: {  	s29 =	sadd.s32 $0x28, s29;
	[sflag:s24] =	ssyncset.done $0x0  }
0x46: {  	s25 =	sadd.s32 $0x1, s25  }
0x47: {  	p0 =	sne.s32 s25, s6  }
.Ltmp1:
0x48: {  	[sflag:s24] =	ssyncadd.s32 $0xFFFFFD80;
	(pc) =	sbr.rel @p0 .LBB2_1-.Ltmp1, $4  }
0x49: {  	[hbm4b:s5+s2] =	stream.linear.scatter [tilespmem:s9], [sflag:$0x2], $0x13880, $0x38;
	[tilespmem:$0x14C08] =	vst v63  }
0x4a: {  	_ =	swait.ge [sflag:s7], $0x13880  }
0x4b: {  	[sflag:s7] =	ssyncset.done $0x0  }
0x4c: {  	[sflag:s7] =	ssyncadd.s32 $0xFFFEC780  }
0x4d: {  	_ =	sfence.sel $0x180000  }
0x4e: {  	[bflag:$0x0] =	sbarrier.arrive $0xFFFF  }
0x4f: {  	_ =	strace $0x9000004D  }
0x50: {  	s0 =	stileid.u32;
	[bflag:$0x2] =	sbarrier.arrive $0xFFFF  }
0x51: {  	p0 =	sne.s32 s0, $0x0;
	s0 =	rddreg [dreg:$0x1]  }
0x52: {  	s0 =	sadd.s32 @!p0 $0x100000, s0  }
0x53: {  	[sflag:s0] =	ssyncadd.tile.s32 @!p0 $0x1;
	_ =	shalt  }
.Lfunc_end2:
_tile_overlayer_lowered:
.L_overlay_start_2:
0x54: {  	(tag) =	ssettag $0x2  }
0x55: {  	s0 =	rddreg [dreg:$0x0];
	s2 =	stileid.u32  }
0x56: {  	s1 =	rddreg [dreg:$0x1];
	p0 =	sne.s32 s2, $0x0  }
0x57: {  	s3 =	rddreg [dreg:$0x2];
	[bflag:$0x3] =	sbarrier.arrive $0xFFFF;
	s2 =	simm.s32 @!p0 $0x1C02  }
0x58: {  	[timem:s3], [sflag:s2] =	dma.local @!p0 [hbm:s0], s1  }
0x59: {  	s0 =	simm.s32 @!p0 $0x2  }
0x5a: {  	_ =	swait.ge @!p0 [sflag:s0], s1  }
0x5b: {  	s1 =	ssub.s32 @!p0 $0x0, s1;
	[sflag:s0] =	ssyncset.done @!p0 $0x0  }
0x5c: {  	[sflag:s0] =	ssyncadd.s32 @!p0 s1  }
0x5d: {  	[bflag:$0x3] =	sbarrier.arrive $0xFFFF  }
0x5e: {  	_ =	shalt  }

// kernel: kernel.24.cloned.1.call-start
scs
__scs_entry_jumppad:
0x0: {  	(pc) =	sbr.rel $0x88, $3  }
0x1: {  	(tag) =	ssettag $0x0;
	lr =	simm.s32 $0x1  }
0x2: {  	[smem:$0x3F8B] =	sst lr;
	_ =	strace $0xD0000000  }
0x3: {  	_ = 	snop  }
0x4: {  	_ = 	snop  }
0x5: {  	_ = 	snop  }
0x6: {  	_ = 	snop  }
0x7: {  	_ = 	snop  }
__scs_overlays_trampoline_lowered:
0x8: {  	[smem:$0x3F9A] =	sst s0  }
0x9: {  	[smem:$0x3F9B] =	sst s1  }
0xa: {  	[smem:$0x3F9C] =	sst s2  }
0xb: {  	[smem:$0x3F9D] =	sst s3  }
0xc: {  	[smem:$0x3F9E] =	sst s4  }
0xd: {  	[smem:$0x3F9F] =	sst s5  }
0xe: {  	[smem:$0x3FA0] =	sst s6  }
0xf: {  	[smem:$0x3FA1] =	sst s7  }
0x10: {  	[smem:$0x3FA2] =	sst s8  }
0x11: {  	[smem:$0x3FA3] =	sst s9;
	s0 =	simm.s32 @!p0 $0x0  }
0x12: {  	s1 =	sld [smem:$0x3F89];
	s0 =	simm.s32 @p0 $0x1  }
0x13: {  	[smem:$0x3FA4] =	sst s0;
	s0 =	simm.s32 @!p1 $0x0  }
0x14: {  	s2 =	sld [smem:$0x3F88];
	s0 =	simm.s32 @p1 $0x1  }
0x15: {  	[smem:$0x3FA5] =	sst s0;
	s0 =	simm.s32 @!p2 $0x0  }
0x16: {  	s3 =	sld [smem:$0x3FDB];
	s0 =	simm.s32 @p2 $0x1  }
0x17: {  	s4 =	simm.s32 $0x1BF5;
	[smem:$0x3FA7] =	sst s0  }
0x18: {  	s0 =	sld [smem:$0x3F8A];
	_ =	swait.ge [sflag:s4], $0x0  }
0x19: {  	s7 =	sld [smem:$0x3F8B]  }
0x1a: {  	s8 =	sadd.s32 $0xFFFFE003, lr  }
0x1b: {  	s9 =	sadd.s32 $0xFFFFFEF7, lr;
	s5 =	simm.s32 $0xFFFFFFFF;
	p2 =	slt.u32 s8, $0xFFFFF086  }
0x1c: {  	p1 =	slt.u32 s9, $0xF7A;
	s5 =	simm.s32 @!p2 $0x0  }
0x1d: {  	s5 =	simm.s32 @p1 $0x1;
	p0 =	seq.s32 s7, s2  }
0x1e: {  	s7 =	smul.u32 @!p0 $0xF7A, s2;
	p2 =	seq.s32 @!p0 s5, $0x0  }
0x1f: {  	s9 =	smul.u32 $0xF7A, s1;
	s8 =	simm.s32 @!p0 $0x1BF5;
	p2 =	por !p2, p0  }
0x20: {  	[sflag:s8] =	ssyncset.s32 @!p0 $0xFFFFF086;
	s6 =	sadd.s32 @!p0 s3, s7;
	s7 =	simm.s32 @!p0 $0x108  }
0x21: {  	s3 =	sadd.s32 s3, s9;
	s6 =	sadd.s32 @!p0 $0x88, s6;
	s7 =	simm.s32 @p2 $0x1082  }
0x22: {  	[simem:s7], [sflag:s8] =	dma.local @!p0 [hbm:s6], $0xF7A  }
0x23: {  	s9 =	sor.u32 $0xD0000000, s2;
	s6 =	simm.s32 $0x108;
	_ =	swait.ge @!p0 [sflag:s8], $0x0  }
0x24: {  	s3 =	sadd.s32 $0x88, s3;
	s6 =	simm.s32 @!p1 $0x1082;
	[sflag:s4] =	ssyncset.s32 $0xFFFFF086  }
0x25: {  	[simem:s6], [sflag:s4] =	dma.local [hbm:s3], $0xF7A  }
0x26: {  	[smem:$0x3F8B] =	sst s1;
	(tag) =	ssettag s2;
	_ =	strace s9  }
0x27: {  	s1 =	sld [smem:$0x3F9B]  }
0x28: {  	s2 =	sld [smem:$0x3F9C]  }
0x29: {  	s4 =	sld [smem:$0x3F9E]  }
0x2a: {  	p0 =	seq.s32 s5, $0x0;
	s5 =	sld [smem:$0x3F9F]  }
0x2b: {  	s6 =	sld [smem:$0x3FA0]  }
0x2c: {  	s7 =	sld [smem:$0x3FA1]  }
0x2d: {  	s3 =	simm.s32 $0x108;
	s8 =	sld [smem:$0x3FA2]  }
0x2e: {  	s3 =	simm.s32 @!p0 $0x1082;
	s9 =	sld [smem:$0x3FA3]  }
0x2f: {  	lr =	sadd.s32 s0, s3;
	s0 =	sld [smem:$0x3F9A]  }
0x30: {  	s3 =	sld [smem:$0x3F9D]  }
0x31: {  	[smem:$0x3FA6] =	sst s10  }
0x32: {  	s10 =	sld [smem:$0x3FA4];
	_ =	sdelay $0x3  }
0x33: {  	p0 =	seq.s32 s10, $0x1;
	s10 =	sld [smem:$0x3FA6];
	_ =	sdelay $0x3  }
0x34: {  	[smem:$0x3FA6] =	sst s10  }
0x35: {  	s10 =	sld [smem:$0x3FA5];
	_ =	sdelay $0x3  }
0x36: {  	p1 =	seq.s32 s10, $0x1;
	s10 =	sld [smem:$0x3FA6];
	_ =	sdelay $0x3  }
0x37: {  	[smem:$0x3FA6] =	sst s10  }
0x38: {  	s10 =	sld [smem:$0x3FA7]  }
0x39: {  	_ = 	snop;
	(pc) =	sbr.ind lr, $3  }
0x3a: {  	_ = 	snop  }
0x3b: {  	_ = 	snop  }
0x3c: {  	p2 =	seq.s32 s10, $0x1;
	s10 =	sld [smem:$0x3FA6]  }
0x3d: {  	_ =	shalt  }
0x3e: {  	_ =	shalt  }
0x3f: {  	_ =	shalt  }
0x40: {  	_ =	shalt  }
0x41: {  	_ =	shalt  }
0x42: {  	_ =	shalt  }
0x43: {  	_ =	shalt  }
0x44: {  	_ =	shalt  }
0x45: {  	_ =	shalt  }
0x46: {  	_ =	shalt  }
0x47: {  	_ =	shalt  }
0x48: {  	_ =	shalt  }
0x49: {  	_ =	shalt  }
0x4a: {  	_ =	shalt  }
0x4b: {  	_ =	shalt  }
0x4c: {  	_ =	shalt  }
0x4d: {  	_ =	shalt  }
0x4e: {  	_ =	shalt  }
0x4f: {  	_ =	shalt  }
0x50: {  	_ =	shalt  }
0x51: {  	_ =	shalt  }
0x52: {  	_ =	shalt  }
0x53: {  	_ =	shalt  }
0x54: {  	_ =	shalt  }
0x55: {  	_ =	shalt  }
0x56: {  	_ =	shalt  }
0x57: {  	_ =	shalt  }
0x58: {  	_ =	shalt  }
0x59: {  	_ =	shalt  }
0x5a: {  	_ =	shalt  }
0x5b: {  	_ =	shalt  }
0x5c: {  	_ =	shalt  }
0x5d: {  	_ =	shalt  }
0x5e: {  	_ =	shalt  }
0x5f: {  	_ =	shalt  }
0x60: {  	_ =	shalt  }
0x61: {  	_ =	shalt  }
0x62: {  	_ =	shalt  }
0x63: {  	_ =	shalt  }
0x64: {  	_ =	shalt  }
0x65: {  	_ =	shalt  }
0x66: {  	_ =	shalt  }
0x67: {  	_ =	shalt  }
0x68: {  	_ =	shalt  }
0x69: {  	_ =	shalt  }
0x6a: {  	_ =	shalt  }
0x6b: {  	_ =	shalt  }
0x6c: {  	_ =	shalt  }
0x6d: {  	_ =	shalt  }
0x6e: {  	_ =	shalt  }
0x6f: {  	_ =	shalt  }
0x70: {  	_ =	shalt  }
0x71: {  	_ =	shalt  }
0x72: {  	_ =	shalt  }
0x73: {  	_ =	shalt  }
0x74: {  	_ =	shalt  }
0x75: {  	_ =	shalt  }
0x76: {  	_ =	shalt  }
0x77: {  	_ =	shalt  }
0x78: {  	_ =	shalt  }
0x79: {  	_ =	shalt  }
0x7a: {  	_ =	shalt  }
0x7b: {  	_ =	shalt  }
0x7c: {  	_ =	shalt  }
0x7d: {  	_ =	shalt  }
0x7e: {  	_ =	shalt  }
0x7f: {  	_ =	shalt  }
0x80: {  	_ =	shalt  }
0x81: {  	_ =	shalt  }
0x82: {  	_ =	shalt  }
0x83: {  	_ =	shalt  }
0x84: {  	_ =	shalt  }
0x85: {  	_ =	shalt  }
0x86: {  	_ =	shalt  }
0x87: {  	_ =	shalt  }
.Lfunc_end0:
.L_simem_size_0:
called_computation.3_lowered:
.L_overlay_start_0:
0x88: {  	s2 =	sld [smem:$0x3FD9]  }
0x89: {  	s3 =	sld [smem:$0x3FFE];
	_ =	sdelay $0x1  }
0x8a: {  	s1 =	srdreg.scid  }
0x8b: {  	s0 =	sand.u32 $0x1, s1  }
0x8c: {  	s16 =	sshll.u32 s0, $0xA;
	s2 =	sadd.s32 s3, s2  }
0x8d: {  	s2 =	sadd.s32 s2, s16  }
0x8e: {  	[smem:$0x3FB2] =	sst s2  }
0x8f: {  	_ = 	snop  }
0x90: {  	(tm) =	ssettm $0x1  }
0x91: {  	s17 =	sld [smem:$0x3FFB];
	_ =	sdelay $0x3  }
0x92: {  	_ =	strace s17  }
0x93: {  	s2 =	sld [smem:$0x3FFC];
	_ =	sdelay $0x3  }
0x94: {  	_ =	strace s2  }
0x95: {  	s2 =	sld [smem:$0x3FFD];
	_ =	sdelay $0x3  }
0x96: {  	_ =	strace s2  }
0x97: {  	_ =	strace $0x8FFFFFFF  }
0x98: {  	s18 =	sld [smem:$0x3FDB];
	_ =	sdelay $0x1  }
0x99: {  	s19 =	simm.s32 $_scs_section_size  }
0x9a: {  	s4 =	simm.s32 $_size__tile_overlayer_lowered;
	s5 =	simm.s32 $_tile_overlayer_lowered  }
0x9b: {  	s22 =	simm.s32 $0x1BFF;
	s21 =	sshll.u32 s5, $0x1;
	s2 =	sadd.s32 s19, s18  }
0x9c: {  	s6 =	simm.s32 $0x0;
	s20 =	sshll.u32 s4, $0x1;
	s4 =	sadd.s32 s21, s2  }
0x9d: {  	[timem:s6], [sflag:s22] =	dma.local [hbm:s4], s20  }
0x9e: {  	_ =	swait.ge [sflag:s22], s20  }
0x9f: {  	s3 =	ssub.s32 $0x0, s20;
	[sflag:s22] =	ssyncset.done $0x0  }
0xa0: {  	[sflag:s22] =	ssyncadd.s32 s3;
	_ =	sdelay $0x1  }
0xa1: {  	s23 =	simm.s32 $0x1B8B  }
0xa2: {  	_ =	swait.ge [sflag:s23], $0x1  }
0xa3: {  	[sflag:s23] =	ssyncset.done $0x0  }
0xa4: {  	s25 =	simm.s32 $0x1B8E;
	s24 =	sld [smem:$0x3FFE];
	[sflag:s23] =	ssyncadd.s32 $0xFFFFFFFF  }
0xa5: {  	s26 =	simm.s32 $execute0_lowered;
	[smem:$0x3FD2] =	sst s25  }
0xa6: {  	s4 =	sshll.u32 s26, $0x1;
	_ =	strace $0x8000004F;
	[dreg:$0x1] =	wrdreg $0xFFFFFFFF  }
0xa7: {  	s28 =	simm.s32 $_size_execute0_lowered;
	s2 =	sadd.s32 s2, s4;
	[dreg:$0x0] =	wrdreg $0x0  }
0xa8: {  	s4 =	sshll.u32 s28, $0x1;
	[dreg:$0x2] =	wrdreg s2  }
0xa9: {  	[dreg:$0x3] =	wrdreg s4  }
0xaa: {  	[dreg:$0x4] =	wrdreg $0xC0  }
0xab: {  	_ =	task [dreg:s6], $0x5FFFF  }
0xac: {  	[dreg:$0x1] =	wrdreg $0xFFFFFFFF  }
0xad: {  	[dreg:$0x0] =	wrdreg $0x60  }
0xae: {  	[dreg:$0x2] =	wrdreg s24  }
0xaf: {  	[dreg:$0x3] =	wrdreg $0x14C080  }
0xb0: {  	[dreg:$0x4] =	wrdreg $0x9  }
0xb1: {  	_ =	task.clear_ibuf [dreg:s6], $0x5FFFF;
	_ =	strace $0x9000004F  }
0xb2: {  	s29 =	simm.s32 $0x9;
	_ =	strace $0x80000051  }
0xb3: {  	_ =	swait.ge [sflag:s29], $0x1  }
0xb4: {  	[sflag:s29] =	ssyncadd.s32 $0xFFFFFFFF  }
0xb5: {  	_ =	strace $0x90000051  }
0xb6: {  	_ =	sfence  }
0xb7: {  	s30 =	sld [smem:$0x0];
	_ =	sdelay $0x2  }
0xb8: {  	s31 =	sshll.u32 s1, $0xD;
	s1 =	sshrl.u32 s1, $0x2  }
0xb9: {  	s3 =	sand.u32 $0x4000, s31;
	s1 =	sadd.s32 s1, s30  }
0xba: {  	s0 =	sor.u32 s3, s0;
	s1 =	sshll.u32 s1, $0x11  }
0xbb: {  	s0 =	sor.u32 s1, s0  }
0xbc: {  	s0 =	sadd.s32 $0x8F2B, s0  }
0xbd: {  	[sflag:s0] =	ssyncadd.remote.s32 $0x1  }
0xbe: {  	_ =	sfence.sel $0xFFFF  }
0xbf: {  	[dreg:$0x0] =	wrdreg $0xFFFFFFFF;
	(pc) =	sbr.abs _section_cstart, $3  }
0xc0: {  	[dreg:$0x1] =	wrdreg $0xFFFFFFFF  }
0xc1: {  	_ =	task.clear_ibuf [dreg:s6], $0x2FFFF;
	_ =	strace $0x9FFFFFFF  }
0xc2: {  	(tm) =	ssettm $0x7FFFFFFF  }
0xc3: {  	_ =	shalt  }
tec
execute0_lowered:
.L_overlay_start_1:
0x0: {  	(tag) =	ssettag $0x1  }
0x1: {  	s0 =	srdreg.scid  }
0x2: {  	s12 =	stileid.u32;
	s4 =	rddreg [dreg:$0x0]  }
0x3: {  	s2 =	rddreg [dreg:$0x1];
	s3 =	simm.s32 $0x0;
	s13 =	simm.s32 $0x28  }
0x4: {  	s19 =	simm.s32 $0x3408;
	s20 =	simm.s32 $0x230;
	s21 =	simm.s32 $0x3688  }
0x5: {  	s22 =	simm.s32 $0x258;
	s23 =	simm.s32 $0x3908;
	s28 =	simm.s32 $0x3E08  }
0x6: {  	s29 =	simm.s32 $0x2D0;
	s30 =	simm.s32 $0x4088;
	s31 =	simm.s32 $0x2F8  }
0x7: {  	s14 =	simm.s32 $0x0;
	s0 =	sand.u32 $0x1, s0;
	s1 =	sshll.u32 s12, $0x1  }
0x8: {  	s6 =	smul.u32 $0x2710, s12;
	[smem:$0x7FF] =	sst s3;
	s26 =	sshll.u32 s12, $0x6  }
0x9: {  	s12 =	simm.s32 $0x1388;
	s1 =	sor.u32 s0, s1;
	s7 =	smul.u32 $0x27100, s0  }
0xa: {  	_ =	strace $0x80000050;
	s0 =	ssub.s32 $0x2, s0;
	s5 =	smul.u32 $0x2710, s1  }
0xb: {  	s1 =	smul.u32 $0x271, s1;
	s25 =	sshrl.u32 s6, $0x3;
	s9 =	sshrl.u32 s0, $0x1  }
0xc: {  	s11 =	sadd.s32 s6, s2;
	s24 =	sadd.s32 s6, s7;
	s7 =	sadd.s32 s25, s4  }
0xd: {  	s0 =	ssub.s32 s0, s9;
	s25 =	simm.s32 $0x3B88;
	s8 =	sadd.s32 s5, s4  }
0xe: {  	s1 =	sadd.s32 s1, s4;
	s5 =	sshrl.u32 s24, $0x3;
	s9 =	smax.u32 s0, $0x1  }
0xf: {  	s24 =	simm.s32 $0x280;
	s0 =	simm.s32 $0x1;
	s10 =	sadd.s32 s5, s4  }
0x10: {  	s4 =	sadd.s32 $0x7600, s7;
	s5 =	sor.u32 $0x1C02, s26;
	s6 =	sadd.s32 $0x11600, s1  }
0x11: {  	s7 =	sadd.s32 $0xA8800, s8;
	s26 =	simm.s32 $0x2A8;
	s1 =	simm.s32 $0x4308  }
0x12: {  	s8 =	sadd.s32 $0x64800, s10;
	s10 =	sshrl.u32 s11, $0x3;
	s11 =	simm.s32 $0x2  }
.LBB2_1:
0x13: {  	[spmem:s10], [sflag:s5] =	dma.local [hbm:s4], $0x4E2  }
0x14: {  	_ =	swait.ge [sflag:s11], $0x4E2  }
0x15: {  	[sflag:s11] =	ssyncset.done $0x0  }
0x16: {  	[sflag:s11] =	ssyncadd.s32 $0xFFFFFB1E  }
0x17: {  	[tilespmem:s3], [sflag:$0x2] =	stream.linear.gather [hbm4b:s6+s3], $0x1388, $0x38;
	[tilespmem:$0x17318] =	vst v63  }
0x18: {  	_ =	swait.ge [sflag:s11], $0x1388  }
0x19: {  	[sflag:s11] =	ssyncset.done $0x0  }
0x1a: {  	[sflag:s11] =	ssyncadd.s32 $0xFFFFEC78  }
0x1b: {  	[tilespmem:s12], [sflag:$0x2] =	stream.linear.gather [hbm4b:s7+s3], $0x13880, $0x38;
	[tilespmem:$0x17318] =	vst v63  }
0x1c: {  	_ =	swait.ge [sflag:s11], $0x13880  }
0x1d: {  	[sflag:s11] =	ssyncset.done $0x0  }
0x1e: {  	[sflag:s11] =	ssyncadd.s32 $0xFFFEC780  }
0x1f: {  	[bflag:$0x0] =	sbarrier.arrive $0xFFFF  }
0x20: {  	[spmem:s2] =	stream.indirect.scatter.add.f32 [tilespmem:s12], [sflag:$0x1], $0x10, s3, s13, $0xb8;
	[tilespmem:$0x17318] =	vst v63  }
0x21: {  	s15 =	simm.s32 $0x1608  }
0x22: {  	[spmem:s2] =	stream.indirect.scatter.add.f32 [tilespmem:s15], [sflag:$0x1], $0x10, s13, s13, $0xb8;
	[tilespmem:$0x17318] =	vst v63  }
0x23: {  	s18 =	simm.s32 $0x50;
	s16 =	simm.s32 $0x1888  }
0x24: {  	[spmem:s2] =	stream.indirect.scatter.add.f32 [tilespmem:s16], [sflag:$0x1], $0x10, s18, s13, $0xb8;
	[tilespmem:$0x17318] =	vst v63  }
0x25: {  	s17 =	simm.s32 $0x78;
	s18 =	simm.s32 $0x1B08  }
0x26: {  	[spmem:s2] =	stream.indirect.scatter.add.f32 [tilespmem:s18], [sflag:$0x1], $0x10, s17, s13, $0xb8;
	[tilespmem:$0x17318] =	vst v63  }
0x27: {  	s17 =	simm.s32 $0xA0;
	s18 =	simm.s32 $0x1D88  }
0x28: {  	[spmem:s2] =	stream.indirect.scatter.add.f32 [tilespmem:s18], [sflag:$0x1], $0x10, s17, s13, $0xb8;
	[tilespmem:$0x17318] =	vst v63  }
0x29: {  	s17 =	simm.s32 $0xC8;
	s18 =	simm.s32 $0x2008  }
0x2a: {  	[spmem:s2] =	stream.indirect.scatter.add.f32 [tilespmem:s18], [sflag:$0x1], $0x10, s17, s13, $0xb8;
	[tilespmem:$0x17318] =	vst v63  }
0x2b: {  	s17 =	simm.s32 $0xF0;
	s18 =	simm.s32 $0x2288  }
0x2c: {  	[spmem:s2] =	stream.indirect.scatter.add.f32 [tilespmem:s18], [sflag:$0x1], $0x10, s17, s13, $0xb8;
	[tilespmem:$0x17318] =	vst v63  }
0x2d: {  	s17 =	simm.s32 $0x118;
	s18 =	simm.s32 $0x2508  }
0x2e: {  	[spmem:s2] =	stream.indirect.scatter.add.f32 [tilespmem:s18], [sflag:$0x1], $0x10, s17, s13, $0xb8;
	[tilespmem:$0x17318] =	vst v63  }
0x2f: {  	s17 =	simm.s32 $0x140;
	s18 =	simm.s32 $0x2788  }
0x30: {  	[spmem:s2] =	stream.indirect.scatter.add.f32 [tilespmem:s18], [sflag:$0x1], $0x10, s17, s13, $0xb8;
	[tilespmem:$0x17318] =	vst v63  }
0x31: {  	s17 =	simm.s32 $0x168;
	s18 =	simm.s32 $0x2A08  }
0x32: {  	[spmem:s2] =	stream.indirect.scatter.add.f32 [tilespmem:s18], [sflag:$0x1], $0x10, s17, s13, $0xb8;
	[tilespmem:$0x17318] =	vst v63  }
0x33: {  	s17 =	simm.s32 $0x190;
	s18 =	simm.s32 $0x2C88  }
0x34: {  	[spmem:s2] =	stream.indirect.scatter.add.f32 [tilespmem:s18], [sflag:$0x1], $0x10, s17, s13, $0xb8;
	[tilespmem:$0x17318] =	vst v63  }
0x35: {  	s17 =	simm.s32 $0x1B8;
	s18 =	simm.s32 $0x2F08  }
0x36: {  	[spmem:s2] =	stream.indirect.scatter.add.f32 [tilespmem:s18], [sflag:$0x1], $0x10, s17, s13, $0xb8;
	[tilespmem:$0x17318] =	vst v63  }
0x37: {  	s16 =	simm.s32 $0x1E0;
	s17 =	simm.s32 $0x3188  }
0x38: {  	[spmem:s2] =	stream.indirect.scatter.add.f32 [tilespmem:s17], [sflag:$0x1], $0x10, s16, s13, $0xb8;
	[tilespmem:$0x17318] =	vst v63  }
0x39: {  	s18 =	simm.s32 $0x208  }
0x3a: {  	[spmem:s2] =	stream.indirect.scatter.add.f32 [tilespmem:s19], [sflag:$0x1], $0x10, s18, s13, $0xb8;
	[tilespmem:$0x17318] =	vst v63  }
0x3b: {  	_ = 	snop  }
0x3c: {  	[spmem:s2] =	stream.indirect.scatter.add.f32 [tilespmem:s21], [sflag:$0x1], $0x10, s20, s13, $0xb8;
	[tilespmem:$0x17318] =	vst v63  }
0x3d: {  	_ = 	snop  }
0x3e: {  	[spmem:s2] =	stream.indirect.scatter.add.f32 [tilespmem:s23], [sflag:$0x1], $0x10, s22, s13, $0xb8;
	[tilespmem:$0x17318] =	vst v63  }
0x3f: {  	_ = 	snop  }
0x40: {  	[spmem:s2] =	stream.indirect.scatter.add.f32 [tilespmem:s25], [sflag:$0x1], $0x10, s24, s13, $0xb8;
	[tilespmem:$0x17318] =	vst v63  }
0x41: {  	_ = 	snop  }
0x42: {  	[spmem:s2] =	stream.indirect.scatter.add.f32 [tilespmem:s28], [sflag:$0x1], $0x10, s26, s13, $0xb8;
	[tilespmem:$0x17318] =	vst v63  }
0x43: {  	_ = 	snop  }
0x44: {  	[spmem:s2] =	stream.indirect.scatter.add.f32 [tilespmem:s30], [sflag:$0x1], $0x10, s29, s13, $0xb8;
	[tilespmem:$0x17318] =	vst v63  }
0x45: {  	p0 =	por $0x0, $0x0  }
0x46: {  	[spmem:s2] =	stream.indirect.scatter.add.f32 [tilespmem:s1], [sflag:$0x1], $0x10, s31, s13, $0xb8;
	[tilespmem:$0x17318] =	vst v63  }
0x47: {  	s15 =	simm.s32 $0x4588;
	s16 =	simm.s32 $0x320;
	s17 =	simm.s32 @!p0 $0x28  }
0x48: {  	[spmem:s2] =	stream.indirect.scatter.add.f32 @!p0 [tilespmem:s15], [sflag:$0x1], $0x10, s16, s17, $0xb8;
	[tilespmem:$0x17318] =	vst v63  }
0x49: {  	_ =	swait.ge [sflag:s0], $0x280  }
0x4a: {  	s16 =	simm.s32 $0x1;
	s17 =	simm.s32 $0x348;
	[sflag:s0] =	ssyncset.done $0x0  }
.LBB2_2:
0x4b: {  	s18 =	smov.u32 s16;
	s16 =	sadd.s32 $0x1, s16  }
0x4c: {  	[sflag:s0] =	ssyncadd.s32 $0xFFFFFD80;
	s15 =	sadd.s32 $0x280, s15;
	p1 =	sne.s32 s16, $0x7D  }
.Ltmp0:
0x4d: {  	p0 =	sgt.u32 s18, $0x68;
	(pc) =	sbr.rel @p1 .LBB2_2-.Ltmp0, $4  }
0x4e: {  	s18 =	simm.s32 @!p0 $0x28  }
0x4f: {  	[spmem:s2] =	stream.indirect.scatter.add.f32 @!p0 [tilespmem:s15], [sflag:$0x1], $0x10, s17, s18, $0xb8;
	[tilespmem:$0x17318] =	vst v63  }
0x50: {  	_ =	swait.ge [sflag:s0], $0x280  }
0x51: {  	s17 =	sadd.s32 $0x28, s17;
	[sflag:s0] =	ssyncset.done $0x0  }
0x52: {  	s14 =	sadd.s32 $0x1, s14  }
0x53: {  	[sflag:s0] =	ssyncadd.s32 $0xFFFFFD80;
	p0 =	sne.s32 s14, s9  }
.Ltmp1:
0x54: {  	[bflag:$0x0] =	sbarrier.arrive $0xFFFF;
	(pc) =	sbr.rel @p0 .LBB2_1-.Ltmp1, $4  }
0x55: {  	[hbm:s8], [sflag:s5] =	dma.local [spmem:s10], $0x4E2  }
0x56: {  	_ =	swait.ge [sflag:s11], $0x4E2  }
0x57: {  	[sflag:s11] =	ssyncset.done $0x0  }
0x58: {  	[sflag:s11] =	ssyncadd.s32 $0xFFFFFB1E  }
0x59: {  	_ =	sfence.sel $0x180000  }
0x5a: {  	[bflag:$0x0] =	sbarrier.arrive $0xFFFF  }
0x5b: {  	_ =	strace $0x90000050  }
0x5c: {  	s0 =	stileid.u32;
	[bflag:$0x2] =	sbarrier.arrive $0xFFFF  }
0x5d: {  	p0 =	sne.s32 s0, $0x0;
	s0 =	rddreg [dreg:$0x2]  }
0x5e: {  	s0 =	sadd.s32 @!p0 $0x100000, s0  }
0x5f: {  	[sflag:s0] =	ssyncadd.tile.s32 @!p0 $0x1;
	_ =	shalt  }
.Lfunc_end2:
_tile_overlayer_lowered:
.L_overlay_start_2:
0x60: {  	(tag) =	ssettag $0x2  }
0x61: {  	s0 =	rddreg [dreg:$0x0];
	s2 =	stileid.u32  }
0x62: {  	s1 =	rddreg [dreg:$0x1];
	p0 =	sne.s32 s2, $0x0  }
0x63: {  	s3 =	rddreg [dreg:$0x2];
	[bflag:$0x3] =	sbarrier.arrive $0xFFFF;
	s2 =	simm.s32 @!p0 $0x1C02  }
0x64: {  	[timem:s3], [sflag:s2] =	dma.local @!p0 [hbm:s0], s1  }
0x65: {  	s0 =	simm.s32 @!p0 $0x2  }
0x66: {  	_ =	swait.ge @!p0 [sflag:s0], s1  }
0x67: {  	s1 =	ssub.s32 @!p0 $0x0, s1;
	[sflag:s0] =	ssyncset.done @!p0 $0x0  }
0x68: {  	[sflag:s0] =	ssyncadd.s32 @!p0 s1  }
0x69: {  	[bflag:$0x3] =	sbarrier.arrive $0xFFFF  }
0x6a: {  	_ =	shalt  }

// kernel: kernel.27.cloned.1.call-start
scs
__scs_entry_jumppad:
0x0: {  	(pc) =	sbr.rel $0x88, $3  }
0x1: {  	(tag) =	ssettag $0x0;
	lr =	simm.s32 $0x1  }
0x2: {  	[smem:$0x3F8B] =	sst lr;
	_ =	strace $0xD0000000  }
0x3: {  	_ = 	snop  }
0x4: {  	_ = 	snop  }
0x5: {  	_ = 	snop  }
0x6: {  	_ = 	snop  }
0x7: {  	_ = 	snop  }
__scs_overlays_trampoline_lowered:
0x8: {  	[smem:$0x3F9A] =	sst s0  }
0x9: {  	[smem:$0x3F9B] =	sst s1  }
0xa: {  	[smem:$0x3F9C] =	sst s2  }
0xb: {  	[smem:$0x3F9D] =	sst s3  }
0xc: {  	[smem:$0x3F9E] =	sst s4  }
0xd: {  	[smem:$0x3F9F] =	sst s5  }
0xe: {  	[smem:$0x3FA0] =	sst s6  }
0xf: {  	[smem:$0x3FA1] =	sst s7  }
0x10: {  	[smem:$0x3FA2] =	sst s8  }
0x11: {  	[smem:$0x3FA3] =	sst s9;
	s0 =	simm.s32 @!p0 $0x0  }
0x12: {  	s1 =	sld [smem:$0x3F89];
	s0 =	simm.s32 @p0 $0x1  }
0x13: {  	[smem:$0x3FA4] =	sst s0;
	s0 =	simm.s32 @!p1 $0x0  }
0x14: {  	s2 =	sld [smem:$0x3F88];
	s0 =	simm.s32 @p1 $0x1  }
0x15: {  	[smem:$0x3FA5] =	sst s0;
	s0 =	simm.s32 @!p2 $0x0  }
0x16: {  	s3 =	sld [smem:$0x3FDB];
	s0 =	simm.s32 @p2 $0x1  }
0x17: {  	s4 =	simm.s32 $0x1BF5;
	[smem:$0x3FA7] =	sst s0  }
0x18: {  	s0 =	sld [smem:$0x3F8A];
	_ =	swait.ge [sflag:s4], $0x0  }
0x19: {  	s7 =	sld [smem:$0x3F8B]  }
0x1a: {  	s8 =	sadd.s32 $0xFFFFE003, lr  }
0x1b: {  	s9 =	sadd.s32 $0xFFFFFEF7, lr;
	s5 =	simm.s32 $0xFFFFFFFF;
	p2 =	slt.u32 s8, $0xFFFFF086  }
0x1c: {  	p1 =	slt.u32 s9, $0xF7A;
	s5 =	simm.s32 @!p2 $0x0  }
0x1d: {  	s5 =	simm.s32 @p1 $0x1;
	p0 =	seq.s32 s7, s2  }
0x1e: {  	s7 =	smul.u32 @!p0 $0xF7A, s2;
	p2 =	seq.s32 @!p0 s5, $0x0  }
0x1f: {  	s9 =	smul.u32 $0xF7A, s1;
	s8 =	simm.s32 @!p0 $0x1BF5;
	p2 =	por !p2, p0  }
0x20: {  	[sflag:s8] =	ssyncset.s32 @!p0 $0xFFFFF086;
	s6 =	sadd.s32 @!p0 s3, s7;
	s7 =	simm.s32 @!p0 $0x108  }
0x21: {  	s3 =	sadd.s32 s3, s9;
	s6 =	sadd.s32 @!p0 $0x88, s6;
	s7 =	simm.s32 @p2 $0x1082  }
0x22: {  	[simem:s7], [sflag:s8] =	dma.local @!p0 [hbm:s6], $0xF7A  }
0x23: {  	s9 =	sor.u32 $0xD0000000, s2;
	s6 =	simm.s32 $0x108;
	_ =	swait.ge @!p0 [sflag:s8], $0x0  }
0x24: {  	s3 =	sadd.s32 $0x88, s3;
	s6 =	simm.s32 @!p1 $0x1082;
	[sflag:s4] =	ssyncset.s32 $0xFFFFF086  }
0x25: {  	[simem:s6], [sflag:s4] =	dma.local [hbm:s3], $0xF7A  }
0x26: {  	[smem:$0x3F8B] =	sst s1;
	(tag) =	ssettag s2;
	_ =	strace s9  }
0x27: {  	s1 =	sld [smem:$0x3F9B]  }
0x28: {  	s2 =	sld [smem:$0x3F9C]  }
0x29: {  	s4 =	sld [smem:$0x3F9E]  }
0x2a: {  	p0 =	seq.s32 s5, $0x0;
	s5 =	sld [smem:$0x3F9F]  }
0x2b: {  	s6 =	sld [smem:$0x3FA0]  }
0x2c: {  	s7 =	sld [smem:$0x3FA1]  }
0x2d: {  	s3 =	simm.s32 $0x108;
	s8 =	sld [smem:$0x3FA2]  }
0x2e: {  	s3 =	simm.s32 @!p0 $0x1082;
	s9 =	sld [smem:$0x3FA3]  }
0x2f: {  	lr =	sadd.s32 s0, s3;
	s0 =	sld [smem:$0x3F9A]  }
0x30: {  	s3 =	sld [smem:$0x3F9D]  }
0x31: {  	[smem:$0x3FA6] =	sst s10  }
0x32: {  	s10 =	sld [smem:$0x3FA4];
	_ =	sdelay $0x3  }
0x33: {  	p0 =	seq.s32 s10, $0x1;
	s10 =	sld [smem:$0x3FA6];
	_ =	sdelay $0x3  }
0x34: {  	[smem:$0x3FA6] =	sst s10  }
0x35: {  	s10 =	sld [smem:$0x3FA5];
	_ =	sdelay $0x3  }
0x36: {  	p1 =	seq.s32 s10, $0x1;
	s10 =	sld [smem:$0x3FA6];
	_ =	sdelay $0x3  }
0x37: {  	[smem:$0x3FA6] =	sst s10  }
0x38: {  	s10 =	sld [smem:$0x3FA7]  }
0x39: {  	_ = 	snop;
	(pc) =	sbr.ind lr, $3  }
0x3a: {  	_ = 	snop  }
0x3b: {  	_ = 	snop  }
0x3c: {  	p2 =	seq.s32 s10, $0x1;
	s10 =	sld [smem:$0x3FA6]  }
0x3d: {  	_ =	shalt  }
0x3e: {  	_ =	shalt  }
0x3f: {  	_ =	shalt  }
0x40: {  	_ =	shalt  }
0x41: {  	_ =	shalt  }
0x42: {  	_ =	shalt  }
0x43: {  	_ =	shalt  }
0x44: {  	_ =	shalt  }
0x45: {  	_ =	shalt  }
0x46: {  	_ =	shalt  }
0x47: {  	_ =	shalt  }
0x48: {  	_ =	shalt  }
0x49: {  	_ =	shalt  }
0x4a: {  	_ =	shalt  }
0x4b: {  	_ =	shalt  }
0x4c: {  	_ =	shalt  }
0x4d: {  	_ =	shalt  }
0x4e: {  	_ =	shalt  }
0x4f: {  	_ =	shalt  }
0x50: {  	_ =	shalt  }
0x51: {  	_ =	shalt  }
0x52: {  	_ =	shalt  }
0x53: {  	_ =	shalt  }
0x54: {  	_ =	shalt  }
0x55: {  	_ =	shalt  }
0x56: {  	_ =	shalt  }
0x57: {  	_ =	shalt  }
0x58: {  	_ =	shalt  }
0x59: {  	_ =	shalt  }
0x5a: {  	_ =	shalt  }
0x5b: {  	_ =	shalt  }
0x5c: {  	_ =	shalt  }
0x5d: {  	_ =	shalt  }
0x5e: {  	_ =	shalt  }
0x5f: {  	_ =	shalt  }
0x60: {  	_ =	shalt  }
0x61: {  	_ =	shalt  }
0x62: {  	_ =	shalt  }
0x63: {  	_ =	shalt  }
0x64: {  	_ =	shalt  }
0x65: {  	_ =	shalt  }
0x66: {  	_ =	shalt  }
0x67: {  	_ =	shalt  }
0x68: {  	_ =	shalt  }
0x69: {  	_ =	shalt  }
0x6a: {  	_ =	shalt  }
0x6b: {  	_ =	shalt  }
0x6c: {  	_ =	shalt  }
0x6d: {  	_ =	shalt  }
0x6e: {  	_ =	shalt  }
0x6f: {  	_ =	shalt  }
0x70: {  	_ =	shalt  }
0x71: {  	_ =	shalt  }
0x72: {  	_ =	shalt  }
0x73: {  	_ =	shalt  }
0x74: {  	_ =	shalt  }
0x75: {  	_ =	shalt  }
0x76: {  	_ =	shalt  }
0x77: {  	_ =	shalt  }
0x78: {  	_ =	shalt  }
0x79: {  	_ =	shalt  }
0x7a: {  	_ =	shalt  }
0x7b: {  	_ =	shalt  }
0x7c: {  	_ =	shalt  }
0x7d: {  	_ =	shalt  }
0x7e: {  	_ =	shalt  }
0x7f: {  	_ =	shalt  }
0x80: {  	_ =	shalt  }
0x81: {  	_ =	shalt  }
0x82: {  	_ =	shalt  }
0x83: {  	_ =	shalt  }
0x84: {  	_ =	shalt  }
0x85: {  	_ =	shalt  }
0x86: {  	_ =	shalt  }
0x87: {  	_ =	shalt  }
.Lfunc_end0:
.L_simem_size_0:
called_computation.4_lowered:
.L_overlay_start_0:
0x88: {  	s2 =	sld [smem:$0x3FD9]  }
0x89: {  	s3 =	sld [smem:$0x3FFE];
	_ =	sdelay $0x1  }
0x8a: {  	s1 =	srdreg.scid  }
0x8b: {  	s0 =	sand.u32 $0x1, s1  }
0x8c: {  	s16 =	sshll.u32 s0, $0xA;
	s2 =	sadd.s32 s3, s2  }
0x8d: {  	s2 =	sadd.s32 s2, s16  }
0x8e: {  	[smem:$0x3FB2] =	sst s2  }
0x8f: {  	_ = 	snop  }
0x90: {  	(tm) =	ssettm $0x1  }
0x91: {  	s17 =	sld [smem:$0x3FFB];
	_ =	sdelay $0x3  }
0x92: {  	_ =	strace s17  }
0x93: {  	s2 =	sld [smem:$0x3FFC];
	_ =	sdelay $0x3  }
0x94: {  	_ =	strace s2  }
0x95: {  	s2 =	sld [smem:$0x3FFD];
	_ =	sdelay $0x3  }
0x96: {  	_ =	strace s2  }
0x97: {  	_ =	strace $0x8FFFFFFF  }
0x98: {  	s18 =	sld [smem:$0x3FDB];
	_ =	sdelay $0x1  }
0x99: {  	s19 =	simm.s32 $_scs_section_size  }
0x9a: {  	s4 =	simm.s32 $_size__tile_overlayer_lowered;
	s5 =	simm.s32 $_tile_overlayer_lowered  }
0x9b: {  	s22 =	simm.s32 $0x1BFF;
	s21 =	sshll.u32 s5, $0x1;
	s2 =	sadd.s32 s19, s18  }
0x9c: {  	s6 =	simm.s32 $0x0;
	s20 =	sshll.u32 s4, $0x1;
	s4 =	sadd.s32 s21, s2  }
0x9d: {  	[timem:s6], [sflag:s22] =	dma.local [hbm:s4], s20  }
0x9e: {  	_ =	swait.ge [sflag:s22], s20  }
0x9f: {  	s3 =	ssub.s32 $0x0, s20;
	[sflag:s22] =	ssyncset.done $0x0  }
0xa0: {  	[sflag:s22] =	ssyncadd.s32 s3;
	_ =	sdelay $0x1  }
0xa1: {  	s23 =	simm.s32 $0x1B8B  }
0xa2: {  	_ =	swait.ge [sflag:s23], $0x1  }
0xa3: {  	[sflag:s23] =	ssyncset.done $0x0  }
0xa4: {  	s25 =	simm.s32 $0x1B8E;
	s24 =	sld [smem:$0x3FFE];
	[sflag:s23] =	ssyncadd.s32 $0xFFFFFFFF  }
0xa5: {  	s26 =	simm.s32 $execute0_lowered;
	[smem:$0x3FD2] =	sst s25  }
0xa6: {  	s4 =	sshll.u32 s26, $0x1;
	_ =	strace $0x80000052;
	[dreg:$0x1] =	wrdreg $0xFFFFFFFF  }
0xa7: {  	s28 =	simm.s32 $_size_execute0_lowered;
	s2 =	sadd.s32 s2, s4;
	[dreg:$0x0] =	wrdreg $0x0  }
0xa8: {  	s4 =	sshll.u32 s28, $0x1;
	[dreg:$0x2] =	wrdreg s2  }
0xa9: {  	[dreg:$0x3] =	wrdreg s4  }
0xaa: {  	[dreg:$0x4] =	wrdreg $0xC0  }
0xab: {  	_ =	task [dreg:s6], $0x5FFFF  }
0xac: {  	[dreg:$0x1] =	wrdreg $0xFFFFFFFF  }
0xad: {  	[dreg:$0x0] =	wrdreg $0x60  }
0xae: {  	[dreg:$0x2] =	wrdreg s24  }
0xaf: {  	[dreg:$0x3] =	wrdreg $0x9  }
0xb0: {  	_ =	task.clear_ibuf [dreg:s6], $0x4FFFF;
	_ =	strace $0x90000052  }
0xb1: {  	s29 =	simm.s32 $0x9;
	_ =	strace $0x80000054  }
0xb2: {  	_ =	swait.ge [sflag:s29], $0x1  }
0xb3: {  	[sflag:s29] =	ssyncadd.s32 $0xFFFFFFFF  }
0xb4: {  	_ =	strace $0x90000054  }
0xb5: {  	_ =	sfence  }
0xb6: {  	s30 =	sld [smem:$0x0];
	_ =	sdelay $0x2  }
0xb7: {  	s31 =	sshll.u32 s1, $0xD;
	s1 =	sshrl.u32 s1, $0x2  }
0xb8: {  	s3 =	sand.u32 $0x4000, s31;
	s1 =	sadd.s32 s1, s30  }
0xb9: {  	s0 =	sor.u32 s3, s0;
	s1 =	sshll.u32 s1, $0x11  }
0xba: {  	s0 =	sor.u32 s1, s0  }
0xbb: {  	s0 =	sadd.s32 $0x8F2B, s0  }
0xbc: {  	[sflag:s0] =	ssyncadd.remote.s32 $0x1  }
0xbd: {  	_ =	sfence.sel $0xFFFF  }
0xbe: {  	[dreg:$0x0] =	wrdreg $0xFFFFFFFF;
	(pc) =	sbr.abs _section_cstart, $3  }
0xbf: {  	[dreg:$0x1] =	wrdreg $0xFFFFFFFF  }
0xc0: {  	_ =	task.clear_ibuf [dreg:s6], $0x2FFFF;
	_ =	strace $0x9FFFFFFF  }
0xc1: {  	(tm) =	ssettm $0x7FFFFFFF  }
tec
execute0_lowered:
.L_overlay_start_1:
0x0: {  	(tag) =	ssettag $0x1  }
0x1: {  	s0 =	srdreg.scid  }
0x2: {  	s1 =	stileid.u32;
	s4 =	rddreg [dreg:$0x0]  }
0x3: {  	s2 =	simm.s32 $0x0;
	s7 =	simm.s32 $0x2;
	s8 =	simm.s32 $0x28  }
0x4: {  	s9 =	simm.s32 $0x1388;
	s31 =	simm.s32 $0x2F08;
	s10 =	simm.s32 $0x208  }
0x5: {  	s11 =	simm.s32 $0x3408;
	s12 =	simm.s32 $0x230;
	s13 =	simm.s32 $0x3688  }
0x6: {  	s14 =	simm.s32 $0x258;
	s15 =	simm.s32 $0x3908;
	s16 =	simm.s32 $0x280  }
0x7: {  	s17 =	simm.s32 $0x3B88;
	s18 =	simm.s32 $0x2A8;
	s19 =	simm.s32 $0x3E08  }
0x8: {  	s20 =	simm.s32 $0x2D0;
	s21 =	simm.s32 $0x4088;
	s22 =	simm.s32 $0x2F8  }
0x9: {  	s23 =	simm.s32 $0x4308;
	s0 =	sand.u32 $0x1, s0;
	s1 =	sshll.u32 s1, $0x1  }
0xa: {  	s24 =	simm.s32 $0x1;
	s25 =	simm.s32 $0x0;
	s1 =	sor.u32 s0, s1  }
0xb: {  	[smem:$0x7FF] =	sst s2;
	s0 =	ssub.s32 $0x2, s0;
	s5 =	smul.u32 $0x271, s1  }
0xc: {  	s3 =	sadd.s32 $0x64800, s4;
	s1 =	smul.u32 $0x2710, s1;
	s6 =	sshrl.u32 s0, $0x1  }
0xd: {  	_ =	strace $0x80000053;
	s0 =	ssub.s32 s0, s6;
	s5 =	sadd.s32 s5, s4  }
0xe: {  	s1 =	sadd.s32 s1, s4;
	s6 =	smax.u32 s0, $0x1;
	s0 =	simm.s32 $0x3188  }
0xf: {  	s4 =	sadd.s32 $0xC600, s5;
	s5 =	sadd.s32 $0xA8800, s1;
	s1 =	simm.s32 $0x1E0  }
.LBB2_1:
0x10: {  	[tilespmem:s2], [sflag:$0x2] =	stream.linear.gather [hbm4b:s4+s2], $0x1388, $0x38;
	[tilespmem:$0x14C08] =	vst v63  }
0x11: {  	_ =	swait.ge [sflag:s7], $0x1388  }
0x12: {  	[sflag:s7] =	ssyncset.done $0x0  }
0x13: {  	[sflag:s7] =	ssyncadd.s32 $0xFFFFEC78  }
0x14: {  	[tilespmem:s9], [sflag:$0x1] =	stream.indirect.gather [hbm4b:s3+s8], $0x10, s2, s8, $0xb8;
	[tilespmem:$0x14C08] =	vst v63  }
0x15: {  	s26 =	simm.s32 $0x1608  }
0x16: {  	[tilespmem:s26], [sflag:$0x1] =	stream.indirect.gather [hbm4b:s3+s8], $0x10, s8, s8, $0xb8;
	[tilespmem:$0x14C08] =	vst v63  }
0x17: {  	s30 =	simm.s32 $0x50;
	s28 =	simm.s32 $0x1888  }
0x18: {  	[tilespmem:s28], [sflag:$0x1] =	stream.indirect.gather [hbm4b:s3+s8], $0x10, s30, s8, $0xb8;
	[tilespmem:$0x14C08] =	vst v63  }
0x19: {  	s30 =	simm.s32 $0x78;
	s28 =	simm.s32 $0x1B08  }
0x1a: {  	[tilespmem:s28], [sflag:$0x1] =	stream.indirect.gather [hbm4b:s3+s8], $0x10, s30, s8, $0xb8;
	[tilespmem:$0x14C08] =	vst v63  }
0x1b: {  	s30 =	simm.s32 $0xA0;
	s28 =	simm.s32 $0x1D88  }
0x1c: {  	[tilespmem:s28], [sflag:$0x1] =	stream.indirect.gather [hbm4b:s3+s8], $0x10, s30, s8, $0xb8;
	[tilespmem:$0x14C08] =	vst v63  }
0x1d: {  	s30 =	simm.s32 $0xC8;
	s28 =	simm.s32 $0x2008  }
0x1e: {  	[tilespmem:s28], [sflag:$0x1] =	stream.indirect.gather [hbm4b:s3+s8], $0x10, s30, s8, $0xb8;
	[tilespmem:$0x14C08] =	vst v63  }
0x1f: {  	s30 =	simm.s32 $0xF0;
	s28 =	simm.s32 $0x2288  }
0x20: {  	[tilespmem:s28], [sflag:$0x1] =	stream.indirect.gather [hbm4b:s3+s8], $0x10, s30, s8, $0xb8;
	[tilespmem:$0x14C08] =	vst v63  }
0x21: {  	s30 =	simm.s32 $0x118;
	s28 =	simm.s32 $0x2508  }
0x22: {  	[tilespmem:s28], [sflag:$0x1] =	stream.indirect.gather [hbm4b:s3+s8], $0x10, s30, s8, $0xb8;
	[tilespmem:$0x14C08] =	vst v63  }
0x23: {  	s30 =	simm.s32 $0x140;
	s28 =	simm.s32 $0x2788  }
0x24: {  	[tilespmem:s28], [sflag:$0x1] =	stream.indirect.gather [hbm4b:s3+s8], $0x10, s30, s8, $0xb8;
	[tilespmem:$0x14C08] =	vst v63  }
0x25: {  	s30 =	simm.s32 $0x168;
	s28 =	simm.s32 $0x2A08  }
0x26: {  	[tilespmem:s28], [sflag:$0x1] =	stream.indirect.gather [hbm4b:s3+s8], $0x10, s30, s8, $0xb8;
	[tilespmem:$0x14C08] =	vst v63  }
0x27: {  	s30 =	simm.s32 $0x190;
	s28 =	simm.s32 $0x2C88  }
0x28: {  	[tilespmem:s28], [sflag:$0x1] =	stream.indirect.gather [hbm4b:s3+s8], $0x10, s30, s8, $0xb8;
	[tilespmem:$0x14C08] =	vst v63  }
0x29: {  	s30 =	simm.s32 $0x1B8  }
0x2a: {  	[tilespmem:s31], [sflag:$0x1] =	stream.indirect.gather [hbm4b:s3+s8], $0x10, s30, s8, $0xb8;
	[tilespmem:$0x14C08] =	vst v63  }
0x2b: {  	_ = 	snop  }
0x2c: {  	[tilespmem:s0], [sflag:$0x1] =	stream.indirect.gather [hbm4b:s3+s8], $0x10, s1, s8, $0xb8;
	[tilespmem:$0x14C08] =	vst v63  }
0x2d: {  	_ = 	snop  }
0x2e: {  	[tilespmem:s11], [sflag:$0x1] =	stream.indirect.gather [hbm4b:s3+s8], $0x10, s10, s8, $0xb8;
	[tilespmem:$0x14C08] =	vst v63  }
0x2f: {  	_ = 	snop  }
0x30: {  	[tilespmem:s13], [sflag:$0x1] =	stream.indirect.gather [hbm4b:s3+s8], $0x10, s12, s8, $0xb8;
	[tilespmem:$0x14C08] =	vst v63  }
0x31: {  	_ = 	snop  }
0x32: {  	[tilespmem:s15], [sflag:$0x1] =	stream.indirect.gather [hbm4b:s3+s8], $0x10, s14, s8, $0xb8;
	[tilespmem:$0x14C08] =	vst v63  }
0x33: {  	_ = 	snop  }
0x34: {  	[tilespmem:s17], [sflag:$0x1] =	stream.indirect.gather [hbm4b:s3+s8], $0x10, s16, s8, $0xb8;
	[tilespmem:$0x14C08] =	vst v63  }
0x35: {  	_ = 	snop  }
0x36: {  	[tilespmem:s19], [sflag:$0x1] =	stream.indirect.gather [hbm4b:s3+s8], $0x10, s18, s8, $0xb8;
	[tilespmem:$0x14C08] =	vst v63  }
0x37: {  	_ = 	snop  }
0x38: {  	[tilespmem:s21], [sflag:$0x1] =	stream.indirect.gather [hbm4b:s3+s8], $0x10, s20, s8, $0xb8;
	[tilespmem:$0x14C08] =	vst v63  }
0x39: {  	p0 =	por $0x0, $0x0  }
0x3a: {  	[tilespmem:s23], [sflag:$0x1] =	stream.indirect.gather [hbm4b:s3+s8], $0x10, s22, s8, $0xb8;
	[tilespmem:$0x14C08] =	vst v63  }
0x3b: {  	s29 =	simm.s32 @!p0 $0x28;
	s26 =	simm.s32 $0x4588;
	s28 =	simm.s32 $0x320  }
0x3c: {  	[tilespmem:s26], [sflag:$0x1] =	stream.indirect.gather @!p0 [hbm4b:s3+s29], $0x10, s28, s29, $0xb8;
	[tilespmem:$0x14C08] =	vst v63  }
0x3d: {  	_ =	swait.ge [sflag:s24], $0x280  }
0x3e: {  	s28 =	simm.s32 $0x1;
	s29 =	simm.s32 $0x348;
	[sflag:s24] =	ssyncset.done $0x0  }
.LBB2_2:
0x3f: {  	s30 =	smov.u32 s28;
	s28 =	sadd.s32 $0x1, s28  }
0x40: {  	[sflag:s24] =	ssyncadd.s32 $0xFFFFFD80;
	s26 =	sadd.s32 $0x280, s26;
	p1 =	sne.s32 s28, $0x7D  }
.Ltmp0:
0x41: {  	p0 =	sgt.u32 s30, $0x68;
	(pc) =	sbr.rel @p1 .LBB2_2-.Ltmp0, $4  }
0x42: {  	s30 =	simm.s32 @!p0 $0x28  }
0x43: {  	[tilespmem:s26], [sflag:$0x1] =	stream.indirect.gather @!p0 [hbm4b:s3+s30], $0x10, s29, s30, $0xb8;
	[tilespmem:$0x14C08] =	vst v63  }
0x44: {  	_ =	swait.ge [sflag:s24], $0x280  }
0x45: {  	s29 =	sadd.s32 $0x28, s29;
	[sflag:s24] =	ssyncset.done $0x0  }
0x46: {  	s25 =	sadd.s32 $0x1, s25  }
0x47: {  	p0 =	sne.s32 s25, s6  }
.Ltmp1:
0x48: {  	[sflag:s24] =	ssyncadd.s32 $0xFFFFFD80;
	(pc) =	sbr.rel @p0 .LBB2_1-.Ltmp1, $4  }
0x49: {  	[hbm4b:s5+s2] =	stream.linear.scatter [tilespmem:s9], [sflag:$0x2], $0x13880, $0x38;
	[tilespmem:$0x14C08] =	vst v63  }
0x4a: {  	_ =	swait.ge [sflag:s7], $0x13880  }
0x4b: {  	[sflag:s7] =	ssyncset.done $0x0  }
0x4c: {  	[sflag:s7] =	ssyncadd.s32 $0xFFFEC780  }
0x4d: {  	_ =	sfence.sel $0x180000  }
0x4e: {  	[bflag:$0x0] =	sbarrier.arrive $0xFFFF  }
0x4f: {  	_ =	strace $0x90000053  }
0x50: {  	s0 =	stileid.u32;
	[bflag:$0x2] =	sbarrier.arrive $0xFFFF  }
0x51: {  	p0 =	sne.s32 s0, $0x0;
	s0 =	rddreg [dreg:$0x1]  }
0x52: {  	s0 =	sadd.s32 @!p0 $0x100000, s0  }
0x53: {  	[sflag:s0] =	ssyncadd.tile.s32 @!p0 $0x1;
	_ =	shalt  }
.Lfunc_end2:
_tile_overlayer_lowered:
.L_overlay_start_2:
0x54: {  	(tag) =	ssettag $0x2  }
0x55: {  	s0 =	rddreg [dreg:$0x0];
	s2 =	stileid.u32  }
0x56: {  	s1 =	rddreg [dreg:$0x1];
	p0 =	sne.s32 s2, $0x0  }
0x57: {  	s3 =	rddreg [dreg:$0x2];
	[bflag:$0x3] =	sbarrier.arrive $0xFFFF;
	s2 =	simm.s32 @!p0 $0x1C02  }
0x58: {  	[timem:s3], [sflag:s2] =	dma.local @!p0 [hbm:s0], s1  }
0x59: {  	s0 =	simm.s32 @!p0 $0x2  }
0x5a: {  	_ =	swait.ge @!p0 [sflag:s0], s1  }
0x5b: {  	s1 =	ssub.s32 @!p0 $0x0, s1;
	[sflag:s0] =	ssyncset.done @!p0 $0x0  }
0x5c: {  	[sflag:s0] =	ssyncadd.s32 @!p0 s1  }
0x5d: {  	[bflag:$0x3] =	sbarrier.arrive $0xFFFF  }
0x5e: {  	_ =	shalt  }

// kernel: kernel.30.cloned.1.call-start
scs
__scs_entry_jumppad:
0x0: {  	(pc) =	sbr.rel $0x88, $3  }
0x1: {  	(tag) =	ssettag $0x0;
	lr =	simm.s32 $0x1  }
0x2: {  	[smem:$0x3F8B] =	sst lr;
	_ =	strace $0xD0000000  }
0x3: {  	_ = 	snop  }
0x4: {  	_ = 	snop  }
0x5: {  	_ = 	snop  }
0x6: {  	_ = 	snop  }
0x7: {  	_ = 	snop  }
__scs_overlays_trampoline_lowered:
0x8: {  	[smem:$0x3F9A] =	sst s0  }
0x9: {  	[smem:$0x3F9B] =	sst s1  }
0xa: {  	[smem:$0x3F9C] =	sst s2  }
0xb: {  	[smem:$0x3F9D] =	sst s3  }
0xc: {  	[smem:$0x3F9E] =	sst s4  }
0xd: {  	[smem:$0x3F9F] =	sst s5  }
0xe: {  	[smem:$0x3FA0] =	sst s6  }
0xf: {  	[smem:$0x3FA1] =	sst s7  }
0x10: {  	[smem:$0x3FA2] =	sst s8  }
0x11: {  	[smem:$0x3FA3] =	sst s9;
	s0 =	simm.s32 @!p0 $0x0  }
0x12: {  	s1 =	sld [smem:$0x3F89];
	s0 =	simm.s32 @p0 $0x1  }
0x13: {  	[smem:$0x3FA4] =	sst s0;
	s0 =	simm.s32 @!p1 $0x0  }
0x14: {  	s2 =	sld [smem:$0x3F88];
	s0 =	simm.s32 @p1 $0x1  }
0x15: {  	[smem:$0x3FA5] =	sst s0;
	s0 =	simm.s32 @!p2 $0x0  }
0x16: {  	s3 =	sld [smem:$0x3FDB];
	s0 =	simm.s32 @p2 $0x1  }
0x17: {  	s4 =	simm.s32 $0x1BF5;
	[smem:$0x3FA7] =	sst s0  }
0x18: {  	s0 =	sld [smem:$0x3F8A];
	_ =	swait.ge [sflag:s4], $0x0  }
0x19: {  	s7 =	sld [smem:$0x3F8B]  }
0x1a: {  	s8 =	sadd.s32 $0xFFFFE003, lr  }
0x1b: {  	s9 =	sadd.s32 $0xFFFFFEF7, lr;
	s5 =	simm.s32 $0xFFFFFFFF;
	p2 =	slt.u32 s8, $0xFFFFF086  }
0x1c: {  	p1 =	slt.u32 s9, $0xF7A;
	s5 =	simm.s32 @!p2 $0x0  }
0x1d: {  	s5 =	simm.s32 @p1 $0x1;
	p0 =	seq.s32 s7, s2  }
0x1e: {  	s7 =	smul.u32 @!p0 $0xF7A, s2;
	p2 =	seq.s32 @!p0 s5, $0x0  }
0x1f: {  	s9 =	smul.u32 $0xF7A, s1;
	s8 =	simm.s32 @!p0 $0x1BF5;
	p2 =	por !p2, p0  }
0x20: {  	[sflag:s8] =	ssyncset.s32 @!p0 $0xFFFFF086;
	s6 =	sadd.s32 @!p0 s3, s7;
	s7 =	simm.s32 @!p0 $0x108  }
0x21: {  	s3 =	sadd.s32 s3, s9;
	s6 =	sadd.s32 @!p0 $0x88, s6;
	s7 =	simm.s32 @p2 $0x1082  }
0x22: {  	[simem:s7], [sflag:s8] =	dma.local @!p0 [hbm:s6], $0xF7A  }
0x23: {  	s9 =	sor.u32 $0xD0000000, s2;
	s6 =	simm.s32 $0x108;
	_ =	swait.ge @!p0 [sflag:s8], $0x0  }
0x24: {  	s3 =	sadd.s32 $0x88, s3;
	s6 =	simm.s32 @!p1 $0x1082;
	[sflag:s4] =	ssyncset.s32 $0xFFFFF086  }
0x25: {  	[simem:s6], [sflag:s4] =	dma.local [hbm:s3], $0xF7A  }
0x26: {  	[smem:$0x3F8B] =	sst s1;
	(tag) =	ssettag s2;
	_ =	strace s9  }
0x27: {  	s1 =	sld [smem:$0x3F9B]  }
0x28: {  	s2 =	sld [smem:$0x3F9C]  }
0x29: {  	s4 =	sld [smem:$0x3F9E]  }
0x2a: {  	p0 =	seq.s32 s5, $0x0;
	s5 =	sld [smem:$0x3F9F]  }
0x2b: {  	s6 =	sld [smem:$0x3FA0]  }
0x2c: {  	s7 =	sld [smem:$0x3FA1]  }
0x2d: {  	s3 =	simm.s32 $0x108;
	s8 =	sld [smem:$0x3FA2]  }
0x2e: {  	s3 =	simm.s32 @!p0 $0x1082;
	s9 =	sld [smem:$0x3FA3]  }
0x2f: {  	lr =	sadd.s32 s0, s3;
	s0 =	sld [smem:$0x3F9A]  }
0x30: {  	s3 =	sld [smem:$0x3F9D]  }
0x31: {  	[smem:$0x3FA6] =	sst s10  }
0x32: {  	s10 =	sld [smem:$0x3FA4];
	_ =	sdelay $0x3  }
0x33: {  	p0 =	seq.s32 s10, $0x1;
	s10 =	sld [smem:$0x3FA6];
	_ =	sdelay $0x3  }
0x34: {  	[smem:$0x3FA6] =	sst s10  }
0x35: {  	s10 =	sld [smem:$0x3FA5];
	_ =	sdelay $0x3  }
0x36: {  	p1 =	seq.s32 s10, $0x1;
	s10 =	sld [smem:$0x3FA6];
	_ =	sdelay $0x3  }
0x37: {  	[smem:$0x3FA6] =	sst s10  }
0x38: {  	s10 =	sld [smem:$0x3FA7]  }
0x39: {  	_ = 	snop;
	(pc) =	sbr.ind lr, $3  }
0x3a: {  	_ = 	snop  }
0x3b: {  	_ = 	snop  }
0x3c: {  	p2 =	seq.s32 s10, $0x1;
	s10 =	sld [smem:$0x3FA6]  }
0x3d: {  	_ =	shalt  }
0x3e: {  	_ =	shalt  }
0x3f: {  	_ =	shalt  }
0x40: {  	_ =	shalt  }
0x41: {  	_ =	shalt  }
0x42: {  	_ =	shalt  }
0x43: {  	_ =	shalt  }
0x44: {  	_ =	shalt  }
0x45: {  	_ =	shalt  }
0x46: {  	_ =	shalt  }
0x47: {  	_ =	shalt  }
0x48: {  	_ =	shalt  }
0x49: {  	_ =	shalt  }
0x4a: {  	_ =	shalt  }
0x4b: {  	_ =	shalt  }
0x4c: {  	_ =	shalt  }
0x4d: {  	_ =	shalt  }
0x4e: {  	_ =	shalt  }
0x4f: {  	_ =	shalt  }
0x50: {  	_ =	shalt  }
0x51: {  	_ =	shalt  }
0x52: {  	_ =	shalt  }
0x53: {  	_ =	shalt  }
0x54: {  	_ =	shalt  }
0x55: {  	_ =	shalt  }
0x56: {  	_ =	shalt  }
0x57: {  	_ =	shalt  }
0x58: {  	_ =	shalt  }
0x59: {  	_ =	shalt  }
0x5a: {  	_ =	shalt  }
0x5b: {  	_ =	shalt  }
0x5c: {  	_ =	shalt  }
0x5d: {  	_ =	shalt  }
0x5e: {  	_ =	shalt  }
0x5f: {  	_ =	shalt  }
0x60: {  	_ =	shalt  }
0x61: {  	_ =	shalt  }
0x62: {  	_ =	shalt  }
0x63: {  	_ =	shalt  }
0x64: {  	_ =	shalt  }
0x65: {  	_ =	shalt  }
0x66: {  	_ =	shalt  }
0x67: {  	_ =	shalt  }
0x68: {  	_ =	shalt  }
0x69: {  	_ =	shalt  }
0x6a: {  	_ =	shalt  }
0x6b: {  	_ =	shalt  }
0x6c: {  	_ =	shalt  }
0x6d: {  	_ =	shalt  }
0x6e: {  	_ =	shalt  }
0x6f: {  	_ =	shalt  }
0x70: {  	_ =	shalt  }
0x71: {  	_ =	shalt  }
0x72: {  	_ =	shalt  }
0x73: {  	_ =	shalt  }
0x74: {  	_ =	shalt  }
0x75: {  	_ =	shalt  }
0x76: {  	_ =	shalt  }
0x77: {  	_ =	shalt  }
0x78: {  	_ =	shalt  }
0x79: {  	_ =	shalt  }
0x7a: {  	_ =	shalt  }
0x7b: {  	_ =	shalt  }
0x7c: {  	_ =	shalt  }
0x7d: {  	_ =	shalt  }
0x7e: {  	_ =	shalt  }
0x7f: {  	_ =	shalt  }
0x80: {  	_ =	shalt  }
0x81: {  	_ =	shalt  }
0x82: {  	_ =	shalt  }
0x83: {  	_ =	shalt  }
0x84: {  	_ =	shalt  }
0x85: {  	_ =	shalt  }
0x86: {  	_ =	shalt  }
0x87: {  	_ =	shalt  }
.Lfunc_end0:
.L_simem_size_0:
called_computation.5_lowered:
.L_overlay_start_0:
0x88: {  	s2 =	sld [smem:$0x3FD9]  }
0x89: {  	s3 =	sld [smem:$0x3FFE];
	_ =	sdelay $0x1  }
0x8a: {  	s1 =	srdreg.scid  }
0x8b: {  	s0 =	sand.u32 $0x1, s1  }
0x8c: {  	s16 =	sshll.u32 s0, $0xA;
	s2 =	sadd.s32 s3, s2  }
0x8d: {  	s2 =	sadd.s32 s2, s16  }
0x8e: {  	[smem:$0x3FB2] =	sst s2  }
0x8f: {  	_ = 	snop  }
0x90: {  	(tm) =	ssettm $0x1  }
0x91: {  	s17 =	sld [smem:$0x3FFB];
	_ =	sdelay $0x3  }
0x92: {  	_ =	strace s17  }
0x93: {  	s2 =	sld [smem:$0x3FFC];
	_ =	sdelay $0x3  }
0x94: {  	_ =	strace s2  }
0x95: {  	s2 =	sld [smem:$0x3FFD];
	_ =	sdelay $0x3  }
0x96: {  	_ =	strace s2  }
0x97: {  	_ =	strace $0x8FFFFFFF  }
0x98: {  	s18 =	sld [smem:$0x3FDB];
	_ =	sdelay $0x1  }
0x99: {  	s19 =	simm.s32 $_scs_section_size  }
0x9a: {  	s4 =	simm.s32 $_size__tile_overlayer_lowered;
	s5 =	simm.s32 $_tile_overlayer_lowered  }
0x9b: {  	s22 =	simm.s32 $0x1BFF;
	s21 =	sshll.u32 s5, $0x1;
	s2 =	sadd.s32 s19, s18  }
0x9c: {  	s6 =	simm.s32 $0x0;
	s20 =	sshll.u32 s4, $0x1;
	s4 =	sadd.s32 s21, s2  }
0x9d: {  	[timem:s6], [sflag:s22] =	dma.local [hbm:s4], s20  }
0x9e: {  	_ =	swait.ge [sflag:s22], s20  }
0x9f: {  	s3 =	ssub.s32 $0x0, s20;
	[sflag:s22] =	ssyncset.done $0x0  }
0xa0: {  	[sflag:s22] =	ssyncadd.s32 s3;
	_ =	sdelay $0x1  }
0xa1: {  	s23 =	simm.s32 $0x1B8B  }
0xa2: {  	_ =	swait.ge [sflag:s23], $0x1  }
0xa3: {  	[sflag:s23] =	ssyncset.done $0x0  }
0xa4: {  	s25 =	simm.s32 $0x1B8E;
	s24 =	sld [smem:$0x3FFE];
	[sflag:s23] =	ssyncadd.s32 $0xFFFFFFFF  }
0xa5: {  	s26 =	simm.s32 $execute0_lowered;
	[smem:$0x3FD2] =	sst s25  }
0xa6: {  	s4 =	sshll.u32 s26, $0x1;
	_ =	strace $0x80000055;
	[dreg:$0x1] =	wrdreg $0xFFFFFFFF  }
0xa7: {  	s28 =	simm.s32 $_size_execute0_lowered;
	s2 =	sadd.s32 s2, s4;
	[dreg:$0x0] =	wrdreg $0x0  }
0xa8: {  	s4 =	sshll.u32 s28, $0x1;
	[dreg:$0x2] =	wrdreg s2  }
0xa9: {  	[dreg:$0x3] =	wrdreg s4  }
0xaa: {  	[dreg:$0x4] =	wrdreg $0xC0  }
0xab: {  	_ =	task [dreg:s6], $0x5FFFF  }
0xac: {  	[dreg:$0x1] =	wrdreg $0xFFFFFFFF  }
0xad: {  	[dreg:$0x0] =	wrdreg $0x60  }
0xae: {  	[dreg:$0x2] =	wrdreg s24  }
0xaf: {  	[dreg:$0x3] =	wrdreg $0x14C080  }
0xb0: {  	[dreg:$0x4] =	wrdreg $0x9  }
0xb1: {  	_ =	task.clear_ibuf [dreg:s6], $0x5FFFF;
	_ =	strace $0x90000055  }
0xb2: {  	s29 =	simm.s32 $0x9;
	_ =	strace $0x80000057  }
0xb3: {  	_ =	swait.ge [sflag:s29], $0x1  }
0xb4: {  	[sflag:s29] =	ssyncadd.s32 $0xFFFFFFFF  }
0xb5: {  	_ =	strace $0x90000057  }
0xb6: {  	_ =	sfence  }
0xb7: {  	s30 =	sld [smem:$0x0];
	_ =	sdelay $0x2  }
0xb8: {  	s31 =	sshll.u32 s1, $0xD;
	s1 =	sshrl.u32 s1, $0x2  }
0xb9: {  	s3 =	sand.u32 $0x4000, s31;
	s1 =	sadd.s32 s1, s30  }
0xba: {  	s0 =	sor.u32 s3, s0;
	s1 =	sshll.u32 s1, $0x11  }
0xbb: {  	s0 =	sor.u32 s1, s0  }
0xbc: {  	s0 =	sadd.s32 $0x8F2B, s0  }
0xbd: {  	[sflag:s0] =	ssyncadd.remote.s32 $0x1  }
0xbe: {  	_ =	sfence.sel $0xFFFF  }
0xbf: {  	[dreg:$0x0] =	wrdreg $0xFFFFFFFF;
	(pc) =	sbr.abs _section_cstart, $3  }
0xc0: {  	[dreg:$0x1] =	wrdreg $0xFFFFFFFF  }
0xc1: {  	_ =	task.clear_ibuf [dreg:s6], $0x2FFFF;
	_ =	strace $0x9FFFFFFF  }
0xc2: {  	(tm) =	ssettm $0x7FFFFFFF  }
0xc3: {  	_ =	shalt  }
tec
execute0_lowered:
.L_overlay_start_1:
0x0: {  	(tag) =	ssettag $0x1  }
0x1: {  	s0 =	srdreg.scid  }
0x2: {  	s12 =	stileid.u32;
	s4 =	rddreg [dreg:$0x0]  }
0x3: {  	s2 =	rddreg [dreg:$0x1];
	s3 =	simm.s32 $0x0;
	s13 =	simm.s32 $0x28  }
0x4: {  	s19 =	simm.s32 $0x3408;
	s20 =	simm.s32 $0x230;
	s21 =	simm.s32 $0x3688  }
0x5: {  	s22 =	simm.s32 $0x258;
	s23 =	simm.s32 $0x3908;
	s28 =	simm.s32 $0x3E08  }
0x6: {  	s29 =	simm.s32 $0x2D0;
	s30 =	simm.s32 $0x4088;
	s31 =	simm.s32 $0x2F8  }
0x7: {  	s14 =	simm.s32 $0x0;
	s0 =	sand.u32 $0x1, s0;
	s1 =	sshll.u32 s12, $0x1  }
0x8: {  	s6 =	smul.u32 $0x2710, s12;
	[smem:$0x7FF] =	sst s3;
	s26 =	sshll.u32 s12, $0x6  }
0x9: {  	s12 =	simm.s32 $0x1388;
	s1 =	sor.u32 s0, s1;
	s7 =	smul.u32 $0x27100, s0  }
0xa: {  	_ =	strace $0x80000056;
	s0 =	ssub.s32 $0x2, s0;
	s5 =	smul.u32 $0x2710, s1  }
0xb: {  	s1 =	smul.u32 $0x271, s1;
	s25 =	sshrl.u32 s6, $0x3;
	s9 =	sshrl.u32 s0, $0x1  }
0xc: {  	s11 =	sadd.s32 s6, s2;
	s24 =	sadd.s32 s6, s7;
	s7 =	sadd.s32 s25, s4  }
0xd: {  	s0 =	ssub.s32 s0, s9;
	s25 =	simm.s32 $0x3B88;
	s8 =	sadd.s32 s5, s4  }
0xe: {  	s1 =	sadd.s32 s1, s4;
	s5 =	sshrl.u32 s24, $0x3;
	s9 =	smax.u32 s0, $0x1  }
0xf: {  	s24 =	simm.s32 $0x280;
	s0 =	simm.s32 $0x1;
	s10 =	sadd.s32 s5, s4  }
0x10: {  	s4 =	sadd.s32 $0x7600, s7;
	s5 =	sor.u32 $0x1C02, s26;
	s6 =	sadd.s32 $0x11600, s1  }
0x11: {  	s7 =	sadd.s32 $0x64800, s8;
	s26 =	simm.s32 $0x2A8;
	s1 =	simm.s32 $0x4308  }
0x12: {  	s8 =	sadd.s32 $0xB2A00, s10;
	s10 =	sshrl.u32 s11, $0x3;
	s11 =	simm.s32 $0x2  }
.LBB2_1:
0x13: {  	[spmem:s10], [sflag:s5] =	dma.local [hbm:s4], $0x4E2  }
0x14: {  	_ =	swait.ge [sflag:s11], $0x4E2  }
0x15: {  	[sflag:s11] =	ssyncset.done $0x0  }
0x16: {  	[sflag:s11] =	ssyncadd.s32 $0xFFFFFB1E  }
0x17: {  	[tilespmem:s3], [sflag:$0x2] =	stream.linear.gather [hbm4b:s6+s3], $0x1388, $0x38;
	[tilespmem:$0x17318] =	vst v63  }
0x18: {  	_ =	swait.ge [sflag:s11], $0x1388  }
0x19: {  	[sflag:s11] =	ssyncset.done $0x0  }
0x1a: {  	[sflag:s11] =	ssyncadd.s32 $0xFFFFEC78  }
0x1b: {  	[tilespmem:s12], [sflag:$0x2] =	stream.linear.gather [hbm4b:s7+s3], $0x13880, $0x38;
	[tilespmem:$0x17318] =	vst v63  }
0x1c: {  	_ =	swait.ge [sflag:s11], $0x13880  }
0x1d: {  	[sflag:s11] =	ssyncset.done $0x0  }
0x1e: {  	[sflag:s11] =	ssyncadd.s32 $0xFFFEC780  }
0x1f: {  	[bflag:$0x0] =	sbarrier.arrive $0xFFFF  }
0x20: {  	[spmem:s2] =	stream.indirect.scatter.add.f32 [tilespmem:s12], [sflag:$0x1], $0x10, s3, s13, $0xb8;
	[tilespmem:$0x17318] =	vst v63  }
0x21: {  	s15 =	simm.s32 $0x1608  }
0x22: {  	[spmem:s2] =	stream.indirect.scatter.add.f32 [tilespmem:s15], [sflag:$0x1], $0x10, s13, s13, $0xb8;
	[tilespmem:$0x17318] =	vst v63  }
0x23: {  	s18 =	simm.s32 $0x50;
	s16 =	simm.s32 $0x1888  }
0x24: {  	[spmem:s2] =	stream.indirect.scatter.add.f32 [tilespmem:s16], [sflag:$0x1], $0x10, s18, s13, $0xb8;
	[tilespmem:$0x17318] =	vst v63  }
0x25: {  	s17 =	simm.s32 $0x78;
	s18 =	simm.s32 $0x1B08  }
0x26: {  	[spmem:s2] =	stream.indirect.scatter.add.f32 [tilespmem:s18], [sflag:$0x1], $0x10, s17, s13, $0xb8;
	[tilespmem:$0x17318] =	vst v63  }
0x27: {  	s17 =	simm.s32 $0xA0;
	s18 =	simm.s32 $0x1D88  }
0x28: {  	[spmem:s2] =	stream.indirect.scatter.add.f32 [tilespmem:s18], [sflag:$0x1], $0x10, s17, s13, $0xb8;
	[tilespmem:$0x17318] =	vst v63  }
0x29: {  	s17 =	simm.s32 $0xC8;
	s18 =	simm.s32 $0x2008  }
0x2a: {  	[spmem:s2] =	stream.indirect.scatter.add.f32 [tilespmem:s18], [sflag:$0x1], $0x10, s17, s13, $0xb8;
	[tilespmem:$0x17318] =	vst v63  }
0x2b: {  	s17 =	simm.s32 $0xF0;
	s18 =	simm.s32 $0x2288  }
0x2c: {  	[spmem:s2] =	stream.indirect.scatter.add.f32 [tilespmem:s18], [sflag:$0x1], $0x10, s17, s13, $0xb8;
	[tilespmem:$0x17318] =	vst v63  }
0x2d: {  	s17 =	simm.s32 $0x118;
	s18 =	simm.s32 $0x2508  }
0x2e: {  	[spmem:s2] =	stream.indirect.scatter.add.f32 [tilespmem:s18], [sflag:$0x1], $0x10, s17, s13, $0xb8;
	[tilespmem:$0x17318] =	vst v63  }
0x2f: {  	s17 =	simm.s32 $0x140;
	s18 =	simm.s32 $0x2788  }
0x30: {  	[spmem:s2] =	stream.indirect.scatter.add.f32 [tilespmem:s18], [sflag:$0x1], $0x10, s17, s13, $0xb8;
	[tilespmem:$0x17318] =	vst v63  }
0x31: {  	s17 =	simm.s32 $0x168;
	s18 =	simm.s32 $0x2A08  }
0x32: {  	[spmem:s2] =	stream.indirect.scatter.add.f32 [tilespmem:s18], [sflag:$0x1], $0x10, s17, s13, $0xb8;
	[tilespmem:$0x17318] =	vst v63  }
0x33: {  	s17 =	simm.s32 $0x190;
	s18 =	simm.s32 $0x2C88  }
0x34: {  	[spmem:s2] =	stream.indirect.scatter.add.f32 [tilespmem:s18], [sflag:$0x1], $0x10, s17, s13, $0xb8;
	[tilespmem:$0x17318] =	vst v63  }
0x35: {  	s17 =	simm.s32 $0x1B8;
	s18 =	simm.s32 $0x2F08  }
0x36: {  	[spmem:s2] =	stream.indirect.scatter.add.f32 [tilespmem:s18], [sflag:$0x1], $0x10, s17, s13, $0xb8;
	[tilespmem:$0x17318] =	vst v63  }
0x37: {  	s16 =	simm.s32 $0x1E0;
	s17 =	simm.s32 $0x3188  }
0x38: {  	[spmem:s2] =	stream.indirect.scatter.add.f32 [tilespmem:s17], [sflag:$0x1], $0x10, s16, s13, $0xb8;
	[tilespmem:$0x17318] =	vst v63  }
0x39: {  	s18 =	simm.s32 $0x208  }
0x3a: {  	[spmem:s2] =	stream.indirect.scatter.add.f32 [tilespmem:s19], [sflag:$0x1], $0x10, s18, s13, $0xb8;
	[tilespmem:$0x17318] =	vst v63  }
0x3b: {  	_ = 	snop  }
0x3c: {  	[spmem:s2] =	stream.indirect.scatter.add.f32 [tilespmem:s21], [sflag:$0x1], $0x10, s20, s13, $0xb8;
	[tilespmem:$0x17318] =	vst v63  }
0x3d: {  	_ = 	snop  }
0x3e: {  	[spmem:s2] =	stream.indirect.scatter.add.f32 [tilespmem:s23], [sflag:$0x1], $0x10, s22, s13, $0xb8;
	[tilespmem:$0x17318] =	vst v63  }
0x3f: {  	_ = 	snop  }
0x40: {  	[spmem:s2] =	stream.indirect.scatter.add.f32 [tilespmem:s25], [sflag:$0x1], $0x10, s24, s13, $0xb8;
	[tilespmem:$0x17318] =	vst v63  }
0x41: {  	_ = 	snop  }
0x42: {  	[spmem:s2] =	stream.indirect.scatter.add.f32 [tilespmem:s28], [sflag:$0x1], $0x10, s26, s13, $0xb8;
	[tilespmem:$0x17318] =	vst v63  }
0x43: {  	_ = 	snop  }
0x44: {  	[spmem:s2] =	stream.indirect.scatter.add.f32 [tilespmem:s30], [sflag:$0x1], $0x10, s29, s13, $0xb8;
	[tilespmem:$0x17318] =	vst v63  }
0x45: {  	p0 =	por $0x0, $0x0  }
0x46: {  	[spmem:s2] =	stream.indirect.scatter.add.f32 [tilespmem:s1], [sflag:$0x1], $0x10, s31, s13, $0xb8;
	[tilespmem:$0x17318] =	vst v63  }
0x47: {  	s15 =	simm.s32 $0x4588;
	s16 =	simm.s32 $0x320;
	s17 =	simm.s32 @!p0 $0x28  }
0x48: {  	[spmem:s2] =	stream.indirect.scatter.add.f32 @!p0 [tilespmem:s15], [sflag:$0x1], $0x10, s16, s17, $0xb8;
	[tilespmem:$0x17318] =	vst v63  }
0x49: {  	_ =	swait.ge [sflag:s0], $0x280  }
0x4a: {  	s16 =	simm.s32 $0x1;
	s17 =	simm.s32 $0x348;
	[sflag:s0] =	ssyncset.done $0x0  }
.LBB2_2:
0x4b: {  	s18 =	smov.u32 s16;
	s16 =	sadd.s32 $0x1, s16  }
0x4c: {  	[sflag:s0] =	ssyncadd.s32 $0xFFFFFD80;
	s15 =	sadd.s32 $0x280, s15;
	p1 =	sne.s32 s16, $0x7D  }
.Ltmp0:
0x4d: {  	p0 =	sgt.u32 s18, $0x68;
	(pc) =	sbr.rel @p1 .LBB2_2-.Ltmp0, $4  }
0x4e: {  	s18 =	simm.s32 @!p0 $0x28  }
0x4f: {  	[spmem:s2] =	stream.indirect.scatter.add.f32 @!p0 [tilespmem:s15], [sflag:$0x1], $0x10, s17, s18, $0xb8;
	[tilespmem:$0x17318] =	vst v63  }
0x50: {  	_ =	swait.ge [sflag:s0], $0x280  }
0x51: {  	s17 =	sadd.s32 $0x28, s17;
	[sflag:s0] =	ssyncset.done $0x0  }
0x52: {  	s14 =	sadd.s32 $0x1, s14  }
0x53: {  	[sflag:s0] =	ssyncadd.s32 $0xFFFFFD80;
	p0 =	sne.s32 s14, s9  }
.Ltmp1:
0x54: {  	[bflag:$0x0] =	sbarrier.arrive $0xFFFF;
	(pc) =	sbr.rel @p0 .LBB2_1-.Ltmp1, $4  }
0x55: {  	[hbm:s8], [sflag:s5] =	dma.local [spmem:s10], $0x4E2  }
0x56: {  	_ =	swait.ge [sflag:s11], $0x4E2  }
0x57: {  	[sflag:s11] =	ssyncset.done $0x0  }
0x58: {  	[sflag:s11] =	ssyncadd.s32 $0xFFFFFB1E  }
0x59: {  	_ =	sfence.sel $0x180000  }
0x5a: {  	[bflag:$0x0] =	sbarrier.arrive $0xFFFF  }
0x5b: {  	_ =	strace $0x90000056  }
0x5c: {  	s0 =	stileid.u32;
	[bflag:$0x2] =	sbarrier.arrive $0xFFFF  }
0x5d: {  	p0 =	sne.s32 s0, $0x0;
	s0 =	rddreg [dreg:$0x2]  }
0x5e: {  	s0 =	sadd.s32 @!p0 $0x100000, s0  }
0x5f: {  	[sflag:s0] =	ssyncadd.tile.s32 @!p0 $0x1;
	_ =	shalt  }
.Lfunc_end2:
_tile_overlayer_lowered:
.L_overlay_start_2:
0x60: {  	(tag) =	ssettag $0x2  }
0x61: {  	s0 =	rddreg [dreg:$0x0];
	s2 =	stileid.u32  }
0x62: {  	s1 =	rddreg [dreg:$0x1];
	p0 =	sne.s32 s2, $0x0  }
0x63: {  	s3 =	rddreg [dreg:$0x2];
	[bflag:$0x3] =	sbarrier.arrive $0xFFFF;
	s2 =	simm.s32 @!p0 $0x1C02  }
0x64: {  	[timem:s3], [sflag:s2] =	dma.local @!p0 [hbm:s0], s1  }
0x65: {  	s0 =	simm.s32 @!p0 $0x2  }
0x66: {  	_ =	swait.ge @!p0 [sflag:s0], s1  }
0x67: {  	s1 =	ssub.s32 @!p0 $0x0, s1;
	[sflag:s0] =	ssyncset.done @!p0 $0x0  }
0x68: {  	[sflag:s0] =	ssyncadd.s32 @!p0 s1  }
0x69: {  	[bflag:$0x3] =	sbarrier.arrive $0xFFFF  }
0x6a: {  	_ =	shalt  }

</sc_bundles>
